<compile_context>
chip_gen: v7x
topology: tpu7x:2x2x1
jax: 0.10.2.dev20260603
libtpu: 0.0.44.dev20260713+nightly
codegen_flags: <defaults>
</compile_context>

<pallas_src>
import functools

import jax
import jax.numpy as jnp
from jax import lax
from jax.experimental import pallas as pl
from jax.experimental.pallas import tpu as pltpu
from jax.experimental.pallas import tpu_sc as plsc

NU = 10000
NI = 10000
E = 160000
E2 = E // 2
D = 256
H = 4
DH = 64
DEA = 16
HID = 128

NCORE = 2
NSUB = 16
NW = NCORE * NSUB

C = 2000
G = C // 16

TBASE = (0, 1, 0, 1)

NB = 1000
NBLK = NU // NB



_sc_mesh = plsc.VectorSubcoreMesh(core_axis_name="c", subcore_axis_name="s")
_sc_params = pltpu.CompilerParams(
    needs_layout_passes=False, use_tc_tiling_on_sc=False
)


def _sc_body(xtab,
             src_f, dst_f, src_b, dst_b, src_u, dst_u, src_s, dst_s,
             ea_f, ea_b, ea_u, ea_s, z2, z1, aggx, aggeP, degp,
             acc2, acc1, sidx0, sidx1, didx0, didx1, rows0, rows1, onesb,
             semG0, semG1, semD0, semD1, semS0, semS1):
    wid = lax.axis_index("s") * NCORE + lax.axis_index("c")
    sid = lax.axis_index("s")
    a2b = sid * 10000
    a1b = (sid - 8) * 10000
    w8 = wid * 8

    srcs = (src_f, src_b, src_u, src_s)
    dsts = (dst_f, dst_b, dst_u, dst_s)
    eas = (ea_f, ea_b, ea_u, ea_s)

    def run_pipe(issue, dload, nch):
        def wait_gather(b):
            sidxb, rowsb, semg = (sidx0, rows0, semG0) if b == 0 else \
                                 (sidx1, rows1, semG1)
            issue(0, sidxb, rowsb, semg, wait_only=True)

        def scat(rowsb, didxb):
            pltpu.sync_copy(rowsb, acc2.at[pl.ds(a2b, 10000)].at[didxb],
                            add=True)

        issue(0, sidx0, rows0, semG0)

        def body(i, _):
            issue(2 * i + 1, sidx1, rows1, semG1)
            dload(2 * i, didx0, semD0)
            dload(0, didx0, semD0, wait_only=True)
            wait_gather(0)
            scat(rows0, didx0)
            issue(2 * i + 2, sidx0, rows0, semG0)
            dload(2 * i + 1, didx1, semD1)
            dload(0, didx1, semD1, wait_only=True)
            wait_gather(1)
            scat(rows1, didx1)
            return _

        lax.fori_loop(0, nch // 2 - 1, body, 0)
        issue(nch - 1, sidx1, rows1, semG1)
        dload(nch - 2, didx0, semD0)
        dload(0, didx0, semD0, wait_only=True)
        wait_gather(0)
        scat(rows0, didx0)
        dload(nch - 1, didx1, semD1)
        dload(0, didx1, semD1, wait_only=True)
        wait_gather(1)
        scat(rows1, didx1)

    for r in range(4):
        sb = TBASE[r] * (32 * 10000) + wid * 10000
        src_r = srcs[r]
        dst_r = dsts[r]
        pltpu.sync_copy(z2, acc2.at[pl.ds(a2b, 10000), :])

        def issue(c, sidxb, rowsb, sem, wait_only=False, sb=sb, src_r=src_r):
            if wait_only:
                pltpu.make_async_copy(
                    xtab.at[pl.ds(sb, 10000)].at[sidxb], rowsb, sem).wait()
                return
            pltpu.sync_copy(src_r.at[pl.ds(c * C, C)], sidxb)
            pltpu.async_copy(xtab.at[pl.ds(sb, 10000)].at[sidxb], rowsb, sem)

        def dload(c, didxb, sem, wait_only=False, dst_r=dst_r):
            if wait_only:
                pltpu.make_async_copy(
                    dst_r.at[pl.ds(0, C)], didxb, sem).wait()
                return
            pltpu.async_copy(dst_r.at[pl.ds(c * C, C)], didxb, sem)

        run_pipe(issue, dload, E // C)
        pltpu.sync_copy(acc2.at[pl.ds(a2b, 10000), :],
                        aggx.at[pl.ds(r * 10000, 10000), pl.ds(w8, 8)])

    for r in range(4):
        @pl.when(wid // 4 == r)
        def _(r=r):
            h = (wid // 2) % 2
            half = wid % 2
            eoff0 = half * E2
            ea_r = eas[r]
            dst_r = dsts[r]
            pltpu.sync_copy(z2, acc2.at[pl.ds(a2b, 10000), :])

            def issue(c, sidxb, rowsb, sem, wait_only=False):
                ref = ea_r.at[pl.ds(eoff0 + c * C, C), pl.ds(h * 8, 8)]
                if wait_only:
                    pltpu.make_async_copy(ref, rowsb, sem).wait()
                else:
                    pltpu.async_copy(ref, rowsb, sem)

            def dload(c, didxb, sem, wait_only=False):
                ref = dst_r.at[pl.ds(eoff0 + c * C, C)]
                if wait_only:
                    pltpu.make_async_copy(ref, didxb, sem).wait()
                else:
                    pltpu.async_copy(ref, didxb, sem)

            run_pipe(issue, dload, E2 // C)
            pltpu.sync_copy(
                acc2.at[pl.ds(a2b, 10000), :],
                aggeP.at[pl.ds(half * 40000 + r * 10000, 10000),
                         pl.ds(h * 8, 8)])

    for r in range(4):
        @pl.when((wid >= 16) & (wid < 24) & ((wid - 16) // 2 == r))
        def _(r=r):
            half = wid % 2
            doff0 = half * E2
            dst_r = dsts[r]
            pltpu.sync_copy(z1, acc1.at[pl.ds(a1b, 10000)])

            def fill(g, _):
                onesb[pl.ds(g * 16, 16)] = jnp.ones((16,), jnp.float32)
                return _

            lax.fori_loop(0, G, fill, 0, unroll=8)

            def chunk_body3(c, _):
                pltpu.sync_copy(dst_r.at[pl.ds(doff0 + c * C, C)], didx0)
                pltpu.sync_copy(onesb, acc1.at[pl.ds(a1b, 10000)].at[didx0],
                                add=True)
                return _

            lax.fori_loop(0, E2 // C, chunk_body3, 0)
            pltpu.sync_copy(acc1.at[pl.ds(a1b, 10000)],
                            degp.at[pl.ds((r * 2 + half) * 10000, 10000)])


_sc_aggregate = functools.partial(
    pl.kernel,
    mesh=_sc_mesh,
    compiler_params=_sc_params,
    out_type=[
        jax.ShapeDtypeStruct((4 * 10000, 256), jnp.float32),
        jax.ShapeDtypeStruct((2 * 4 * 10000, 16), jnp.float32),
        jax.ShapeDtypeStruct((8 * 10000,), jnp.float32),
    ],
    scratch_types=[
        pltpu.VMEM_SHARED((NSUB * 10000, 8), jnp.float32),
        pltpu.VMEM_SHARED((4 * 10000,), jnp.float32),
        pltpu.VMEM((C,), jnp.int32),
        pltpu.VMEM((C,), jnp.int32),
        pltpu.VMEM((C,), jnp.int32),
        pltpu.VMEM((C,), jnp.int32),
        pltpu.VMEM((C, 8), jnp.float32),
        pltpu.VMEM((C, 8), jnp.float32),
        pltpu.VMEM((C,), jnp.float32),
        pltpu.SemaphoreType.DMA,
        pltpu.SemaphoreType.DMA,
        pltpu.SemaphoreType.DMA,
        pltpu.SemaphoreType.DMA,
        pltpu.SemaphoreType.DMA,
        pltpu.SemaphoreType.DMA,
    ],
)(_sc_body)



def _p1_body(a0, e0, d0, a1, e1, d1, W0, We0, W1r, We1r, W1, b1, w2r,
             z0o, z1o, s0o, s1o, acc):
    i = pl.program_id(0)

    @pl.when(i == 0)
    def _():
        acc[0] = 0.0
        acc[1] = 0.0

    rd0 = 1.0 / jnp.maximum(d0[...], 1.0)
    rd1 = 1.0 / jnp.maximum(d1[...], 1.0)
    z0 = (jnp.dot(a0[...], W0[...], preferred_element_type=jnp.float32)
          + jnp.dot(e0[...], We0[...], preferred_element_type=jnp.float32)) * rd0
    z1 = (jnp.dot(a1[...], W1r[...], preferred_element_type=jnp.float32)
          + jnp.dot(e1[...], We1r[...], preferred_element_type=jnp.float32)) * rd1
    h0 = jnp.tanh(jnp.dot(z0, W1[...], preferred_element_type=jnp.float32) + b1[...])
    h1 = jnp.tanh(jnp.dot(z1, W1[...], preferred_element_type=jnp.float32) + b1[...])
    acc[0] += jnp.sum(h0 * w2r[...])
    acc[1] += jnp.sum(h1 * w2r[...])
    z0o[...] = z0
    z1o[...] = z1

    @pl.when(i == NBLK - 1)
    def _():
        s0o[...] = jnp.full((1, 128), acc[0], jnp.float32)
        s1o[...] = jnp.full((1, 128), acc[1], jnp.float32)


def _p2_body(z0, z1, s0, s1, o):
    t0 = s0[0, 0] * (1.0 / NU)
    t1 = s1[0, 0] * (1.0 / NU)
    m = jnp.maximum(t0, t1)
    e0 = jnp.exp(t0 - m)
    e1 = jnp.exp(t1 - m)
    b0 = e0 / (e0 + e1)
    b1 = e1 / (e0 + e1)
    o[...] = b0 * z0[...] + b1 * z1[...]


def _dense_pair(a0, e0, d0, a1, e1, d1, W0, We0, W1r, We1r, W1, b1, w2):
    row = lambda i: (i, 0)
    const = lambda i: (0, 0)
    z0, z1, s0, s1 = pl.pallas_call(
        _p1_body,
        grid=(NBLK,),
        in_specs=[
            pl.BlockSpec((NB, D), row),
            pl.BlockSpec((NB, DEA), row),
            pl.BlockSpec((NB, 1), row),
            pl.BlockSpec((NB, D), row),
            pl.BlockSpec((NB, DEA), row),
            pl.BlockSpec((NB, 1), row),
            pl.BlockSpec((D, D), const),
            pl.BlockSpec((DEA, D), const),
            pl.BlockSpec((D, D), const),
            pl.BlockSpec((DEA, D), const),
            pl.BlockSpec((D, HID), const),
            pl.BlockSpec((1, HID), const),
            pl.BlockSpec((1, HID), const),
        ],
        out_specs=[
            pl.BlockSpec((NB, D), row),
            pl.BlockSpec((NB, D), row),
            pl.BlockSpec((1, 128), const),
            pl.BlockSpec((1, 128), const),
        ],
        out_shape=[
            jax.ShapeDtypeStruct((NU, D), jnp.float32),
            jax.ShapeDtypeStruct((NU, D), jnp.float32),
            jax.ShapeDtypeStruct((1, 128), jnp.float32),
            jax.ShapeDtypeStruct((1, 128), jnp.float32),
        ],
        scratch_shapes=[pltpu.SMEM((2,), jnp.float32)],
    )(a0, e0, d0.reshape(NU, 1), a1, e1, d1.reshape(NU, 1),
      W0, We0, W1r, We1r, W1, b1.reshape(1, HID), w2.reshape(1, HID))

    out = pl.pallas_call(
        _p2_body,
        grid=(NBLK,),
        in_specs=[
            pl.BlockSpec((NB, D), row),
            pl.BlockSpec((NB, D), row),
            pl.BlockSpec((1, 128), const),
            pl.BlockSpec((1, 128), const),
        ],
        out_specs=pl.BlockSpec((NB, D), row),
        out_shape=jax.ShapeDtypeStruct((NU, D), jnp.float32),
    )(z0, z1, s0, s1)
    return out.reshape(NU, H, DH)



def kernel(x_user, x_item, ei_follows, ei_boughtby, ei_buys, ei_similar,
           ea_follows, ea_boughtby, ea_buys, ea_similar,
           W_follows, We_follows, W_boughtby, We_boughtby,
           W_buys, We_buys, W_similar, We_similar,
           W1_u, b1_u, w2_u, W1_i, b1_i, w2_i):
    xu3 = x_user.reshape(NU, 32, 8).transpose(1, 0, 2).reshape(-1, 8)
    xi3 = x_item.reshape(NI, 32, 8).transpose(1, 0, 2).reshape(-1, 8)
    xtab = jnp.concatenate([xu3, xi3], axis=0)

    z2 = jnp.zeros((10000, 8), jnp.float32)
    z1 = jnp.zeros((10000,), jnp.float32)

    aggx, aggeP, degp = _sc_aggregate(
        xtab,
        ei_follows[0], ei_follows[1], ei_boughtby[0], ei_boughtby[1],
        ei_buys[0], ei_buys[1], ei_similar[0], ei_similar[1],
        ea_follows, ea_boughtby, ea_buys, ea_similar, z2, z1)

    aggx4 = aggx.reshape(4, NU, D)
    agge4 = aggeP.reshape(2, 4, NU, DEA).sum(axis=0)
    deg4 = degp.reshape(4, 2, NU).sum(axis=1)

    out_user = _dense_pair(aggx4[0], agge4[0], deg4[0],
                           aggx4[1], agge4[1], deg4[1],
                           W_follows, We_follows, W_boughtby, We_boughtby,
                           W1_u, b1_u, w2_u)
    out_item = _dense_pair(aggx4[2], agge4[2], deg4[2],
                           aggx4[3], agge4[3], deg4[3],
                           W_buys, We_buys, W_similar, We_similar,
                           W1_i, b1_i, w2_i)
    return (out_user, out_item)

# --- scband reference (transcript-rebuilt; emitter-appended) ---
"""Pipeline reference for scband-hetero-graph-5145370821347 (READ-ONLY COPY).

The authoritative reference and input builder live on the scoring server;
editing this copy changes nothing except your own understanding.
"""

import jax, jax.numpy as jnp
import numpy as np

N_USER = 10000
N_ITEM = 10000
E = 160000
D = 256
H = 4
DH = 64
DE = 16
HID = 128


def setup_inputs(seed: int = 0):
    key = jax.random.key(seed)
    ks = jax.random.split(key, 32)
    inp = {}
    inp["x_user"] = jax.random.normal(ks[0], (N_USER, D), jnp.float32)
    inp["x_item"] = jax.random.normal(ks[1], (N_ITEM, D), jnp.float32)
    # canonical etypes: follows (user->user), bought-by (item->user), buys (user->item), similar (item->item)
    inp["ei_follows"] = jax.random.randint(ks[2], (2, E), 0, N_USER, dtype=jnp.int32)
    inp["ei_boughtby"] = jax.random.randint(ks[3], (2, E), 0, N_ITEM, dtype=jnp.int32)
    inp["ei_buys"] = jax.random.randint(ks[4], (2, E), 0, N_USER, dtype=jnp.int32)
    inp["ei_similar"] = jax.random.randint(ks[5], (2, E), 0, N_ITEM, dtype=jnp.int32)
    inp["ea_follows"] = jax.random.normal(ks[6], (E, DE), jnp.float32)
    inp["ea_boughtby"] = jax.random.normal(ks[7], (E, DE), jnp.float32)
    inp["ea_buys"] = jax.random.normal(ks[8], (E, DE), jnp.float32)
    inp["ea_similar"] = jax.random.normal(ks[9], (E, DE), jnp.float32)
    # per-relation conv weights
    s = 1.0 / np.sqrt(D)
    se = 1.0 / np.sqrt(DE)
    inp["W_follows"] = jax.random.normal(ks[10], (D, D), jnp.float32) * s
    inp["We_follows"] = jax.random.normal(ks[11], (DE, D), jnp.float32) * se
    inp["W_boughtby"] = jax.random.normal(ks[12], (D, D), jnp.float32) * s
    inp["We_boughtby"] = jax.random.normal(ks[13], (DE, D), jnp.float32) * se
    inp["W_buys"] = jax.random.normal(ks[14], (D, D), jnp.float32) * s
    inp["We_buys"] = jax.random.normal(ks[15], (DE, D), jnp.float32) * se
    inp["W_similar"] = jax.random.normal(ks[16], (D, D), jnp.float32) * s
    inp["We_similar"] = jax.random.normal(ks[17], (DE, D), jnp.float32) * se
    # semantic-level attention params (user and item heads)
    sh = 1.0 / np.sqrt(H * DH)
    sh2 = 1.0 / np.sqrt(HID)
    inp["W1_u"] = jax.random.normal(ks[18], (H * DH, HID), jnp.float32) * sh
    inp["b1_u"] = jnp.zeros((HID,), jnp.float32)
    inp["w2_u"] = jax.random.normal(ks[19], (HID, 1), jnp.float32) * sh2
    inp["W1_i"] = jax.random.normal(ks[20], (H * DH, HID), jnp.float32) * sh
    inp["b1_i"] = jnp.zeros((HID,), jnp.float32)
    inp["w2_i"] = jax.random.normal(ks[21], (HID, 1), jnp.float32) * sh2
    return inp


def rel_conv(x_src, ei, ea, W, We, n_dst):
    # relation-specific message passing: msg = W x_src + We e, mean-aggregated at dst
    src = ei[0]
    dst = ei[1]
    msg = jnp.take(x_src, src, axis=0) @ W + ea @ We
    agg = jax.ops.segment_sum(msg, dst, num_segments=n_dst)
    deg = jax.ops.segment_sum(jnp.ones((ei.shape[1],), jnp.float32), dst, num_segments=n_dst)
    out = agg / jnp.clip(deg, 1.0)[:, None]
    return out.reshape(n_dst, H, DH)


def semantic_level(zlist, W1, b1, w2):
    # Semantic_level.forward: stack relations, attention over relation axis
    z = jnp.stack(zlist, axis=0)            # [R, N, H, DH]
    z = jnp.transpose(z, (1, 0, 2, 3))      # [N, R, H, DH]
    z = z.reshape(z.shape[0], z.shape[1], z.shape[2] * z.shape[3])  # [N, R, H*DH]
    w = jnp.tanh(z @ W1 + b1) @ w2          # [N, R, 1]
    w = w.mean(axis=0)                      # [R, 1]
    beta = jax.nn.softmax(w, axis=0)        # softmax over relations
    beta = jnp.broadcast_to(beta[None, :, :], (z.shape[0],) + beta.shape)
    out = (beta * z).sum(axis=1)            # [N, H*DH]
    return out.reshape(out.shape[0], H, DH)


def reference(x_user, x_item, ei_follows, ei_boughtby, ei_buys, ei_similar,
              ea_follows, ea_boughtby, ea_buys, ea_similar,
              W_follows, We_follows, W_boughtby, We_boughtby,
              W_buys, We_buys, W_similar, We_similar,
              W1_u, b1_u, w2_u, W1_i, b1_i, w2_i):
    # HeteroGraph.forward over canonical etypes, grouped by dst node type
    z_user = [
        rel_conv(x_user, ei_follows, ea_follows, W_follows, We_follows, N_USER),
        rel_conv(x_item, ei_boughtby, ea_boughtby, W_boughtby, We_boughtby, N_USER),
    ]
    z_item = [
        rel_conv(x_user, ei_buys, ea_buys, W_buys, We_buys, N_ITEM),
        rel_conv(x_item, ei_similar, ea_similar, W_similar, We_similar, N_ITEM),
    ]
    out_user = semantic_level(z_user, W1_u, b1_u, w2_u)   # semantic_attention1
    out_item = semantic_level(z_item, W1_i, b1_i, w2_i)   # semantic_attention2
    return (out_user, out_item)

if __name__ == "__main__":
    import jax
    _d = setup_inputs()
    print(jax.jit(kernel)(*tuple(_d.values())))

</pallas_src>

<mosaic_0001>
#map = affine_map<(d0, d1) -> (0, 0)>
#map1 = affine_map<(d0, d1) -> (0)>
module attributes {stable_mosaic.version = 14 : i64} {
  func.func @_sc_body(%arg0: i32, %arg1: i32, %arg2: memref<640000x8xf32, #tpu.memory_space<hbm>>, %arg3: memref<160000xi32, #tpu.memory_space<hbm>>, %arg4: memref<160000xi32, #tpu.memory_space<hbm>>, %arg5: memref<160000xi32, #tpu.memory_space<hbm>>, %arg6: memref<160000xi32, #tpu.memory_space<hbm>>, %arg7: memref<160000xi32, #tpu.memory_space<hbm>>, %arg8: memref<160000xi32, #tpu.memory_space<hbm>>, %arg9: memref<160000xi32, #tpu.memory_space<hbm>>, %arg10: memref<160000xi32, #tpu.memory_space<hbm>>, %arg11: memref<160000x16xf32, #tpu.memory_space<hbm>>, %arg12: memref<160000x16xf32, #tpu.memory_space<hbm>>, %arg13: memref<160000x16xf32, #tpu.memory_space<hbm>>, %arg14: memref<160000x16xf32, #tpu.memory_space<hbm>>, %arg15: memref<10000x8xf32, #tpu.memory_space<hbm>>, %arg16: memref<10000xf32, #tpu.memory_space<hbm>>, %arg17: memref<40000x256xf32, #tpu.memory_space<hbm>>, %arg18: memref<80000x16xf32, #tpu.memory_space<hbm>>, %arg19: memref<80000xf32, #tpu.memory_space<hbm>>, %arg20: memref<160000x8xf32, #tpu.memory_space<vmem_shared>>, %arg21: memref<40000xf32, #tpu.memory_space<vmem_shared>>, %arg22: memref<2000xi32, #tpu.memory_space<vmem>>, %arg23: memref<2000xi32, #tpu.memory_space<vmem>>, %arg24: memref<2000xi32, #tpu.memory_space<vmem>>, %arg25: memref<2000xi32, #tpu.memory_space<vmem>>, %arg26: memref<2000x8xf32, #tpu.memory_space<vmem>>, %arg27: memref<2000x8xf32, #tpu.memory_space<vmem>>, %arg28: memref<2000xf32, #tpu.memory_space<vmem>>, %arg29: memref<!tpu.dma_semaphore, #tpu.memory_space<semaphore_mem>>, %arg30: memref<!tpu.dma_semaphore, #tpu.memory_space<semaphore_mem>>, %arg31: memref<!tpu.dma_semaphore, #tpu.memory_space<semaphore_mem>>, %arg32: memref<!tpu.dma_semaphore, #tpu.memory_space<semaphore_mem>>, %arg33: memref<!tpu.dma_semaphore, #tpu.memory_space<semaphore_mem>>, %arg34: memref<!tpu.dma_semaphore, #tpu.memory_space<semaphore_mem>>) attributes {dimension_semantics = [#tpu.dimension_semantics<core_parallel>, #tpu.dimension_semantics<subcore_parallel>], iteration_bounds = array<i64: 2, 16>, scalar_prefetch = 0 : i64, scratch_operands = 15 : i64, tpu.core_type = #tpu.core_type<sc_vector_subcore>, window_params = [{transform_indices = #map}, {transform_indices = #map1}, {transform_indices = #map1}, {transform_indices = #map1}, {transform_indices = #map1}, {transform_indices = #map1}, {transform_indices = #map1}, {transform_indices = #map1}, {transform_indices = #map1}, {transform_indices = #map}, {transform_indices = #map}, {transform_indices = #map}, {transform_indices = #map}, {transform_indices = #map}, {transform_indices = #map1}, {transform_indices = #map}, {transform_indices = #map}, {transform_indices = #map1}]} {
    %mul3A = arith.constant 2 : i32
    %mul3A_0 = arith.muli %arg1, %mul3A : i32
    %add3A = arith.addi %mul3A_0, %arg0 : i32
    %mul3A_1 = arith.constant 10000 : i32
    %mul3A_2 = arith.muli %arg1, %mul3A_1 : i32
    %sub3A = arith.constant 8 : i32
    %sub3A_3 = arith.subi %arg1, %sub3A : i32
    %mul3A_4 = arith.constant 10000 : i32
    %mul3A_5 = arith.muli %sub3A_3, %mul3A_4 : i32
    %mul3A_6 = arith.constant 8 : i32
    %mul3A_7 = arith.muli %add3A, %mul3A_6 : i32
    %mul3A_8 = arith.constant 10000 : i32
    %mul3A_9 = arith.muli %add3A, %mul3A_8 : i32
    %add3A_10 = arith.constant 0 : i32
    %add3A_11 = arith.addi %add3A_10, %mul3A_9 : i32
    "tpu.region"() ({
      %run_scoped3A = tpu.sem_alloc : memref<!tpu.dma_semaphore, #tpu.memory_space<semaphore_mem>>
      %dma_start3A_441 = arith.constant 0 : i32
      %dma_start3A_442 = tpu.memref_slice %arg20[%mul3A_2, %dma_start3A_441] : memref<160000x8xf32, #tpu.memory_space<vmem_shared>> -> memref<10000x8xf32, #tpu.memory_space<vmem_shared>>
      tpu.enqueue_dma source(%arg15 : memref<10000x8xf32, #tpu.memory_space<hbm>>) target(%dma_start3A_442 : memref<10000x8xf32, #tpu.memory_space<vmem_shared>>) target_semaphore(%run_scoped3A : memref<!tpu.dma_semaphore, #tpu.memory_space<semaphore_mem>>)
      %dma_wait3A_443 = arith.constant 0 : i32
      %dma_wait3A_444 = tpu.memref_slice %arg20[%mul3A_2, %dma_wait3A_443] : memref<160000x8xf32, #tpu.memory_space<vmem_shared>> -> memref<10000x8xf32, #tpu.memory_space<vmem_shared>>
      tpu.wait_dma2 semaphore(%run_scoped3A : memref<!tpu.dma_semaphore, #tpu.memory_space<semaphore_mem>>) src(%arg15 : memref<10000x8xf32, #tpu.memory_space<hbm>>) dst(%dma_wait3A_444 : memref<10000x8xf32, #tpu.memory_space<vmem_shared>>)
      tpu.yield
    }) : () -> ()
    "tpu.region"() ({
      %run_scoped3A = tpu.sem_alloc : memref<!tpu.dma_semaphore, #tpu.memory_space<semaphore_mem>>
      %dma_start3A_441 = arith.constant 0 : i32
      %dma_start3A_442 = tpu.memref_slice %arg3[%dma_start3A_441] : memref<160000xi32, #tpu.memory_space<hbm>> -> memref<2000xi32, #tpu.memory_space<hbm>>
      %dma_start3A_443 = arith.constant 0 : i32
      %dma_start3A_444 = tpu.memref_slice %arg3[%dma_start3A_443] : memref<160000xi32, #tpu.memory_space<hbm>> -> memref<2000xi32, #tpu.memory_space<hbm>>
      tpu.enqueue_dma source(%dma_start3A_444 : memref<2000xi32, #tpu.memory_space<hbm>>) target(%arg22 : memref<2000xi32, #tpu.memory_space<vmem>>) target_semaphore(%run_scoped3A : memref<!tpu.dma_semaphore, #tpu.memory_space<semaphore_mem>>)
      %dma_wait3A_445 = arith.constant 0 : i32
      %dma_wait3A_446 = tpu.memref_slice %arg3[%dma_wait3A_445] : memref<160000xi32, #tpu.memory_space<hbm>> -> memref<2000xi32, #tpu.memory_space<hbm>>
      %dma_wait3A_447 = arith.constant 0 : i32
      %dma_wait3A_448 = tpu.memref_slice %arg3[%dma_wait3A_447] : memref<160000xi32, #tpu.memory_space<hbm>> -> memref<2000xi32, #tpu.memory_space<hbm>>
      tpu.wait_dma2 semaphore(%run_scoped3A : memref<!tpu.dma_semaphore, #tpu.memory_space<semaphore_mem>>) src(%dma_wait3A_448 : memref<2000xi32, #tpu.memory_space<hbm>>) dst(%arg22 : memref<2000xi32, #tpu.memory_space<vmem>>)
      tpu.yield
    }) : () -> ()
    %dma_start3A = arith.constant 0 : i32
    %dma_start3A_12 = tpu.memref_slice %arg2[%add3A_11, %dma_start3A] : memref<640000x8xf32, #tpu.memory_space<hbm>> -> memref<10000x8xf32, #tpu.memory_space<hbm>>
    %dma_start3A_13 = arith.constant 0 : i32
    %dma_start3A_14 = arith.constant 0 : i32
    %dma_start3A_15 = tpu.memref_slice %dma_start3A_12[%dma_start3A_13, %dma_start3A_14] : memref<10000x8xf32, #tpu.memory_space<hbm>> -> memref<10000x8xf32, #tpu.memory_space<hbm>>
    tpu.enqueue_indirect_dma source(%dma_start3A_15 : memref<10000x8xf32, #tpu.memory_space<hbm>>) target(%arg26 : memref<2000x8xf32, #tpu.memory_space<vmem>>) offsets(%arg22 : memref<2000xi32, #tpu.memory_space<vmem>>) semaphore(%arg29 : memref<!tpu.dma_semaphore, #tpu.memory_space<semaphore_mem>>)
    %scan3A = arith.constant 0 : i32
    %scan3A_16 = arith.constant 0 : i32
    %scan3A_17 = arith.constant 39 : i32
    %scan3A_18 = arith.addi %scan3A_16, %scan3A_17 : i32
    %scan3A_19 = arith.constant 1 : i32
    scf.for %scan3A_441 = %scan3A_16 to %scan3A_18 step %scan3A_19  : i32 {
      %mul3A_442 = arith.constant 2 : i32
      %mul3A_443 = arith.muli %mul3A_442, %scan3A_441 : i32
      %add3A_444 = arith.constant 1 : i32
      %add3A_445 = arith.addi %mul3A_443, %add3A_444 : i32
      %mul3A_446 = arith.constant 2000 : i32
      %mul3A_447 = arith.muli %add3A_445, %mul3A_446 : i32
      "tpu.region"() ({
        %run_scoped3A = tpu.sem_alloc : memref<!tpu.dma_semaphore, #tpu.memory_space<semaphore_mem>>
        %dma_start3A_496 = tpu.memref_slice %arg3[%mul3A_447] : memref<160000xi32, #tpu.memory_space<hbm>> -> memref<2000xi32, #tpu.memory_space<hbm>>
        %dma_start3A_497 = tpu.memref_slice %arg3[%mul3A_447] : memref<160000xi32, #tpu.memory_space<hbm>> -> memref<2000xi32, #tpu.memory_space<hbm>>
        tpu.enqueue_dma source(%dma_start3A_497 : memref<2000xi32, #tpu.memory_space<hbm>>) target(%arg23 : memref<2000xi32, #tpu.memory_space<vmem>>) target_semaphore(%run_scoped3A : memref<!tpu.dma_semaphore, #tpu.memory_space<semaphore_mem>>)
        %dma_wait3A_498 = tpu.memref_slice %arg3[%mul3A_447] : memref<160000xi32, #tpu.memory_space<hbm>> -> memref<2000xi32, #tpu.memory_space<hbm>>
        %dma_wait3A_499 = tpu.memref_slice %arg3[%mul3A_447] : memref<160000xi32, #tpu.memory_space<hbm>> -> memref<2000xi32, #tpu.memory_space<hbm>>
        tpu.wait_dma2 semaphore(%run_scoped3A : memref<!tpu.dma_semaphore, #tpu.memory_space<semaphore_mem>>) src(%dma_wait3A_499 : memref<2000xi32, #tpu.memory_space<hbm>>) dst(%arg23 : memref<2000xi32, #tpu.memory_space<vmem>>)
        tpu.yield
      }) : () -> ()
      %dma_start3A_448 = arith.constant 0 : i32
      %dma_start3A_449 = tpu.memref_slice %arg2[%add3A_11, %dma_start3A_448] : memref<640000x8xf32, #tpu.memory_space<hbm>> -> memref<10000x8xf32, #tpu.memory_space<hbm>>
      %dma_start3A_450 = arith.constant 0 : i32
      %dma_start3A_451 = arith.constant 0 : i32
      %dma_start3A_452 = tpu.memref_slice %dma_start3A_449[%dma_start3A_450, %dma_start3A_451] : memref<10000x8xf32, #tpu.memory_space<hbm>> -> memref<10000x8xf32, #tpu.memory_space<hbm>>
      tpu.enqueue_indirect_dma source(%dma_start3A_452 : memref<10000x8xf32, #tpu.memory_space<hbm>>) target(%arg27 : memref<2000x8xf32, #tpu.memory_space<vmem>>) offsets(%arg23 : memref<2000xi32, #tpu.memory_space<vmem>>) semaphore(%arg30 : memref<!tpu.dma_semaphore, #tpu.memory_space<semaphore_mem>>)
      %mul3A_453 = arith.constant 2 : i32
      %mul3A_454 = arith.muli %mul3A_453, %scan3A_441 : i32
      %mul3A_455 = arith.constant 2000 : i32
      %mul3A_456 = arith.muli %mul3A_454, %mul3A_455 : i32
      %dma_start3A_457 = tpu.memref_slice %arg4[%mul3A_456] : memref<160000xi32, #tpu.memory_space<hbm>> -> memref<2000xi32, #tpu.memory_space<hbm>>
      %dma_start3A_458 = tpu.memref_slice %arg4[%mul3A_456] : memref<160000xi32, #tpu.memory_space<hbm>> -> memref<2000xi32, #tpu.memory_space<hbm>>
      tpu.enqueue_dma source(%dma_start3A_458 : memref<2000xi32, #tpu.memory_space<hbm>>) target(%arg24 : memref<2000xi32, #tpu.memory_space<vmem>>) target_semaphore(%arg31 : memref<!tpu.dma_semaphore, #tpu.memory_space<semaphore_mem>>)
      %dma_wait3A_459 = arith.constant 0 : i32
      %dma_wait3A_460 = tpu.memref_slice %arg4[%dma_wait3A_459] : memref<160000xi32, #tpu.memory_space<hbm>> -> memref<2000xi32, #tpu.memory_space<hbm>>
      %dma_wait3A_461 = arith.constant 0 : i32
      %dma_wait3A_462 = tpu.memref_slice %arg4[%dma_wait3A_461] : memref<160000xi32, #tpu.memory_space<hbm>> -> memref<2000xi32, #tpu.memory_space<hbm>>
      tpu.wait_dma2 semaphore(%arg31 : memref<!tpu.dma_semaphore, #tpu.memory_space<semaphore_mem>>) src(%dma_wait3A_462 : memref<2000xi32, #tpu.memory_space<hbm>>) dst(%arg24 : memref<2000xi32, #tpu.memory_space<vmem>>)
      %dma_wait3A_463 = arith.constant 0 : i32
      %dma_wait3A_464 = tpu.memref_slice %arg2[%add3A_11, %dma_wait3A_463] : memref<640000x8xf32, #tpu.memory_space<hbm>> -> memref<10000x8xf32, #tpu.memory_space<hbm>>
      %dma_wait3A_465 = arith.constant 0 : i32
      %dma_wait3A_466 = arith.constant 0 : i32
      %dma_wait3A_467 = tpu.memref_slice %dma_wait3A_464[%dma_wait3A_465, %dma_wait3A_466] : memref<10000x8xf32, #tpu.memory_space<hbm>> -> memref<10000x8xf32, #tpu.memory_space<hbm>>
      tpu.wait_indirect_dma semaphore(%arg29 : memref<!tpu.dma_semaphore, #tpu.memory_space<semaphore_mem>>) src(%dma_wait3A_467 : memref<10000x8xf32, #tpu.memory_space<hbm>>) dst(%arg26 : memref<2000x8xf32, #tpu.memory_space<vmem>>)
      "tpu.region"() ({
        %run_scoped3A = tpu.sem_alloc : memref<!tpu.dma_semaphore, #tpu.memory_space<semaphore_mem>>
        %dma_start3A_496 = arith.constant 0 : i32
        %dma_start3A_497 = tpu.memref_slice %arg20[%mul3A_2, %dma_start3A_496] : memref<160000x8xf32, #tpu.memory_space<vmem_shared>> -> memref<10000x8xf32, #tpu.memory_space<vmem_shared>>
        %dma_start3A_498 = arith.constant 0 : i32
        %dma_start3A_499 = arith.constant 0 : i32
        %dma_start3A_500 = tpu.memref_slice %dma_start3A_497[%dma_start3A_498, %dma_start3A_499] : memref<10000x8xf32, #tpu.memory_space<vmem_shared>> -> memref<10000x8xf32, #tpu.memory_space<vmem_shared>>
        tpu.enqueue_indirect_dma source(%arg26 : memref<2000x8xf32, #tpu.memory_space<vmem>>) target(%dma_start3A_500 : memref<10000x8xf32, #tpu.memory_space<vmem_shared>>) offsets(%arg24 : memref<2000xi32, #tpu.memory_space<vmem>>) semaphore(%run_scoped3A : memref<!tpu.dma_semaphore, #tpu.memory_space<semaphore_mem>>) {add = true}
        %dma_wait3A_501 = arith.constant 0 : i32
        %dma_wait3A_502 = tpu.memref_slice %arg20[%mul3A_2, %dma_wait3A_501] : memref<160000x8xf32, #tpu.memory_space<vmem_shared>> -> memref<10000x8xf32, #tpu.memory_space<vmem_shared>>
        %dma_wait3A_503 = arith.constant 0 : i32
        %dma_wait3A_504 = arith.constant 0 : i32
        %dma_wait3A_505 = tpu.memref_slice %dma_wait3A_502[%dma_wait3A_503, %dma_wait3A_504] : memref<10000x8xf32, #tpu.memory_space<vmem_shared>> -> memref<10000x8xf32, #tpu.memory_space<vmem_shared>>
        tpu.wait_indirect_dma semaphore(%run_scoped3A : memref<!tpu.dma_semaphore, #tpu.memory_space<semaphore_mem>>) src(%arg26 : memref<2000x8xf32, #tpu.memory_space<vmem>>) dst(%dma_wait3A_505 : memref<10000x8xf32, #tpu.memory_space<vmem_shared>>)
        tpu.yield
      }) : () -> ()
      %mul3A_468 = arith.constant 2 : i32
      %mul3A_469 = arith.muli %mul3A_468, %scan3A_441 : i32
      %add3A_470 = arith.constant 2 : i32
      %add3A_471 = arith.addi %mul3A_469, %add3A_470 : i32
      %mul3A_472 = arith.constant 2000 : i32
      %mul3A_473 = arith.muli %add3A_471, %mul3A_472 : i32
      "tpu.region"() ({
        %run_scoped3A = tpu.sem_alloc : memref<!tpu.dma_semaphore, #tpu.memory_space<semaphore_mem>>
        %dma_start3A_496 = tpu.memref_slice %arg3[%mul3A_473] : memref<160000xi32, #tpu.memory_space<hbm>> -> memref<2000xi32, #tpu.memory_space<hbm>>
        %dma_start3A_497 = tpu.memref_slice %arg3[%mul3A_473] : memref<160000xi32, #tpu.memory_space<hbm>> -> memref<2000xi32, #tpu.memory_space<hbm>>
        tpu.enqueue_dma source(%dma_start3A_497 : memref<2000xi32, #tpu.memory_space<hbm>>) target(%arg22 : memref<2000xi32, #tpu.memory_space<vmem>>) target_semaphore(%run_scoped3A : memref<!tpu.dma_semaphore, #tpu.memory_space<semaphore_mem>>)
        %dma_wait3A_498 = tpu.memref_slice %arg3[%mul3A_473] : memref<160000xi32, #tpu.memory_space<hbm>> -> memref<2000xi32, #tpu.memory_space<hbm>>
        %dma_wait3A_499 = tpu.memref_slice %arg3[%mul3A_473] : memref<160000xi32, #tpu.memory_space<hbm>> -> memref<2000xi32, #tpu.memory_space<hbm>>
        tpu.wait_dma2 semaphore(%run_scoped3A : memref<!tpu.dma_semaphore, #tpu.memory_space<semaphore_mem>>) src(%dma_wait3A_499 : memref<2000xi32, #tpu.memory_space<hbm>>) dst(%arg22 : memref<2000xi32, #tpu.memory_space<vmem>>)
        tpu.yield
      }) : () -> ()
      %dma_start3A_474 = arith.constant 0 : i32
      %dma_start3A_475 = tpu.memref_slice %arg2[%add3A_11, %dma_start3A_474] : memref<640000x8xf32, #tpu.memory_space<hbm>> -> memref<10000x8xf32, #tpu.memory_space<hbm>>
      %dma_start3A_476 = arith.constant 0 : i32
      %dma_start3A_477 = arith.constant 0 : i32
      %dma_start3A_478 = tpu.memref_slice %dma_start3A_475[%dma_start3A_476, %dma_start3A_477] : memref<10000x8xf32, #tpu.memory_space<hbm>> -> memref<10000x8xf32, #tpu.memory_space<hbm>>
      tpu.enqueue_indirect_dma source(%dma_start3A_478 : memref<10000x8xf32, #tpu.memory_space<hbm>>) target(%arg26 : memref<2000x8xf32, #tpu.memory_space<vmem>>) offsets(%arg22 : memref<2000xi32, #tpu.memory_space<vmem>>) semaphore(%arg29 : memref<!tpu.dma_semaphore, #tpu.memory_space<semaphore_mem>>)
      %mul3A_479 = arith.constant 2 : i32
      %mul3A_480 = arith.muli %mul3A_479, %scan3A_441 : i32
      %add3A_481 = arith.constant 1 : i32
      %add3A_482 = arith.addi %mul3A_480, %add3A_481 : i32
      %mul3A_483 = arith.constant 2000 : i32
      %mul3A_484 = arith.muli %add3A_482, %mul3A_483 : i32
      %dma_start3A_485 = tpu.memref_slice %arg4[%mul3A_484] : memref<160000xi32, #tpu.memory_space<hbm>> -> memref<2000xi32, #tpu.memory_space<hbm>>
      %dma_start3A_486 = tpu.memref_slice %arg4[%mul3A_484] : memref<160000xi32, #tpu.memory_space<hbm>> -> memref<2000xi32, #tpu.memory_space<hbm>>
      tpu.enqueue_dma source(%dma_start3A_486 : memref<2000xi32, #tpu.memory_space<hbm>>) target(%arg25 : memref<2000xi32, #tpu.memory_space<vmem>>) target_semaphore(%arg32 : memref<!tpu.dma_semaphore, #tpu.memory_space<semaphore_mem>>)
      %dma_wait3A_487 = arith.constant 0 : i32
      %dma_wait3A_488 = tpu.memref_slice %arg4[%dma_wait3A_487] : memref<160000xi32, #tpu.memory_space<hbm>> -> memref<2000xi32, #tpu.memory_space<hbm>>
      %dma_wait3A_489 = arith.constant 0 : i32
      %dma_wait3A_490 = tpu.memref_slice %arg4[%dma_wait3A_489] : memref<160000xi32, #tpu.memory_space<hbm>> -> memref<2000xi32, #tpu.memory_space<hbm>>
      tpu.wait_dma2 semaphore(%arg32 : memref<!tpu.dma_semaphore, #tpu.memory_space<semaphore_mem>>) src(%dma_wait3A_490 : memref<2000xi32, #tpu.memory_space<hbm>>) dst(%arg25 : memref<2000xi32, #tpu.memory_space<vmem>>)
      %dma_wait3A_491 = arith.constant 0 : i32
      %dma_wait3A_492 = tpu.memref_slice %arg2[%add3A_11, %dma_wait3A_491] : memref<640000x8xf32, #tpu.memory_space<hbm>> -> memref<10000x8xf32, #tpu.memory_space<hbm>>
      %dma_wait3A_493 = arith.constant 0 : i32
      %dma_wait3A_494 = arith.constant 0 : i32
      %dma_wait3A_495 = tpu.memref_slice %dma_wait3A_492[%dma_wait3A_493, %dma_wait3A_494] : memref<10000x8xf32, #tpu.memory_space<hbm>> -> memref<10000x8xf32, #tpu.memory_space<hbm>>
      tpu.wait_indirect_dma semaphore(%arg30 : memref<!tpu.dma_semaphore, #tpu.memory_space<semaphore_mem>>) src(%dma_wait3A_495 : memref<10000x8xf32, #tpu.memory_space<hbm>>) dst(%arg27 : memref<2000x8xf32, #tpu.memory_space<vmem>>)
      "tpu.region"() ({
        %run_scoped3A = tpu.sem_alloc : memref<!tpu.dma_semaphore, #tpu.memory_space<semaphore_mem>>
        %dma_start3A_496 = arith.constant 0 : i32
        %dma_start3A_497 = tpu.memref_slice %arg20[%mul3A_2, %dma_start3A_496] : memref<160000x8xf32, #tpu.memory_space<vmem_shared>> -> memref<10000x8xf32, #tpu.memory_space<vmem_shared>>
        %dma_start3A_498 = arith.constant 0 : i32
        %dma_start3A_499 = arith.constant 0 : i32
        %dma_start3A_500 = tpu.memref_slice %dma_start3A_497[%dma_start3A_498, %dma_start3A_499] : memref<10000x8xf32, #tpu.memory_space<vmem_shared>> -> memref<10000x8xf32, #tpu.memory_space<vmem_shared>>
        tpu.enqueue_indirect_dma source(%arg27 : memref<2000x8xf32, #tpu.memory_space<vmem>>) target(%dma_start3A_500 : memref<10000x8xf32, #tpu.memory_space<vmem_shared>>) offsets(%arg25 : memref<2000xi32, #tpu.memory_space<vmem>>) semaphore(%run_scoped3A : memref<!tpu.dma_semaphore, #tpu.memory_space<semaphore_mem>>) {add = true}
        %dma_wait3A_501 = arith.constant 0 : i32
        %dma_wait3A_502 = tpu.memref_slice %arg20[%mul3A_2, %dma_wait3A_501] : memref<160000x8xf32, #tpu.memory_space<vmem_shared>> -> memref<10000x8xf32, #tpu.memory_space<vmem_shared>>
        %dma_wait3A_503 = arith.constant 0 : i32
        %dma_wait3A_504 = arith.constant 0 : i32
        %dma_wait3A_505 = tpu.memref_slice %dma_wait3A_502[%dma_wait3A_503, %dma_wait3A_504] : memref<10000x8xf32, #tpu.memory_space<vmem_shared>> -> memref<10000x8xf32, #tpu.memory_space<vmem_shared>>
        tpu.wait_indirect_dma semaphore(%run_scoped3A : memref<!tpu.dma_semaphore, #tpu.memory_space<semaphore_mem>>) src(%arg27 : memref<2000x8xf32, #tpu.memory_space<vmem>>) dst(%dma_wait3A_505 : memref<10000x8xf32, #tpu.memory_space<vmem_shared>>)
        tpu.yield
      }) : () -> ()
    }
    %scan3A_20 = arith.constant 39 : i32
    "tpu.region"() ({
      %run_scoped3A = tpu.sem_alloc : memref<!tpu.dma_semaphore, #tpu.memory_space<semaphore_mem>>
      %dma_start3A_441 = arith.constant 158000 : i32
      %dma_start3A_442 = tpu.memref_slice %arg3[%dma_start3A_441] : memref<160000xi32, #tpu.memory_space<hbm>> -> memref<2000xi32, #tpu.memory_space<hbm>>
      %dma_start3A_443 = arith.constant 158000 : i32
      %dma_start3A_444 = tpu.memref_slice %arg3[%dma_start3A_443] : memref<160000xi32, #tpu.memory_space<hbm>> -> memref<2000xi32, #tpu.memory_space<hbm>>
      tpu.enqueue_dma source(%dma_start3A_444 : memref<2000xi32, #tpu.memory_space<hbm>>) target(%arg23 : memref<2000xi32, #tpu.memory_space<vmem>>) target_semaphore(%run_scoped3A : memref<!tpu.dma_semaphore, #tpu.memory_space<semaphore_mem>>)
      %dma_wait3A_445 = arith.constant 158000 : i32
      %dma_wait3A_446 = tpu.memref_slice %arg3[%dma_wait3A_445] : memref<160000xi32, #tpu.memory_space<hbm>> -> memref<2000xi32, #tpu.memory_space<hbm>>
      %dma_wait3A_447 = arith.constant 158000 : i32
      %dma_wait3A_448 = tpu.memref_slice %arg3[%dma_wait3A_447] : memref<160000xi32, #tpu.memory_space<hbm>> -> memref<2000xi32, #tpu.memory_space<hbm>>
      tpu.wait_dma2 semaphore(%run_scoped3A : memref<!tpu.dma_semaphore, #tpu.memory_space<semaphore_mem>>) src(%dma_wait3A_448 : memref<2000xi32, #tpu.memory_space<hbm>>) dst(%arg23 : memref<2000xi32, #tpu.memory_space<vmem>>)
      tpu.yield
    }) : () -> ()
    %dma_start3A_21 = arith.constant 0 : i32
    %dma_start3A_22 = tpu.memref_slice %arg2[%add3A_11, %dma_start3A_21] : memref<640000x8xf32, #tpu.memory_space<hbm>> -> memref<10000x8xf32, #tpu.memory_space<hbm>>
    %dma_start3A_23 = arith.constant 0 : i32
    %dma_start3A_24 = arith.constant 0 : i32
    %dma_start3A_25 = tpu.memref_slice %dma_start3A_22[%dma_start3A_23, %dma_start3A_24] : memref<10000x8xf32, #tpu.memory_space<hbm>> -> memref<10000x8xf32, #tpu.memory_space<hbm>>
    tpu.enqueue_indirect_dma source(%dma_start3A_25 : memref<10000x8xf32, #tpu.memory_space<hbm>>) target(%arg27 : memref<2000x8xf32, #tpu.memory_space<vmem>>) offsets(%arg23 : memref<2000xi32, #tpu.memory_space<vmem>>) semaphore(%arg30 : memref<!tpu.dma_semaphore, #tpu.memory_space<semaphore_mem>>)
    %dma_start3A_26 = arith.constant 156000 : i32
    %dma_start3A_27 = tpu.memref_slice %arg4[%dma_start3A_26] : memref<160000xi32, #tpu.memory_space<hbm>> -> memref<2000xi32, #tpu.memory_space<hbm>>
    %dma_start3A_28 = arith.constant 156000 : i32
    %dma_start3A_29 = tpu.memref_slice %arg4[%dma_start3A_28] : memref<160000xi32, #tpu.memory_space<hbm>> -> memref<2000xi32, #tpu.memory_space<hbm>>
    tpu.enqueue_dma source(%dma_start3A_29 : memref<2000xi32, #tpu.memory_space<hbm>>) target(%arg24 : memref<2000xi32, #tpu.memory_space<vmem>>) target_semaphore(%arg31 : memref<!tpu.dma_semaphore, #tpu.memory_space<semaphore_mem>>)
    %dma_wait3A = arith.constant 0 : i32
    %dma_wait3A_30 = tpu.memref_slice %arg4[%dma_wait3A] : memref<160000xi32, #tpu.memory_space<hbm>> -> memref<2000xi32, #tpu.memory_space<hbm>>
    %dma_wait3A_31 = arith.constant 0 : i32
    %dma_wait3A_32 = tpu.memref_slice %arg4[%dma_wait3A_31] : memref<160000xi32, #tpu.memory_space<hbm>> -> memref<2000xi32, #tpu.memory_space<hbm>>
    tpu.wait_dma2 semaphore(%arg31 : memref<!tpu.dma_semaphore, #tpu.memory_space<semaphore_mem>>) src(%dma_wait3A_32 : memref<2000xi32, #tpu.memory_space<hbm>>) dst(%arg24 : memref<2000xi32, #tpu.memory_space<vmem>>)
    %dma_wait3A_33 = arith.constant 0 : i32
    %dma_wait3A_34 = tpu.memref_slice %arg2[%add3A_11, %dma_wait3A_33] : memref<640000x8xf32, #tpu.memory_space<hbm>> -> memref<10000x8xf32, #tpu.memory_space<hbm>>
    %dma_wait3A_35 = arith.constant 0 : i32
    %dma_wait3A_36 = arith.constant 0 : i32
    %dma_wait3A_37 = tpu.memref_slice %dma_wait3A_34[%dma_wait3A_35, %dma_wait3A_36] : memref<10000x8xf32, #tpu.memory_space<hbm>> -> memref<10000x8xf32, #tpu.memory_space<hbm>>
    tpu.wait_indirect_dma semaphore(%arg29 : memref<!tpu.dma_semaphore, #tpu.memory_space<semaphore_mem>>) src(%dma_wait3A_37 : memref<10000x8xf32, #tpu.memory_space<hbm>>) dst(%arg26 : memref<2000x8xf32, #tpu.memory_space<vmem>>)
    "tpu.region"() ({
      %run_scoped3A = tpu.sem_alloc : memref<!tpu.dma_semaphore, #tpu.memory_space<semaphore_mem>>
      %dma_start3A_441 = arith.constant 0 : i32
      %dma_start3A_442 = tpu.memref_slice %arg20[%mul3A_2, %dma_start3A_441] : memref<160000x8xf32, #tpu.memory_space<vmem_shared>> -> memref<10000x8xf32, #tpu.memory_space<vmem_shared>>
      %dma_start3A_443 = arith.constant 0 : i32
      %dma_start3A_444 = arith.constant 0 : i32
      %dma_start3A_445 = tpu.memref_slice %dma_start3A_442[%dma_start3A_443, %dma_start3A_444] : memref<10000x8xf32, #tpu.memory_space<vmem_shared>> -> memref<10000x8xf32, #tpu.memory_space<vmem_shared>>
      tpu.enqueue_indirect_dma source(%arg26 : memref<2000x8xf32, #tpu.memory_space<vmem>>) target(%dma_start3A_445 : memref<10000x8xf32, #tpu.memory_space<vmem_shared>>) offsets(%arg24 : memref<2000xi32, #tpu.memory_space<vmem>>) semaphore(%run_scoped3A : memref<!tpu.dma_semaphore, #tpu.memory_space<semaphore_mem>>) {add = true}
      %dma_wait3A_446 = arith.constant 0 : i32
      %dma_wait3A_447 = tpu.memref_slice %arg20[%mul3A_2, %dma_wait3A_446] : memref<160000x8xf32, #tpu.memory_space<vmem_shared>> -> memref<10000x8xf32, #tpu.memory_space<vmem_shared>>
      %dma_wait3A_448 = arith.constant 0 : i32
      %dma_wait3A_449 = arith.constant 0 : i32
      %dma_wait3A_450 = tpu.memref_slice %dma_wait3A_447[%dma_wait3A_448, %dma_wait3A_449] : memref<10000x8xf32, #tpu.memory_space<vmem_shared>> -> memref<10000x8xf32, #tpu.memory_space<vmem_shared>>
      tpu.wait_indirect_dma semaphore(%run_scoped3A : memref<!tpu.dma_semaphore, #tpu.memory_space<semaphore_mem>>) src(%arg26 : memref<2000x8xf32, #tpu.memory_space<vmem>>) dst(%dma_wait3A_450 : memref<10000x8xf32, #tpu.memory_space<vmem_shared>>)
      tpu.yield
    }) : () -> ()
    %dma_start3A_38 = arith.constant 158000 : i32
    %dma_start3A_39 = tpu.memref_slice %arg4[%dma_start3A_38] : memref<160000xi32, #tpu.memory_space<hbm>> -> memref<2000xi32, #tpu.memory_space<hbm>>
    %dma_start3A_40 = arith.constant 158000 : i32
    %dma_start3A_41 = tpu.memref_slice %arg4[%dma_start3A_40] : memref<160000xi32, #tpu.memory_space<hbm>> -> memref<2000xi32, #tpu.memory_space<hbm>>
    tpu.enqueue_dma source(%dma_start3A_41 : memref<2000xi32, #tpu.memory_space<hbm>>) target(%arg25 : memref<2000xi32, #tpu.memory_space<vmem>>) target_semaphore(%arg32 : memref<!tpu.dma_semaphore, #tpu.memory_space<semaphore_mem>>)
    %dma_wait3A_42 = arith.constant 0 : i32
    %dma_wait3A_43 = tpu.memref_slice %arg4[%dma_wait3A_42] : memref<160000xi32, #tpu.memory_space<hbm>> -> memref<2000xi32, #tpu.memory_space<hbm>>
    %dma_wait3A_44 = arith.constant 0 : i32
    %dma_wait3A_45 = tpu.memref_slice %arg4[%dma_wait3A_44] : memref<160000xi32, #tpu.memory_space<hbm>> -> memref<2000xi32, #tpu.memory_space<hbm>>
    tpu.wait_dma2 semaphore(%arg32 : memref<!tpu.dma_semaphore, #tpu.memory_space<semaphore_mem>>) src(%dma_wait3A_45 : memref<2000xi32, #tpu.memory_space<hbm>>) dst(%arg25 : memref<2000xi32, #tpu.memory_space<vmem>>)
    %dma_wait3A_46 = arith.constant 0 : i32
    %dma_wait3A_47 = tpu.memref_slice %arg2[%add3A_11, %dma_wait3A_46] : memref<640000x8xf32, #tpu.memory_space<hbm>> -> memref<10000x8xf32, #tpu.memory_space<hbm>>
    %dma_wait3A_48 = arith.constant 0 : i32
    %dma_wait3A_49 = arith.constant 0 : i32
    %dma_wait3A_50 = tpu.memref_slice %dma_wait3A_47[%dma_wait3A_48, %dma_wait3A_49] : memref<10000x8xf32, #tpu.memory_space<hbm>> -> memref<10000x8xf32, #tpu.memory_space<hbm>>
    tpu.wait_indirect_dma semaphore(%arg30 : memref<!tpu.dma_semaphore, #tpu.memory_space<semaphore_mem>>) src(%dma_wait3A_50 : memref<10000x8xf32, #tpu.memory_space<hbm>>) dst(%arg27 : memref<2000x8xf32, #tpu.memory_space<vmem>>)
    "tpu.region"() ({
      %run_scoped3A = tpu.sem_alloc : memref<!tpu.dma_semaphore, #tpu.memory_space<semaphore_mem>>
      %dma_start3A_441 = arith.constant 0 : i32
      %dma_start3A_442 = tpu.memref_slice %arg20[%mul3A_2, %dma_start3A_441] : memref<160000x8xf32, #tpu.memory_space<vmem_shared>> -> memref<10000x8xf32, #tpu.memory_space<vmem_shared>>
      %dma_start3A_443 = arith.constant 0 : i32
      %dma_start3A_444 = arith.constant 0 : i32
      %dma_start3A_445 = tpu.memref_slice %dma_start3A_442[%dma_start3A_443, %dma_start3A_444] : memref<10000x8xf32, #tpu.memory_space<vmem_shared>> -> memref<10000x8xf32, #tpu.memory_space<vmem_shared>>
      tpu.enqueue_indirect_dma source(%arg27 : memref<2000x8xf32, #tpu.memory_space<vmem>>) target(%dma_start3A_445 : memref<10000x8xf32, #tpu.memory_space<vmem_shared>>) offsets(%arg25 : memref<2000xi32, #tpu.memory_space<vmem>>) semaphore(%run_scoped3A : memref<!tpu.dma_semaphore, #tpu.memory_space<semaphore_mem>>) {add = true}
      %dma_wait3A_446 = arith.constant 0 : i32
      %dma_wait3A_447 = tpu.memref_slice %arg20[%mul3A_2, %dma_wait3A_446] : memref<160000x8xf32, #tpu.memory_space<vmem_shared>> -> memref<10000x8xf32, #tpu.memory_space<vmem_shared>>
      %dma_wait3A_448 = arith.constant 0 : i32
      %dma_wait3A_449 = arith.constant 0 : i32
      %dma_wait3A_450 = tpu.memref_slice %dma_wait3A_447[%dma_wait3A_448, %dma_wait3A_449] : memref<10000x8xf32, #tpu.memory_space<vmem_shared>> -> memref<10000x8xf32, #tpu.memory_space<vmem_shared>>
      tpu.wait_indirect_dma semaphore(%run_scoped3A : memref<!tpu.dma_semaphore, #tpu.memory_space<semaphore_mem>>) src(%arg27 : memref<2000x8xf32, #tpu.memory_space<vmem>>) dst(%dma_wait3A_450 : memref<10000x8xf32, #tpu.memory_space<vmem_shared>>)
      tpu.yield
    }) : () -> ()
    "tpu.region"() ({
      %run_scoped3A = tpu.sem_alloc : memref<!tpu.dma_semaphore, #tpu.memory_space<semaphore_mem>>
      %dma_start3A_441 = arith.constant 0 : i32
      %dma_start3A_442 = tpu.memref_slice %arg17[%dma_start3A_441, %mul3A_7] : memref<40000x256xf32, #tpu.memory_space<hbm>> -> memref<10000x8xf32, #tpu.memory_space<hbm>>
      %dma_start3A_443 = arith.constant 0 : i32
      %dma_start3A_444 = tpu.memref_slice %arg20[%mul3A_2, %dma_start3A_443] : memref<160000x8xf32, #tpu.memory_space<vmem_shared>> -> memref<10000x8xf32, #tpu.memory_space<vmem_shared>>
      tpu.enqueue_dma source(%dma_start3A_444 : memref<10000x8xf32, #tpu.memory_space<vmem_shared>>) target(%dma_start3A_442 : memref<10000x8xf32, #tpu.memory_space<hbm>>) target_semaphore(%run_scoped3A : memref<!tpu.dma_semaphore, #tpu.memory_space<semaphore_mem>>)
      %dma_wait3A_445 = arith.constant 0 : i32
      %dma_wait3A_446 = tpu.memref_slice %arg17[%dma_wait3A_445, %mul3A_7] : memref<40000x256xf32, #tpu.memory_space<hbm>> -> memref<10000x8xf32, #tpu.memory_space<hbm>>
      %dma_wait3A_447 = arith.constant 0 : i32
      %dma_wait3A_448 = tpu.memref_slice %arg20[%mul3A_2, %dma_wait3A_447] : memref<160000x8xf32, #tpu.memory_space<vmem_shared>> -> memref<10000x8xf32, #tpu.memory_space<vmem_shared>>
      tpu.wait_dma2 semaphore(%run_scoped3A : memref<!tpu.dma_semaphore, #tpu.memory_space<semaphore_mem>>) src(%dma_wait3A_448 : memref<10000x8xf32, #tpu.memory_space<vmem_shared>>) dst(%dma_wait3A_446 : memref<10000x8xf32, #tpu.memory_space<hbm>>)
      tpu.yield
    }) : () -> ()
    %mul3A_51 = arith.constant 10000 : i32
    %mul3A_52 = arith.muli %add3A, %mul3A_51 : i32
    %add3A_53 = arith.constant 320000 : i32
    %add3A_54 = arith.addi %add3A_53, %mul3A_52 : i32
    "tpu.region"() ({
      %run_scoped3A = tpu.sem_alloc : memref<!tpu.dma_semaphore, #tpu.memory_space<semaphore_mem>>
      %dma_start3A_441 = arith.constant 0 : i32
      %dma_start3A_442 = tpu.memref_slice %arg20[%mul3A_2, %dma_start3A_441] : memref<160000x8xf32, #tpu.memory_space<vmem_shared>> -> memref<10000x8xf32, #tpu.memory_space<vmem_shared>>
      tpu.enqueue_dma source(%arg15 : memref<10000x8xf32, #tpu.memory_space<hbm>>) target(%dma_start3A_442 : memref<10000x8xf32, #tpu.memory_space<vmem_shared>>) target_semaphore(%run_scoped3A : memref<!tpu.dma_semaphore, #tpu.memory_space<semaphore_mem>>)
      %dma_wait3A_443 = arith.constant 0 : i32
      %dma_wait3A_444 = tpu.memref_slice %arg20[%mul3A_2, %dma_wait3A_443] : memref<160000x8xf32, #tpu.memory_space<vmem_shared>> -> memref<10000x8xf32, #tpu.memory_space<vmem_shared>>
      tpu.wait_dma2 semaphore(%run_scoped3A : memref<!tpu.dma_semaphore, #tpu.memory_space<semaphore_mem>>) src(%arg15 : memref<10000x8xf32, #tpu.memory_space<hbm>>) dst(%dma_wait3A_444 : memref<10000x8xf32, #tpu.memory_space<vmem_shared>>)
      tpu.yield
    }) : () -> ()
    "tpu.region"() ({
      %run_scoped3A = tpu.sem_alloc : memref<!tpu.dma_semaphore, #tpu.memory_space<semaphore_mem>>
      %dma_start3A_441 = arith.constant 0 : i32
      %dma_start3A_442 = tpu.memref_slice %arg5[%dma_start3A_441] : memref<160000xi32, #tpu.memory_space<hbm>> -> memref<2000xi32, #tpu.memory_space<hbm>>
      %dma_start3A_443 = arith.constant 0 : i32
      %dma_start3A_444 = tpu.memref_slice %arg5[%dma_start3A_443] : memref<160000xi32, #tpu.memory_space<hbm>> -> memref<2000xi32, #tpu.memory_space<hbm>>
      tpu.enqueue_dma source(%dma_start3A_444 : memref<2000xi32, #tpu.memory_space<hbm>>) target(%arg22 : memref<2000xi32, #tpu.memory_space<vmem>>) target_semaphore(%run_scoped3A : memref<!tpu.dma_semaphore, #tpu.memory_space<semaphore_mem>>)
      %dma_wait3A_445 = arith.constant 0 : i32
      %dma_wait3A_446 = tpu.memref_slice %arg5[%dma_wait3A_445] : memref<160000xi32, #tpu.memory_space<hbm>> -> memref<2000xi32, #tpu.memory_space<hbm>>
      %dma_wait3A_447 = arith.constant 0 : i32
      %dma_wait3A_448 = tpu.memref_slice %arg5[%dma_wait3A_447] : memref<160000xi32, #tpu.memory_space<hbm>> -> memref<2000xi32, #tpu.memory_space<hbm>>
      tpu.wait_dma2 semaphore(%run_scoped3A : memref<!tpu.dma_semaphore, #tpu.memory_space<semaphore_mem>>) src(%dma_wait3A_448 : memref<2000xi32, #tpu.memory_space<hbm>>) dst(%arg22 : memref<2000xi32, #tpu.memory_space<vmem>>)
      tpu.yield
    }) : () -> ()
    %dma_start3A_55 = arith.constant 0 : i32
    %dma_start3A_56 = tpu.memref_slice %arg2[%add3A_54, %dma_start3A_55] : memref<640000x8xf32, #tpu.memory_space<hbm>> -> memref<10000x8xf32, #tpu.memory_space<hbm>>
    %dma_start3A_57 = arith.constant 0 : i32
    %dma_start3A_58 = arith.constant 0 : i32
    %dma_start3A_59 = tpu.memref_slice %dma_start3A_56[%dma_start3A_57, %dma_start3A_58] : memref<10000x8xf32, #tpu.memory_space<hbm>> -> memref<10000x8xf32, #tpu.memory_space<hbm>>
    tpu.enqueue_indirect_dma source(%dma_start3A_59 : memref<10000x8xf32, #tpu.memory_space<hbm>>) target(%arg26 : memref<2000x8xf32, #tpu.memory_space<vmem>>) offsets(%arg22 : memref<2000xi32, #tpu.memory_space<vmem>>) semaphore(%arg29 : memref<!tpu.dma_semaphore, #tpu.memory_space<semaphore_mem>>)
    %scan3A_60 = arith.constant 0 : i32
    %scan3A_61 = arith.constant 0 : i32
    %scan3A_62 = arith.constant 39 : i32
    %scan3A_63 = arith.addi %scan3A_61, %scan3A_62 : i32
    %scan3A_64 = arith.constant 1 : i32
    scf.for %scan3A_441 = %scan3A_61 to %scan3A_63 step %scan3A_64  : i32 {
      %mul3A_442 = arith.constant 2 : i32
      %mul3A_443 = arith.muli %mul3A_442, %scan3A_441 : i32
      %add3A_444 = arith.constant 1 : i32
      %add3A_445 = arith.addi %mul3A_443, %add3A_444 : i32
      %mul3A_446 = arith.constant 2000 : i32
      %mul3A_447 = arith.muli %add3A_445, %mul3A_446 : i32
      "tpu.region"() ({
        %run_scoped3A = tpu.sem_alloc : memref<!tpu.dma_semaphore, #tpu.memory_space<semaphore_mem>>
        %dma_start3A_496 = tpu.memref_slice %arg5[%mul3A_447] : memref<160000xi32, #tpu.memory_space<hbm>> -> memref<2000xi32, #tpu.memory_space<hbm>>
        %dma_start3A_497 = tpu.memref_slice %arg5[%mul3A_447] : memref<160000xi32, #tpu.memory_space<hbm>> -> memref<2000xi32, #tpu.memory_space<hbm>>
        tpu.enqueue_dma source(%dma_start3A_497 : memref<2000xi32, #tpu.memory_space<hbm>>) target(%arg23 : memref<2000xi32, #tpu.memory_space<vmem>>) target_semaphore(%run_scoped3A : memref<!tpu.dma_semaphore, #tpu.memory_space<semaphore_mem>>)
        %dma_wait3A_498 = tpu.memref_slice %arg5[%mul3A_447] : memref<160000xi32, #tpu.memory_space<hbm>> -> memref<2000xi32, #tpu.memory_space<hbm>>
        %dma_wait3A_499 = tpu.memref_slice %arg5[%mul3A_447] : memref<160000xi32, #tpu.memory_space<hbm>> -> memref<2000xi32, #tpu.memory_space<hbm>>
        tpu.wait_dma2 semaphore(%run_scoped3A : memref<!tpu.dma_semaphore, #tpu.memory_space<semaphore_mem>>) src(%dma_wait3A_499 : memref<2000xi32, #tpu.memory_space<hbm>>) dst(%arg23 : memref<2000xi32, #tpu.memory_space<vmem>>)
        tpu.yield
      }) : () -> ()
      %dma_start3A_448 = arith.constant 0 : i32
      %dma_start3A_449 = tpu.memref_slice %arg2[%add3A_54, %dma_start3A_448] : memref<640000x8xf32, #tpu.memory_space<hbm>> -> memref<10000x8xf32, #tpu.memory_space<hbm>>
      %dma_start3A_450 = arith.constant 0 : i32
      %dma_start3A_451 = arith.constant 0 : i32
      %dma_start3A_452 = tpu.memref_slice %dma_start3A_449[%dma_start3A_450, %dma_start3A_451] : memref<10000x8xf32, #tpu.memory_space<hbm>> -> memref<10000x8xf32, #tpu.memory_space<hbm>>
      tpu.enqueue_indirect_dma source(%dma_start3A_452 : memref<10000x8xf32, #tpu.memory_space<hbm>>) target(%arg27 : memref<2000x8xf32, #tpu.memory_space<vmem>>) offsets(%arg23 : memref<2000xi32, #tpu.memory_space<vmem>>) semaphore(%arg30 : memref<!tpu.dma_semaphore, #tpu.memory_space<semaphore_mem>>)
      %mul3A_453 = arith.constant 2 : i32
      %mul3A_454 = arith.muli %mul3A_453, %scan3A_441 : i32
      %mul3A_455 = arith.constant 2000 : i32
      %mul3A_456 = arith.muli %mul3A_454, %mul3A_455 : i32
      %dma_start3A_457 = tpu.memref_slice %arg6[%mul3A_456] : memref<160000xi32, #tpu.memory_space<hbm>> -> memref<2000xi32, #tpu.memory_space<hbm>>
      %dma_start3A_458 = tpu.memref_slice %arg6[%mul3A_456] : memref<160000xi32, #tpu.memory_space<hbm>> -> memref<2000xi32, #tpu.memory_space<hbm>>
      tpu.enqueue_dma source(%dma_start3A_458 : memref<2000xi32, #tpu.memory_space<hbm>>) target(%arg24 : memref<2000xi32, #tpu.memory_space<vmem>>) target_semaphore(%arg31 : memref<!tpu.dma_semaphore, #tpu.memory_space<semaphore_mem>>)
      %dma_wait3A_459 = arith.constant 0 : i32
      %dma_wait3A_460 = tpu.memref_slice %arg6[%dma_wait3A_459] : memref<160000xi32, #tpu.memory_space<hbm>> -> memref<2000xi32, #tpu.memory_space<hbm>>
      %dma_wait3A_461 = arith.constant 0 : i32
      %dma_wait3A_462 = tpu.memref_slice %arg6[%dma_wait3A_461] : memref<160000xi32, #tpu.memory_space<hbm>> -> memref<2000xi32, #tpu.memory_space<hbm>>
      tpu.wait_dma2 semaphore(%arg31 : memref<!tpu.dma_semaphore, #tpu.memory_space<semaphore_mem>>) src(%dma_wait3A_462 : memref<2000xi32, #tpu.memory_space<hbm>>) dst(%arg24 : memref<2000xi32, #tpu.memory_space<vmem>>)
      %dma_wait3A_463 = arith.constant 0 : i32
      %dma_wait3A_464 = tpu.memref_slice %arg2[%add3A_54, %dma_wait3A_463] : memref<640000x8xf32, #tpu.memory_space<hbm>> -> memref<10000x8xf32, #tpu.memory_space<hbm>>
      %dma_wait3A_465 = arith.constant 0 : i32
      %dma_wait3A_466 = arith.constant 0 : i32
      %dma_wait3A_467 = tpu.memref_slice %dma_wait3A_464[%dma_wait3A_465, %dma_wait3A_466] : memref<10000x8xf32, #tpu.memory_space<hbm>> -> memref<10000x8xf32, #tpu.memory_space<hbm>>
      tpu.wait_indirect_dma semaphore(%arg29 : memref<!tpu.dma_semaphore, #tpu.memory_space<semaphore_mem>>) src(%dma_wait3A_467 : memref<10000x8xf32, #tpu.memory_space<hbm>>) dst(%arg26 : memref<2000x8xf32, #tpu.memory_space<vmem>>)
      "tpu.region"() ({
        %run_scoped3A = tpu.sem_alloc : memref<!tpu.dma_semaphore, #tpu.memory_space<semaphore_mem>>
        %dma_start3A_496 = arith.constant 0 : i32
        %dma_start3A_497 = tpu.memref_slice %arg20[%mul3A_2, %dma_start3A_496] : memref<160000x8xf32, #tpu.memory_space<vmem_shared>> -> memref<10000x8xf32, #tpu.memory_space<vmem_shared>>
        %dma_start3A_498 = arith.constant 0 : i32
        %dma_start3A_499 = arith.constant 0 : i32
        %dma_start3A_500 = tpu.memref_slice %dma_start3A_497[%dma_start3A_498, %dma_start3A_499] : memref<10000x8xf32, #tpu.memory_space<vmem_shared>> -> memref<10000x8xf32, #tpu.memory_space<vmem_shared>>
        tpu.enqueue_indirect_dma source(%arg26 : memref<2000x8xf32, #tpu.memory_space<vmem>>) target(%dma_start3A_500 : memref<10000x8xf32, #tpu.memory_space<vmem_shared>>) offsets(%arg24 : memref<2000xi32, #tpu.memory_space<vmem>>) semaphore(%run_scoped3A : memref<!tpu.dma_semaphore, #tpu.memory_space<semaphore_mem>>) {add = true}
        %dma_wait3A_501 = arith.constant 0 : i32
        %dma_wait3A_502 = tpu.memref_slice %arg20[%mul3A_2, %dma_wait3A_501] : memref<160000x8xf32, #tpu.memory_space<vmem_shared>> -> memref<10000x8xf32, #tpu.memory_space<vmem_shared>>
        %dma_wait3A_503 = arith.constant 0 : i32
        %dma_wait3A_504 = arith.constant 0 : i32
        %dma_wait3A_505 = tpu.memref_slice %dma_wait3A_502[%dma_wait3A_503, %dma_wait3A_504] : memref<10000x8xf32, #tpu.memory_space<vmem_shared>> -> memref<10000x8xf32, #tpu.memory_space<vmem_shared>>
        tpu.wait_indirect_dma semaphore(%run_scoped3A : memref<!tpu.dma_semaphore, #tpu.memory_space<semaphore_mem>>) src(%arg26 : memref<2000x8xf32, #tpu.memory_space<vmem>>) dst(%dma_wait3A_505 : memref<10000x8xf32, #tpu.memory_space<vmem_shared>>)
        tpu.yield
      }) : () -> ()
      %mul3A_468 = arith.constant 2 : i32
      %mul3A_469 = arith.muli %mul3A_468, %scan3A_441 : i32
      %add3A_470 = arith.constant 2 : i32
      %add3A_471 = arith.addi %mul3A_469, %add3A_470 : i32
      %mul3A_472 = arith.constant 2000 : i32
      %mul3A_473 = arith.muli %add3A_471, %mul3A_472 : i32
      "tpu.region"() ({
        %run_scoped3A = tpu.sem_alloc : memref<!tpu.dma_semaphore, #tpu.memory_space<semaphore_mem>>
        %dma_start3A_496 = tpu.memref_slice %arg5[%mul3A_473] : memref<160000xi32, #tpu.memory_space<hbm>> -> memref<2000xi32, #tpu.memory_space<hbm>>
        %dma_start3A_497 = tpu.memref_slice %arg5[%mul3A_473] : memref<160000xi32, #tpu.memory_space<hbm>> -> memref<2000xi32, #tpu.memory_space<hbm>>
        tpu.enqueue_dma source(%dma_start3A_497 : memref<2000xi32, #tpu.memory_space<hbm>>) target(%arg22 : memref<2000xi32, #tpu.memory_space<vmem>>) target_semaphore(%run_scoped3A : memref<!tpu.dma_semaphore, #tpu.memory_space<semaphore_mem>>)
        %dma_wait3A_498 = tpu.memref_slice %arg5[%mul3A_473] : memref<160000xi32, #tpu.memory_space<hbm>> -> memref<2000xi32, #tpu.memory_space<hbm>>
        %dma_wait3A_499 = tpu.memref_slice %arg5[%mul3A_473] : memref<160000xi32, #tpu.memory_space<hbm>> -> memref<2000xi32, #tpu.memory_space<hbm>>
        tpu.wait_dma2 semaphore(%run_scoped3A : memref<!tpu.dma_semaphore, #tpu.memory_space<semaphore_mem>>) src(%dma_wait3A_499 : memref<2000xi32, #tpu.memory_space<hbm>>) dst(%arg22 : memref<2000xi32, #tpu.memory_space<vmem>>)
        tpu.yield
      }) : () -> ()
      %dma_start3A_474 = arith.constant 0 : i32
      %dma_start3A_475 = tpu.memref_slice %arg2[%add3A_54, %dma_start3A_474] : memref<640000x8xf32, #tpu.memory_space<hbm>> -> memref<10000x8xf32, #tpu.memory_space<hbm>>
      %dma_start3A_476 = arith.constant 0 : i32
      %dma_start3A_477 = arith.constant 0 : i32
      %dma_start3A_478 = tpu.memref_slice %dma_start3A_475[%dma_start3A_476, %dma_start3A_477] : memref<10000x8xf32, #tpu.memory_space<hbm>> -> memref<10000x8xf32, #tpu.memory_space<hbm>>
      tpu.enqueue_indirect_dma source(%dma_start3A_478 : memref<10000x8xf32, #tpu.memory_space<hbm>>) target(%arg26 : memref<2000x8xf32, #tpu.memory_space<vmem>>) offsets(%arg22 : memref<2000xi32, #tpu.memory_space<vmem>>) semaphore(%arg29 : memref<!tpu.dma_semaphore, #tpu.memory_space<semaphore_mem>>)
      %mul3A_479 = arith.constant 2 : i32
      %mul3A_480 = arith.muli %mul3A_479, %scan3A_441 : i32
      %add3A_481 = arith.constant 1 : i32
      %add3A_482 = arith.addi %mul3A_480, %add3A_481 : i32
      %mul3A_483 = arith.constant 2000 : i32
      %mul3A_484 = arith.muli %add3A_482, %mul3A_483 : i32
      %dma_start3A_485 = tpu.memref_slice %arg6[%mul3A_484] : memref<160000xi32, #tpu.memory_space<hbm>> -> memref<2000xi32, #tpu.memory_space<hbm>>
      %dma_start3A_486 = tpu.memref_slice %arg6[%mul3A_484] : memref<160000xi32, #tpu.memory_space<hbm>> -> memref<2000xi32, #tpu.memory_space<hbm>>
      tpu.enqueue_dma source(%dma_start3A_486 : memref<2000xi32, #tpu.memory_space<hbm>>) target(%arg25 : memref<2000xi32, #tpu.memory_space<vmem>>) target_semaphore(%arg32 : memref<!tpu.dma_semaphore, #tpu.memory_space<semaphore_mem>>)
      %dma_wait3A_487 = arith.constant 0 : i32
      %dma_wait3A_488 = tpu.memref_slice %arg6[%dma_wait3A_487] : memref<160000xi32, #tpu.memory_space<hbm>> -> memref<2000xi32, #tpu.memory_space<hbm>>
      %dma_wait3A_489 = arith.constant 0 : i32
      %dma_wait3A_490 = tpu.memref_slice %arg6[%dma_wait3A_489] : memref<160000xi32, #tpu.memory_space<hbm>> -> memref<2000xi32, #tpu.memory_space<hbm>>
      tpu.wait_dma2 semaphore(%arg32 : memref<!tpu.dma_semaphore, #tpu.memory_space<semaphore_mem>>) src(%dma_wait3A_490 : memref<2000xi32, #tpu.memory_space<hbm>>) dst(%arg25 : memref<2000xi32, #tpu.memory_space<vmem>>)
      %dma_wait3A_491 = arith.constant 0 : i32
      %dma_wait3A_492 = tpu.memref_slice %arg2[%add3A_54, %dma_wait3A_491] : memref<640000x8xf32, #tpu.memory_space<hbm>> -> memref<10000x8xf32, #tpu.memory_space<hbm>>
      %dma_wait3A_493 = arith.constant 0 : i32
      %dma_wait3A_494 = arith.constant 0 : i32
      %dma_wait3A_495 = tpu.memref_slice %dma_wait3A_492[%dma_wait3A_493, %dma_wait3A_494] : memref<10000x8xf32, #tpu.memory_space<hbm>> -> memref<10000x8xf32, #tpu.memory_space<hbm>>
      tpu.wait_indirect_dma semaphore(%arg30 : memref<!tpu.dma_semaphore, #tpu.memory_space<semaphore_mem>>) src(%dma_wait3A_495 : memref<10000x8xf32, #tpu.memory_space<hbm>>) dst(%arg27 : memref<2000x8xf32, #tpu.memory_space<vmem>>)
      "tpu.region"() ({
        %run_scoped3A = tpu.sem_alloc : memref<!tpu.dma_semaphore, #tpu.memory_space<semaphore_mem>>
        %dma_start3A_496 = arith.constant 0 : i32
        %dma_start3A_497 = tpu.memref_slice %arg20[%mul3A_2, %dma_start3A_496] : memref<160000x8xf32, #tpu.memory_space<vmem_shared>> -> memref<10000x8xf32, #tpu.memory_space<vmem_shared>>
        %dma_start3A_498 = arith.constant 0 : i32
        %dma_start3A_499 = arith.constant 0 : i32
        %dma_start3A_500 = tpu.memref_slice %dma_start3A_497[%dma_start3A_498, %dma_start3A_499] : memref<10000x8xf32, #tpu.memory_space<vmem_shared>> -> memref<10000x8xf32, #tpu.memory_space<vmem_shared>>
        tpu.enqueue_indirect_dma source(%arg27 : memref<2000x8xf32, #tpu.memory_space<vmem>>) target(%dma_start3A_500 : memref<10000x8xf32, #tpu.memory_space<vmem_shared>>) offsets(%arg25 : memref<2000xi32, #tpu.memory_space<vmem>>) semaphore(%run_scoped3A : memref<!tpu.dma_semaphore, #tpu.memory_space<semaphore_mem>>) {add = true}
        %dma_wait3A_501 = arith.constant 0 : i32
        %dma_wait3A_502 = tpu.memref_slice %arg20[%mul3A_2, %dma_wait3A_501] : memref<160000x8xf32, #tpu.memory_space<vmem_shared>> -> memref<10000x8xf32, #tpu.memory_space<vmem_shared>>
        %dma_wait3A_503 = arith.constant 0 : i32
        %dma_wait3A_504 = arith.constant 0 : i32
        %dma_wait3A_505 = tpu.memref_slice %dma_wait3A_502[%dma_wait3A_503, %dma_wait3A_504] : memref<10000x8xf32, #tpu.memory_space<vmem_shared>> -> memref<10000x8xf32, #tpu.memory_space<vmem_shared>>
        tpu.wait_indirect_dma semaphore(%run_scoped3A : memref<!tpu.dma_semaphore, #tpu.memory_space<semaphore_mem>>) src(%arg27 : memref<2000x8xf32, #tpu.memory_space<vmem>>) dst(%dma_wait3A_505 : memref<10000x8xf32, #tpu.memory_space<vmem_shared>>)
        tpu.yield
      }) : () -> ()
    }
    %scan3A_65 = arith.constant 39 : i32
    "tpu.region"() ({
      %run_scoped3A = tpu.sem_alloc : memref<!tpu.dma_semaphore, #tpu.memory_space<semaphore_mem>>
      %dma_start3A_441 = arith.constant 158000 : i32
      %dma_start3A_442 = tpu.memref_slice %arg5[%dma_start3A_441] : memref<160000xi32, #tpu.memory_space<hbm>> -> memref<2000xi32, #tpu.memory_space<hbm>>
      %dma_start3A_443 = arith.constant 158000 : i32
      %dma_start3A_444 = tpu.memref_slice %arg5[%dma_start3A_443] : memref<160000xi32, #tpu.memory_space<hbm>> -> memref<2000xi32, #tpu.memory_space<hbm>>
      tpu.enqueue_dma source(%dma_start3A_444 : memref<2000xi32, #tpu.memory_space<hbm>>) target(%arg23 : memref<2000xi32, #tpu.memory_space<vmem>>) target_semaphore(%run_scoped3A : memref<!tpu.dma_semaphore, #tpu.memory_space<semaphore_mem>>)
      %dma_wait3A_445 = arith.constant 158000 : i32
      %dma_wait3A_446 = tpu.memref_slice %arg5[%dma_wait3A_445] : memref<160000xi32, #tpu.memory_space<hbm>> -> memref<2000xi32, #tpu.memory_space<hbm>>
      %dma_wait3A_447 = arith.constant 158000 : i32
      %dma_wait3A_448 = tpu.memref_slice %arg5[%dma_wait3A_447] : memref<160000xi32, #tpu.memory_space<hbm>> -> memref<2000xi32, #tpu.memory_space<hbm>>
      tpu.wait_dma2 semaphore(%run_scoped3A : memref<!tpu.dma_semaphore, #tpu.memory_space<semaphore_mem>>) src(%dma_wait3A_448 : memref<2000xi32, #tpu.memory_space<hbm>>) dst(%arg23 : memref<2000xi32, #tpu.memory_space<vmem>>)
      tpu.yield
    }) : () -> ()
    %dma_start3A_66 = arith.constant 0 : i32
    %dma_start3A_67 = tpu.memref_slice %arg2[%add3A_54, %dma_start3A_66] : memref<640000x8xf32, #tpu.memory_space<hbm>> -> memref<10000x8xf32, #tpu.memory_space<hbm>>
    %dma_start3A_68 = arith.constant 0 : i32
    %dma_start3A_69 = arith.constant 0 : i32
    %dma_start3A_70 = tpu.memref_slice %dma_start3A_67[%dma_start3A_68, %dma_start3A_69] : memref<10000x8xf32, #tpu.memory_space<hbm>> -> memref<10000x8xf32, #tpu.memory_space<hbm>>
    tpu.enqueue_indirect_dma source(%dma_start3A_70 : memref<10000x8xf32, #tpu.memory_space<hbm>>) target(%arg27 : memref<2000x8xf32, #tpu.memory_space<vmem>>) offsets(%arg23 : memref<2000xi32, #tpu.memory_space<vmem>>) semaphore(%arg30 : memref<!tpu.dma_semaphore, #tpu.memory_space<semaphore_mem>>)
    %dma_start3A_71 = arith.constant 156000 : i32
    %dma_start3A_72 = tpu.memref_slice %arg6[%dma_start3A_71] : memref<160000xi32, #tpu.memory_space<hbm>> -> memref<2000xi32, #tpu.memory_space<hbm>>
    %dma_start3A_73 = arith.constant 156000 : i32
    %dma_start3A_74 = tpu.memref_slice %arg6[%dma_start3A_73] : memref<160000xi32, #tpu.memory_space<hbm>> -> memref<2000xi32, #tpu.memory_space<hbm>>
    tpu.enqueue_dma source(%dma_start3A_74 : memref<2000xi32, #tpu.memory_space<hbm>>) target(%arg24 : memref<2000xi32, #tpu.memory_space<vmem>>) target_semaphore(%arg31 : memref<!tpu.dma_semaphore, #tpu.memory_space<semaphore_mem>>)
    %dma_wait3A_75 = arith.constant 0 : i32
    %dma_wait3A_76 = tpu.memref_slice %arg6[%dma_wait3A_75] : memref<160000xi32, #tpu.memory_space<hbm>> -> memref<2000xi32, #tpu.memory_space<hbm>>
    %dma_wait3A_77 = arith.constant 0 : i32
    %dma_wait3A_78 = tpu.memref_slice %arg6[%dma_wait3A_77] : memref<160000xi32, #tpu.memory_space<hbm>> -> memref<2000xi32, #tpu.memory_space<hbm>>
    tpu.wait_dma2 semaphore(%arg31 : memref<!tpu.dma_semaphore, #tpu.memory_space<semaphore_mem>>) src(%dma_wait3A_78 : memref<2000xi32, #tpu.memory_space<hbm>>) dst(%arg24 : memref<2000xi32, #tpu.memory_space<vmem>>)
    %dma_wait3A_79 = arith.constant 0 : i32
    %dma_wait3A_80 = tpu.memref_slice %arg2[%add3A_54, %dma_wait3A_79] : memref<640000x8xf32, #tpu.memory_space<hbm>> -> memref<10000x8xf32, #tpu.memory_space<hbm>>
    %dma_wait3A_81 = arith.constant 0 : i32
    %dma_wait3A_82 = arith.constant 0 : i32
    %dma_wait3A_83 = tpu.memref_slice %dma_wait3A_80[%dma_wait3A_81, %dma_wait3A_82] : memref<10000x8xf32, #tpu.memory_space<hbm>> -> memref<10000x8xf32, #tpu.memory_space<hbm>>
    tpu.wait_indirect_dma semaphore(%arg29 : memref<!tpu.dma_semaphore, #tpu.memory_space<semaphore_mem>>) src(%dma_wait3A_83 : memref<10000x8xf32, #tpu.memory_space<hbm>>) dst(%arg26 : memref<2000x8xf32, #tpu.memory_space<vmem>>)
    "tpu.region"() ({
      %run_scoped3A = tpu.sem_alloc : memref<!tpu.dma_semaphore, #tpu.memory_space<semaphore_mem>>
      %dma_start3A_441 = arith.constant 0 : i32
      %dma_start3A_442 = tpu.memref_slice %arg20[%mul3A_2, %dma_start3A_441] : memref<160000x8xf32, #tpu.memory_space<vmem_shared>> -> memref<10000x8xf32, #tpu.memory_space<vmem_shared>>
      %dma_start3A_443 = arith.constant 0 : i32
      %dma_start3A_444 = arith.constant 0 : i32
      %dma_start3A_445 = tpu.memref_slice %dma_start3A_442[%dma_start3A_443, %dma_start3A_444] : memref<10000x8xf32, #tpu.memory_space<vmem_shared>> -> memref<10000x8xf32, #tpu.memory_space<vmem_shared>>
      tpu.enqueue_indirect_dma source(%arg26 : memref<2000x8xf32, #tpu.memory_space<vmem>>) target(%dma_start3A_445 : memref<10000x8xf32, #tpu.memory_space<vmem_shared>>) offsets(%arg24 : memref<2000xi32, #tpu.memory_space<vmem>>) semaphore(%run_scoped3A : memref<!tpu.dma_semaphore, #tpu.memory_space<semaphore_mem>>) {add = true}
      %dma_wait3A_446 = arith.constant 0 : i32
      %dma_wait3A_447 = tpu.memref_slice %arg20[%mul3A_2, %dma_wait3A_446] : memref<160000x8xf32, #tpu.memory_space<vmem_shared>> -> memref<10000x8xf32, #tpu.memory_space<vmem_shared>>
      %dma_wait3A_448 = arith.constant 0 : i32
      %dma_wait3A_449 = arith.constant 0 : i32
      %dma_wait3A_450 = tpu.memref_slice %dma_wait3A_447[%dma_wait3A_448, %dma_wait3A_449] : memref<10000x8xf32, #tpu.memory_space<vmem_shared>> -> memref<10000x8xf32, #tpu.memory_space<vmem_shared>>
      tpu.wait_indirect_dma semaphore(%run_scoped3A : memref<!tpu.dma_semaphore, #tpu.memory_space<semaphore_mem>>) src(%arg26 : memref<2000x8xf32, #tpu.memory_space<vmem>>) dst(%dma_wait3A_450 : memref<10000x8xf32, #tpu.memory_space<vmem_shared>>)
      tpu.yield
    }) : () -> ()
    %dma_start3A_84 = arith.constant 158000 : i32
    %dma_start3A_85 = tpu.memref_slice %arg6[%dma_start3A_84] : memref<160000xi32, #tpu.memory_space<hbm>> -> memref<2000xi32, #tpu.memory_space<hbm>>
    %dma_start3A_86 = arith.constant 158000 : i32
    %dma_start3A_87 = tpu.memref_slice %arg6[%dma_start3A_86] : memref<160000xi32, #tpu.memory_space<hbm>> -> memref<2000xi32, #tpu.memory_space<hbm>>
    tpu.enqueue_dma source(%dma_start3A_87 : memref<2000xi32, #tpu.memory_space<hbm>>) target(%arg25 : memref<2000xi32, #tpu.memory_space<vmem>>) target_semaphore(%arg32 : memref<!tpu.dma_semaphore, #tpu.memory_space<semaphore_mem>>)
    %dma_wait3A_88 = arith.constant 0 : i32
    %dma_wait3A_89 = tpu.memref_slice %arg6[%dma_wait3A_88] : memref<160000xi32, #tpu.memory_space<hbm>> -> memref<2000xi32, #tpu.memory_space<hbm>>
    %dma_wait3A_90 = arith.constant 0 : i32
    %dma_wait3A_91 = tpu.memref_slice %arg6[%dma_wait3A_90] : memref<160000xi32, #tpu.memory_space<hbm>> -> memref<2000xi32, #tpu.memory_space<hbm>>
    tpu.wait_dma2 semaphore(%arg32 : memref<!tpu.dma_semaphore, #tpu.memory_space<semaphore_mem>>) src(%dma_wait3A_91 : memref<2000xi32, #tpu.memory_space<hbm>>) dst(%arg25 : memref<2000xi32, #tpu.memory_space<vmem>>)
    %dma_wait3A_92 = arith.constant 0 : i32
    %dma_wait3A_93 = tpu.memref_slice %arg2[%add3A_54, %dma_wait3A_92] : memref<640000x8xf32, #tpu.memory_space<hbm>> -> memref<10000x8xf32, #tpu.memory_space<hbm>>
    %dma_wait3A_94 = arith.constant 0 : i32
    %dma_wait3A_95 = arith.constant 0 : i32
    %dma_wait3A_96 = tpu.memref_slice %dma_wait3A_93[%dma_wait3A_94, %dma_wait3A_95] : memref<10000x8xf32, #tpu.memory_space<hbm>> -> memref<10000x8xf32, #tpu.memory_space<hbm>>
    tpu.wait_indirect_dma semaphore(%arg30 : memref<!tpu.dma_semaphore, #tpu.memory_space<semaphore_mem>>) src(%dma_wait3A_96 : memref<10000x8xf32, #tpu.memory_space<hbm>>) dst(%arg27 : memref<2000x8xf32, #tpu.memory_space<vmem>>)
    "tpu.region"() ({
      %run_scoped3A = tpu.sem_alloc : memref<!tpu.dma_semaphore, #tpu.memory_space<semaphore_mem>>
      %dma_start3A_441 = arith.constant 0 : i32
      %dma_start3A_442 = tpu.memref_slice %arg20[%mul3A_2, %dma_start3A_441] : memref<160000x8xf32, #tpu.memory_space<vmem_shared>> -> memref<10000x8xf32, #tpu.memory_space<vmem_shared>>
      %dma_start3A_443 = arith.constant 0 : i32
      %dma_start3A_444 = arith.constant 0 : i32
      %dma_start3A_445 = tpu.memref_slice %dma_start3A_442[%dma_start3A_443, %dma_start3A_444] : memref<10000x8xf32, #tpu.memory_space<vmem_shared>> -> memref<10000x8xf32, #tpu.memory_space<vmem_shared>>
      tpu.enqueue_indirect_dma source(%arg27 : memref<2000x8xf32, #tpu.memory_space<vmem>>) target(%dma_start3A_445 : memref<10000x8xf32, #tpu.memory_space<vmem_shared>>) offsets(%arg25 : memref<2000xi32, #tpu.memory_space<vmem>>) semaphore(%run_scoped3A : memref<!tpu.dma_semaphore, #tpu.memory_space<semaphore_mem>>) {add = true}
      %dma_wait3A_446 = arith.constant 0 : i32
      %dma_wait3A_447 = tpu.memref_slice %arg20[%mul3A_2, %dma_wait3A_446] : memref<160000x8xf32, #tpu.memory_space<vmem_shared>> -> memref<10000x8xf32, #tpu.memory_space<vmem_shared>>
      %dma_wait3A_448 = arith.constant 0 : i32
      %dma_wait3A_449 = arith.constant 0 : i32
      %dma_wait3A_450 = tpu.memref_slice %dma_wait3A_447[%dma_wait3A_448, %dma_wait3A_449] : memref<10000x8xf32, #tpu.memory_space<vmem_shared>> -> memref<10000x8xf32, #tpu.memory_space<vmem_shared>>
      tpu.wait_indirect_dma semaphore(%run_scoped3A : memref<!tpu.dma_semaphore, #tpu.memory_space<semaphore_mem>>) src(%arg27 : memref<2000x8xf32, #tpu.memory_space<vmem>>) dst(%dma_wait3A_450 : memref<10000x8xf32, #tpu.memory_space<vmem_shared>>)
      tpu.yield
    }) : () -> ()
    "tpu.region"() ({
      %run_scoped3A = tpu.sem_alloc : memref<!tpu.dma_semaphore, #tpu.memory_space<semaphore_mem>>
      %dma_start3A_441 = arith.constant 10000 : i32
      %dma_start3A_442 = tpu.memref_slice %arg17[%dma_start3A_441, %mul3A_7] : memref<40000x256xf32, #tpu.memory_space<hbm>> -> memref<10000x8xf32, #tpu.memory_space<hbm>>
      %dma_start3A_443 = arith.constant 0 : i32
      %dma_start3A_444 = tpu.memref_slice %arg20[%mul3A_2, %dma_start3A_443] : memref<160000x8xf32, #tpu.memory_space<vmem_shared>> -> memref<10000x8xf32, #tpu.memory_space<vmem_shared>>
      tpu.enqueue_dma source(%dma_start3A_444 : memref<10000x8xf32, #tpu.memory_space<vmem_shared>>) target(%dma_start3A_442 : memref<10000x8xf32, #tpu.memory_space<hbm>>) target_semaphore(%run_scoped3A : memref<!tpu.dma_semaphore, #tpu.memory_space<semaphore_mem>>)
      %dma_wait3A_445 = arith.constant 10000 : i32
      %dma_wait3A_446 = tpu.memref_slice %arg17[%dma_wait3A_445, %mul3A_7] : memref<40000x256xf32, #tpu.memory_space<hbm>> -> memref<10000x8xf32, #tpu.memory_space<hbm>>
      %dma_wait3A_447 = arith.constant 0 : i32
      %dma_wait3A_448 = tpu.memref_slice %arg20[%mul3A_2, %dma_wait3A_447] : memref<160000x8xf32, #tpu.memory_space<vmem_shared>> -> memref<10000x8xf32, #tpu.memory_space<vmem_shared>>
      tpu.wait_dma2 semaphore(%run_scoped3A : memref<!tpu.dma_semaphore, #tpu.memory_space<semaphore_mem>>) src(%dma_wait3A_448 : memref<10000x8xf32, #tpu.memory_space<vmem_shared>>) dst(%dma_wait3A_446 : memref<10000x8xf32, #tpu.memory_space<hbm>>)
      tpu.yield
    }) : () -> ()
    %mul3A_97 = arith.constant 10000 : i32
    %mul3A_98 = arith.muli %add3A, %mul3A_97 : i32
    %add3A_99 = arith.constant 0 : i32
    %add3A_100 = arith.addi %add3A_99, %mul3A_98 : i32
    "tpu.region"() ({
      %run_scoped3A = tpu.sem_alloc : memref<!tpu.dma_semaphore, #tpu.memory_space<semaphore_mem>>
      %dma_start3A_441 = arith.constant 0 : i32
      %dma_start3A_442 = tpu.memref_slice %arg20[%mul3A_2, %dma_start3A_441] : memref<160000x8xf32, #tpu.memory_space<vmem_shared>> -> memref<10000x8xf32, #tpu.memory_space<vmem_shared>>
      tpu.enqueue_dma source(%arg15 : memref<10000x8xf32, #tpu.memory_space<hbm>>) target(%dma_start3A_442 : memref<10000x8xf32, #tpu.memory_space<vmem_shared>>) target_semaphore(%run_scoped3A : memref<!tpu.dma_semaphore, #tpu.memory_space<semaphore_mem>>)
      %dma_wait3A_443 = arith.constant 0 : i32
      %dma_wait3A_444 = tpu.memref_slice %arg20[%mul3A_2, %dma_wait3A_443] : memref<160000x8xf32, #tpu.memory_space<vmem_shared>> -> memref<10000x8xf32, #tpu.memory_space<vmem_shared>>
      tpu.wait_dma2 semaphore(%run_scoped3A : memref<!tpu.dma_semaphore, #tpu.memory_space<semaphore_mem>>) src(%arg15 : memref<10000x8xf32, #tpu.memory_space<hbm>>) dst(%dma_wait3A_444 : memref<10000x8xf32, #tpu.memory_space<vmem_shared>>)
      tpu.yield
    }) : () -> ()
    "tpu.region"() ({
      %run_scoped3A = tpu.sem_alloc : memref<!tpu.dma_semaphore, #tpu.memory_space<semaphore_mem>>
      %dma_start3A_441 = arith.constant 0 : i32
      %dma_start3A_442 = tpu.memref_slice %arg7[%dma_start3A_441] : memref<160000xi32, #tpu.memory_space<hbm>> -> memref<2000xi32, #tpu.memory_space<hbm>>
      %dma_start3A_443 = arith.constant 0 : i32
      %dma_start3A_444 = tpu.memref_slice %arg7[%dma_start3A_443] : memref<160000xi32, #tpu.memory_space<hbm>> -> memref<2000xi32, #tpu.memory_space<hbm>>
      tpu.enqueue_dma source(%dma_start3A_444 : memref<2000xi32, #tpu.memory_space<hbm>>) target(%arg22 : memref<2000xi32, #tpu.memory_space<vmem>>) target_semaphore(%run_scoped3A : memref<!tpu.dma_semaphore, #tpu.memory_space<semaphore_mem>>)
      %dma_wait3A_445 = arith.constant 0 : i32
      %dma_wait3A_446 = tpu.memref_slice %arg7[%dma_wait3A_445] : memref<160000xi32, #tpu.memory_space<hbm>> -> memref<2000xi32, #tpu.memory_space<hbm>>
      %dma_wait3A_447 = arith.constant 0 : i32
      %dma_wait3A_448 = tpu.memref_slice %arg7[%dma_wait3A_447] : memref<160000xi32, #tpu.memory_space<hbm>> -> memref<2000xi32, #tpu.memory_space<hbm>>
      tpu.wait_dma2 semaphore(%run_scoped3A : memref<!tpu.dma_semaphore, #tpu.memory_space<semaphore_mem>>) src(%dma_wait3A_448 : memref<2000xi32, #tpu.memory_space<hbm>>) dst(%arg22 : memref<2000xi32, #tpu.memory_space<vmem>>)
      tpu.yield
    }) : () -> ()
    %dma_start3A_101 = arith.constant 0 : i32
    %dma_start3A_102 = tpu.memref_slice %arg2[%add3A_100, %dma_start3A_101] : memref<640000x8xf32, #tpu.memory_space<hbm>> -> memref<10000x8xf32, #tpu.memory_space<hbm>>
    %dma_start3A_103 = arith.constant 0 : i32
    %dma_start3A_104 = arith.constant 0 : i32
    %dma_start3A_105 = tpu.memref_slice %dma_start3A_102[%dma_start3A_103, %dma_start3A_104] : memref<10000x8xf32, #tpu.memory_space<hbm>> -> memref<10000x8xf32, #tpu.memory_space<hbm>>
    tpu.enqueue_indirect_dma source(%dma_start3A_105 : memref<10000x8xf32, #tpu.memory_space<hbm>>) target(%arg26 : memref<2000x8xf32, #tpu.memory_space<vmem>>) offsets(%arg22 : memref<2000xi32, #tpu.memory_space<vmem>>) semaphore(%arg29 : memref<!tpu.dma_semaphore, #tpu.memory_space<semaphore_mem>>)
    %scan3A_106 = arith.constant 0 : i32
    %scan3A_107 = arith.constant 0 : i32
    %scan3A_108 = arith.constant 39 : i32
    %scan3A_109 = arith.addi %scan3A_107, %scan3A_108 : i32
    %scan3A_110 = arith.constant 1 : i32
    scf.for %scan3A_441 = %scan3A_107 to %scan3A_109 step %scan3A_110  : i32 {
      %mul3A_442 = arith.constant 2 : i32
      %mul3A_443 = arith.muli %mul3A_442, %scan3A_441 : i32
      %add3A_444 = arith.constant 1 : i32
      %add3A_445 = arith.addi %mul3A_443, %add3A_444 : i32
      %mul3A_446 = arith.constant 2000 : i32
      %mul3A_447 = arith.muli %add3A_445, %mul3A_446 : i32
      "tpu.region"() ({
        %run_scoped3A = tpu.sem_alloc : memref<!tpu.dma_semaphore, #tpu.memory_space<semaphore_mem>>
        %dma_start3A_496 = tpu.memref_slice %arg7[%mul3A_447] : memref<160000xi32, #tpu.memory_space<hbm>> -> memref<2000xi32, #tpu.memory_space<hbm>>
        %dma_start3A_497 = tpu.memref_slice %arg7[%mul3A_447] : memref<160000xi32, #tpu.memory_space<hbm>> -> memref<2000xi32, #tpu.memory_space<hbm>>
        tpu.enqueue_dma source(%dma_start3A_497 : memref<2000xi32, #tpu.memory_space<hbm>>) target(%arg23 : memref<2000xi32, #tpu.memory_space<vmem>>) target_semaphore(%run_scoped3A : memref<!tpu.dma_semaphore, #tpu.memory_space<semaphore_mem>>)
        %dma_wait3A_498 = tpu.memref_slice %arg7[%mul3A_447] : memref<160000xi32, #tpu.memory_space<hbm>> -> memref<2000xi32, #tpu.memory_space<hbm>>
        %dma_wait3A_499 = tpu.memref_slice %arg7[%mul3A_447] : memref<160000xi32, #tpu.memory_space<hbm>> -> memref<2000xi32, #tpu.memory_space<hbm>>
        tpu.wait_dma2 semaphore(%run_scoped3A : memref<!tpu.dma_semaphore, #tpu.memory_space<semaphore_mem>>) src(%dma_wait3A_499 : memref<2000xi32, #tpu.memory_space<hbm>>) dst(%arg23 : memref<2000xi32, #tpu.memory_space<vmem>>)
        tpu.yield
      }) : () -> ()
      %dma_start3A_448 = arith.constant 0 : i32
      %dma_start3A_449 = tpu.memref_slice %arg2[%add3A_100, %dma_start3A_448] : memref<640000x8xf32, #tpu.memory_space<hbm>> -> memref<10000x8xf32, #tpu.memory_space<hbm>>
      %dma_start3A_450 = arith.constant 0 : i32
      %dma_start3A_451 = arith.constant 0 : i32
      %dma_start3A_452 = tpu.memref_slice %dma_start3A_449[%dma_start3A_450, %dma_start3A_451] : memref<10000x8xf32, #tpu.memory_space<hbm>> -> memref<10000x8xf32, #tpu.memory_space<hbm>>
      tpu.enqueue_indirect_dma source(%dma_start3A_452 : memref<10000x8xf32, #tpu.memory_space<hbm>>) target(%arg27 : memref<2000x8xf32, #tpu.memory_space<vmem>>) offsets(%arg23 : memref<2000xi32, #tpu.memory_space<vmem>>) semaphore(%arg30 : memref<!tpu.dma_semaphore, #tpu.memory_space<semaphore_mem>>)
      %mul3A_453 = arith.constant 2 : i32
      %mul3A_454 = arith.muli %mul3A_453, %scan3A_441 : i32
      %mul3A_455 = arith.constant 2000 : i32
      %mul3A_456 = arith.muli %mul3A_454, %mul3A_455 : i32
      %dma_start3A_457 = tpu.memref_slice %arg8[%mul3A_456] : memref<160000xi32, #tpu.memory_space<hbm>> -> memref<2000xi32, #tpu.memory_space<hbm>>
      %dma_start3A_458 = tpu.memref_slice %arg8[%mul3A_456] : memref<160000xi32, #tpu.memory_space<hbm>> -> memref<2000xi32, #tpu.memory_space<hbm>>
      tpu.enqueue_dma source(%dma_start3A_458 : memref<2000xi32, #tpu.memory_space<hbm>>) target(%arg24 : memref<2000xi32, #tpu.memory_space<vmem>>) target_semaphore(%arg31 : memref<!tpu.dma_semaphore, #tpu.memory_space<semaphore_mem>>)
      %dma_wait3A_459 = arith.constant 0 : i32
      %dma_wait3A_460 = tpu.memref_slice %arg8[%dma_wait3A_459] : memref<160000xi32, #tpu.memory_space<hbm>> -> memref<2000xi32, #tpu.memory_space<hbm>>
      %dma_wait3A_461 = arith.constant 0 : i32
      %dma_wait3A_462 = tpu.memref_slice %arg8[%dma_wait3A_461] : memref<160000xi32, #tpu.memory_space<hbm>> -> memref<2000xi32, #tpu.memory_space<hbm>>
      tpu.wait_dma2 semaphore(%arg31 : memref<!tpu.dma_semaphore, #tpu.memory_space<semaphore_mem>>) src(%dma_wait3A_462 : memref<2000xi32, #tpu.memory_space<hbm>>) dst(%arg24 : memref<2000xi32, #tpu.memory_space<vmem>>)
      %dma_wait3A_463 = arith.constant 0 : i32
      %dma_wait3A_464 = tpu.memref_slice %arg2[%add3A_100, %dma_wait3A_463] : memref<640000x8xf32, #tpu.memory_space<hbm>> -> memref<10000x8xf32, #tpu.memory_space<hbm>>
      %dma_wait3A_465 = arith.constant 0 : i32
      %dma_wait3A_466 = arith.constant 0 : i32
      %dma_wait3A_467 = tpu.memref_slice %dma_wait3A_464[%dma_wait3A_465, %dma_wait3A_466] : memref<10000x8xf32, #tpu.memory_space<hbm>> -> memref<10000x8xf32, #tpu.memory_space<hbm>>
      tpu.wait_indirect_dma semaphore(%arg29 : memref<!tpu.dma_semaphore, #tpu.memory_space<semaphore_mem>>) src(%dma_wait3A_467 : memref<10000x8xf32, #tpu.memory_space<hbm>>) dst(%arg26 : memref<2000x8xf32, #tpu.memory_space<vmem>>)
      "tpu.region"() ({
        %run_scoped3A = tpu.sem_alloc : memref<!tpu.dma_semaphore, #tpu.memory_space<semaphore_mem>>
        %dma_start3A_496 = arith.constant 0 : i32
        %dma_start3A_497 = tpu.memref_slice %arg20[%mul3A_2, %dma_start3A_496] : memref<160000x8xf32, #tpu.memory_space<vmem_shared>> -> memref<10000x8xf32, #tpu.memory_space<vmem_shared>>
        %dma_start3A_498 = arith.constant 0 : i32
        %dma_start3A_499 = arith.constant 0 : i32
        %dma_start3A_500 = tpu.memref_slice %dma_start3A_497[%dma_start3A_498, %dma_start3A_499] : memref<10000x8xf32, #tpu.memory_space<vmem_shared>> -> memref<10000x8xf32, #tpu.memory_space<vmem_shared>>
        tpu.enqueue_indirect_dma source(%arg26 : memref<2000x8xf32, #tpu.memory_space<vmem>>) target(%dma_start3A_500 : memref<10000x8xf32, #tpu.memory_space<vmem_shared>>) offsets(%arg24 : memref<2000xi32, #tpu.memory_space<vmem>>) semaphore(%run_scoped3A : memref<!tpu.dma_semaphore, #tpu.memory_space<semaphore_mem>>) {add = true}
        %dma_wait3A_501 = arith.constant 0 : i32
        %dma_wait3A_502 = tpu.memref_slice %arg20[%mul3A_2, %dma_wait3A_501] : memref<160000x8xf32, #tpu.memory_space<vmem_shared>> -> memref<10000x8xf32, #tpu.memory_space<vmem_shared>>
        %dma_wait3A_503 = arith.constant 0 : i32
        %dma_wait3A_504 = arith.constant 0 : i32
        %dma_wait3A_505 = tpu.memref_slice %dma_wait3A_502[%dma_wait3A_503, %dma_wait3A_504] : memref<10000x8xf32, #tpu.memory_space<vmem_shared>> -> memref<10000x8xf32, #tpu.memory_space<vmem_shared>>
        tpu.wait_indirect_dma semaphore(%run_scoped3A : memref<!tpu.dma_semaphore, #tpu.memory_space<semaphore_mem>>) src(%arg26 : memref<2000x8xf32, #tpu.memory_space<vmem>>) dst(%dma_wait3A_505 : memref<10000x8xf32, #tpu.memory_space<vmem_shared>>)
        tpu.yield
      }) : () -> ()
      %mul3A_468 = arith.constant 2 : i32
      %mul3A_469 = arith.muli %mul3A_468, %scan3A_441 : i32
      %add3A_470 = arith.constant 2 : i32
      %add3A_471 = arith.addi %mul3A_469, %add3A_470 : i32
      %mul3A_472 = arith.constant 2000 : i32
      %mul3A_473 = arith.muli %add3A_471, %mul3A_472 : i32
      "tpu.region"() ({
        %run_scoped3A = tpu.sem_alloc : memref<!tpu.dma_semaphore, #tpu.memory_space<semaphore_mem>>
        %dma_start3A_496 = tpu.memref_slice %arg7[%mul3A_473] : memref<160000xi32, #tpu.memory_space<hbm>> -> memref<2000xi32, #tpu.memory_space<hbm>>
        %dma_start3A_497 = tpu.memref_slice %arg7[%mul3A_473] : memref<160000xi32, #tpu.memory_space<hbm>> -> memref<2000xi32, #tpu.memory_space<hbm>>
        tpu.enqueue_dma source(%dma_start3A_497 : memref<2000xi32, #tpu.memory_space<hbm>>) target(%arg22 : memref<2000xi32, #tpu.memory_space<vmem>>) target_semaphore(%run_scoped3A : memref<!tpu.dma_semaphore, #tpu.memory_space<semaphore_mem>>)
        %dma_wait3A_498 = tpu.memref_slice %arg7[%mul3A_473] : memref<160000xi32, #tpu.memory_space<hbm>> -> memref<2000xi32, #tpu.memory_space<hbm>>
        %dma_wait3A_499 = tpu.memref_slice %arg7[%mul3A_473] : memref<160000xi32, #tpu.memory_space<hbm>> -> memref<2000xi32, #tpu.memory_space<hbm>>
        tpu.wait_dma2 semaphore(%run_scoped3A : memref<!tpu.dma_semaphore, #tpu.memory_space<semaphore_mem>>) src(%dma_wait3A_499 : memref<2000xi32, #tpu.memory_space<hbm>>) dst(%arg22 : memref<2000xi32, #tpu.memory_space<vmem>>)
        tpu.yield
      }) : () -> ()
      %dma_start3A_474 = arith.constant 0 : i32
      %dma_start3A_475 = tpu.memref_slice %arg2[%add3A_100, %dma_start3A_474] : memref<640000x8xf32, #tpu.memory_space<hbm>> -> memref<10000x8xf32, #tpu.memory_space<hbm>>
      %dma_start3A_476 = arith.constant 0 : i32
      %dma_start3A_477 = arith.constant 0 : i32
      %dma_start3A_478 = tpu.memref_slice %dma_start3A_475[%dma_start3A_476, %dma_start3A_477] : memref<10000x8xf32, #tpu.memory_space<hbm>> -> memref<10000x8xf32, #tpu.memory_space<hbm>>
      tpu.enqueue_indirect_dma source(%dma_start3A_478 : memref<10000x8xf32, #tpu.memory_space<hbm>>) target(%arg26 : memref<2000x8xf32, #tpu.memory_space<vmem>>) offsets(%arg22 : memref<2000xi32, #tpu.memory_space<vmem>>) semaphore(%arg29 : memref<!tpu.dma_semaphore, #tpu.memory_space<semaphore_mem>>)
      %mul3A_479 = arith.constant 2 : i32
      %mul3A_480 = arith.muli %mul3A_479, %scan3A_441 : i32
      %add3A_481 = arith.constant 1 : i32
      %add3A_482 = arith.addi %mul3A_480, %add3A_481 : i32
      %mul3A_483 = arith.constant 2000 : i32
      %mul3A_484 = arith.muli %add3A_482, %mul3A_483 : i32
      %dma_start3A_485 = tpu.memref_slice %arg8[%mul3A_484] : memref<160000xi32, #tpu.memory_space<hbm>> -> memref<2000xi32, #tpu.memory_space<hbm>>
      %dma_start3A_486 = tpu.memref_slice %arg8[%mul3A_484] : memref<160000xi32, #tpu.memory_space<hbm>> -> memref<2000xi32, #tpu.memory_space<hbm>>
      tpu.enqueue_dma source(%dma_start3A_486 : memref<2000xi32, #tpu.memory_space<hbm>>) target(%arg25 : memref<2000xi32, #tpu.memory_space<vmem>>) target_semaphore(%arg32 : memref<!tpu.dma_semaphore, #tpu.memory_space<semaphore_mem>>)
      %dma_wait3A_487 = arith.constant 0 : i32
      %dma_wait3A_488 = tpu.memref_slice %arg8[%dma_wait3A_487] : memref<160000xi32, #tpu.memory_space<hbm>> -> memref<2000xi32, #tpu.memory_space<hbm>>
      %dma_wait3A_489 = arith.constant 0 : i32
      %dma_wait3A_490 = tpu.memref_slice %arg8[%dma_wait3A_489] : memref<160000xi32, #tpu.memory_space<hbm>> -> memref<2000xi32, #tpu.memory_space<hbm>>
      tpu.wait_dma2 semaphore(%arg32 : memref<!tpu.dma_semaphore, #tpu.memory_space<semaphore_mem>>) src(%dma_wait3A_490 : memref<2000xi32, #tpu.memory_space<hbm>>) dst(%arg25 : memref<2000xi32, #tpu.memory_space<vmem>>)
      %dma_wait3A_491 = arith.constant 0 : i32
      %dma_wait3A_492 = tpu.memref_slice %arg2[%add3A_100, %dma_wait3A_491] : memref<640000x8xf32, #tpu.memory_space<hbm>> -> memref<10000x8xf32, #tpu.memory_space<hbm>>
      %dma_wait3A_493 = arith.constant 0 : i32
      %dma_wait3A_494 = arith.constant 0 : i32
      %dma_wait3A_495 = tpu.memref_slice %dma_wait3A_492[%dma_wait3A_493, %dma_wait3A_494] : memref<10000x8xf32, #tpu.memory_space<hbm>> -> memref<10000x8xf32, #tpu.memory_space<hbm>>
      tpu.wait_indirect_dma semaphore(%arg30 : memref<!tpu.dma_semaphore, #tpu.memory_space<semaphore_mem>>) src(%dma_wait3A_495 : memref<10000x8xf32, #tpu.memory_space<hbm>>) dst(%arg27 : memref<2000x8xf32, #tpu.memory_space<vmem>>)
      "tpu.region"() ({
        %run_scoped3A = tpu.sem_alloc : memref<!tpu.dma_semaphore, #tpu.memory_space<semaphore_mem>>
        %dma_start3A_496 = arith.constant 0 : i32
        %dma_start3A_497 = tpu.memref_slice %arg20[%mul3A_2, %dma_start3A_496] : memref<160000x8xf32, #tpu.memory_space<vmem_shared>> -> memref<10000x8xf32, #tpu.memory_space<vmem_shared>>
        %dma_start3A_498 = arith.constant 0 : i32
        %dma_start3A_499 = arith.constant 0 : i32
        %dma_start3A_500 = tpu.memref_slice %dma_start3A_497[%dma_start3A_498, %dma_start3A_499] : memref<10000x8xf32, #tpu.memory_space<vmem_shared>> -> memref<10000x8xf32, #tpu.memory_space<vmem_shared>>
        tpu.enqueue_indirect_dma source(%arg27 : memref<2000x8xf32, #tpu.memory_space<vmem>>) target(%dma_start3A_500 : memref<10000x8xf32, #tpu.memory_space<vmem_shared>>) offsets(%arg25 : memref<2000xi32, #tpu.memory_space<vmem>>) semaphore(%run_scoped3A : memref<!tpu.dma_semaphore, #tpu.memory_space<semaphore_mem>>) {add = true}
        %dma_wait3A_501 = arith.constant 0 : i32
        %dma_wait3A_502 = tpu.memref_slice %arg20[%mul3A_2, %dma_wait3A_501] : memref<160000x8xf32, #tpu.memory_space<vmem_shared>> -> memref<10000x8xf32, #tpu.memory_space<vmem_shared>>
        %dma_wait3A_503 = arith.constant 0 : i32
        %dma_wait3A_504 = arith.constant 0 : i32
        %dma_wait3A_505 = tpu.memref_slice %dma_wait3A_502[%dma_wait3A_503, %dma_wait3A_504] : memref<10000x8xf32, #tpu.memory_space<vmem_shared>> -> memref<10000x8xf32, #tpu.memory_space<vmem_shared>>
        tpu.wait_indirect_dma semaphore(%run_scoped3A : memref<!tpu.dma_semaphore, #tpu.memory_space<semaphore_mem>>) src(%arg27 : memref<2000x8xf32, #tpu.memory_space<vmem>>) dst(%dma_wait3A_505 : memref<10000x8xf32, #tpu.memory_space<vmem_shared>>)
        tpu.yield
      }) : () -> ()
    }
    %scan3A_111 = arith.constant 39 : i32
    "tpu.region"() ({
      %run_scoped3A = tpu.sem_alloc : memref<!tpu.dma_semaphore, #tpu.memory_space<semaphore_mem>>
      %dma_start3A_441 = arith.constant 158000 : i32
      %dma_start3A_442 = tpu.memref_slice %arg7[%dma_start3A_441] : memref<160000xi32, #tpu.memory_space<hbm>> -> memref<2000xi32, #tpu.memory_space<hbm>>
      %dma_start3A_443 = arith.constant 158000 : i32
      %dma_start3A_444 = tpu.memref_slice %arg7[%dma_start3A_443] : memref<160000xi32, #tpu.memory_space<hbm>> -> memref<2000xi32, #tpu.memory_space<hbm>>
      tpu.enqueue_dma source(%dma_start3A_444 : memref<2000xi32, #tpu.memory_space<hbm>>) target(%arg23 : memref<2000xi32, #tpu.memory_space<vmem>>) target_semaphore(%run_scoped3A : memref<!tpu.dma_semaphore, #tpu.memory_space<semaphore_mem>>)
      %dma_wait3A_445 = arith.constant 158000 : i32
      %dma_wait3A_446 = tpu.memref_slice %arg7[%dma_wait3A_445] : memref<160000xi32, #tpu.memory_space<hbm>> -> memref<2000xi32, #tpu.memory_space<hbm>>
      %dma_wait3A_447 = arith.constant 158000 : i32
      %dma_wait3A_448 = tpu.memref_slice %arg7[%dma_wait3A_447] : memref<160000xi32, #tpu.memory_space<hbm>> -> memref<2000xi32, #tpu.memory_space<hbm>>
      tpu.wait_dma2 semaphore(%run_scoped3A : memref<!tpu.dma_semaphore, #tpu.memory_space<semaphore_mem>>) src(%dma_wait3A_448 : memref<2000xi32, #tpu.memory_space<hbm>>) dst(%arg23 : memref<2000xi32, #tpu.memory_space<vmem>>)
      tpu.yield
    }) : () -> ()
    %dma_start3A_112 = arith.constant 0 : i32
    %dma_start3A_113 = tpu.memref_slice %arg2[%add3A_100, %dma_start3A_112] : memref<640000x8xf32, #tpu.memory_space<hbm>> -> memref<10000x8xf32, #tpu.memory_space<hbm>>
    %dma_start3A_114 = arith.constant 0 : i32
    %dma_start3A_115 = arith.constant 0 : i32
    %dma_start3A_116 = tpu.memref_slice %dma_start3A_113[%dma_start3A_114, %dma_start3A_115] : memref<10000x8xf32, #tpu.memory_space<hbm>> -> memref<10000x8xf32, #tpu.memory_space<hbm>>
    tpu.enqueue_indirect_dma source(%dma_start3A_116 : memref<10000x8xf32, #tpu.memory_space<hbm>>) target(%arg27 : memref<2000x8xf32, #tpu.memory_space<vmem>>) offsets(%arg23 : memref<2000xi32, #tpu.memory_space<vmem>>) semaphore(%arg30 : memref<!tpu.dma_semaphore, #tpu.memory_space<semaphore_mem>>)
    %dma_start3A_117 = arith.constant 156000 : i32
    %dma_start3A_118 = tpu.memref_slice %arg8[%dma_start3A_117] : memref<160000xi32, #tpu.memory_space<hbm>> -> memref<2000xi32, #tpu.memory_space<hbm>>
    %dma_start3A_119 = arith.constant 156000 : i32
    %dma_start3A_120 = tpu.memref_slice %arg8[%dma_start3A_119] : memref<160000xi32, #tpu.memory_space<hbm>> -> memref<2000xi32, #tpu.memory_space<hbm>>
    tpu.enqueue_dma source(%dma_start3A_120 : memref<2000xi32, #tpu.memory_space<hbm>>) target(%arg24 : memref<2000xi32, #tpu.memory_space<vmem>>) target_semaphore(%arg31 : memref<!tpu.dma_semaphore, #tpu.memory_space<semaphore_mem>>)
    %dma_wait3A_121 = arith.constant 0 : i32
    %dma_wait3A_122 = tpu.memref_slice %arg8[%dma_wait3A_121] : memref<160000xi32, #tpu.memory_space<hbm>> -> memref<2000xi32, #tpu.memory_space<hbm>>
    %dma_wait3A_123 = arith.constant 0 : i32
    %dma_wait3A_124 = tpu.memref_slice %arg8[%dma_wait3A_123] : memref<160000xi32, #tpu.memory_space<hbm>> -> memref<2000xi32, #tpu.memory_space<hbm>>
    tpu.wait_dma2 semaphore(%arg31 : memref<!tpu.dma_semaphore, #tpu.memory_space<semaphore_mem>>) src(%dma_wait3A_124 : memref<2000xi32, #tpu.memory_space<hbm>>) dst(%arg24 : memref<2000xi32, #tpu.memory_space<vmem>>)
    %dma_wait3A_125 = arith.constant 0 : i32
    %dma_wait3A_126 = tpu.memref_slice %arg2[%add3A_100, %dma_wait3A_125] : memref<640000x8xf32, #tpu.memory_space<hbm>> -> memref<10000x8xf32, #tpu.memory_space<hbm>>
    %dma_wait3A_127 = arith.constant 0 : i32
    %dma_wait3A_128 = arith.constant 0 : i32
    %dma_wait3A_129 = tpu.memref_slice %dma_wait3A_126[%dma_wait3A_127, %dma_wait3A_128] : memref<10000x8xf32, #tpu.memory_space<hbm>> -> memref<10000x8xf32, #tpu.memory_space<hbm>>
    tpu.wait_indirect_dma semaphore(%arg29 : memref<!tpu.dma_semaphore, #tpu.memory_space<semaphore_mem>>) src(%dma_wait3A_129 : memref<10000x8xf32, #tpu.memory_space<hbm>>) dst(%arg26 : memref<2000x8xf32, #tpu.memory_space<vmem>>)
    "tpu.region"() ({
      %run_scoped3A = tpu.sem_alloc : memref<!tpu.dma_semaphore, #tpu.memory_space<semaphore_mem>>
      %dma_start3A_441 = arith.constant 0 : i32
      %dma_start3A_442 = tpu.memref_slice %arg20[%mul3A_2, %dma_start3A_441] : memref<160000x8xf32, #tpu.memory_space<vmem_shared>> -> memref<10000x8xf32, #tpu.memory_space<vmem_shared>>
      %dma_start3A_443 = arith.constant 0 : i32
      %dma_start3A_444 = arith.constant 0 : i32
      %dma_start3A_445 = tpu.memref_slice %dma_start3A_442[%dma_start3A_443, %dma_start3A_444] : memref<10000x8xf32, #tpu.memory_space<vmem_shared>> -> memref<10000x8xf32, #tpu.memory_space<vmem_shared>>
      tpu.enqueue_indirect_dma source(%arg26 : memref<2000x8xf32, #tpu.memory_space<vmem>>) target(%dma_start3A_445 : memref<10000x8xf32, #tpu.memory_space<vmem_shared>>) offsets(%arg24 : memref<2000xi32, #tpu.memory_space<vmem>>) semaphore(%run_scoped3A : memref<!tpu.dma_semaphore, #tpu.memory_space<semaphore_mem>>) {add = true}
      %dma_wait3A_446 = arith.constant 0 : i32
      %dma_wait3A_447 = tpu.memref_slice %arg20[%mul3A_2, %dma_wait3A_446] : memref<160000x8xf32, #tpu.memory_space<vmem_shared>> -> memref<10000x8xf32, #tpu.memory_space<vmem_shared>>
      %dma_wait3A_448 = arith.constant 0 : i32
      %dma_wait3A_449 = arith.constant 0 : i32
      %dma_wait3A_450 = tpu.memref_slice %dma_wait3A_447[%dma_wait3A_448, %dma_wait3A_449] : memref<10000x8xf32, #tpu.memory_space<vmem_shared>> -> memref<10000x8xf32, #tpu.memory_space<vmem_shared>>
      tpu.wait_indirect_dma semaphore(%run_scoped3A : memref<!tpu.dma_semaphore, #tpu.memory_space<semaphore_mem>>) src(%arg26 : memref<2000x8xf32, #tpu.memory_space<vmem>>) dst(%dma_wait3A_450 : memref<10000x8xf32, #tpu.memory_space<vmem_shared>>)
      tpu.yield
    }) : () -> ()
    %dma_start3A_130 = arith.constant 158000 : i32
    %dma_start3A_131 = tpu.memref_slice %arg8[%dma_start3A_130] : memref<160000xi32, #tpu.memory_space<hbm>> -> memref<2000xi32, #tpu.memory_space<hbm>>
    %dma_start3A_132 = arith.constant 158000 : i32
    %dma_start3A_133 = tpu.memref_slice %arg8[%dma_start3A_132] : memref<160000xi32, #tpu.memory_space<hbm>> -> memref<2000xi32, #tpu.memory_space<hbm>>
    tpu.enqueue_dma source(%dma_start3A_133 : memref<2000xi32, #tpu.memory_space<hbm>>) target(%arg25 : memref<2000xi32, #tpu.memory_space<vmem>>) target_semaphore(%arg32 : memref<!tpu.dma_semaphore, #tpu.memory_space<semaphore_mem>>)
    %dma_wait3A_134 = arith.constant 0 : i32
    %dma_wait3A_135 = tpu.memref_slice %arg8[%dma_wait3A_134] : memref<160000xi32, #tpu.memory_space<hbm>> -> memref<2000xi32, #tpu.memory_space<hbm>>
    %dma_wait3A_136 = arith.constant 0 : i32
    %dma_wait3A_137 = tpu.memref_slice %arg8[%dma_wait3A_136] : memref<160000xi32, #tpu.memory_space<hbm>> -> memref<2000xi32, #tpu.memory_space<hbm>>
    tpu.wait_dma2 semaphore(%arg32 : memref<!tpu.dma_semaphore, #tpu.memory_space<semaphore_mem>>) src(%dma_wait3A_137 : memref<2000xi32, #tpu.memory_space<hbm>>) dst(%arg25 : memref<2000xi32, #tpu.memory_space<vmem>>)
    %dma_wait3A_138 = arith.constant 0 : i32
    %dma_wait3A_139 = tpu.memref_slice %arg2[%add3A_100, %dma_wait3A_138] : memref<640000x8xf32, #tpu.memory_space<hbm>> -> memref<10000x8xf32, #tpu.memory_space<hbm>>
    %dma_wait3A_140 = arith.constant 0 : i32
    %dma_wait3A_141 = arith.constant 0 : i32
    %dma_wait3A_142 = tpu.memref_slice %dma_wait3A_139[%dma_wait3A_140, %dma_wait3A_141] : memref<10000x8xf32, #tpu.memory_space<hbm>> -> memref<10000x8xf32, #tpu.memory_space<hbm>>
    tpu.wait_indirect_dma semaphore(%arg30 : memref<!tpu.dma_semaphore, #tpu.memory_space<semaphore_mem>>) src(%dma_wait3A_142 : memref<10000x8xf32, #tpu.memory_space<hbm>>) dst(%arg27 : memref<2000x8xf32, #tpu.memory_space<vmem>>)
    "tpu.region"() ({
      %run_scoped3A = tpu.sem_alloc : memref<!tpu.dma_semaphore, #tpu.memory_space<semaphore_mem>>
      %dma_start3A_441 = arith.constant 0 : i32
      %dma_start3A_442 = tpu.memref_slice %arg20[%mul3A_2, %dma_start3A_441] : memref<160000x8xf32, #tpu.memory_space<vmem_shared>> -> memref<10000x8xf32, #tpu.memory_space<vmem_shared>>
      %dma_start3A_443 = arith.constant 0 : i32
      %dma_start3A_444 = arith.constant 0 : i32
      %dma_start3A_445 = tpu.memref_slice %dma_start3A_442[%dma_start3A_443, %dma_start3A_444] : memref<10000x8xf32, #tpu.memory_space<vmem_shared>> -> memref<10000x8xf32, #tpu.memory_space<vmem_shared>>
      tpu.enqueue_indirect_dma source(%arg27 : memref<2000x8xf32, #tpu.memory_space<vmem>>) target(%dma_start3A_445 : memref<10000x8xf32, #tpu.memory_space<vmem_shared>>) offsets(%arg25 : memref<2000xi32, #tpu.memory_space<vmem>>) semaphore(%run_scoped3A : memref<!tpu.dma_semaphore, #tpu.memory_space<semaphore_mem>>) {add = true}
      %dma_wait3A_446 = arith.constant 0 : i32
      %dma_wait3A_447 = tpu.memref_slice %arg20[%mul3A_2, %dma_wait3A_446] : memref<160000x8xf32, #tpu.memory_space<vmem_shared>> -> memref<10000x8xf32, #tpu.memory_space<vmem_shared>>
      %dma_wait3A_448 = arith.constant 0 : i32
      %dma_wait3A_449 = arith.constant 0 : i32
      %dma_wait3A_450 = tpu.memref_slice %dma_wait3A_447[%dma_wait3A_448, %dma_wait3A_449] : memref<10000x8xf32, #tpu.memory_space<vmem_shared>> -> memref<10000x8xf32, #tpu.memory_space<vmem_shared>>
      tpu.wait_indirect_dma semaphore(%run_scoped3A : memref<!tpu.dma_semaphore, #tpu.memory_space<semaphore_mem>>) src(%arg27 : memref<2000x8xf32, #tpu.memory_space<vmem>>) dst(%dma_wait3A_450 : memref<10000x8xf32, #tpu.memory_space<vmem_shared>>)
      tpu.yield
    }) : () -> ()
    "tpu.region"() ({
      %run_scoped3A = tpu.sem_alloc : memref<!tpu.dma_semaphore, #tpu.memory_space<semaphore_mem>>
      %dma_start3A_441 = arith.constant 20000 : i32
      %dma_start3A_442 = tpu.memref_slice %arg17[%dma_start3A_441, %mul3A_7] : memref<40000x256xf32, #tpu.memory_space<hbm>> -> memref<10000x8xf32, #tpu.memory_space<hbm>>
      %dma_start3A_443 = arith.constant 0 : i32
      %dma_start3A_444 = tpu.memref_slice %arg20[%mul3A_2, %dma_start3A_443] : memref<160000x8xf32, #tpu.memory_space<vmem_shared>> -> memref<10000x8xf32, #tpu.memory_space<vmem_shared>>
      tpu.enqueue_dma source(%dma_start3A_444 : memref<10000x8xf32, #tpu.memory_space<vmem_shared>>) target(%dma_start3A_442 : memref<10000x8xf32, #tpu.memory_space<hbm>>) target_semaphore(%run_scoped3A : memref<!tpu.dma_semaphore, #tpu.memory_space<semaphore_mem>>)
      %dma_wait3A_445 = arith.constant 20000 : i32
      %dma_wait3A_446 = tpu.memref_slice %arg17[%dma_wait3A_445, %mul3A_7] : memref<40000x256xf32, #tpu.memory_space<hbm>> -> memref<10000x8xf32, #tpu.memory_space<hbm>>
      %dma_wait3A_447 = arith.constant 0 : i32
      %dma_wait3A_448 = tpu.memref_slice %arg20[%mul3A_2, %dma_wait3A_447] : memref<160000x8xf32, #tpu.memory_space<vmem_shared>> -> memref<10000x8xf32, #tpu.memory_space<vmem_shared>>
      tpu.wait_dma2 semaphore(%run_scoped3A : memref<!tpu.dma_semaphore, #tpu.memory_space<semaphore_mem>>) src(%dma_wait3A_448 : memref<10000x8xf32, #tpu.memory_space<vmem_shared>>) dst(%dma_wait3A_446 : memref<10000x8xf32, #tpu.memory_space<hbm>>)
      tpu.yield
    }) : () -> ()
    %mul3A_143 = arith.constant 10000 : i32
    %mul3A_144 = arith.muli %add3A, %mul3A_143 : i32
    %add3A_145 = arith.constant 320000 : i32
    %add3A_146 = arith.addi %add3A_145, %mul3A_144 : i32
    "tpu.region"() ({
      %run_scoped3A = tpu.sem_alloc : memref<!tpu.dma_semaphore, #tpu.memory_space<semaphore_mem>>
      %dma_start3A_441 = arith.constant 0 : i32
      %dma_start3A_442 = tpu.memref_slice %arg20[%mul3A_2, %dma_start3A_441] : memref<160000x8xf32, #tpu.memory_space<vmem_shared>> -> memref<10000x8xf32, #tpu.memory_space<vmem_shared>>
      tpu.enqueue_dma source(%arg15 : memref<10000x8xf32, #tpu.memory_space<hbm>>) target(%dma_start3A_442 : memref<10000x8xf32, #tpu.memory_space<vmem_shared>>) target_semaphore(%run_scoped3A : memref<!tpu.dma_semaphore, #tpu.memory_space<semaphore_mem>>)
      %dma_wait3A_443 = arith.constant 0 : i32
      %dma_wait3A_444 = tpu.memref_slice %arg20[%mul3A_2, %dma_wait3A_443] : memref<160000x8xf32, #tpu.memory_space<vmem_shared>> -> memref<10000x8xf32, #tpu.memory_space<vmem_shared>>
      tpu.wait_dma2 semaphore(%run_scoped3A : memref<!tpu.dma_semaphore, #tpu.memory_space<semaphore_mem>>) src(%arg15 : memref<10000x8xf32, #tpu.memory_space<hbm>>) dst(%dma_wait3A_444 : memref<10000x8xf32, #tpu.memory_space<vmem_shared>>)
      tpu.yield
    }) : () -> ()
    "tpu.region"() ({
      %run_scoped3A = tpu.sem_alloc : memref<!tpu.dma_semaphore, #tpu.memory_space<semaphore_mem>>
      %dma_start3A_441 = arith.constant 0 : i32
      %dma_start3A_442 = tpu.memref_slice %arg9[%dma_start3A_441] : memref<160000xi32, #tpu.memory_space<hbm>> -> memref<2000xi32, #tpu.memory_space<hbm>>
      %dma_start3A_443 = arith.constant 0 : i32
      %dma_start3A_444 = tpu.memref_slice %arg9[%dma_start3A_443] : memref<160000xi32, #tpu.memory_space<hbm>> -> memref<2000xi32, #tpu.memory_space<hbm>>
      tpu.enqueue_dma source(%dma_start3A_444 : memref<2000xi32, #tpu.memory_space<hbm>>) target(%arg22 : memref<2000xi32, #tpu.memory_space<vmem>>) target_semaphore(%run_scoped3A : memref<!tpu.dma_semaphore, #tpu.memory_space<semaphore_mem>>)
      %dma_wait3A_445 = arith.constant 0 : i32
      %dma_wait3A_446 = tpu.memref_slice %arg9[%dma_wait3A_445] : memref<160000xi32, #tpu.memory_space<hbm>> -> memref<2000xi32, #tpu.memory_space<hbm>>
      %dma_wait3A_447 = arith.constant 0 : i32
      %dma_wait3A_448 = tpu.memref_slice %arg9[%dma_wait3A_447] : memref<160000xi32, #tpu.memory_space<hbm>> -> memref<2000xi32, #tpu.memory_space<hbm>>
      tpu.wait_dma2 semaphore(%run_scoped3A : memref<!tpu.dma_semaphore, #tpu.memory_space<semaphore_mem>>) src(%dma_wait3A_448 : memref<2000xi32, #tpu.memory_space<hbm>>) dst(%arg22 : memref<2000xi32, #tpu.memory_space<vmem>>)
      tpu.yield
    }) : () -> ()
    %dma_start3A_147 = arith.constant 0 : i32
    %dma_start3A_148 = tpu.memref_slice %arg2[%add3A_146, %dma_start3A_147] : memref<640000x8xf32, #tpu.memory_space<hbm>> -> memref<10000x8xf32, #tpu.memory_space<hbm>>
    %dma_start3A_149 = arith.constant 0 : i32
    %dma_start3A_150 = arith.constant 0 : i32
    %dma_start3A_151 = tpu.memref_slice %dma_start3A_148[%dma_start3A_149, %dma_start3A_150] : memref<10000x8xf32, #tpu.memory_space<hbm>> -> memref<10000x8xf32, #tpu.memory_space<hbm>>
    tpu.enqueue_indirect_dma source(%dma_start3A_151 : memref<10000x8xf32, #tpu.memory_space<hbm>>) target(%arg26 : memref<2000x8xf32, #tpu.memory_space<vmem>>) offsets(%arg22 : memref<2000xi32, #tpu.memory_space<vmem>>) semaphore(%arg29 : memref<!tpu.dma_semaphore, #tpu.memory_space<semaphore_mem>>)
    %scan3A_152 = arith.constant 0 : i32
    %scan3A_153 = arith.constant 0 : i32
    %scan3A_154 = arith.constant 39 : i32
    %scan3A_155 = arith.addi %scan3A_153, %scan3A_154 : i32
    %scan3A_156 = arith.constant 1 : i32
    scf.for %scan3A_441 = %scan3A_153 to %scan3A_155 step %scan3A_156  : i32 {
      %mul3A_442 = arith.constant 2 : i32
      %mul3A_443 = arith.muli %mul3A_442, %scan3A_441 : i32
      %add3A_444 = arith.constant 1 : i32
      %add3A_445 = arith.addi %mul3A_443, %add3A_444 : i32
      %mul3A_446 = arith.constant 2000 : i32
      %mul3A_447 = arith.muli %add3A_445, %mul3A_446 : i32
      "tpu.region"() ({
        %run_scoped3A = tpu.sem_alloc : memref<!tpu.dma_semaphore, #tpu.memory_space<semaphore_mem>>
        %dma_start3A_496 = tpu.memref_slice %arg9[%mul3A_447] : memref<160000xi32, #tpu.memory_space<hbm>> -> memref<2000xi32, #tpu.memory_space<hbm>>
        %dma_start3A_497 = tpu.memref_slice %arg9[%mul3A_447] : memref<160000xi32, #tpu.memory_space<hbm>> -> memref<2000xi32, #tpu.memory_space<hbm>>
        tpu.enqueue_dma source(%dma_start3A_497 : memref<2000xi32, #tpu.memory_space<hbm>>) target(%arg23 : memref<2000xi32, #tpu.memory_space<vmem>>) target_semaphore(%run_scoped3A : memref<!tpu.dma_semaphore, #tpu.memory_space<semaphore_mem>>)
        %dma_wait3A_498 = tpu.memref_slice %arg9[%mul3A_447] : memref<160000xi32, #tpu.memory_space<hbm>> -> memref<2000xi32, #tpu.memory_space<hbm>>
        %dma_wait3A_499 = tpu.memref_slice %arg9[%mul3A_447] : memref<160000xi32, #tpu.memory_space<hbm>> -> memref<2000xi32, #tpu.memory_space<hbm>>
        tpu.wait_dma2 semaphore(%run_scoped3A : memref<!tpu.dma_semaphore, #tpu.memory_space<semaphore_mem>>) src(%dma_wait3A_499 : memref<2000xi32, #tpu.memory_space<hbm>>) dst(%arg23 : memref<2000xi32, #tpu.memory_space<vmem>>)
        tpu.yield
      }) : () -> ()
      %dma_start3A_448 = arith.constant 0 : i32
      %dma_start3A_449 = tpu.memref_slice %arg2[%add3A_146, %dma_start3A_448] : memref<640000x8xf32, #tpu.memory_space<hbm>> -> memref<10000x8xf32, #tpu.memory_space<hbm>>
      %dma_start3A_450 = arith.constant 0 : i32
      %dma_start3A_451 = arith.constant 0 : i32
      %dma_start3A_452 = tpu.memref_slice %dma_start3A_449[%dma_start3A_450, %dma_start3A_451] : memref<10000x8xf32, #tpu.memory_space<hbm>> -> memref<10000x8xf32, #tpu.memory_space<hbm>>
      tpu.enqueue_indirect_dma source(%dma_start3A_452 : memref<10000x8xf32, #tpu.memory_space<hbm>>) target(%arg27 : memref<2000x8xf32, #tpu.memory_space<vmem>>) offsets(%arg23 : memref<2000xi32, #tpu.memory_space<vmem>>) semaphore(%arg30 : memref<!tpu.dma_semaphore, #tpu.memory_space<semaphore_mem>>)
      %mul3A_453 = arith.constant 2 : i32
      %mul3A_454 = arith.muli %mul3A_453, %scan3A_441 : i32
      %mul3A_455 = arith.constant 2000 : i32
      %mul3A_456 = arith.muli %mul3A_454, %mul3A_455 : i32
      %dma_start3A_457 = tpu.memref_slice %arg10[%mul3A_456] : memref<160000xi32, #tpu.memory_space<hbm>> -> memref<2000xi32, #tpu.memory_space<hbm>>
      %dma_start3A_458 = tpu.memref_slice %arg10[%mul3A_456] : memref<160000xi32, #tpu.memory_space<hbm>> -> memref<2000xi32, #tpu.memory_space<hbm>>
      tpu.enqueue_dma source(%dma_start3A_458 : memref<2000xi32, #tpu.memory_space<hbm>>) target(%arg24 : memref<2000xi32, #tpu.memory_space<vmem>>) target_semaphore(%arg31 : memref<!tpu.dma_semaphore, #tpu.memory_space<semaphore_mem>>)
      %dma_wait3A_459 = arith.constant 0 : i32
      %dma_wait3A_460 = tpu.memref_slice %arg10[%dma_wait3A_459] : memref<160000xi32, #tpu.memory_space<hbm>> -> memref<2000xi32, #tpu.memory_space<hbm>>
      %dma_wait3A_461 = arith.constant 0 : i32
      %dma_wait3A_462 = tpu.memref_slice %arg10[%dma_wait3A_461] : memref<160000xi32, #tpu.memory_space<hbm>> -> memref<2000xi32, #tpu.memory_space<hbm>>
      tpu.wait_dma2 semaphore(%arg31 : memref<!tpu.dma_semaphore, #tpu.memory_space<semaphore_mem>>) src(%dma_wait3A_462 : memref<2000xi32, #tpu.memory_space<hbm>>) dst(%arg24 : memref<2000xi32, #tpu.memory_space<vmem>>)
      %dma_wait3A_463 = arith.constant 0 : i32
      %dma_wait3A_464 = tpu.memref_slice %arg2[%add3A_146, %dma_wait3A_463] : memref<640000x8xf32, #tpu.memory_space<hbm>> -> memref<10000x8xf32, #tpu.memory_space<hbm>>
      %dma_wait3A_465 = arith.constant 0 : i32
      %dma_wait3A_466 = arith.constant 0 : i32
      %dma_wait3A_467 = tpu.memref_slice %dma_wait3A_464[%dma_wait3A_465, %dma_wait3A_466] : memref<10000x8xf32, #tpu.memory_space<hbm>> -> memref<10000x8xf32, #tpu.memory_space<hbm>>
      tpu.wait_indirect_dma semaphore(%arg29 : memref<!tpu.dma_semaphore, #tpu.memory_space<semaphore_mem>>) src(%dma_wait3A_467 : memref<10000x8xf32, #tpu.memory_space<hbm>>) dst(%arg26 : memref<2000x8xf32, #tpu.memory_space<vmem>>)
      "tpu.region"() ({
        %run_scoped3A = tpu.sem_alloc : memref<!tpu.dma_semaphore, #tpu.memory_space<semaphore_mem>>
        %dma_start3A_496 = arith.constant 0 : i32
        %dma_start3A_497 = tpu.memref_slice %arg20[%mul3A_2, %dma_start3A_496] : memref<160000x8xf32, #tpu.memory_space<vmem_shared>> -> memref<10000x8xf32, #tpu.memory_space<vmem_shared>>
        %dma_start3A_498 = arith.constant 0 : i32
        %dma_start3A_499 = arith.constant 0 : i32
        %dma_start3A_500 = tpu.memref_slice %dma_start3A_497[%dma_start3A_498, %dma_start3A_499] : memref<10000x8xf32, #tpu.memory_space<vmem_shared>> -> memref<10000x8xf32, #tpu.memory_space<vmem_shared>>
        tpu.enqueue_indirect_dma source(%arg26 : memref<2000x8xf32, #tpu.memory_space<vmem>>) target(%dma_start3A_500 : memref<10000x8xf32, #tpu.memory_space<vmem_shared>>) offsets(%arg24 : memref<2000xi32, #tpu.memory_space<vmem>>) semaphore(%run_scoped3A : memref<!tpu.dma_semaphore, #tpu.memory_space<semaphore_mem>>) {add = true}
        %dma_wait3A_501 = arith.constant 0 : i32
        %dma_wait3A_502 = tpu.memref_slice %arg20[%mul3A_2, %dma_wait3A_501] : memref<160000x8xf32, #tpu.memory_space<vmem_shared>> -> memref<10000x8xf32, #tpu.memory_space<vmem_shared>>
        %dma_wait3A_503 = arith.constant 0 : i32
        %dma_wait3A_504 = arith.constant 0 : i32
        %dma_wait3A_505 = tpu.memref_slice %dma_wait3A_502[%dma_wait3A_503, %dma_wait3A_504] : memref<10000x8xf32, #tpu.memory_space<vmem_shared>> -> memref<10000x8xf32, #tpu.memory_space<vmem_shared>>
        tpu.wait_indirect_dma semaphore(%run_scoped3A : memref<!tpu.dma_semaphore, #tpu.memory_space<semaphore_mem>>) src(%arg26 : memref<2000x8xf32, #tpu.memory_space<vmem>>) dst(%dma_wait3A_505 : memref<10000x8xf32, #tpu.memory_space<vmem_shared>>)
        tpu.yield
      }) : () -> ()
      %mul3A_468 = arith.constant 2 : i32
      %mul3A_469 = arith.muli %mul3A_468, %scan3A_441 : i32
      %add3A_470 = arith.constant 2 : i32
      %add3A_471 = arith.addi %mul3A_469, %add3A_470 : i32
      %mul3A_472 = arith.constant 2000 : i32
      %mul3A_473 = arith.muli %add3A_471, %mul3A_472 : i32
      "tpu.region"() ({
        %run_scoped3A = tpu.sem_alloc : memref<!tpu.dma_semaphore, #tpu.memory_space<semaphore_mem>>
        %dma_start3A_496 = tpu.memref_slice %arg9[%mul3A_473] : memref<160000xi32, #tpu.memory_space<hbm>> -> memref<2000xi32, #tpu.memory_space<hbm>>
        %dma_start3A_497 = tpu.memref_slice %arg9[%mul3A_473] : memref<160000xi32, #tpu.memory_space<hbm>> -> memref<2000xi32, #tpu.memory_space<hbm>>
        tpu.enqueue_dma source(%dma_start3A_497 : memref<2000xi32, #tpu.memory_space<hbm>>) target(%arg22 : memref<2000xi32, #tpu.memory_space<vmem>>) target_semaphore(%run_scoped3A : memref<!tpu.dma_semaphore, #tpu.memory_space<semaphore_mem>>)
        %dma_wait3A_498 = tpu.memref_slice %arg9[%mul3A_473] : memref<160000xi32, #tpu.memory_space<hbm>> -> memref<2000xi32, #tpu.memory_space<hbm>>
        %dma_wait3A_499 = tpu.memref_slice %arg9[%mul3A_473] : memref<160000xi32, #tpu.memory_space<hbm>> -> memref<2000xi32, #tpu.memory_space<hbm>>
        tpu.wait_dma2 semaphore(%run_scoped3A : memref<!tpu.dma_semaphore, #tpu.memory_space<semaphore_mem>>) src(%dma_wait3A_499 : memref<2000xi32, #tpu.memory_space<hbm>>) dst(%arg22 : memref<2000xi32, #tpu.memory_space<vmem>>)
        tpu.yield
      }) : () -> ()
      %dma_start3A_474 = arith.constant 0 : i32
      %dma_start3A_475 = tpu.memref_slice %arg2[%add3A_146, %dma_start3A_474] : memref<640000x8xf32, #tpu.memory_space<hbm>> -> memref<10000x8xf32, #tpu.memory_space<hbm>>
      %dma_start3A_476 = arith.constant 0 : i32
      %dma_start3A_477 = arith.constant 0 : i32
      %dma_start3A_478 = tpu.memref_slice %dma_start3A_475[%dma_start3A_476, %dma_start3A_477] : memref<10000x8xf32, #tpu.memory_space<hbm>> -> memref<10000x8xf32, #tpu.memory_space<hbm>>
      tpu.enqueue_indirect_dma source(%dma_start3A_478 : memref<10000x8xf32, #tpu.memory_space<hbm>>) target(%arg26 : memref<2000x8xf32, #tpu.memory_space<vmem>>) offsets(%arg22 : memref<2000xi32, #tpu.memory_space<vmem>>) semaphore(%arg29 : memref<!tpu.dma_semaphore, #tpu.memory_space<semaphore_mem>>)
      %mul3A_479 = arith.constant 2 : i32
      %mul3A_480 = arith.muli %mul3A_479, %scan3A_441 : i32
      %add3A_481 = arith.constant 1 : i32
      %add3A_482 = arith.addi %mul3A_480, %add3A_481 : i32
      %mul3A_483 = arith.constant 2000 : i32
      %mul3A_484 = arith.muli %add3A_482, %mul3A_483 : i32
      %dma_start3A_485 = tpu.memref_slice %arg10[%mul3A_484] : memref<160000xi32, #tpu.memory_space<hbm>> -> memref<2000xi32, #tpu.memory_space<hbm>>
      %dma_start3A_486 = tpu.memref_slice %arg10[%mul3A_484] : memref<160000xi32, #tpu.memory_space<hbm>> -> memref<2000xi32, #tpu.memory_space<hbm>>
      tpu.enqueue_dma source(%dma_start3A_486 : memref<2000xi32, #tpu.memory_space<hbm>>) target(%arg25 : memref<2000xi32, #tpu.memory_space<vmem>>) target_semaphore(%arg32 : memref<!tpu.dma_semaphore, #tpu.memory_space<semaphore_mem>>)
      %dma_wait3A_487 = arith.constant 0 : i32
      %dma_wait3A_488 = tpu.memref_slice %arg10[%dma_wait3A_487] : memref<160000xi32, #tpu.memory_space<hbm>> -> memref<2000xi32, #tpu.memory_space<hbm>>
      %dma_wait3A_489 = arith.constant 0 : i32
      %dma_wait3A_490 = tpu.memref_slice %arg10[%dma_wait3A_489] : memref<160000xi32, #tpu.memory_space<hbm>> -> memref<2000xi32, #tpu.memory_space<hbm>>
      tpu.wait_dma2 semaphore(%arg32 : memref<!tpu.dma_semaphore, #tpu.memory_space<semaphore_mem>>) src(%dma_wait3A_490 : memref<2000xi32, #tpu.memory_space<hbm>>) dst(%arg25 : memref<2000xi32, #tpu.memory_space<vmem>>)
      %dma_wait3A_491 = arith.constant 0 : i32
      %dma_wait3A_492 = tpu.memref_slice %arg2[%add3A_146, %dma_wait3A_491] : memref<640000x8xf32, #tpu.memory_space<hbm>> -> memref<10000x8xf32, #tpu.memory_space<hbm>>
      %dma_wait3A_493 = arith.constant 0 : i32
      %dma_wait3A_494 = arith.constant 0 : i32
      %dma_wait3A_495 = tpu.memref_slice %dma_wait3A_492[%dma_wait3A_493, %dma_wait3A_494] : memref<10000x8xf32, #tpu.memory_space<hbm>> -> memref<10000x8xf32, #tpu.memory_space<hbm>>
      tpu.wait_indirect_dma semaphore(%arg30 : memref<!tpu.dma_semaphore, #tpu.memory_space<semaphore_mem>>) src(%dma_wait3A_495 : memref<10000x8xf32, #tpu.memory_space<hbm>>) dst(%arg27 : memref<2000x8xf32, #tpu.memory_space<vmem>>)
      "tpu.region"() ({
        %run_scoped3A = tpu.sem_alloc : memref<!tpu.dma_semaphore, #tpu.memory_space<semaphore_mem>>
        %dma_start3A_496 = arith.constant 0 : i32
        %dma_start3A_497 = tpu.memref_slice %arg20[%mul3A_2, %dma_start3A_496] : memref<160000x8xf32, #tpu.memory_space<vmem_shared>> -> memref<10000x8xf32, #tpu.memory_space<vmem_shared>>
        %dma_start3A_498 = arith.constant 0 : i32
        %dma_start3A_499 = arith.constant 0 : i32
        %dma_start3A_500 = tpu.memref_slice %dma_start3A_497[%dma_start3A_498, %dma_start3A_499] : memref<10000x8xf32, #tpu.memory_space<vmem_shared>> -> memref<10000x8xf32, #tpu.memory_space<vmem_shared>>
        tpu.enqueue_indirect_dma source(%arg27 : memref<2000x8xf32, #tpu.memory_space<vmem>>) target(%dma_start3A_500 : memref<10000x8xf32, #tpu.memory_space<vmem_shared>>) offsets(%arg25 : memref<2000xi32, #tpu.memory_space<vmem>>) semaphore(%run_scoped3A : memref<!tpu.dma_semaphore, #tpu.memory_space<semaphore_mem>>) {add = true}
        %dma_wait3A_501 = arith.constant 0 : i32
        %dma_wait3A_502 = tpu.memref_slice %arg20[%mul3A_2, %dma_wait3A_501] : memref<160000x8xf32, #tpu.memory_space<vmem_shared>> -> memref<10000x8xf32, #tpu.memory_space<vmem_shared>>
        %dma_wait3A_503 = arith.constant 0 : i32
        %dma_wait3A_504 = arith.constant 0 : i32
        %dma_wait3A_505 = tpu.memref_slice %dma_wait3A_502[%dma_wait3A_503, %dma_wait3A_504] : memref<10000x8xf32, #tpu.memory_space<vmem_shared>> -> memref<10000x8xf32, #tpu.memory_space<vmem_shared>>
        tpu.wait_indirect_dma semaphore(%run_scoped3A : memref<!tpu.dma_semaphore, #tpu.memory_space<semaphore_mem>>) src(%arg27 : memref<2000x8xf32, #tpu.memory_space<vmem>>) dst(%dma_wait3A_505 : memref<10000x8xf32, #tpu.memory_space<vmem_shared>>)
        tpu.yield
      }) : () -> ()
    }
    %scan3A_157 = arith.constant 39 : i32
    "tpu.region"() ({
      %run_scoped3A = tpu.sem_alloc : memref<!tpu.dma_semaphore, #tpu.memory_space<semaphore_mem>>
      %dma_start3A_441 = arith.constant 158000 : i32
      %dma_start3A_442 = tpu.memref_slice %arg9[%dma_start3A_441] : memref<160000xi32, #tpu.memory_space<hbm>> -> memref<2000xi32, #tpu.memory_space<hbm>>
      %dma_start3A_443 = arith.constant 158000 : i32
      %dma_start3A_444 = tpu.memref_slice %arg9[%dma_start3A_443] : memref<160000xi32, #tpu.memory_space<hbm>> -> memref<2000xi32, #tpu.memory_space<hbm>>
      tpu.enqueue_dma source(%dma_start3A_444 : memref<2000xi32, #tpu.memory_space<hbm>>) target(%arg23 : memref<2000xi32, #tpu.memory_space<vmem>>) target_semaphore(%run_scoped3A : memref<!tpu.dma_semaphore, #tpu.memory_space<semaphore_mem>>)
      %dma_wait3A_445 = arith.constant 158000 : i32
      %dma_wait3A_446 = tpu.memref_slice %arg9[%dma_wait3A_445] : memref<160000xi32, #tpu.memory_space<hbm>> -> memref<2000xi32, #tpu.memory_space<hbm>>
      %dma_wait3A_447 = arith.constant 158000 : i32
      %dma_wait3A_448 = tpu.memref_slice %arg9[%dma_wait3A_447] : memref<160000xi32, #tpu.memory_space<hbm>> -> memref<2000xi32, #tpu.memory_space<hbm>>
      tpu.wait_dma2 semaphore(%run_scoped3A : memref<!tpu.dma_semaphore, #tpu.memory_space<semaphore_mem>>) src(%dma_wait3A_448 : memref<2000xi32, #tpu.memory_space<hbm>>) dst(%arg23 : memref<2000xi32, #tpu.memory_space<vmem>>)
      tpu.yield
    }) : () -> ()
    %dma_start3A_158 = arith.constant 0 : i32
    %dma_start3A_159 = tpu.memref_slice %arg2[%add3A_146, %dma_start3A_158] : memref<640000x8xf32, #tpu.memory_space<hbm>> -> memref<10000x8xf32, #tpu.memory_space<hbm>>
    %dma_start3A_160 = arith.constant 0 : i32
    %dma_start3A_161 = arith.constant 0 : i32
    %dma_start3A_162 = tpu.memref_slice %dma_start3A_159[%dma_start3A_160, %dma_start3A_161] : memref<10000x8xf32, #tpu.memory_space<hbm>> -> memref<10000x8xf32, #tpu.memory_space<hbm>>
    tpu.enqueue_indirect_dma source(%dma_start3A_162 : memref<10000x8xf32, #tpu.memory_space<hbm>>) target(%arg27 : memref<2000x8xf32, #tpu.memory_space<vmem>>) offsets(%arg23 : memref<2000xi32, #tpu.memory_space<vmem>>) semaphore(%arg30 : memref<!tpu.dma_semaphore, #tpu.memory_space<semaphore_mem>>)
    %dma_start3A_163 = arith.constant 156000 : i32
    %dma_start3A_164 = tpu.memref_slice %arg10[%dma_start3A_163] : memref<160000xi32, #tpu.memory_space<hbm>> -> memref<2000xi32, #tpu.memory_space<hbm>>
    %dma_start3A_165 = arith.constant 156000 : i32
    %dma_start3A_166 = tpu.memref_slice %arg10[%dma_start3A_165] : memref<160000xi32, #tpu.memory_space<hbm>> -> memref<2000xi32, #tpu.memory_space<hbm>>
    tpu.enqueue_dma source(%dma_start3A_166 : memref<2000xi32, #tpu.memory_space<hbm>>) target(%arg24 : memref<2000xi32, #tpu.memory_space<vmem>>) target_semaphore(%arg31 : memref<!tpu.dma_semaphore, #tpu.memory_space<semaphore_mem>>)
    %dma_wait3A_167 = arith.constant 0 : i32
    %dma_wait3A_168 = tpu.memref_slice %arg10[%dma_wait3A_167] : memref<160000xi32, #tpu.memory_space<hbm>> -> memref<2000xi32, #tpu.memory_space<hbm>>
    %dma_wait3A_169 = arith.constant 0 : i32
    %dma_wait3A_170 = tpu.memref_slice %arg10[%dma_wait3A_169] : memref<160000xi32, #tpu.memory_space<hbm>> -> memref<2000xi32, #tpu.memory_space<hbm>>
    tpu.wait_dma2 semaphore(%arg31 : memref<!tpu.dma_semaphore, #tpu.memory_space<semaphore_mem>>) src(%dma_wait3A_170 : memref<2000xi32, #tpu.memory_space<hbm>>) dst(%arg24 : memref<2000xi32, #tpu.memory_space<vmem>>)
    %dma_wait3A_171 = arith.constant 0 : i32
    %dma_wait3A_172 = tpu.memref_slice %arg2[%add3A_146, %dma_wait3A_171] : memref<640000x8xf32, #tpu.memory_space<hbm>> -> memref<10000x8xf32, #tpu.memory_space<hbm>>
    %dma_wait3A_173 = arith.constant 0 : i32
    %dma_wait3A_174 = arith.constant 0 : i32
    %dma_wait3A_175 = tpu.memref_slice %dma_wait3A_172[%dma_wait3A_173, %dma_wait3A_174] : memref<10000x8xf32, #tpu.memory_space<hbm>> -> memref<10000x8xf32, #tpu.memory_space<hbm>>
    tpu.wait_indirect_dma semaphore(%arg29 : memref<!tpu.dma_semaphore, #tpu.memory_space<semaphore_mem>>) src(%dma_wait3A_175 : memref<10000x8xf32, #tpu.memory_space<hbm>>) dst(%arg26 : memref<2000x8xf32, #tpu.memory_space<vmem>>)
    "tpu.region"() ({
      %run_scoped3A = tpu.sem_alloc : memref<!tpu.dma_semaphore, #tpu.memory_space<semaphore_mem>>
      %dma_start3A_441 = arith.constant 0 : i32
      %dma_start3A_442 = tpu.memref_slice %arg20[%mul3A_2, %dma_start3A_441] : memref<160000x8xf32, #tpu.memory_space<vmem_shared>> -> memref<10000x8xf32, #tpu.memory_space<vmem_shared>>
      %dma_start3A_443 = arith.constant 0 : i32
      %dma_start3A_444 = arith.constant 0 : i32
      %dma_start3A_445 = tpu.memref_slice %dma_start3A_442[%dma_start3A_443, %dma_start3A_444] : memref<10000x8xf32, #tpu.memory_space<vmem_shared>> -> memref<10000x8xf32, #tpu.memory_space<vmem_shared>>
      tpu.enqueue_indirect_dma source(%arg26 : memref<2000x8xf32, #tpu.memory_space<vmem>>) target(%dma_start3A_445 : memref<10000x8xf32, #tpu.memory_space<vmem_shared>>) offsets(%arg24 : memref<2000xi32, #tpu.memory_space<vmem>>) semaphore(%run_scoped3A : memref<!tpu.dma_semaphore, #tpu.memory_space<semaphore_mem>>) {add = true}
      %dma_wait3A_446 = arith.constant 0 : i32
      %dma_wait3A_447 = tpu.memref_slice %arg20[%mul3A_2, %dma_wait3A_446] : memref<160000x8xf32, #tpu.memory_space<vmem_shared>> -> memref<10000x8xf32, #tpu.memory_space<vmem_shared>>
      %dma_wait3A_448 = arith.constant 0 : i32
      %dma_wait3A_449 = arith.constant 0 : i32
      %dma_wait3A_450 = tpu.memref_slice %dma_wait3A_447[%dma_wait3A_448, %dma_wait3A_449] : memref<10000x8xf32, #tpu.memory_space<vmem_shared>> -> memref<10000x8xf32, #tpu.memory_space<vmem_shared>>
      tpu.wait_indirect_dma semaphore(%run_scoped3A : memref<!tpu.dma_semaphore, #tpu.memory_space<semaphore_mem>>) src(%arg26 : memref<2000x8xf32, #tpu.memory_space<vmem>>) dst(%dma_wait3A_450 : memref<10000x8xf32, #tpu.memory_space<vmem_shared>>)
      tpu.yield
    }) : () -> ()
    %dma_start3A_176 = arith.constant 158000 : i32
    %dma_start3A_177 = tpu.memref_slice %arg10[%dma_start3A_176] : memref<160000xi32, #tpu.memory_space<hbm>> -> memref<2000xi32, #tpu.memory_space<hbm>>
    %dma_start3A_178 = arith.constant 158000 : i32
    %dma_start3A_179 = tpu.memref_slice %arg10[%dma_start3A_178] : memref<160000xi32, #tpu.memory_space<hbm>> -> memref<2000xi32, #tpu.memory_space<hbm>>
    tpu.enqueue_dma source(%dma_start3A_179 : memref<2000xi32, #tpu.memory_space<hbm>>) target(%arg25 : memref<2000xi32, #tpu.memory_space<vmem>>) target_semaphore(%arg32 : memref<!tpu.dma_semaphore, #tpu.memory_space<semaphore_mem>>)
    %dma_wait3A_180 = arith.constant 0 : i32
    %dma_wait3A_181 = tpu.memref_slice %arg10[%dma_wait3A_180] : memref<160000xi32, #tpu.memory_space<hbm>> -> memref<2000xi32, #tpu.memory_space<hbm>>
    %dma_wait3A_182 = arith.constant 0 : i32
    %dma_wait3A_183 = tpu.memref_slice %arg10[%dma_wait3A_182] : memref<160000xi32, #tpu.memory_space<hbm>> -> memref<2000xi32, #tpu.memory_space<hbm>>
    tpu.wait_dma2 semaphore(%arg32 : memref<!tpu.dma_semaphore, #tpu.memory_space<semaphore_mem>>) src(%dma_wait3A_183 : memref<2000xi32, #tpu.memory_space<hbm>>) dst(%arg25 : memref<2000xi32, #tpu.memory_space<vmem>>)
    %dma_wait3A_184 = arith.constant 0 : i32
    %dma_wait3A_185 = tpu.memref_slice %arg2[%add3A_146, %dma_wait3A_184] : memref<640000x8xf32, #tpu.memory_space<hbm>> -> memref<10000x8xf32, #tpu.memory_space<hbm>>
    %dma_wait3A_186 = arith.constant 0 : i32
    %dma_wait3A_187 = arith.constant 0 : i32
    %dma_wait3A_188 = tpu.memref_slice %dma_wait3A_185[%dma_wait3A_186, %dma_wait3A_187] : memref<10000x8xf32, #tpu.memory_space<hbm>> -> memref<10000x8xf32, #tpu.memory_space<hbm>>
    tpu.wait_indirect_dma semaphore(%arg30 : memref<!tpu.dma_semaphore, #tpu.memory_space<semaphore_mem>>) src(%dma_wait3A_188 : memref<10000x8xf32, #tpu.memory_space<hbm>>) dst(%arg27 : memref<2000x8xf32, #tpu.memory_space<vmem>>)
    "tpu.region"() ({
      %run_scoped3A = tpu.sem_alloc : memref<!tpu.dma_semaphore, #tpu.memory_space<semaphore_mem>>
      %dma_start3A_441 = arith.constant 0 : i32
      %dma_start3A_442 = tpu.memref_slice %arg20[%mul3A_2, %dma_start3A_441] : memref<160000x8xf32, #tpu.memory_space<vmem_shared>> -> memref<10000x8xf32, #tpu.memory_space<vmem_shared>>
      %dma_start3A_443 = arith.constant 0 : i32
      %dma_start3A_444 = arith.constant 0 : i32
      %dma_start3A_445 = tpu.memref_slice %dma_start3A_442[%dma_start3A_443, %dma_start3A_444] : memref<10000x8xf32, #tpu.memory_space<vmem_shared>> -> memref<10000x8xf32, #tpu.memory_space<vmem_shared>>
      tpu.enqueue_indirect_dma source(%arg27 : memref<2000x8xf32, #tpu.memory_space<vmem>>) target(%dma_start3A_445 : memref<10000x8xf32, #tpu.memory_space<vmem_shared>>) offsets(%arg25 : memref<2000xi32, #tpu.memory_space<vmem>>) semaphore(%run_scoped3A : memref<!tpu.dma_semaphore, #tpu.memory_space<semaphore_mem>>) {add = true}
      %dma_wait3A_446 = arith.constant 0 : i32
      %dma_wait3A_447 = tpu.memref_slice %arg20[%mul3A_2, %dma_wait3A_446] : memref<160000x8xf32, #tpu.memory_space<vmem_shared>> -> memref<10000x8xf32, #tpu.memory_space<vmem_shared>>
      %dma_wait3A_448 = arith.constant 0 : i32
      %dma_wait3A_449 = arith.constant 0 : i32
      %dma_wait3A_450 = tpu.memref_slice %dma_wait3A_447[%dma_wait3A_448, %dma_wait3A_449] : memref<10000x8xf32, #tpu.memory_space<vmem_shared>> -> memref<10000x8xf32, #tpu.memory_space<vmem_shared>>
      tpu.wait_indirect_dma semaphore(%run_scoped3A : memref<!tpu.dma_semaphore, #tpu.memory_space<semaphore_mem>>) src(%arg27 : memref<2000x8xf32, #tpu.memory_space<vmem>>) dst(%dma_wait3A_450 : memref<10000x8xf32, #tpu.memory_space<vmem_shared>>)
      tpu.yield
    }) : () -> ()
    "tpu.region"() ({
      %run_scoped3A = tpu.sem_alloc : memref<!tpu.dma_semaphore, #tpu.memory_space<semaphore_mem>>
      %dma_start3A_441 = arith.constant 30000 : i32
      %dma_start3A_442 = tpu.memref_slice %arg17[%dma_start3A_441, %mul3A_7] : memref<40000x256xf32, #tpu.memory_space<hbm>> -> memref<10000x8xf32, #tpu.memory_space<hbm>>
      %dma_start3A_443 = arith.constant 0 : i32
      %dma_start3A_444 = tpu.memref_slice %arg20[%mul3A_2, %dma_start3A_443] : memref<160000x8xf32, #tpu.memory_space<vmem_shared>> -> memref<10000x8xf32, #tpu.memory_space<vmem_shared>>
      tpu.enqueue_dma source(%dma_start3A_444 : memref<10000x8xf32, #tpu.memory_space<vmem_shared>>) target(%dma_start3A_442 : memref<10000x8xf32, #tpu.memory_space<hbm>>) target_semaphore(%run_scoped3A : memref<!tpu.dma_semaphore, #tpu.memory_space<semaphore_mem>>)
      %dma_wait3A_445 = arith.constant 30000 : i32
      %dma_wait3A_446 = tpu.memref_slice %arg17[%dma_wait3A_445, %mul3A_7] : memref<40000x256xf32, #tpu.memory_space<hbm>> -> memref<10000x8xf32, #tpu.memory_space<hbm>>
      %dma_wait3A_447 = arith.constant 0 : i32
      %dma_wait3A_448 = tpu.memref_slice %arg20[%mul3A_2, %dma_wait3A_447] : memref<160000x8xf32, #tpu.memory_space<vmem_shared>> -> memref<10000x8xf32, #tpu.memory_space<vmem_shared>>
      tpu.wait_dma2 semaphore(%run_scoped3A : memref<!tpu.dma_semaphore, #tpu.memory_space<semaphore_mem>>) src(%dma_wait3A_448 : memref<10000x8xf32, #tpu.memory_space<vmem_shared>>) dst(%dma_wait3A_446 : memref<10000x8xf32, #tpu.memory_space<hbm>>)
      tpu.yield
    }) : () -> ()
    %jit3A = arith.constant 4 : i32
    %div3A = arith.divsi %add3A, %jit3A : i32
    %sign3A = arith.constant 0 : i32
    %sign3A_189 = arith.cmpi sgt, %add3A, %sign3A : i32
    %sign3A_190 = arith.extui %sign3A_189 : i1 to i32
    %sign3A_191 = arith.constant 0 : i32
    %sign3A_192 = arith.cmpi slt, %add3A, %sign3A_191 : i32
    %sign3A_193 = arith.extui %sign3A_192 : i1 to i32
    %sign3A_194 = arith.subi %sign3A_190, %sign3A_193 : i32
    %sign3A_195 = arith.constant 0 : i32
    %sign3A_196 = arith.cmpi sgt, %jit3A, %sign3A_195 : i32
    %sign3A_197 = arith.extui %sign3A_196 : i1 to i32
    %sign3A_198 = arith.constant 0 : i32
    %sign3A_199 = arith.cmpi slt, %jit3A, %sign3A_198 : i32
    %sign3A_200 = arith.extui %sign3A_199 : i1 to i32
    %sign3A_201 = arith.subi %sign3A_197, %sign3A_200 : i32
    %ne3A = arith.cmpi ne, %sign3A_194, %sign3A_201 : i32
    %rem3A = arith.remsi %add3A, %jit3A : i32
    %ne3A_202 = arith.constant 0 : i32
    %ne3A_203 = arith.cmpi ne, %rem3A, %ne3A_202 : i32
    %and3A = arith.andi %ne3A, %ne3A_203 : i1
    %sub3A_204 = arith.constant 1 : i32
    %sub3A_205 = arith.subi %div3A, %sub3A_204 : i32
    %select_n3A = arith.select %and3A, %sub3A_205, %div3A : i32
    %eq3A = arith.constant 0 : i32
    %eq3A_206 = arith.cmpi eq, %select_n3A, %eq3A : i32
    %convert_element_type3A = arith.extui %eq3A_206 : i1 to i32
    %cond3A = arith.constant 0 : i32
    %cond3A_207 = arith.cmpi ne, %convert_element_type3A, %cond3A : i32
    scf.if %cond3A_207 {
      %jit3A_441 = arith.constant 2 : i32
      %div3A_442 = arith.divsi %add3A, %jit3A_441 : i32
      %sign3A_443 = arith.constant 0 : i32
      %sign3A_444 = arith.cmpi sgt, %add3A, %sign3A_443 : i32
      %sign3A_445 = arith.extui %sign3A_444 : i1 to i32
      %sign3A_446 = arith.constant 0 : i32
      %sign3A_447 = arith.cmpi slt, %add3A, %sign3A_446 : i32
      %sign3A_448 = arith.extui %sign3A_447 : i1 to i32
      %sign3A_449 = arith.subi %sign3A_445, %sign3A_448 : i32
      %sign3A_450 = arith.constant 0 : i32
      %sign3A_451 = arith.cmpi sgt, %jit3A_441, %sign3A_450 : i32
      %sign3A_452 = arith.extui %sign3A_451 : i1 to i32
      %sign3A_453 = arith.constant 0 : i32
      %sign3A_454 = arith.cmpi slt, %jit3A_441, %sign3A_453 : i32
      %sign3A_455 = arith.extui %sign3A_454 : i1 to i32
      %sign3A_456 = arith.subi %sign3A_452, %sign3A_455 : i32
      %ne3A_457 = arith.cmpi ne, %sign3A_449, %sign3A_456 : i32
      %rem3A_458 = arith.remsi %add3A, %jit3A_441 : i32
      %ne3A_459 = arith.constant 0 : i32
      %ne3A_460 = arith.cmpi ne, %rem3A_458, %ne3A_459 : i32
      %and3A_461 = arith.andi %ne3A_457, %ne3A_460 : i1
      %sub3A_462 = arith.constant 1 : i32
      %sub3A_463 = arith.subi %div3A_442, %sub3A_462 : i32
      %select_n3A_464 = arith.select %and3A_461, %sub3A_463, %div3A_442 : i32
      %jit3A_465 = arith.constant 2 : i32
      %eq3A_466 = arith.constant 0 : i32
      %eq3A_467 = arith.cmpi eq, %jit3A_465, %eq3A_466 : i32
      %jit3A_468 = arith.constant 1 : i32
      %select_n3A_469 = arith.select %eq3A_467, %jit3A_468, %jit3A_465 : i32
      %rem3A_470 = arith.remsi %select_n3A_464, %select_n3A_469 : i32
      %ne3A_471 = arith.constant 0 : i32
      %ne3A_472 = arith.cmpi ne, %rem3A_470, %ne3A_471 : i32
      %lt3A_473 = arith.constant 0 : i32
      %lt3A_474 = arith.cmpi slt, %rem3A_470, %lt3A_473 : i32
      %lt3A_475 = arith.constant 0 : i32
      %lt3A_476 = arith.cmpi slt, %select_n3A_469, %lt3A_475 : i32
      %ne3A_477 = arith.xori %lt3A_474, %lt3A_476 : i1
      %and3A_478 = arith.andi %ne3A_477, %ne3A_472 : i1
      %add3A_479 = arith.addi %rem3A_470, %select_n3A_469 : i32
      %select_n3A_480 = arith.select %and3A_478, %add3A_479, %rem3A_470 : i32
      %jit3A_481 = arith.constant 2 : i32
      %eq3A_482 = arith.constant 0 : i32
      %eq3A_483 = arith.cmpi eq, %jit3A_481, %eq3A_482 : i32
      %jit3A_484 = arith.constant 1 : i32
      %select_n3A_485 = arith.select %eq3A_483, %jit3A_484, %jit3A_481 : i32
      %rem3A_486 = arith.remsi %add3A, %select_n3A_485 : i32
      %ne3A_487 = arith.constant 0 : i32
      %ne3A_488 = arith.cmpi ne, %rem3A_486, %ne3A_487 : i32
      %lt3A_489 = arith.constant 0 : i32
      %lt3A_490 = arith.cmpi slt, %rem3A_486, %lt3A_489 : i32
      %lt3A_491 = arith.constant 0 : i32
      %lt3A_492 = arith.cmpi slt, %select_n3A_485, %lt3A_491 : i32
      %ne3A_493 = arith.xori %lt3A_490, %lt3A_492 : i1
      %and3A_494 = arith.andi %ne3A_493, %ne3A_488 : i1
      %add3A_495 = arith.addi %rem3A_486, %select_n3A_485 : i32
      %select_n3A_496 = arith.select %and3A_494, %add3A_495, %rem3A_486 : i32
      %mul3A_497 = arith.constant 80000 : i32
      %mul3A_498 = arith.muli %select_n3A_496, %mul3A_497 : i32
      "tpu.region"() ({
        %run_scoped3A = tpu.sem_alloc : memref<!tpu.dma_semaphore, #tpu.memory_space<semaphore_mem>>
        %dma_start3A_551 = arith.constant 0 : i32
        %dma_start3A_552 = tpu.memref_slice %arg20[%mul3A_2, %dma_start3A_551] : memref<160000x8xf32, #tpu.memory_space<vmem_shared>> -> memref<10000x8xf32, #tpu.memory_space<vmem_shared>>
        tpu.enqueue_dma source(%arg15 : memref<10000x8xf32, #tpu.memory_space<hbm>>) target(%dma_start3A_552 : memref<10000x8xf32, #tpu.memory_space<vmem_shared>>) target_semaphore(%run_scoped3A : memref<!tpu.dma_semaphore, #tpu.memory_space<semaphore_mem>>)
        %dma_wait3A_553 = arith.constant 0 : i32
        %dma_wait3A_554 = tpu.memref_slice %arg20[%mul3A_2, %dma_wait3A_553] : memref<160000x8xf32, #tpu.memory_space<vmem_shared>> -> memref<10000x8xf32, #tpu.memory_space<vmem_shared>>
        tpu.wait_dma2 semaphore(%run_scoped3A : memref<!tpu.dma_semaphore, #tpu.memory_space<semaphore_mem>>) src(%arg15 : memref<10000x8xf32, #tpu.memory_space<hbm>>) dst(%dma_wait3A_554 : memref<10000x8xf32, #tpu.memory_space<vmem_shared>>)
        tpu.yield
      }) : () -> ()
      %add3A_499 = arith.constant 0 : i32
      %add3A_500 = arith.addi %mul3A_498, %add3A_499 : i32
      %mul3A_501 = arith.constant 8 : i32
      %mul3A_502 = arith.muli %select_n3A_480, %mul3A_501 : i32
      %dma_start3A_503 = tpu.memref_slice %arg11[%add3A_500, %mul3A_502] : memref<160000x16xf32, #tpu.memory_space<hbm>> -> memref<2000x8xf32, #tpu.memory_space<hbm>>
      %dma_start3A_504 = tpu.memref_slice %arg11[%add3A_500, %mul3A_502] : memref<160000x16xf32, #tpu.memory_space<hbm>> -> memref<2000x8xf32, #tpu.memory_space<hbm>>
      tpu.enqueue_dma source(%dma_start3A_504 : memref<2000x8xf32, #tpu.memory_space<hbm>>) target(%arg26 : memref<2000x8xf32, #tpu.memory_space<vmem>>) target_semaphore(%arg29 : memref<!tpu.dma_semaphore, #tpu.memory_space<semaphore_mem>>)
      %scan3A_505 = arith.constant 0 : i32
      %scan3A_506 = arith.constant 0 : i32
      %scan3A_507 = arith.constant 19 : i32
      %scan3A_508 = arith.addi %scan3A_506, %scan3A_507 : i32
      %scan3A_509 = arith.constant 1 : i32
      scf.for %scan3A_551 = %scan3A_506 to %scan3A_508 step %scan3A_509  : i32 {
        %mul3A_552 = arith.constant 2 : i32
        %mul3A_553 = arith.muli %mul3A_552, %scan3A_551 : i32
        %add3A_554 = arith.constant 1 : i32
        %add3A_555 = arith.addi %mul3A_553, %add3A_554 : i32
        %mul3A_556 = arith.constant 2000 : i32
        %mul3A_557 = arith.muli %add3A_555, %mul3A_556 : i32
        %add3A_558 = arith.addi %mul3A_498, %mul3A_557 : i32
        %mul3A_559 = arith.constant 8 : i32
        %mul3A_560 = arith.muli %select_n3A_480, %mul3A_559 : i32
        %dma_start3A_561 = tpu.memref_slice %arg11[%add3A_558, %mul3A_560] : memref<160000x16xf32, #tpu.memory_space<hbm>> -> memref<2000x8xf32, #tpu.memory_space<hbm>>
        %dma_start3A_562 = tpu.memref_slice %arg11[%add3A_558, %mul3A_560] : memref<160000x16xf32, #tpu.memory_space<hbm>> -> memref<2000x8xf32, #tpu.memory_space<hbm>>
        tpu.enqueue_dma source(%dma_start3A_562 : memref<2000x8xf32, #tpu.memory_space<hbm>>) target(%arg27 : memref<2000x8xf32, #tpu.memory_space<vmem>>) target_semaphore(%arg30 : memref<!tpu.dma_semaphore, #tpu.memory_space<semaphore_mem>>)
        %mul3A_563 = arith.constant 2 : i32
        %mul3A_564 = arith.muli %mul3A_563, %scan3A_551 : i32
        %mul3A_565 = arith.constant 2000 : i32
        %mul3A_566 = arith.muli %mul3A_564, %mul3A_565 : i32
        %add3A_567 = arith.addi %mul3A_498, %mul3A_566 : i32
        %dma_start3A_568 = tpu.memref_slice %arg4[%add3A_567] : memref<160000xi32, #tpu.memory_space<hbm>> -> memref<2000xi32, #tpu.memory_space<hbm>>
        %dma_start3A_569 = tpu.memref_slice %arg4[%add3A_567] : memref<160000xi32, #tpu.memory_space<hbm>> -> memref<2000xi32, #tpu.memory_space<hbm>>
        tpu.enqueue_dma source(%dma_start3A_569 : memref<2000xi32, #tpu.memory_space<hbm>>) target(%arg24 : memref<2000xi32, #tpu.memory_space<vmem>>) target_semaphore(%arg31 : memref<!tpu.dma_semaphore, #tpu.memory_space<semaphore_mem>>)
        %add3A_570 = arith.constant 0 : i32
        %add3A_571 = arith.addi %mul3A_498, %add3A_570 : i32
        %dma_wait3A_572 = tpu.memref_slice %arg4[%add3A_571] : memref<160000xi32, #tpu.memory_space<hbm>> -> memref<2000xi32, #tpu.memory_space<hbm>>
        %dma_wait3A_573 = tpu.memref_slice %arg4[%add3A_571] : memref<160000xi32, #tpu.memory_space<hbm>> -> memref<2000xi32, #tpu.memory_space<hbm>>
        tpu.wait_dma2 semaphore(%arg31 : memref<!tpu.dma_semaphore, #tpu.memory_space<semaphore_mem>>) src(%dma_wait3A_573 : memref<2000xi32, #tpu.memory_space<hbm>>) dst(%arg24 : memref<2000xi32, #tpu.memory_space<vmem>>)
        %add3A_574 = arith.constant 0 : i32
        %add3A_575 = arith.addi %mul3A_498, %add3A_574 : i32
        %mul3A_576 = arith.constant 8 : i32
        %mul3A_577 = arith.muli %select_n3A_480, %mul3A_576 : i32
        %dma_wait3A_578 = tpu.memref_slice %arg11[%add3A_575, %mul3A_577] : memref<160000x16xf32, #tpu.memory_space<hbm>> -> memref<2000x8xf32, #tpu.memory_space<hbm>>
        %dma_wait3A_579 = tpu.memref_slice %arg11[%add3A_575, %mul3A_577] : memref<160000x16xf32, #tpu.memory_space<hbm>> -> memref<2000x8xf32, #tpu.memory_space<hbm>>
        tpu.wait_dma2 semaphore(%arg29 : memref<!tpu.dma_semaphore, #tpu.memory_space<semaphore_mem>>) src(%dma_wait3A_579 : memref<2000x8xf32, #tpu.memory_space<hbm>>) dst(%arg26 : memref<2000x8xf32, #tpu.memory_space<vmem>>)
        "tpu.region"() ({
          %run_scoped3A = tpu.sem_alloc : memref<!tpu.dma_semaphore, #tpu.memory_space<semaphore_mem>>
          %dma_start3A_610 = arith.constant 0 : i32
          %dma_start3A_611 = tpu.memref_slice %arg20[%mul3A_2, %dma_start3A_610] : memref<160000x8xf32, #tpu.memory_space<vmem_shared>> -> memref<10000x8xf32, #tpu.memory_space<vmem_shared>>
          %dma_start3A_612 = arith.constant 0 : i32
          %dma_start3A_613 = arith.constant 0 : i32
          %dma_start3A_614 = tpu.memref_slice %dma_start3A_611[%dma_start3A_612, %dma_start3A_613] : memref<10000x8xf32, #tpu.memory_space<vmem_shared>> -> memref<10000x8xf32, #tpu.memory_space<vmem_shared>>
          tpu.enqueue_indirect_dma source(%arg26 : memref<2000x8xf32, #tpu.memory_space<vmem>>) target(%dma_start3A_614 : memref<10000x8xf32, #tpu.memory_space<vmem_shared>>) offsets(%arg24 : memref<2000xi32, #tpu.memory_space<vmem>>) semaphore(%run_scoped3A : memref<!tpu.dma_semaphore, #tpu.memory_space<semaphore_mem>>) {add = true}
          %dma_wait3A_615 = arith.constant 0 : i32
          %dma_wait3A_616 = tpu.memref_slice %arg20[%mul3A_2, %dma_wait3A_615] : memref<160000x8xf32, #tpu.memory_space<vmem_shared>> -> memref<10000x8xf32, #tpu.memory_space<vmem_shared>>
          %dma_wait3A_617 = arith.constant 0 : i32
          %dma_wait3A_618 = arith.constant 0 : i32
          %dma_wait3A_619 = tpu.memref_slice %dma_wait3A_616[%dma_wait3A_617, %dma_wait3A_618] : memref<10000x8xf32, #tpu.memory_space<vmem_shared>> -> memref<10000x8xf32, #tpu.memory_space<vmem_shared>>
          tpu.wait_indirect_dma semaphore(%run_scoped3A : memref<!tpu.dma_semaphore, #tpu.memory_space<semaphore_mem>>) src(%arg26 : memref<2000x8xf32, #tpu.memory_space<vmem>>) dst(%dma_wait3A_619 : memref<10000x8xf32, #tpu.memory_space<vmem_shared>>)
          tpu.yield
        }) : () -> ()
        %mul3A_580 = arith.constant 2 : i32
        %mul3A_581 = arith.muli %mul3A_580, %scan3A_551 : i32
        %add3A_582 = arith.constant 2 : i32
        %add3A_583 = arith.addi %mul3A_581, %add3A_582 : i32
        %mul3A_584 = arith.constant 2000 : i32
        %mul3A_585 = arith.muli %add3A_583, %mul3A_584 : i32
        %add3A_586 = arith.addi %mul3A_498, %mul3A_585 : i32
        %mul3A_587 = arith.constant 8 : i32
        %mul3A_588 = arith.muli %select_n3A_480, %mul3A_587 : i32
        %dma_start3A_589 = tpu.memref_slice %arg11[%add3A_586, %mul3A_588] : memref<160000x16xf32, #tpu.memory_space<hbm>> -> memref<2000x8xf32, #tpu.memory_space<hbm>>
        %dma_start3A_590 = tpu.memref_slice %arg11[%add3A_586, %mul3A_588] : memref<160000x16xf32, #tpu.memory_space<hbm>> -> memref<2000x8xf32, #tpu.memory_space<hbm>>
        tpu.enqueue_dma source(%dma_start3A_590 : memref<2000x8xf32, #tpu.memory_space<hbm>>) target(%arg26 : memref<2000x8xf32, #tpu.memory_space<vmem>>) target_semaphore(%arg29 : memref<!tpu.dma_semaphore, #tpu.memory_space<semaphore_mem>>)
        %mul3A_591 = arith.constant 2 : i32
        %mul3A_592 = arith.muli %mul3A_591, %scan3A_551 : i32
        %add3A_593 = arith.constant 1 : i32
        %add3A_594 = arith.addi %mul3A_592, %add3A_593 : i32
        %mul3A_595 = arith.constant 2000 : i32
        %mul3A_596 = arith.muli %add3A_594, %mul3A_595 : i32
        %add3A_597 = arith.addi %mul3A_498, %mul3A_596 : i32
        %dma_start3A_598 = tpu.memref_slice %arg4[%add3A_597] : memref<160000xi32, #tpu.memory_space<hbm>> -> memref<2000xi32, #tpu.memory_space<hbm>>
        %dma_start3A_599 = tpu.memref_slice %arg4[%add3A_597] : memref<160000xi32, #tpu.memory_space<hbm>> -> memref<2000xi32, #tpu.memory_space<hbm>>
        tpu.enqueue_dma source(%dma_start3A_599 : memref<2000xi32, #tpu.memory_space<hbm>>) target(%arg25 : memref<2000xi32, #tpu.memory_space<vmem>>) target_semaphore(%arg32 : memref<!tpu.dma_semaphore, #tpu.memory_space<semaphore_mem>>)
        %add3A_600 = arith.constant 0 : i32
        %add3A_601 = arith.addi %mul3A_498, %add3A_600 : i32
        %dma_wait3A_602 = tpu.memref_slice %arg4[%add3A_601] : memref<160000xi32, #tpu.memory_space<hbm>> -> memref<2000xi32, #tpu.memory_space<hbm>>
        %dma_wait3A_603 = tpu.memref_slice %arg4[%add3A_601] : memref<160000xi32, #tpu.memory_space<hbm>> -> memref<2000xi32, #tpu.memory_space<hbm>>
        tpu.wait_dma2 semaphore(%arg32 : memref<!tpu.dma_semaphore, #tpu.memory_space<semaphore_mem>>) src(%dma_wait3A_603 : memref<2000xi32, #tpu.memory_space<hbm>>) dst(%arg25 : memref<2000xi32, #tpu.memory_space<vmem>>)
        %add3A_604 = arith.constant 0 : i32
        %add3A_605 = arith.addi %mul3A_498, %add3A_604 : i32
        %mul3A_606 = arith.constant 8 : i32
        %mul3A_607 = arith.muli %select_n3A_480, %mul3A_606 : i32
        %dma_wait3A_608 = tpu.memref_slice %arg11[%add3A_605, %mul3A_607] : memref<160000x16xf32, #tpu.memory_space<hbm>> -> memref<2000x8xf32, #tpu.memory_space<hbm>>
        %dma_wait3A_609 = tpu.memref_slice %arg11[%add3A_605, %mul3A_607] : memref<160000x16xf32, #tpu.memory_space<hbm>> -> memref<2000x8xf32, #tpu.memory_space<hbm>>
        tpu.wait_dma2 semaphore(%arg30 : memref<!tpu.dma_semaphore, #tpu.memory_space<semaphore_mem>>) src(%dma_wait3A_609 : memref<2000x8xf32, #tpu.memory_space<hbm>>) dst(%arg27 : memref<2000x8xf32, #tpu.memory_space<vmem>>)
        "tpu.region"() ({
          %run_scoped3A = tpu.sem_alloc : memref<!tpu.dma_semaphore, #tpu.memory_space<semaphore_mem>>
          %dma_start3A_610 = arith.constant 0 : i32
          %dma_start3A_611 = tpu.memref_slice %arg20[%mul3A_2, %dma_start3A_610] : memref<160000x8xf32, #tpu.memory_space<vmem_shared>> -> memref<10000x8xf32, #tpu.memory_space<vmem_shared>>
          %dma_start3A_612 = arith.constant 0 : i32
          %dma_start3A_613 = arith.constant 0 : i32
          %dma_start3A_614 = tpu.memref_slice %dma_start3A_611[%dma_start3A_612, %dma_start3A_613] : memref<10000x8xf32, #tpu.memory_space<vmem_shared>> -> memref<10000x8xf32, #tpu.memory_space<vmem_shared>>
          tpu.enqueue_indirect_dma source(%arg27 : memref<2000x8xf32, #tpu.memory_space<vmem>>) target(%dma_start3A_614 : memref<10000x8xf32, #tpu.memory_space<vmem_shared>>) offsets(%arg25 : memref<2000xi32, #tpu.memory_space<vmem>>) semaphore(%run_scoped3A : memref<!tpu.dma_semaphore, #tpu.memory_space<semaphore_mem>>) {add = true}
          %dma_wait3A_615 = arith.constant 0 : i32
          %dma_wait3A_616 = tpu.memref_slice %arg20[%mul3A_2, %dma_wait3A_615] : memref<160000x8xf32, #tpu.memory_space<vmem_shared>> -> memref<10000x8xf32, #tpu.memory_space<vmem_shared>>
          %dma_wait3A_617 = arith.constant 0 : i32
          %dma_wait3A_618 = arith.constant 0 : i32
          %dma_wait3A_619 = tpu.memref_slice %dma_wait3A_616[%dma_wait3A_617, %dma_wait3A_618] : memref<10000x8xf32, #tpu.memory_space<vmem_shared>> -> memref<10000x8xf32, #tpu.memory_space<vmem_shared>>
          tpu.wait_indirect_dma semaphore(%run_scoped3A : memref<!tpu.dma_semaphore, #tpu.memory_space<semaphore_mem>>) src(%arg27 : memref<2000x8xf32, #tpu.memory_space<vmem>>) dst(%dma_wait3A_619 : memref<10000x8xf32, #tpu.memory_space<vmem_shared>>)
          tpu.yield
        }) : () -> ()
      }
      %scan3A_510 = arith.constant 19 : i32
      %add3A_511 = arith.constant 78000 : i32
      %add3A_512 = arith.addi %mul3A_498, %add3A_511 : i32
      %mul3A_513 = arith.constant 8 : i32
      %mul3A_514 = arith.muli %select_n3A_480, %mul3A_513 : i32
      %dma_start3A_515 = tpu.memref_slice %arg11[%add3A_512, %mul3A_514] : memref<160000x16xf32, #tpu.memory_space<hbm>> -> memref<2000x8xf32, #tpu.memory_space<hbm>>
      %dma_start3A_516 = tpu.memref_slice %arg11[%add3A_512, %mul3A_514] : memref<160000x16xf32, #tpu.memory_space<hbm>> -> memref<2000x8xf32, #tpu.memory_space<hbm>>
      tpu.enqueue_dma source(%dma_start3A_516 : memref<2000x8xf32, #tpu.memory_space<hbm>>) target(%arg27 : memref<2000x8xf32, #tpu.memory_space<vmem>>) target_semaphore(%arg30 : memref<!tpu.dma_semaphore, #tpu.memory_space<semaphore_mem>>)
      %add3A_517 = arith.constant 76000 : i32
      %add3A_518 = arith.addi %mul3A_498, %add3A_517 : i32
      %dma_start3A_519 = tpu.memref_slice %arg4[%add3A_518] : memref<160000xi32, #tpu.memory_space<hbm>> -> memref<2000xi32, #tpu.memory_space<hbm>>
      %dma_start3A_520 = tpu.memref_slice %arg4[%add3A_518] : memref<160000xi32, #tpu.memory_space<hbm>> -> memref<2000xi32, #tpu.memory_space<hbm>>
      tpu.enqueue_dma source(%dma_start3A_520 : memref<2000xi32, #tpu.memory_space<hbm>>) target(%arg24 : memref<2000xi32, #tpu.memory_space<vmem>>) target_semaphore(%arg31 : memref<!tpu.dma_semaphore, #tpu.memory_space<semaphore_mem>>)
      %add3A_521 = arith.constant 0 : i32
      %add3A_522 = arith.addi %mul3A_498, %add3A_521 : i32
      %dma_wait3A_523 = tpu.memref_slice %arg4[%add3A_522] : memref<160000xi32, #tpu.memory_space<hbm>> -> memref<2000xi32, #tpu.memory_space<hbm>>
      %dma_wait3A_524 = tpu.memref_slice %arg4[%add3A_522] : memref<160000xi32, #tpu.memory_space<hbm>> -> memref<2000xi32, #tpu.memory_space<hbm>>
      tpu.wait_dma2 semaphore(%arg31 : memref<!tpu.dma_semaphore, #tpu.memory_space<semaphore_mem>>) src(%dma_wait3A_524 : memref<2000xi32, #tpu.memory_space<hbm>>) dst(%arg24 : memref<2000xi32, #tpu.memory_space<vmem>>)
      %add3A_525 = arith.constant 0 : i32
      %add3A_526 = arith.addi %mul3A_498, %add3A_525 : i32
      %mul3A_527 = arith.constant 8 : i32
      %mul3A_528 = arith.muli %select_n3A_480, %mul3A_527 : i32
      %dma_wait3A_529 = tpu.memref_slice %arg11[%add3A_526, %mul3A_528] : memref<160000x16xf32, #tpu.memory_space<hbm>> -> memref<2000x8xf32, #tpu.memory_space<hbm>>
      %dma_wait3A_530 = tpu.memref_slice %arg11[%add3A_526, %mul3A_528] : memref<160000x16xf32, #tpu.memory_space<hbm>> -> memref<2000x8xf32, #tpu.memory_space<hbm>>
      tpu.wait_dma2 semaphore(%arg29 : memref<!tpu.dma_semaphore, #tpu.memory_space<semaphore_mem>>) src(%dma_wait3A_530 : memref<2000x8xf32, #tpu.memory_space<hbm>>) dst(%arg26 : memref<2000x8xf32, #tpu.memory_space<vmem>>)
      "tpu.region"() ({
        %run_scoped3A = tpu.sem_alloc : memref<!tpu.dma_semaphore, #tpu.memory_space<semaphore_mem>>
        %dma_start3A_551 = arith.constant 0 : i32
        %dma_start3A_552 = tpu.memref_slice %arg20[%mul3A_2, %dma_start3A_551] : memref<160000x8xf32, #tpu.memory_space<vmem_shared>> -> memref<10000x8xf32, #tpu.memory_space<vmem_shared>>
        %dma_start3A_553 = arith.constant 0 : i32
        %dma_start3A_554 = arith.constant 0 : i32
        %dma_start3A_555 = tpu.memref_slice %dma_start3A_552[%dma_start3A_553, %dma_start3A_554] : memref<10000x8xf32, #tpu.memory_space<vmem_shared>> -> memref<10000x8xf32, #tpu.memory_space<vmem_shared>>
        tpu.enqueue_indirect_dma source(%arg26 : memref<2000x8xf32, #tpu.memory_space<vmem>>) target(%dma_start3A_555 : memref<10000x8xf32, #tpu.memory_space<vmem_shared>>) offsets(%arg24 : memref<2000xi32, #tpu.memory_space<vmem>>) semaphore(%run_scoped3A : memref<!tpu.dma_semaphore, #tpu.memory_space<semaphore_mem>>) {add = true}
        %dma_wait3A_556 = arith.constant 0 : i32
        %dma_wait3A_557 = tpu.memref_slice %arg20[%mul3A_2, %dma_wait3A_556] : memref<160000x8xf32, #tpu.memory_space<vmem_shared>> -> memref<10000x8xf32, #tpu.memory_space<vmem_shared>>
        %dma_wait3A_558 = arith.constant 0 : i32
        %dma_wait3A_559 = arith.constant 0 : i32
        %dma_wait3A_560 = tpu.memref_slice %dma_wait3A_557[%dma_wait3A_558, %dma_wait3A_559] : memref<10000x8xf32, #tpu.memory_space<vmem_shared>> -> memref<10000x8xf32, #tpu.memory_space<vmem_shared>>
        tpu.wait_indirect_dma semaphore(%run_scoped3A : memref<!tpu.dma_semaphore, #tpu.memory_space<semaphore_mem>>) src(%arg26 : memref<2000x8xf32, #tpu.memory_space<vmem>>) dst(%dma_wait3A_560 : memref<10000x8xf32, #tpu.memory_space<vmem_shared>>)
        tpu.yield
      }) : () -> ()
      %add3A_531 = arith.constant 78000 : i32
      %add3A_532 = arith.addi %mul3A_498, %add3A_531 : i32
      %dma_start3A_533 = tpu.memref_slice %arg4[%add3A_532] : memref<160000xi32, #tpu.memory_space<hbm>> -> memref<2000xi32, #tpu.memory_space<hbm>>
      %dma_start3A_534 = tpu.memref_slice %arg4[%add3A_532] : memref<160000xi32, #tpu.memory_space<hbm>> -> memref<2000xi32, #tpu.memory_space<hbm>>
      tpu.enqueue_dma source(%dma_start3A_534 : memref<2000xi32, #tpu.memory_space<hbm>>) target(%arg25 : memref<2000xi32, #tpu.memory_space<vmem>>) target_semaphore(%arg32 : memref<!tpu.dma_semaphore, #tpu.memory_space<semaphore_mem>>)
      %add3A_535 = arith.constant 0 : i32
      %add3A_536 = arith.addi %mul3A_498, %add3A_535 : i32
      %dma_wait3A_537 = tpu.memref_slice %arg4[%add3A_536] : memref<160000xi32, #tpu.memory_space<hbm>> -> memref<2000xi32, #tpu.memory_space<hbm>>
      %dma_wait3A_538 = tpu.memref_slice %arg4[%add3A_536] : memref<160000xi32, #tpu.memory_space<hbm>> -> memref<2000xi32, #tpu.memory_space<hbm>>
      tpu.wait_dma2 semaphore(%arg32 : memref<!tpu.dma_semaphore, #tpu.memory_space<semaphore_mem>>) src(%dma_wait3A_538 : memref<2000xi32, #tpu.memory_space<hbm>>) dst(%arg25 : memref<2000xi32, #tpu.memory_space<vmem>>)
      %add3A_539 = arith.constant 0 : i32
      %add3A_540 = arith.addi %mul3A_498, %add3A_539 : i32
      %mul3A_541 = arith.constant 8 : i32
      %mul3A_542 = arith.muli %select_n3A_480, %mul3A_541 : i32
      %dma_wait3A_543 = tpu.memref_slice %arg11[%add3A_540, %mul3A_542] : memref<160000x16xf32, #tpu.memory_space<hbm>> -> memref<2000x8xf32, #tpu.memory_space<hbm>>
      %dma_wait3A_544 = tpu.memref_slice %arg11[%add3A_540, %mul3A_542] : memref<160000x16xf32, #tpu.memory_space<hbm>> -> memref<2000x8xf32, #tpu.memory_space<hbm>>
      tpu.wait_dma2 semaphore(%arg30 : memref<!tpu.dma_semaphore, #tpu.memory_space<semaphore_mem>>) src(%dma_wait3A_544 : memref<2000x8xf32, #tpu.memory_space<hbm>>) dst(%arg27 : memref<2000x8xf32, #tpu.memory_space<vmem>>)
      "tpu.region"() ({
        %run_scoped3A = tpu.sem_alloc : memref<!tpu.dma_semaphore, #tpu.memory_space<semaphore_mem>>
        %dma_start3A_551 = arith.constant 0 : i32
        %dma_start3A_552 = tpu.memref_slice %arg20[%mul3A_2, %dma_start3A_551] : memref<160000x8xf32, #tpu.memory_space<vmem_shared>> -> memref<10000x8xf32, #tpu.memory_space<vmem_shared>>
        %dma_start3A_553 = arith.constant 0 : i32
        %dma_start3A_554 = arith.constant 0 : i32
        %dma_start3A_555 = tpu.memref_slice %dma_start3A_552[%dma_start3A_553, %dma_start3A_554] : memref<10000x8xf32, #tpu.memory_space<vmem_shared>> -> memref<10000x8xf32, #tpu.memory_space<vmem_shared>>
        tpu.enqueue_indirect_dma source(%arg27 : memref<2000x8xf32, #tpu.memory_space<vmem>>) target(%dma_start3A_555 : memref<10000x8xf32, #tpu.memory_space<vmem_shared>>) offsets(%arg25 : memref<2000xi32, #tpu.memory_space<vmem>>) semaphore(%run_scoped3A : memref<!tpu.dma_semaphore, #tpu.memory_space<semaphore_mem>>) {add = true}
        %dma_wait3A_556 = arith.constant 0 : i32
        %dma_wait3A_557 = tpu.memref_slice %arg20[%mul3A_2, %dma_wait3A_556] : memref<160000x8xf32, #tpu.memory_space<vmem_shared>> -> memref<10000x8xf32, #tpu.memory_space<vmem_shared>>
        %dma_wait3A_558 = arith.constant 0 : i32
        %dma_wait3A_559 = arith.constant 0 : i32
        %dma_wait3A_560 = tpu.memref_slice %dma_wait3A_557[%dma_wait3A_558, %dma_wait3A_559] : memref<10000x8xf32, #tpu.memory_space<vmem_shared>> -> memref<10000x8xf32, #tpu.memory_space<vmem_shared>>
        tpu.wait_indirect_dma semaphore(%run_scoped3A : memref<!tpu.dma_semaphore, #tpu.memory_space<semaphore_mem>>) src(%arg27 : memref<2000x8xf32, #tpu.memory_space<vmem>>) dst(%dma_wait3A_560 : memref<10000x8xf32, #tpu.memory_space<vmem_shared>>)
        tpu.yield
      }) : () -> ()
      %mul3A_545 = arith.constant 40000 : i32
      %mul3A_546 = arith.muli %select_n3A_496, %mul3A_545 : i32
      %add3A_547 = arith.constant 0 : i32
      %add3A_548 = arith.addi %mul3A_546, %add3A_547 : i32
      %mul3A_549 = arith.constant 8 : i32
      %mul3A_550 = arith.muli %select_n3A_480, %mul3A_549 : i32
      "tpu.region"() ({
        %run_scoped3A = tpu.sem_alloc : memref<!tpu.dma_semaphore, #tpu.memory_space<semaphore_mem>>
        %dma_start3A_551 = tpu.memref_slice %arg18[%add3A_548, %mul3A_550] : memref<80000x16xf32, #tpu.memory_space<hbm>> -> memref<10000x8xf32, #tpu.memory_space<hbm>>
        %dma_start3A_552 = arith.constant 0 : i32
        %dma_start3A_553 = tpu.memref_slice %arg20[%mul3A_2, %dma_start3A_552] : memref<160000x8xf32, #tpu.memory_space<vmem_shared>> -> memref<10000x8xf32, #tpu.memory_space<vmem_shared>>
        tpu.enqueue_dma source(%dma_start3A_553 : memref<10000x8xf32, #tpu.memory_space<vmem_shared>>) target(%dma_start3A_551 : memref<10000x8xf32, #tpu.memory_space<hbm>>) target_semaphore(%run_scoped3A : memref<!tpu.dma_semaphore, #tpu.memory_space<semaphore_mem>>)
        %dma_wait3A_554 = tpu.memref_slice %arg18[%add3A_548, %mul3A_550] : memref<80000x16xf32, #tpu.memory_space<hbm>> -> memref<10000x8xf32, #tpu.memory_space<hbm>>
        %dma_wait3A_555 = arith.constant 0 : i32
        %dma_wait3A_556 = tpu.memref_slice %arg20[%mul3A_2, %dma_wait3A_555] : memref<160000x8xf32, #tpu.memory_space<vmem_shared>> -> memref<10000x8xf32, #tpu.memory_space<vmem_shared>>
        tpu.wait_dma2 semaphore(%run_scoped3A : memref<!tpu.dma_semaphore, #tpu.memory_space<semaphore_mem>>) src(%dma_wait3A_556 : memref<10000x8xf32, #tpu.memory_space<vmem_shared>>) dst(%dma_wait3A_554 : memref<10000x8xf32, #tpu.memory_space<hbm>>)
        tpu.yield
      }) : () -> ()
    } else {
    }
    %jit3A_208 = arith.constant 4 : i32
    %div3A_209 = arith.divsi %add3A, %jit3A_208 : i32
    %sign3A_210 = arith.constant 0 : i32
    %sign3A_211 = arith.cmpi sgt, %add3A, %sign3A_210 : i32
    %sign3A_212 = arith.extui %sign3A_211 : i1 to i32
    %sign3A_213 = arith.constant 0 : i32
    %sign3A_214 = arith.cmpi slt, %add3A, %sign3A_213 : i32
    %sign3A_215 = arith.extui %sign3A_214 : i1 to i32
    %sign3A_216 = arith.subi %sign3A_212, %sign3A_215 : i32
    %sign3A_217 = arith.constant 0 : i32
    %sign3A_218 = arith.cmpi sgt, %jit3A_208, %sign3A_217 : i32
    %sign3A_219 = arith.extui %sign3A_218 : i1 to i32
    %sign3A_220 = arith.constant 0 : i32
    %sign3A_221 = arith.cmpi slt, %jit3A_208, %sign3A_220 : i32
    %sign3A_222 = arith.extui %sign3A_221 : i1 to i32
    %sign3A_223 = arith.subi %sign3A_219, %sign3A_222 : i32
    %ne3A_224 = arith.cmpi ne, %sign3A_216, %sign3A_223 : i32
    %rem3A_225 = arith.remsi %add3A, %jit3A_208 : i32
    %ne3A_226 = arith.constant 0 : i32
    %ne3A_227 = arith.cmpi ne, %rem3A_225, %ne3A_226 : i32
    %and3A_228 = arith.andi %ne3A_224, %ne3A_227 : i1
    %sub3A_229 = arith.constant 1 : i32
    %sub3A_230 = arith.subi %div3A_209, %sub3A_229 : i32
    %select_n3A_231 = arith.select %and3A_228, %sub3A_230, %div3A_209 : i32
    %eq3A_232 = arith.constant 1 : i32
    %eq3A_233 = arith.cmpi eq, %select_n3A_231, %eq3A_232 : i32
    %convert_element_type3A_234 = arith.extui %eq3A_233 : i1 to i32
    %cond3A_235 = arith.constant 0 : i32
    %cond3A_236 = arith.cmpi ne, %convert_element_type3A_234, %cond3A_235 : i32
    scf.if %cond3A_236 {
      %jit3A_441 = arith.constant 2 : i32
      %div3A_442 = arith.divsi %add3A, %jit3A_441 : i32
      %sign3A_443 = arith.constant 0 : i32
      %sign3A_444 = arith.cmpi sgt, %add3A, %sign3A_443 : i32
      %sign3A_445 = arith.extui %sign3A_444 : i1 to i32
      %sign3A_446 = arith.constant 0 : i32
      %sign3A_447 = arith.cmpi slt, %add3A, %sign3A_446 : i32
      %sign3A_448 = arith.extui %sign3A_447 : i1 to i32
      %sign3A_449 = arith.subi %sign3A_445, %sign3A_448 : i32
      %sign3A_450 = arith.constant 0 : i32
      %sign3A_451 = arith.cmpi sgt, %jit3A_441, %sign3A_450 : i32
      %sign3A_452 = arith.extui %sign3A_451 : i1 to i32
      %sign3A_453 = arith.constant 0 : i32
      %sign3A_454 = arith.cmpi slt, %jit3A_441, %sign3A_453 : i32
      %sign3A_455 = arith.extui %sign3A_454 : i1 to i32
      %sign3A_456 = arith.subi %sign3A_452, %sign3A_455 : i32
      %ne3A_457 = arith.cmpi ne, %sign3A_449, %sign3A_456 : i32
      %rem3A_458 = arith.remsi %add3A, %jit3A_441 : i32
      %ne3A_459 = arith.constant 0 : i32
      %ne3A_460 = arith.cmpi ne, %rem3A_458, %ne3A_459 : i32
      %and3A_461 = arith.andi %ne3A_457, %ne3A_460 : i1
      %sub3A_462 = arith.constant 1 : i32
      %sub3A_463 = arith.subi %div3A_442, %sub3A_462 : i32
      %select_n3A_464 = arith.select %and3A_461, %sub3A_463, %div3A_442 : i32
      %jit3A_465 = arith.constant 2 : i32
      %eq3A_466 = arith.constant 0 : i32
      %eq3A_467 = arith.cmpi eq, %jit3A_465, %eq3A_466 : i32
      %jit3A_468 = arith.constant 1 : i32
      %select_n3A_469 = arith.select %eq3A_467, %jit3A_468, %jit3A_465 : i32
      %rem3A_470 = arith.remsi %select_n3A_464, %select_n3A_469 : i32
      %ne3A_471 = arith.constant 0 : i32
      %ne3A_472 = arith.cmpi ne, %rem3A_470, %ne3A_471 : i32
      %lt3A_473 = arith.constant 0 : i32
      %lt3A_474 = arith.cmpi slt, %rem3A_470, %lt3A_473 : i32
      %lt3A_475 = arith.constant 0 : i32
      %lt3A_476 = arith.cmpi slt, %select_n3A_469, %lt3A_475 : i32
      %ne3A_477 = arith.xori %lt3A_474, %lt3A_476 : i1
      %and3A_478 = arith.andi %ne3A_477, %ne3A_472 : i1
      %add3A_479 = arith.addi %rem3A_470, %select_n3A_469 : i32
      %select_n3A_480 = arith.select %and3A_478, %add3A_479, %rem3A_470 : i32
      %jit3A_481 = arith.constant 2 : i32
      %eq3A_482 = arith.constant 0 : i32
      %eq3A_483 = arith.cmpi eq, %jit3A_481, %eq3A_482 : i32
      %jit3A_484 = arith.constant 1 : i32
      %select_n3A_485 = arith.select %eq3A_483, %jit3A_484, %jit3A_481 : i32
      %rem3A_486 = arith.remsi %add3A, %select_n3A_485 : i32
      %ne3A_487 = arith.constant 0 : i32
      %ne3A_488 = arith.cmpi ne, %rem3A_486, %ne3A_487 : i32
      %lt3A_489 = arith.constant 0 : i32
      %lt3A_490 = arith.cmpi slt, %rem3A_486, %lt3A_489 : i32
      %lt3A_491 = arith.constant 0 : i32
      %lt3A_492 = arith.cmpi slt, %select_n3A_485, %lt3A_491 : i32
      %ne3A_493 = arith.xori %lt3A_490, %lt3A_492 : i1
      %and3A_494 = arith.andi %ne3A_493, %ne3A_488 : i1
      %add3A_495 = arith.addi %rem3A_486, %select_n3A_485 : i32
      %select_n3A_496 = arith.select %and3A_494, %add3A_495, %rem3A_486 : i32
      %mul3A_497 = arith.constant 80000 : i32
      %mul3A_498 = arith.muli %select_n3A_496, %mul3A_497 : i32
      "tpu.region"() ({
        %run_scoped3A = tpu.sem_alloc : memref<!tpu.dma_semaphore, #tpu.memory_space<semaphore_mem>>
        %dma_start3A_551 = arith.constant 0 : i32
        %dma_start3A_552 = tpu.memref_slice %arg20[%mul3A_2, %dma_start3A_551] : memref<160000x8xf32, #tpu.memory_space<vmem_shared>> -> memref<10000x8xf32, #tpu.memory_space<vmem_shared>>
        tpu.enqueue_dma source(%arg15 : memref<10000x8xf32, #tpu.memory_space<hbm>>) target(%dma_start3A_552 : memref<10000x8xf32, #tpu.memory_space<vmem_shared>>) target_semaphore(%run_scoped3A : memref<!tpu.dma_semaphore, #tpu.memory_space<semaphore_mem>>)
        %dma_wait3A_553 = arith.constant 0 : i32
        %dma_wait3A_554 = tpu.memref_slice %arg20[%mul3A_2, %dma_wait3A_553] : memref<160000x8xf32, #tpu.memory_space<vmem_shared>> -> memref<10000x8xf32, #tpu.memory_space<vmem_shared>>
        tpu.wait_dma2 semaphore(%run_scoped3A : memref<!tpu.dma_semaphore, #tpu.memory_space<semaphore_mem>>) src(%arg15 : memref<10000x8xf32, #tpu.memory_space<hbm>>) dst(%dma_wait3A_554 : memref<10000x8xf32, #tpu.memory_space<vmem_shared>>)
        tpu.yield
      }) : () -> ()
      %add3A_499 = arith.constant 0 : i32
      %add3A_500 = arith.addi %mul3A_498, %add3A_499 : i32
      %mul3A_501 = arith.constant 8 : i32
      %mul3A_502 = arith.muli %select_n3A_480, %mul3A_501 : i32
      %dma_start3A_503 = tpu.memref_slice %arg12[%add3A_500, %mul3A_502] : memref<160000x16xf32, #tpu.memory_space<hbm>> -> memref<2000x8xf32, #tpu.memory_space<hbm>>
      %dma_start3A_504 = tpu.memref_slice %arg12[%add3A_500, %mul3A_502] : memref<160000x16xf32, #tpu.memory_space<hbm>> -> memref<2000x8xf32, #tpu.memory_space<hbm>>
      tpu.enqueue_dma source(%dma_start3A_504 : memref<2000x8xf32, #tpu.memory_space<hbm>>) target(%arg26 : memref<2000x8xf32, #tpu.memory_space<vmem>>) target_semaphore(%arg29 : memref<!tpu.dma_semaphore, #tpu.memory_space<semaphore_mem>>)
      %scan3A_505 = arith.constant 0 : i32
      %scan3A_506 = arith.constant 0 : i32
      %scan3A_507 = arith.constant 19 : i32
      %scan3A_508 = arith.addi %scan3A_506, %scan3A_507 : i32
      %scan3A_509 = arith.constant 1 : i32
      scf.for %scan3A_551 = %scan3A_506 to %scan3A_508 step %scan3A_509  : i32 {
        %mul3A_552 = arith.constant 2 : i32
        %mul3A_553 = arith.muli %mul3A_552, %scan3A_551 : i32
        %add3A_554 = arith.constant 1 : i32
        %add3A_555 = arith.addi %mul3A_553, %add3A_554 : i32
        %mul3A_556 = arith.constant 2000 : i32
        %mul3A_557 = arith.muli %add3A_555, %mul3A_556 : i32
        %add3A_558 = arith.addi %mul3A_498, %mul3A_557 : i32
        %mul3A_559 = arith.constant 8 : i32
        %mul3A_560 = arith.muli %select_n3A_480, %mul3A_559 : i32
        %dma_start3A_561 = tpu.memref_slice %arg12[%add3A_558, %mul3A_560] : memref<160000x16xf32, #tpu.memory_space<hbm>> -> memref<2000x8xf32, #tpu.memory_space<hbm>>
        %dma_start3A_562 = tpu.memref_slice %arg12[%add3A_558, %mul3A_560] : memref<160000x16xf32, #tpu.memory_space<hbm>> -> memref<2000x8xf32, #tpu.memory_space<hbm>>
        tpu.enqueue_dma source(%dma_start3A_562 : memref<2000x8xf32, #tpu.memory_space<hbm>>) target(%arg27 : memref<2000x8xf32, #tpu.memory_space<vmem>>) target_semaphore(%arg30 : memref<!tpu.dma_semaphore, #tpu.memory_space<semaphore_mem>>)
        %mul3A_563 = arith.constant 2 : i32
        %mul3A_564 = arith.muli %mul3A_563, %scan3A_551 : i32
        %mul3A_565 = arith.constant 2000 : i32
        %mul3A_566 = arith.muli %mul3A_564, %mul3A_565 : i32
        %add3A_567 = arith.addi %mul3A_498, %mul3A_566 : i32
        %dma_start3A_568 = tpu.memref_slice %arg6[%add3A_567] : memref<160000xi32, #tpu.memory_space<hbm>> -> memref<2000xi32, #tpu.memory_space<hbm>>
        %dma_start3A_569 = tpu.memref_slice %arg6[%add3A_567] : memref<160000xi32, #tpu.memory_space<hbm>> -> memref<2000xi32, #tpu.memory_space<hbm>>
        tpu.enqueue_dma source(%dma_start3A_569 : memref<2000xi32, #tpu.memory_space<hbm>>) target(%arg24 : memref<2000xi32, #tpu.memory_space<vmem>>) target_semaphore(%arg31 : memref<!tpu.dma_semaphore, #tpu.memory_space<semaphore_mem>>)
        %add3A_570 = arith.constant 0 : i32
        %add3A_571 = arith.addi %mul3A_498, %add3A_570 : i32
        %dma_wait3A_572 = tpu.memref_slice %arg6[%add3A_571] : memref<160000xi32, #tpu.memory_space<hbm>> -> memref<2000xi32, #tpu.memory_space<hbm>>
        %dma_wait3A_573 = tpu.memref_slice %arg6[%add3A_571] : memref<160000xi32, #tpu.memory_space<hbm>> -> memref<2000xi32, #tpu.memory_space<hbm>>
        tpu.wait_dma2 semaphore(%arg31 : memref<!tpu.dma_semaphore, #tpu.memory_space<semaphore_mem>>) src(%dma_wait3A_573 : memref<2000xi32, #tpu.memory_space<hbm>>) dst(%arg24 : memref<2000xi32, #tpu.memory_space<vmem>>)
        %add3A_574 = arith.constant 0 : i32
        %add3A_575 = arith.addi %mul3A_498, %add3A_574 : i32
        %mul3A_576 = arith.constant 8 : i32
        %mul3A_577 = arith.muli %select_n3A_480, %mul3A_576 : i32
        %dma_wait3A_578 = tpu.memref_slice %arg12[%add3A_575, %mul3A_577] : memref<160000x16xf32, #tpu.memory_space<hbm>> -> memref<2000x8xf32, #tpu.memory_space<hbm>>
        %dma_wait3A_579 = tpu.memref_slice %arg12[%add3A_575, %mul3A_577] : memref<160000x16xf32, #tpu.memory_space<hbm>> -> memref<2000x8xf32, #tpu.memory_space<hbm>>
        tpu.wait_dma2 semaphore(%arg29 : memref<!tpu.dma_semaphore, #tpu.memory_space<semaphore_mem>>) src(%dma_wait3A_579 : memref<2000x8xf32, #tpu.memory_space<hbm>>) dst(%arg26 : memref<2000x8xf32, #tpu.memory_space<vmem>>)
        "tpu.region"() ({
          %run_scoped3A = tpu.sem_alloc : memref<!tpu.dma_semaphore, #tpu.memory_space<semaphore_mem>>
          %dma_start3A_610 = arith.constant 0 : i32
          %dma_start3A_611 = tpu.memref_slice %arg20[%mul3A_2, %dma_start3A_610] : memref<160000x8xf32, #tpu.memory_space<vmem_shared>> -> memref<10000x8xf32, #tpu.memory_space<vmem_shared>>
          %dma_start3A_612 = arith.constant 0 : i32
          %dma_start3A_613 = arith.constant 0 : i32
          %dma_start3A_614 = tpu.memref_slice %dma_start3A_611[%dma_start3A_612, %dma_start3A_613] : memref<10000x8xf32, #tpu.memory_space<vmem_shared>> -> memref<10000x8xf32, #tpu.memory_space<vmem_shared>>
          tpu.enqueue_indirect_dma source(%arg26 : memref<2000x8xf32, #tpu.memory_space<vmem>>) target(%dma_start3A_614 : memref<10000x8xf32, #tpu.memory_space<vmem_shared>>) offsets(%arg24 : memref<2000xi32, #tpu.memory_space<vmem>>) semaphore(%run_scoped3A : memref<!tpu.dma_semaphore, #tpu.memory_space<semaphore_mem>>) {add = true}
          %dma_wait3A_615 = arith.constant 0 : i32
          %dma_wait3A_616 = tpu.memref_slice %arg20[%mul3A_2, %dma_wait3A_615] : memref<160000x8xf32, #tpu.memory_space<vmem_shared>> -> memref<10000x8xf32, #tpu.memory_space<vmem_shared>>
          %dma_wait3A_617 = arith.constant 0 : i32
          %dma_wait3A_618 = arith.constant 0 : i32
          %dma_wait3A_619 = tpu.memref_slice %dma_wait3A_616[%dma_wait3A_617, %dma_wait3A_618] : memref<10000x8xf32, #tpu.memory_space<vmem_shared>> -> memref<10000x8xf32, #tpu.memory_space<vmem_shared>>
          tpu.wait_indirect_dma semaphore(%run_scoped3A : memref<!tpu.dma_semaphore, #tpu.memory_space<semaphore_mem>>) src(%arg26 : memref<2000x8xf32, #tpu.memory_space<vmem>>) dst(%dma_wait3A_619 : memref<10000x8xf32, #tpu.memory_space<vmem_shared>>)
          tpu.yield
        }) : () -> ()
        %mul3A_580 = arith.constant 2 : i32
        %mul3A_581 = arith.muli %mul3A_580, %scan3A_551 : i32
        %add3A_582 = arith.constant 2 : i32
        %add3A_583 = arith.addi %mul3A_581, %add3A_582 : i32
        %mul3A_584 = arith.constant 2000 : i32
        %mul3A_585 = arith.muli %add3A_583, %mul3A_584 : i32
        %add3A_586 = arith.addi %mul3A_498, %mul3A_585 : i32
        %mul3A_587 = arith.constant 8 : i32
        %mul3A_588 = arith.muli %select_n3A_480, %mul3A_587 : i32
        %dma_start3A_589 = tpu.memref_slice %arg12[%add3A_586, %mul3A_588] : memref<160000x16xf32, #tpu.memory_space<hbm>> -> memref<2000x8xf32, #tpu.memory_space<hbm>>
        %dma_start3A_590 = tpu.memref_slice %arg12[%add3A_586, %mul3A_588] : memref<160000x16xf32, #tpu.memory_space<hbm>> -> memref<2000x8xf32, #tpu.memory_space<hbm>>
        tpu.enqueue_dma source(%dma_start3A_590 : memref<2000x8xf32, #tpu.memory_space<hbm>>) target(%arg26 : memref<2000x8xf32, #tpu.memory_space<vmem>>) target_semaphore(%arg29 : memref<!tpu.dma_semaphore, #tpu.memory_space<semaphore_mem>>)
        %mul3A_591 = arith.constant 2 : i32
        %mul3A_592 = arith.muli %mul3A_591, %scan3A_551 : i32
        %add3A_593 = arith.constant 1 : i32
        %add3A_594 = arith.addi %mul3A_592, %add3A_593 : i32
        %mul3A_595 = arith.constant 2000 : i32
        %mul3A_596 = arith.muli %add3A_594, %mul3A_595 : i32
        %add3A_597 = arith.addi %mul3A_498, %mul3A_596 : i32
        %dma_start3A_598 = tpu.memref_slice %arg6[%add3A_597] : memref<160000xi32, #tpu.memory_space<hbm>> -> memref<2000xi32, #tpu.memory_space<hbm>>
        %dma_start3A_599 = tpu.memref_slice %arg6[%add3A_597] : memref<160000xi32, #tpu.memory_space<hbm>> -> memref<2000xi32, #tpu.memory_space<hbm>>
        tpu.enqueue_dma source(%dma_start3A_599 : memref<2000xi32, #tpu.memory_space<hbm>>) target(%arg25 : memref<2000xi32, #tpu.memory_space<vmem>>) target_semaphore(%arg32 : memref<!tpu.dma_semaphore, #tpu.memory_space<semaphore_mem>>)
        %add3A_600 = arith.constant 0 : i32
        %add3A_601 = arith.addi %mul3A_498, %add3A_600 : i32
        %dma_wait3A_602 = tpu.memref_slice %arg6[%add3A_601] : memref<160000xi32, #tpu.memory_space<hbm>> -> memref<2000xi32, #tpu.memory_space<hbm>>
        %dma_wait3A_603 = tpu.memref_slice %arg6[%add3A_601] : memref<160000xi32, #tpu.memory_space<hbm>> -> memref<2000xi32, #tpu.memory_space<hbm>>
        tpu.wait_dma2 semaphore(%arg32 : memref<!tpu.dma_semaphore, #tpu.memory_space<semaphore_mem>>) src(%dma_wait3A_603 : memref<2000xi32, #tpu.memory_space<hbm>>) dst(%arg25 : memref<2000xi32, #tpu.memory_space<vmem>>)
        %add3A_604 = arith.constant 0 : i32
        %add3A_605 = arith.addi %mul3A_498, %add3A_604 : i32
        %mul3A_606 = arith.constant 8 : i32
        %mul3A_607 = arith.muli %select_n3A_480, %mul3A_606 : i32
        %dma_wait3A_608 = tpu.memref_slice %arg12[%add3A_605, %mul3A_607] : memref<160000x16xf32, #tpu.memory_space<hbm>> -> memref<2000x8xf32, #tpu.memory_space<hbm>>
        %dma_wait3A_609 = tpu.memref_slice %arg12[%add3A_605, %mul3A_607] : memref<160000x16xf32, #tpu.memory_space<hbm>> -> memref<2000x8xf32, #tpu.memory_space<hbm>>
        tpu.wait_dma2 semaphore(%arg30 : memref<!tpu.dma_semaphore, #tpu.memory_space<semaphore_mem>>) src(%dma_wait3A_609 : memref<2000x8xf32, #tpu.memory_space<hbm>>) dst(%arg27 : memref<2000x8xf32, #tpu.memory_space<vmem>>)
        "tpu.region"() ({
          %run_scoped3A = tpu.sem_alloc : memref<!tpu.dma_semaphore, #tpu.memory_space<semaphore_mem>>
          %dma_start3A_610 = arith.constant 0 : i32
          %dma_start3A_611 = tpu.memref_slice %arg20[%mul3A_2, %dma_start3A_610] : memref<160000x8xf32, #tpu.memory_space<vmem_shared>> -> memref<10000x8xf32, #tpu.memory_space<vmem_shared>>
          %dma_start3A_612 = arith.constant 0 : i32
          %dma_start3A_613 = arith.constant 0 : i32
          %dma_start3A_614 = tpu.memref_slice %dma_start3A_611[%dma_start3A_612, %dma_start3A_613] : memref<10000x8xf32, #tpu.memory_space<vmem_shared>> -> memref<10000x8xf32, #tpu.memory_space<vmem_shared>>
          tpu.enqueue_indirect_dma source(%arg27 : memref<2000x8xf32, #tpu.memory_space<vmem>>) target(%dma_start3A_614 : memref<10000x8xf32, #tpu.memory_space<vmem_shared>>) offsets(%arg25 : memref<2000xi32, #tpu.memory_space<vmem>>) semaphore(%run_scoped3A : memref<!tpu.dma_semaphore, #tpu.memory_space<semaphore_mem>>) {add = true}
          %dma_wait3A_615 = arith.constant 0 : i32
          %dma_wait3A_616 = tpu.memref_slice %arg20[%mul3A_2, %dma_wait3A_615] : memref<160000x8xf32, #tpu.memory_space<vmem_shared>> -> memref<10000x8xf32, #tpu.memory_space<vmem_shared>>
          %dma_wait3A_617 = arith.constant 0 : i32
          %dma_wait3A_618 = arith.constant 0 : i32
          %dma_wait3A_619 = tpu.memref_slice %dma_wait3A_616[%dma_wait3A_617, %dma_wait3A_618] : memref<10000x8xf32, #tpu.memory_space<vmem_shared>> -> memref<10000x8xf32, #tpu.memory_space<vmem_shared>>
          tpu.wait_indirect_dma semaphore(%run_scoped3A : memref<!tpu.dma_semaphore, #tpu.memory_space<semaphore_mem>>) src(%arg27 : memref<2000x8xf32, #tpu.memory_space<vmem>>) dst(%dma_wait3A_619 : memref<10000x8xf32, #tpu.memory_space<vmem_shared>>)
          tpu.yield
        }) : () -> ()
      }
      %scan3A_510 = arith.constant 19 : i32
      %add3A_511 = arith.constant 78000 : i32
      %add3A_512 = arith.addi %mul3A_498, %add3A_511 : i32
      %mul3A_513 = arith.constant 8 : i32
      %mul3A_514 = arith.muli %select_n3A_480, %mul3A_513 : i32
      %dma_start3A_515 = tpu.memref_slice %arg12[%add3A_512, %mul3A_514] : memref<160000x16xf32, #tpu.memory_space<hbm>> -> memref<2000x8xf32, #tpu.memory_space<hbm>>
      %dma_start3A_516 = tpu.memref_slice %arg12[%add3A_512, %mul3A_514] : memref<160000x16xf32, #tpu.memory_space<hbm>> -> memref<2000x8xf32, #tpu.memory_space<hbm>>
      tpu.enqueue_dma source(%dma_start3A_516 : memref<2000x8xf32, #tpu.memory_space<hbm>>) target(%arg27 : memref<2000x8xf32, #tpu.memory_space<vmem>>) target_semaphore(%arg30 : memref<!tpu.dma_semaphore, #tpu.memory_space<semaphore_mem>>)
      %add3A_517 = arith.constant 76000 : i32
      %add3A_518 = arith.addi %mul3A_498, %add3A_517 : i32
      %dma_start3A_519 = tpu.memref_slice %arg6[%add3A_518] : memref<160000xi32, #tpu.memory_space<hbm>> -> memref<2000xi32, #tpu.memory_space<hbm>>
      %dma_start3A_520 = tpu.memref_slice %arg6[%add3A_518] : memref<160000xi32, #tpu.memory_space<hbm>> -> memref<2000xi32, #tpu.memory_space<hbm>>
      tpu.enqueue_dma source(%dma_start3A_520 : memref<2000xi32, #tpu.memory_space<hbm>>) target(%arg24 : memref<2000xi32, #tpu.memory_space<vmem>>) target_semaphore(%arg31 : memref<!tpu.dma_semaphore, #tpu.memory_space<semaphore_mem>>)
      %add3A_521 = arith.constant 0 : i32
      %add3A_522 = arith.addi %mul3A_498, %add3A_521 : i32
      %dma_wait3A_523 = tpu.memref_slice %arg6[%add3A_522] : memref<160000xi32, #tpu.memory_space<hbm>> -> memref<2000xi32, #tpu.memory_space<hbm>>
      %dma_wait3A_524 = tpu.memref_slice %arg6[%add3A_522] : memref<160000xi32, #tpu.memory_space<hbm>> -> memref<2000xi32, #tpu.memory_space<hbm>>
      tpu.wait_dma2 semaphore(%arg31 : memref<!tpu.dma_semaphore, #tpu.memory_space<semaphore_mem>>) src(%dma_wait3A_524 : memref<2000xi32, #tpu.memory_space<hbm>>) dst(%arg24 : memref<2000xi32, #tpu.memory_space<vmem>>)
      %add3A_525 = arith.constant 0 : i32
      %add3A_526 = arith.addi %mul3A_498, %add3A_525 : i32
      %mul3A_527 = arith.constant 8 : i32
      %mul3A_528 = arith.muli %select_n3A_480, %mul3A_527 : i32
      %dma_wait3A_529 = tpu.memref_slice %arg12[%add3A_526, %mul3A_528] : memref<160000x16xf32, #tpu.memory_space<hbm>> -> memref<2000x8xf32, #tpu.memory_space<hbm>>
      %dma_wait3A_530 = tpu.memref_slice %arg12[%add3A_526, %mul3A_528] : memref<160000x16xf32, #tpu.memory_space<hbm>> -> memref<2000x8xf32, #tpu.memory_space<hbm>>
      tpu.wait_dma2 semaphore(%arg29 : memref<!tpu.dma_semaphore, #tpu.memory_space<semaphore_mem>>) src(%dma_wait3A_530 : memref<2000x8xf32, #tpu.memory_space<hbm>>) dst(%arg26 : memref<2000x8xf32, #tpu.memory_space<vmem>>)
      "tpu.region"() ({
        %run_scoped3A = tpu.sem_alloc : memref<!tpu.dma_semaphore, #tpu.memory_space<semaphore_mem>>
        %dma_start3A_551 = arith.constant 0 : i32
        %dma_start3A_552 = tpu.memref_slice %arg20[%mul3A_2, %dma_start3A_551] : memref<160000x8xf32, #tpu.memory_space<vmem_shared>> -> memref<10000x8xf32, #tpu.memory_space<vmem_shared>>
        %dma_start3A_553 = arith.constant 0 : i32
        %dma_start3A_554 = arith.constant 0 : i32
        %dma_start3A_555 = tpu.memref_slice %dma_start3A_552[%dma_start3A_553, %dma_start3A_554] : memref<10000x8xf32, #tpu.memory_space<vmem_shared>> -> memref<10000x8xf32, #tpu.memory_space<vmem_shared>>
        tpu.enqueue_indirect_dma source(%arg26 : memref<2000x8xf32, #tpu.memory_space<vmem>>) target(%dma_start3A_555 : memref<10000x8xf32, #tpu.memory_space<vmem_shared>>) offsets(%arg24 : memref<2000xi32, #tpu.memory_space<vmem>>) semaphore(%run_scoped3A : memref<!tpu.dma_semaphore, #tpu.memory_space<semaphore_mem>>) {add = true}
        %dma_wait3A_556 = arith.constant 0 : i32
        %dma_wait3A_557 = tpu.memref_slice %arg20[%mul3A_2, %dma_wait3A_556] : memref<160000x8xf32, #tpu.memory_space<vmem_shared>> -> memref<10000x8xf32, #tpu.memory_space<vmem_shared>>
        %dma_wait3A_558 = arith.constant 0 : i32
        %dma_wait3A_559 = arith.constant 0 : i32
        %dma_wait3A_560 = tpu.memref_slice %dma_wait3A_557[%dma_wait3A_558, %dma_wait3A_559] : memref<10000x8xf32, #tpu.memory_space<vmem_shared>> -> memref<10000x8xf32, #tpu.memory_space<vmem_shared>>
        tpu.wait_indirect_dma semaphore(%run_scoped3A : memref<!tpu.dma_semaphore, #tpu.memory_space<semaphore_mem>>) src(%arg26 : memref<2000x8xf32, #tpu.memory_space<vmem>>) dst(%dma_wait3A_560 : memref<10000x8xf32, #tpu.memory_space<vmem_shared>>)
        tpu.yield
      }) : () -> ()
      %add3A_531 = arith.constant 78000 : i32
      %add3A_532 = arith.addi %mul3A_498, %add3A_531 : i32
      %dma_start3A_533 = tpu.memref_slice %arg6[%add3A_532] : memref<160000xi32, #tpu.memory_space<hbm>> -> memref<2000xi32, #tpu.memory_space<hbm>>
      %dma_start3A_534 = tpu.memref_slice %arg6[%add3A_532] : memref<160000xi32, #tpu.memory_space<hbm>> -> memref<2000xi32, #tpu.memory_space<hbm>>
      tpu.enqueue_dma source(%dma_start3A_534 : memref<2000xi32, #tpu.memory_space<hbm>>) target(%arg25 : memref<2000xi32, #tpu.memory_space<vmem>>) target_semaphore(%arg32 : memref<!tpu.dma_semaphore, #tpu.memory_space<semaphore_mem>>)
      %add3A_535 = arith.constant 0 : i32
      %add3A_536 = arith.addi %mul3A_498, %add3A_535 : i32
      %dma_wait3A_537 = tpu.memref_slice %arg6[%add3A_536] : memref<160000xi32, #tpu.memory_space<hbm>> -> memref<2000xi32, #tpu.memory_space<hbm>>
      %dma_wait3A_538 = tpu.memref_slice %arg6[%add3A_536] : memref<160000xi32, #tpu.memory_space<hbm>> -> memref<2000xi32, #tpu.memory_space<hbm>>
      tpu.wait_dma2 semaphore(%arg32 : memref<!tpu.dma_semaphore, #tpu.memory_space<semaphore_mem>>) src(%dma_wait3A_538 : memref<2000xi32, #tpu.memory_space<hbm>>) dst(%arg25 : memref<2000xi32, #tpu.memory_space<vmem>>)
      %add3A_539 = arith.constant 0 : i32
      %add3A_540 = arith.addi %mul3A_498, %add3A_539 : i32
      %mul3A_541 = arith.constant 8 : i32
      %mul3A_542 = arith.muli %select_n3A_480, %mul3A_541 : i32
      %dma_wait3A_543 = tpu.memref_slice %arg12[%add3A_540, %mul3A_542] : memref<160000x16xf32, #tpu.memory_space<hbm>> -> memref<2000x8xf32, #tpu.memory_space<hbm>>
      %dma_wait3A_544 = tpu.memref_slice %arg12[%add3A_540, %mul3A_542] : memref<160000x16xf32, #tpu.memory_space<hbm>> -> memref<2000x8xf32, #tpu.memory_space<hbm>>
      tpu.wait_dma2 semaphore(%arg30 : memref<!tpu.dma_semaphore, #tpu.memory_space<semaphore_mem>>) src(%dma_wait3A_544 : memref<2000x8xf32, #tpu.memory_space<hbm>>) dst(%arg27 : memref<2000x8xf32, #tpu.memory_space<vmem>>)
      "tpu.region"() ({
        %run_scoped3A = tpu.sem_alloc : memref<!tpu.dma_semaphore, #tpu.memory_space<semaphore_mem>>
        %dma_start3A_551 = arith.constant 0 : i32
        %dma_start3A_552 = tpu.memref_slice %arg20[%mul3A_2, %dma_start3A_551] : memref<160000x8xf32, #tpu.memory_space<vmem_shared>> -> memref<10000x8xf32, #tpu.memory_space<vmem_shared>>
        %dma_start3A_553 = arith.constant 0 : i32
        %dma_start3A_554 = arith.constant 0 : i32
        %dma_start3A_555 = tpu.memref_slice %dma_start3A_552[%dma_start3A_553, %dma_start3A_554] : memref<10000x8xf32, #tpu.memory_space<vmem_shared>> -> memref<10000x8xf32, #tpu.memory_space<vmem_shared>>
        tpu.enqueue_indirect_dma source(%arg27 : memref<2000x8xf32, #tpu.memory_space<vmem>>) target(%dma_start3A_555 : memref<10000x8xf32, #tpu.memory_space<vmem_shared>>) offsets(%arg25 : memref<2000xi32, #tpu.memory_space<vmem>>) semaphore(%run_scoped3A : memref<!tpu.dma_semaphore, #tpu.memory_space<semaphore_mem>>) {add = true}
        %dma_wait3A_556 = arith.constant 0 : i32
        %dma_wait3A_557 = tpu.memref_slice %arg20[%mul3A_2, %dma_wait3A_556] : memref<160000x8xf32, #tpu.memory_space<vmem_shared>> -> memref<10000x8xf32, #tpu.memory_space<vmem_shared>>
        %dma_wait3A_558 = arith.constant 0 : i32
        %dma_wait3A_559 = arith.constant 0 : i32
        %dma_wait3A_560 = tpu.memref_slice %dma_wait3A_557[%dma_wait3A_558, %dma_wait3A_559] : memref<10000x8xf32, #tpu.memory_space<vmem_shared>> -> memref<10000x8xf32, #tpu.memory_space<vmem_shared>>
        tpu.wait_indirect_dma semaphore(%run_scoped3A : memref<!tpu.dma_semaphore, #tpu.memory_space<semaphore_mem>>) src(%arg27 : memref<2000x8xf32, #tpu.memory_space<vmem>>) dst(%dma_wait3A_560 : memref<10000x8xf32, #tpu.memory_space<vmem_shared>>)
        tpu.yield
      }) : () -> ()
      %mul3A_545 = arith.constant 40000 : i32
      %mul3A_546 = arith.muli %select_n3A_496, %mul3A_545 : i32
      %add3A_547 = arith.constant 10000 : i32
      %add3A_548 = arith.addi %mul3A_546, %add3A_547 : i32
      %mul3A_549 = arith.constant 8 : i32
      %mul3A_550 = arith.muli %select_n3A_480, %mul3A_549 : i32
      "tpu.region"() ({
        %run_scoped3A = tpu.sem_alloc : memref<!tpu.dma_semaphore, #tpu.memory_space<semaphore_mem>>
        %dma_start3A_551 = tpu.memref_slice %arg18[%add3A_548, %mul3A_550] : memref<80000x16xf32, #tpu.memory_space<hbm>> -> memref<10000x8xf32, #tpu.memory_space<hbm>>
        %dma_start3A_552 = arith.constant 0 : i32
        %dma_start3A_553 = tpu.memref_slice %arg20[%mul3A_2, %dma_start3A_552] : memref<160000x8xf32, #tpu.memory_space<vmem_shared>> -> memref<10000x8xf32, #tpu.memory_space<vmem_shared>>
        tpu.enqueue_dma source(%dma_start3A_553 : memref<10000x8xf32, #tpu.memory_space<vmem_shared>>) target(%dma_start3A_551 : memref<10000x8xf32, #tpu.memory_space<hbm>>) target_semaphore(%run_scoped3A : memref<!tpu.dma_semaphore, #tpu.memory_space<semaphore_mem>>)
        %dma_wait3A_554 = tpu.memref_slice %arg18[%add3A_548, %mul3A_550] : memref<80000x16xf32, #tpu.memory_space<hbm>> -> memref<10000x8xf32, #tpu.memory_space<hbm>>
        %dma_wait3A_555 = arith.constant 0 : i32
        %dma_wait3A_556 = tpu.memref_slice %arg20[%mul3A_2, %dma_wait3A_555] : memref<160000x8xf32, #tpu.memory_space<vmem_shared>> -> memref<10000x8xf32, #tpu.memory_space<vmem_shared>>
        tpu.wait_dma2 semaphore(%run_scoped3A : memref<!tpu.dma_semaphore, #tpu.memory_space<semaphore_mem>>) src(%dma_wait3A_556 : memref<10000x8xf32, #tpu.memory_space<vmem_shared>>) dst(%dma_wait3A_554 : memref<10000x8xf32, #tpu.memory_space<hbm>>)
        tpu.yield
      }) : () -> ()
    } else {
    }
    %jit3A_237 = arith.constant 4 : i32
    %div3A_238 = arith.divsi %add3A, %jit3A_237 : i32
    %sign3A_239 = arith.constant 0 : i32
    %sign3A_240 = arith.cmpi sgt, %add3A, %sign3A_239 : i32
    %sign3A_241 = arith.extui %sign3A_240 : i1 to i32
    %sign3A_242 = arith.constant 0 : i32
    %sign3A_243 = arith.cmpi slt, %add3A, %sign3A_242 : i32
    %sign3A_244 = arith.extui %sign3A_243 : i1 to i32
    %sign3A_245 = arith.subi %sign3A_241, %sign3A_244 : i32
    %sign3A_246 = arith.constant 0 : i32
    %sign3A_247 = arith.cmpi sgt, %jit3A_237, %sign3A_246 : i32
    %sign3A_248 = arith.extui %sign3A_247 : i1 to i32
    %sign3A_249 = arith.constant 0 : i32
    %sign3A_250 = arith.cmpi slt, %jit3A_237, %sign3A_249 : i32
    %sign3A_251 = arith.extui %sign3A_250 : i1 to i32
    %sign3A_252 = arith.subi %sign3A_248, %sign3A_251 : i32
    %ne3A_253 = arith.cmpi ne, %sign3A_245, %sign3A_252 : i32
    %rem3A_254 = arith.remsi %add3A, %jit3A_237 : i32
    %ne3A_255 = arith.constant 0 : i32
    %ne3A_256 = arith.cmpi ne, %rem3A_254, %ne3A_255 : i32
    %and3A_257 = arith.andi %ne3A_253, %ne3A_256 : i1
    %sub3A_258 = arith.constant 1 : i32
    %sub3A_259 = arith.subi %div3A_238, %sub3A_258 : i32
    %select_n3A_260 = arith.select %and3A_257, %sub3A_259, %div3A_238 : i32
    %eq3A_261 = arith.constant 2 : i32
    %eq3A_262 = arith.cmpi eq, %select_n3A_260, %eq3A_261 : i32
    %convert_element_type3A_263 = arith.extui %eq3A_262 : i1 to i32
    %cond3A_264 = arith.constant 0 : i32
    %cond3A_265 = arith.cmpi ne, %convert_element_type3A_263, %cond3A_264 : i32
    scf.if %cond3A_265 {
      %jit3A_441 = arith.constant 2 : i32
      %div3A_442 = arith.divsi %add3A, %jit3A_441 : i32
      %sign3A_443 = arith.constant 0 : i32
      %sign3A_444 = arith.cmpi sgt, %add3A, %sign3A_443 : i32
      %sign3A_445 = arith.extui %sign3A_444 : i1 to i32
      %sign3A_446 = arith.constant 0 : i32
      %sign3A_447 = arith.cmpi slt, %add3A, %sign3A_446 : i32
      %sign3A_448 = arith.extui %sign3A_447 : i1 to i32
      %sign3A_449 = arith.subi %sign3A_445, %sign3A_448 : i32
      %sign3A_450 = arith.constant 0 : i32
      %sign3A_451 = arith.cmpi sgt, %jit3A_441, %sign3A_450 : i32
      %sign3A_452 = arith.extui %sign3A_451 : i1 to i32
      %sign3A_453 = arith.constant 0 : i32
      %sign3A_454 = arith.cmpi slt, %jit3A_441, %sign3A_453 : i32
      %sign3A_455 = arith.extui %sign3A_454 : i1 to i32
      %sign3A_456 = arith.subi %sign3A_452, %sign3A_455 : i32
      %ne3A_457 = arith.cmpi ne, %sign3A_449, %sign3A_456 : i32
      %rem3A_458 = arith.remsi %add3A, %jit3A_441 : i32
      %ne3A_459 = arith.constant 0 : i32
      %ne3A_460 = arith.cmpi ne, %rem3A_458, %ne3A_459 : i32
      %and3A_461 = arith.andi %ne3A_457, %ne3A_460 : i1
      %sub3A_462 = arith.constant 1 : i32
      %sub3A_463 = arith.subi %div3A_442, %sub3A_462 : i32
      %select_n3A_464 = arith.select %and3A_461, %sub3A_463, %div3A_442 : i32
      %jit3A_465 = arith.constant 2 : i32
      %eq3A_466 = arith.constant 0 : i32
      %eq3A_467 = arith.cmpi eq, %jit3A_465, %eq3A_466 : i32
      %jit3A_468 = arith.constant 1 : i32
      %select_n3A_469 = arith.select %eq3A_467, %jit3A_468, %jit3A_465 : i32
      %rem3A_470 = arith.remsi %select_n3A_464, %select_n3A_469 : i32
      %ne3A_471 = arith.constant 0 : i32
      %ne3A_472 = arith.cmpi ne, %rem3A_470, %ne3A_471 : i32
      %lt3A_473 = arith.constant 0 : i32
      %lt3A_474 = arith.cmpi slt, %rem3A_470, %lt3A_473 : i32
      %lt3A_475 = arith.constant 0 : i32
      %lt3A_476 = arith.cmpi slt, %select_n3A_469, %lt3A_475 : i32
      %ne3A_477 = arith.xori %lt3A_474, %lt3A_476 : i1
      %and3A_478 = arith.andi %ne3A_477, %ne3A_472 : i1
      %add3A_479 = arith.addi %rem3A_470, %select_n3A_469 : i32
      %select_n3A_480 = arith.select %and3A_478, %add3A_479, %rem3A_470 : i32
      %jit3A_481 = arith.constant 2 : i32
      %eq3A_482 = arith.constant 0 : i32
      %eq3A_483 = arith.cmpi eq, %jit3A_481, %eq3A_482 : i32
      %jit3A_484 = arith.constant 1 : i32
      %select_n3A_485 = arith.select %eq3A_483, %jit3A_484, %jit3A_481 : i32
      %rem3A_486 = arith.remsi %add3A, %select_n3A_485 : i32
      %ne3A_487 = arith.constant 0 : i32
      %ne3A_488 = arith.cmpi ne, %rem3A_486, %ne3A_487 : i32
      %lt3A_489 = arith.constant 0 : i32
      %lt3A_490 = arith.cmpi slt, %rem3A_486, %lt3A_489 : i32
      %lt3A_491 = arith.constant 0 : i32
      %lt3A_492 = arith.cmpi slt, %select_n3A_485, %lt3A_491 : i32
      %ne3A_493 = arith.xori %lt3A_490, %lt3A_492 : i1
      %and3A_494 = arith.andi %ne3A_493, %ne3A_488 : i1
      %add3A_495 = arith.addi %rem3A_486, %select_n3A_485 : i32
      %select_n3A_496 = arith.select %and3A_494, %add3A_495, %rem3A_486 : i32
      %mul3A_497 = arith.constant 80000 : i32
      %mul3A_498 = arith.muli %select_n3A_496, %mul3A_497 : i32
      "tpu.region"() ({
        %run_scoped3A = tpu.sem_alloc : memref<!tpu.dma_semaphore, #tpu.memory_space<semaphore_mem>>
        %dma_start3A_551 = arith.constant 0 : i32
        %dma_start3A_552 = tpu.memref_slice %arg20[%mul3A_2, %dma_start3A_551] : memref<160000x8xf32, #tpu.memory_space<vmem_shared>> -> memref<10000x8xf32, #tpu.memory_space<vmem_shared>>
        tpu.enqueue_dma source(%arg15 : memref<10000x8xf32, #tpu.memory_space<hbm>>) target(%dma_start3A_552 : memref<10000x8xf32, #tpu.memory_space<vmem_shared>>) target_semaphore(%run_scoped3A : memref<!tpu.dma_semaphore, #tpu.memory_space<semaphore_mem>>)
        %dma_wait3A_553 = arith.constant 0 : i32
        %dma_wait3A_554 = tpu.memref_slice %arg20[%mul3A_2, %dma_wait3A_553] : memref<160000x8xf32, #tpu.memory_space<vmem_shared>> -> memref<10000x8xf32, #tpu.memory_space<vmem_shared>>
        tpu.wait_dma2 semaphore(%run_scoped3A : memref<!tpu.dma_semaphore, #tpu.memory_space<semaphore_mem>>) src(%arg15 : memref<10000x8xf32, #tpu.memory_space<hbm>>) dst(%dma_wait3A_554 : memref<10000x8xf32, #tpu.memory_space<vmem_shared>>)
        tpu.yield
      }) : () -> ()
      %add3A_499 = arith.constant 0 : i32
      %add3A_500 = arith.addi %mul3A_498, %add3A_499 : i32
      %mul3A_501 = arith.constant 8 : i32
      %mul3A_502 = arith.muli %select_n3A_480, %mul3A_501 : i32
      %dma_start3A_503 = tpu.memref_slice %arg13[%add3A_500, %mul3A_502] : memref<160000x16xf32, #tpu.memory_space<hbm>> -> memref<2000x8xf32, #tpu.memory_space<hbm>>
      %dma_start3A_504 = tpu.memref_slice %arg13[%add3A_500, %mul3A_502] : memref<160000x16xf32, #tpu.memory_space<hbm>> -> memref<2000x8xf32, #tpu.memory_space<hbm>>
      tpu.enqueue_dma source(%dma_start3A_504 : memref<2000x8xf32, #tpu.memory_space<hbm>>) target(%arg26 : memref<2000x8xf32, #tpu.memory_space<vmem>>) target_semaphore(%arg29 : memref<!tpu.dma_semaphore, #tpu.memory_space<semaphore_mem>>)
      %scan3A_505 = arith.constant 0 : i32
      %scan3A_506 = arith.constant 0 : i32
      %scan3A_507 = arith.constant 19 : i32
      %scan3A_508 = arith.addi %scan3A_506, %scan3A_507 : i32
      %scan3A_509 = arith.constant 1 : i32
      scf.for %scan3A_551 = %scan3A_506 to %scan3A_508 step %scan3A_509  : i32 {
        %mul3A_552 = arith.constant 2 : i32
        %mul3A_553 = arith.muli %mul3A_552, %scan3A_551 : i32
        %add3A_554 = arith.constant 1 : i32
        %add3A_555 = arith.addi %mul3A_553, %add3A_554 : i32
        %mul3A_556 = arith.constant 2000 : i32
        %mul3A_557 = arith.muli %add3A_555, %mul3A_556 : i32
        %add3A_558 = arith.addi %mul3A_498, %mul3A_557 : i32
        %mul3A_559 = arith.constant 8 : i32
        %mul3A_560 = arith.muli %select_n3A_480, %mul3A_559 : i32
        %dma_start3A_561 = tpu.memref_slice %arg13[%add3A_558, %mul3A_560] : memref<160000x16xf32, #tpu.memory_space<hbm>> -> memref<2000x8xf32, #tpu.memory_space<hbm>>
        %dma_start3A_562 = tpu.memref_slice %arg13[%add3A_558, %mul3A_560] : memref<160000x16xf32, #tpu.memory_space<hbm>> -> memref<2000x8xf32, #tpu.memory_space<hbm>>
        tpu.enqueue_dma source(%dma_start3A_562 : memref<2000x8xf32, #tpu.memory_space<hbm>>) target(%arg27 : memref<2000x8xf32, #tpu.memory_space<vmem>>) target_semaphore(%arg30 : memref<!tpu.dma_semaphore, #tpu.memory_space<semaphore_mem>>)
        %mul3A_563 = arith.constant 2 : i32
        %mul3A_564 = arith.muli %mul3A_563, %scan3A_551 : i32
        %mul3A_565 = arith.constant 2000 : i32
        %mul3A_566 = arith.muli %mul3A_564, %mul3A_565 : i32
        %add3A_567 = arith.addi %mul3A_498, %mul3A_566 : i32
        %dma_start3A_568 = tpu.memref_slice %arg8[%add3A_567] : memref<160000xi32, #tpu.memory_space<hbm>> -> memref<2000xi32, #tpu.memory_space<hbm>>
        %dma_start3A_569 = tpu.memref_slice %arg8[%add3A_567] : memref<160000xi32, #tpu.memory_space<hbm>> -> memref<2000xi32, #tpu.memory_space<hbm>>
        tpu.enqueue_dma source(%dma_start3A_569 : memref<2000xi32, #tpu.memory_space<hbm>>) target(%arg24 : memref<2000xi32, #tpu.memory_space<vmem>>) target_semaphore(%arg31 : memref<!tpu.dma_semaphore, #tpu.memory_space<semaphore_mem>>)
        %add3A_570 = arith.constant 0 : i32
        %add3A_571 = arith.addi %mul3A_498, %add3A_570 : i32
        %dma_wait3A_572 = tpu.memref_slice %arg8[%add3A_571] : memref<160000xi32, #tpu.memory_space<hbm>> -> memref<2000xi32, #tpu.memory_space<hbm>>
        %dma_wait3A_573 = tpu.memref_slice %arg8[%add3A_571] : memref<160000xi32, #tpu.memory_space<hbm>> -> memref<2000xi32, #tpu.memory_space<hbm>>
        tpu.wait_dma2 semaphore(%arg31 : memref<!tpu.dma_semaphore, #tpu.memory_space<semaphore_mem>>) src(%dma_wait3A_573 : memref<2000xi32, #tpu.memory_space<hbm>>) dst(%arg24 : memref<2000xi32, #tpu.memory_space<vmem>>)
        %add3A_574 = arith.constant 0 : i32
        %add3A_575 = arith.addi %mul3A_498, %add3A_574 : i32
        %mul3A_576 = arith.constant 8 : i32
        %mul3A_577 = arith.muli %select_n3A_480, %mul3A_576 : i32
        %dma_wait3A_578 = tpu.memref_slice %arg13[%add3A_575, %mul3A_577] : memref<160000x16xf32, #tpu.memory_space<hbm>> -> memref<2000x8xf32, #tpu.memory_space<hbm>>
        %dma_wait3A_579 = tpu.memref_slice %arg13[%add3A_575, %mul3A_577] : memref<160000x16xf32, #tpu.memory_space<hbm>> -> memref<2000x8xf32, #tpu.memory_space<hbm>>
        tpu.wait_dma2 semaphore(%arg29 : memref<!tpu.dma_semaphore, #tpu.memory_space<semaphore_mem>>) src(%dma_wait3A_579 : memref<2000x8xf32, #tpu.memory_space<hbm>>) dst(%arg26 : memref<2000x8xf32, #tpu.memory_space<vmem>>)
        "tpu.region"() ({
          %run_scoped3A = tpu.sem_alloc : memref<!tpu.dma_semaphore, #tpu.memory_space<semaphore_mem>>
          %dma_start3A_610 = arith.constant 0 : i32
          %dma_start3A_611 = tpu.memref_slice %arg20[%mul3A_2, %dma_start3A_610] : memref<160000x8xf32, #tpu.memory_space<vmem_shared>> -> memref<10000x8xf32, #tpu.memory_space<vmem_shared>>
          %dma_start3A_612 = arith.constant 0 : i32
          %dma_start3A_613 = arith.constant 0 : i32
          %dma_start3A_614 = tpu.memref_slice %dma_start3A_611[%dma_start3A_612, %dma_start3A_613] : memref<10000x8xf32, #tpu.memory_space<vmem_shared>> -> memref<10000x8xf32, #tpu.memory_space<vmem_shared>>
          tpu.enqueue_indirect_dma source(%arg26 : memref<2000x8xf32, #tpu.memory_space<vmem>>) target(%dma_start3A_614 : memref<10000x8xf32, #tpu.memory_space<vmem_shared>>) offsets(%arg24 : memref<2000xi32, #tpu.memory_space<vmem>>) semaphore(%run_scoped3A : memref<!tpu.dma_semaphore, #tpu.memory_space<semaphore_mem>>) {add = true}
          %dma_wait3A_615 = arith.constant 0 : i32
          %dma_wait3A_616 = tpu.memref_slice %arg20[%mul3A_2, %dma_wait3A_615] : memref<160000x8xf32, #tpu.memory_space<vmem_shared>> -> memref<10000x8xf32, #tpu.memory_space<vmem_shared>>
          %dma_wait3A_617 = arith.constant 0 : i32
          %dma_wait3A_618 = arith.constant 0 : i32
          %dma_wait3A_619 = tpu.memref_slice %dma_wait3A_616[%dma_wait3A_617, %dma_wait3A_618] : memref<10000x8xf32, #tpu.memory_space<vmem_shared>> -> memref<10000x8xf32, #tpu.memory_space<vmem_shared>>
          tpu.wait_indirect_dma semaphore(%run_scoped3A : memref<!tpu.dma_semaphore, #tpu.memory_space<semaphore_mem>>) src(%arg26 : memref<2000x8xf32, #tpu.memory_space<vmem>>) dst(%dma_wait3A_619 : memref<10000x8xf32, #tpu.memory_space<vmem_shared>>)
          tpu.yield
        }) : () -> ()
        %mul3A_580 = arith.constant 2 : i32
        %mul3A_581 = arith.muli %mul3A_580, %scan3A_551 : i32
        %add3A_582 = arith.constant 2 : i32
        %add3A_583 = arith.addi %mul3A_581, %add3A_582 : i32
        %mul3A_584 = arith.constant 2000 : i32
        %mul3A_585 = arith.muli %add3A_583, %mul3A_584 : i32
        %add3A_586 = arith.addi %mul3A_498, %mul3A_585 : i32
        %mul3A_587 = arith.constant 8 : i32
        %mul3A_588 = arith.muli %select_n3A_480, %mul3A_587 : i32
        %dma_start3A_589 = tpu.memref_slice %arg13[%add3A_586, %mul3A_588] : memref<160000x16xf32, #tpu.memory_space<hbm>> -> memref<2000x8xf32, #tpu.memory_space<hbm>>
        %dma_start3A_590 = tpu.memref_slice %arg13[%add3A_586, %mul3A_588] : memref<160000x16xf32, #tpu.memory_space<hbm>> -> memref<2000x8xf32, #tpu.memory_space<hbm>>
        tpu.enqueue_dma source(%dma_start3A_590 : memref<2000x8xf32, #tpu.memory_space<hbm>>) target(%arg26 : memref<2000x8xf32, #tpu.memory_space<vmem>>) target_semaphore(%arg29 : memref<!tpu.dma_semaphore, #tpu.memory_space<semaphore_mem>>)
        %mul3A_591 = arith.constant 2 : i32
        %mul3A_592 = arith.muli %mul3A_591, %scan3A_551 : i32
        %add3A_593 = arith.constant 1 : i32
        %add3A_594 = arith.addi %mul3A_592, %add3A_593 : i32
        %mul3A_595 = arith.constant 2000 : i32
        %mul3A_596 = arith.muli %add3A_594, %mul3A_595 : i32
        %add3A_597 = arith.addi %mul3A_498, %mul3A_596 : i32
        %dma_start3A_598 = tpu.memref_slice %arg8[%add3A_597] : memref<160000xi32, #tpu.memory_space<hbm>> -> memref<2000xi32, #tpu.memory_space<hbm>>
        %dma_start3A_599 = tpu.memref_slice %arg8[%add3A_597] : memref<160000xi32, #tpu.memory_space<hbm>> -> memref<2000xi32, #tpu.memory_space<hbm>>
        tpu.enqueue_dma source(%dma_start3A_599 : memref<2000xi32, #tpu.memory_space<hbm>>) target(%arg25 : memref<2000xi32, #tpu.memory_space<vmem>>) target_semaphore(%arg32 : memref<!tpu.dma_semaphore, #tpu.memory_space<semaphore_mem>>)
        %add3A_600 = arith.constant 0 : i32
        %add3A_601 = arith.addi %mul3A_498, %add3A_600 : i32
        %dma_wait3A_602 = tpu.memref_slice %arg8[%add3A_601] : memref<160000xi32, #tpu.memory_space<hbm>> -> memref<2000xi32, #tpu.memory_space<hbm>>
        %dma_wait3A_603 = tpu.memref_slice %arg8[%add3A_601] : memref<160000xi32, #tpu.memory_space<hbm>> -> memref<2000xi32, #tpu.memory_space<hbm>>
        tpu.wait_dma2 semaphore(%arg32 : memref<!tpu.dma_semaphore, #tpu.memory_space<semaphore_mem>>) src(%dma_wait3A_603 : memref<2000xi32, #tpu.memory_space<hbm>>) dst(%arg25 : memref<2000xi32, #tpu.memory_space<vmem>>)
        %add3A_604 = arith.constant 0 : i32
        %add3A_605 = arith.addi %mul3A_498, %add3A_604 : i32
        %mul3A_606 = arith.constant 8 : i32
        %mul3A_607 = arith.muli %select_n3A_480, %mul3A_606 : i32
        %dma_wait3A_608 = tpu.memref_slice %arg13[%add3A_605, %mul3A_607] : memref<160000x16xf32, #tpu.memory_space<hbm>> -> memref<2000x8xf32, #tpu.memory_space<hbm>>
        %dma_wait3A_609 = tpu.memref_slice %arg13[%add3A_605, %mul3A_607] : memref<160000x16xf32, #tpu.memory_space<hbm>> -> memref<2000x8xf32, #tpu.memory_space<hbm>>
        tpu.wait_dma2 semaphore(%arg30 : memref<!tpu.dma_semaphore, #tpu.memory_space<semaphore_mem>>) src(%dma_wait3A_609 : memref<2000x8xf32, #tpu.memory_space<hbm>>) dst(%arg27 : memref<2000x8xf32, #tpu.memory_space<vmem>>)
        "tpu.region"() ({
          %run_scoped3A = tpu.sem_alloc : memref<!tpu.dma_semaphore, #tpu.memory_space<semaphore_mem>>
          %dma_start3A_610 = arith.constant 0 : i32
          %dma_start3A_611 = tpu.memref_slice %arg20[%mul3A_2, %dma_start3A_610] : memref<160000x8xf32, #tpu.memory_space<vmem_shared>> -> memref<10000x8xf32, #tpu.memory_space<vmem_shared>>
          %dma_start3A_612 = arith.constant 0 : i32
          %dma_start3A_613 = arith.constant 0 : i32
          %dma_start3A_614 = tpu.memref_slice %dma_start3A_611[%dma_start3A_612, %dma_start3A_613] : memref<10000x8xf32, #tpu.memory_space<vmem_shared>> -> memref<10000x8xf32, #tpu.memory_space<vmem_shared>>
          tpu.enqueue_indirect_dma source(%arg27 : memref<2000x8xf32, #tpu.memory_space<vmem>>) target(%dma_start3A_614 : memref<10000x8xf32, #tpu.memory_space<vmem_shared>>) offsets(%arg25 : memref<2000xi32, #tpu.memory_space<vmem>>) semaphore(%run_scoped3A : memref<!tpu.dma_semaphore, #tpu.memory_space<semaphore_mem>>) {add = true}
          %dma_wait3A_615 = arith.constant 0 : i32
          %dma_wait3A_616 = tpu.memref_slice %arg20[%mul3A_2, %dma_wait3A_615] : memref<160000x8xf32, #tpu.memory_space<vmem_shared>> -> memref<10000x8xf32, #tpu.memory_space<vmem_shared>>
          %dma_wait3A_617 = arith.constant 0 : i32
          %dma_wait3A_618 = arith.constant 0 : i32
          %dma_wait3A_619 = tpu.memref_slice %dma_wait3A_616[%dma_wait3A_617, %dma_wait3A_618] : memref<10000x8xf32, #tpu.memory_space<vmem_shared>> -> memref<10000x8xf32, #tpu.memory_space<vmem_shared>>
          tpu.wait_indirect_dma semaphore(%run_scoped3A : memref<!tpu.dma_semaphore, #tpu.memory_space<semaphore_mem>>) src(%arg27 : memref<2000x8xf32, #tpu.memory_space<vmem>>) dst(%dma_wait3A_619 : memref<10000x8xf32, #tpu.memory_space<vmem_shared>>)
          tpu.yield
        }) : () -> ()
      }
      %scan3A_510 = arith.constant 19 : i32
      %add3A_511 = arith.constant 78000 : i32
      %add3A_512 = arith.addi %mul3A_498, %add3A_511 : i32
      %mul3A_513 = arith.constant 8 : i32
      %mul3A_514 = arith.muli %select_n3A_480, %mul3A_513 : i32
      %dma_start3A_515 = tpu.memref_slice %arg13[%add3A_512, %mul3A_514] : memref<160000x16xf32, #tpu.memory_space<hbm>> -> memref<2000x8xf32, #tpu.memory_space<hbm>>
      %dma_start3A_516 = tpu.memref_slice %arg13[%add3A_512, %mul3A_514] : memref<160000x16xf32, #tpu.memory_space<hbm>> -> memref<2000x8xf32, #tpu.memory_space<hbm>>
      tpu.enqueue_dma source(%dma_start3A_516 : memref<2000x8xf32, #tpu.memory_space<hbm>>) target(%arg27 : memref<2000x8xf32, #tpu.memory_space<vmem>>) target_semaphore(%arg30 : memref<!tpu.dma_semaphore, #tpu.memory_space<semaphore_mem>>)
      %add3A_517 = arith.constant 76000 : i32
      %add3A_518 = arith.addi %mul3A_498, %add3A_517 : i32
      %dma_start3A_519 = tpu.memref_slice %arg8[%add3A_518] : memref<160000xi32, #tpu.memory_space<hbm>> -> memref<2000xi32, #tpu.memory_space<hbm>>
      %dma_start3A_520 = tpu.memref_slice %arg8[%add3A_518] : memref<160000xi32, #tpu.memory_space<hbm>> -> memref<2000xi32, #tpu.memory_space<hbm>>
      tpu.enqueue_dma source(%dma_start3A_520 : memref<2000xi32, #tpu.memory_space<hbm>>) target(%arg24 : memref<2000xi32, #tpu.memory_space<vmem>>) target_semaphore(%arg31 : memref<!tpu.dma_semaphore, #tpu.memory_space<semaphore_mem>>)
      %add3A_521 = arith.constant 0 : i32
      %add3A_522 = arith.addi %mul3A_498, %add3A_521 : i32
      %dma_wait3A_523 = tpu.memref_slice %arg8[%add3A_522] : memref<160000xi32, #tpu.memory_space<hbm>> -> memref<2000xi32, #tpu.memory_space<hbm>>
      %dma_wait3A_524 = tpu.memref_slice %arg8[%add3A_522] : memref<160000xi32, #tpu.memory_space<hbm>> -> memref<2000xi32, #tpu.memory_space<hbm>>
      tpu.wait_dma2 semaphore(%arg31 : memref<!tpu.dma_semaphore, #tpu.memory_space<semaphore_mem>>) src(%dma_wait3A_524 : memref<2000xi32, #tpu.memory_space<hbm>>) dst(%arg24 : memref<2000xi32, #tpu.memory_space<vmem>>)
      %add3A_525 = arith.constant 0 : i32
      %add3A_526 = arith.addi %mul3A_498, %add3A_525 : i32
      %mul3A_527 = arith.constant 8 : i32
      %mul3A_528 = arith.muli %select_n3A_480, %mul3A_527 : i32
      %dma_wait3A_529 = tpu.memref_slice %arg13[%add3A_526, %mul3A_528] : memref<160000x16xf32, #tpu.memory_space<hbm>> -> memref<2000x8xf32, #tpu.memory_space<hbm>>
      %dma_wait3A_530 = tpu.memref_slice %arg13[%add3A_526, %mul3A_528] : memref<160000x16xf32, #tpu.memory_space<hbm>> -> memref<2000x8xf32, #tpu.memory_space<hbm>>
      tpu.wait_dma2 semaphore(%arg29 : memref<!tpu.dma_semaphore, #tpu.memory_space<semaphore_mem>>) src(%dma_wait3A_530 : memref<2000x8xf32, #tpu.memory_space<hbm>>) dst(%arg26 : memref<2000x8xf32, #tpu.memory_space<vmem>>)
      "tpu.region"() ({
        %run_scoped3A = tpu.sem_alloc : memref<!tpu.dma_semaphore, #tpu.memory_space<semaphore_mem>>
        %dma_start3A_551 = arith.constant 0 : i32
        %dma_start3A_552 = tpu.memref_slice %arg20[%mul3A_2, %dma_start3A_551] : memref<160000x8xf32, #tpu.memory_space<vmem_shared>> -> memref<10000x8xf32, #tpu.memory_space<vmem_shared>>
        %dma_start3A_553 = arith.constant 0 : i32
        %dma_start3A_554 = arith.constant 0 : i32
        %dma_start3A_555 = tpu.memref_slice %dma_start3A_552[%dma_start3A_553, %dma_start3A_554] : memref<10000x8xf32, #tpu.memory_space<vmem_shared>> -> memref<10000x8xf32, #tpu.memory_space<vmem_shared>>
        tpu.enqueue_indirect_dma source(%arg26 : memref<2000x8xf32, #tpu.memory_space<vmem>>) target(%dma_start3A_555 : memref<10000x8xf32, #tpu.memory_space<vmem_shared>>) offsets(%arg24 : memref<2000xi32, #tpu.memory_space<vmem>>) semaphore(%run_scoped3A : memref<!tpu.dma_semaphore, #tpu.memory_space<semaphore_mem>>) {add = true}
        %dma_wait3A_556 = arith.constant 0 : i32
        %dma_wait3A_557 = tpu.memref_slice %arg20[%mul3A_2, %dma_wait3A_556] : memref<160000x8xf32, #tpu.memory_space<vmem_shared>> -> memref<10000x8xf32, #tpu.memory_space<vmem_shared>>
        %dma_wait3A_558 = arith.constant 0 : i32
        %dma_wait3A_559 = arith.constant 0 : i32
        %dma_wait3A_560 = tpu.memref_slice %dma_wait3A_557[%dma_wait3A_558, %dma_wait3A_559] : memref<10000x8xf32, #tpu.memory_space<vmem_shared>> -> memref<10000x8xf32, #tpu.memory_space<vmem_shared>>
        tpu.wait_indirect_dma semaphore(%run_scoped3A : memref<!tpu.dma_semaphore, #tpu.memory_space<semaphore_mem>>) src(%arg26 : memref<2000x8xf32, #tpu.memory_space<vmem>>) dst(%dma_wait3A_560 : memref<10000x8xf32, #tpu.memory_space<vmem_shared>>)
        tpu.yield
      }) : () -> ()
      %add3A_531 = arith.constant 78000 : i32
      %add3A_532 = arith.addi %mul3A_498, %add3A_531 : i32
      %dma_start3A_533 = tpu.memref_slice %arg8[%add3A_532] : memref<160000xi32, #tpu.memory_space<hbm>> -> memref<2000xi32, #tpu.memory_space<hbm>>
      %dma_start3A_534 = tpu.memref_slice %arg8[%add3A_532] : memref<160000xi32, #tpu.memory_space<hbm>> -> memref<2000xi32, #tpu.memory_space<hbm>>
      tpu.enqueue_dma source(%dma_start3A_534 : memref<2000xi32, #tpu.memory_space<hbm>>) target(%arg25 : memref<2000xi32, #tpu.memory_space<vmem>>) target_semaphore(%arg32 : memref<!tpu.dma_semaphore, #tpu.memory_space<semaphore_mem>>)
      %add3A_535 = arith.constant 0 : i32
      %add3A_536 = arith.addi %mul3A_498, %add3A_535 : i32
      %dma_wait3A_537 = tpu.memref_slice %arg8[%add3A_536] : memref<160000xi32, #tpu.memory_space<hbm>> -> memref<2000xi32, #tpu.memory_space<hbm>>
      %dma_wait3A_538 = tpu.memref_slice %arg8[%add3A_536] : memref<160000xi32, #tpu.memory_space<hbm>> -> memref<2000xi32, #tpu.memory_space<hbm>>
      tpu.wait_dma2 semaphore(%arg32 : memref<!tpu.dma_semaphore, #tpu.memory_space<semaphore_mem>>) src(%dma_wait3A_538 : memref<2000xi32, #tpu.memory_space<hbm>>) dst(%arg25 : memref<2000xi32, #tpu.memory_space<vmem>>)
      %add3A_539 = arith.constant 0 : i32
      %add3A_540 = arith.addi %mul3A_498, %add3A_539 : i32
      %mul3A_541 = arith.constant 8 : i32
      %mul3A_542 = arith.muli %select_n3A_480, %mul3A_541 : i32
      %dma_wait3A_543 = tpu.memref_slice %arg13[%add3A_540, %mul3A_542] : memref<160000x16xf32, #tpu.memory_space<hbm>> -> memref<2000x8xf32, #tpu.memory_space<hbm>>
      %dma_wait3A_544 = tpu.memref_slice %arg13[%add3A_540, %mul3A_542] : memref<160000x16xf32, #tpu.memory_space<hbm>> -> memref<2000x8xf32, #tpu.memory_space<hbm>>
      tpu.wait_dma2 semaphore(%arg30 : memref<!tpu.dma_semaphore, #tpu.memory_space<semaphore_mem>>) src(%dma_wait3A_544 : memref<2000x8xf32, #tpu.memory_space<hbm>>) dst(%arg27 : memref<2000x8xf32, #tpu.memory_space<vmem>>)
      "tpu.region"() ({
        %run_scoped3A = tpu.sem_alloc : memref<!tpu.dma_semaphore, #tpu.memory_space<semaphore_mem>>
        %dma_start3A_551 = arith.constant 0 : i32
        %dma_start3A_552 = tpu.memref_slice %arg20[%mul3A_2, %dma_start3A_551] : memref<160000x8xf32, #tpu.memory_space<vmem_shared>> -> memref<10000x8xf32, #tpu.memory_space<vmem_shared>>
        %dma_start3A_553 = arith.constant 0 : i32
        %dma_start3A_554 = arith.constant 0 : i32
        %dma_start3A_555 = tpu.memref_slice %dma_start3A_552[%dma_start3A_553, %dma_start3A_554] : memref<10000x8xf32, #tpu.memory_space<vmem_shared>> -> memref<10000x8xf32, #tpu.memory_space<vmem_shared>>
        tpu.enqueue_indirect_dma source(%arg27 : memref<2000x8xf32, #tpu.memory_space<vmem>>) target(%dma_start3A_555 : memref<10000x8xf32, #tpu.memory_space<vmem_shared>>) offsets(%arg25 : memref<2000xi32, #tpu.memory_space<vmem>>) semaphore(%run_scoped3A : memref<!tpu.dma_semaphore, #tpu.memory_space<semaphore_mem>>) {add = true}
        %dma_wait3A_556 = arith.constant 0 : i32
        %dma_wait3A_557 = tpu.memref_slice %arg20[%mul3A_2, %dma_wait3A_556] : memref<160000x8xf32, #tpu.memory_space<vmem_shared>> -> memref<10000x8xf32, #tpu.memory_space<vmem_shared>>
        %dma_wait3A_558 = arith.constant 0 : i32
        %dma_wait3A_559 = arith.constant 0 : i32
        %dma_wait3A_560 = tpu.memref_slice %dma_wait3A_557[%dma_wait3A_558, %dma_wait3A_559] : memref<10000x8xf32, #tpu.memory_space<vmem_shared>> -> memref<10000x8xf32, #tpu.memory_space<vmem_shared>>
        tpu.wait_indirect_dma semaphore(%run_scoped3A : memref<!tpu.dma_semaphore, #tpu.memory_space<semaphore_mem>>) src(%arg27 : memref<2000x8xf32, #tpu.memory_space<vmem>>) dst(%dma_wait3A_560 : memref<10000x8xf32, #tpu.memory_space<vmem_shared>>)
        tpu.yield
      }) : () -> ()
      %mul3A_545 = arith.constant 40000 : i32
      %mul3A_546 = arith.muli %select_n3A_496, %mul3A_545 : i32
      %add3A_547 = arith.constant 20000 : i32
      %add3A_548 = arith.addi %mul3A_546, %add3A_547 : i32
      %mul3A_549 = arith.constant 8 : i32
      %mul3A_550 = arith.muli %select_n3A_480, %mul3A_549 : i32
      "tpu.region"() ({
        %run_scoped3A = tpu.sem_alloc : memref<!tpu.dma_semaphore, #tpu.memory_space<semaphore_mem>>
        %dma_start3A_551 = tpu.memref_slice %arg18[%add3A_548, %mul3A_550] : memref<80000x16xf32, #tpu.memory_space<hbm>> -> memref<10000x8xf32, #tpu.memory_space<hbm>>
        %dma_start3A_552 = arith.constant 0 : i32
        %dma_start3A_553 = tpu.memref_slice %arg20[%mul3A_2, %dma_start3A_552] : memref<160000x8xf32, #tpu.memory_space<vmem_shared>> -> memref<10000x8xf32, #tpu.memory_space<vmem_shared>>
        tpu.enqueue_dma source(%dma_start3A_553 : memref<10000x8xf32, #tpu.memory_space<vmem_shared>>) target(%dma_start3A_551 : memref<10000x8xf32, #tpu.memory_space<hbm>>) target_semaphore(%run_scoped3A : memref<!tpu.dma_semaphore, #tpu.memory_space<semaphore_mem>>)
        %dma_wait3A_554 = tpu.memref_slice %arg18[%add3A_548, %mul3A_550] : memref<80000x16xf32, #tpu.memory_space<hbm>> -> memref<10000x8xf32, #tpu.memory_space<hbm>>
        %dma_wait3A_555 = arith.constant 0 : i32
        %dma_wait3A_556 = tpu.memref_slice %arg20[%mul3A_2, %dma_wait3A_555] : memref<160000x8xf32, #tpu.memory_space<vmem_shared>> -> memref<10000x8xf32, #tpu.memory_space<vmem_shared>>
        tpu.wait_dma2 semaphore(%run_scoped3A : memref<!tpu.dma_semaphore, #tpu.memory_space<semaphore_mem>>) src(%dma_wait3A_556 : memref<10000x8xf32, #tpu.memory_space<vmem_shared>>) dst(%dma_wait3A_554 : memref<10000x8xf32, #tpu.memory_space<hbm>>)
        tpu.yield
      }) : () -> ()
    } else {
    }
    %jit3A_266 = arith.constant 4 : i32
    %div3A_267 = arith.divsi %add3A, %jit3A_266 : i32
    %sign3A_268 = arith.constant 0 : i32
    %sign3A_269 = arith.cmpi sgt, %add3A, %sign3A_268 : i32
    %sign3A_270 = arith.extui %sign3A_269 : i1 to i32
    %sign3A_271 = arith.constant 0 : i32
    %sign3A_272 = arith.cmpi slt, %add3A, %sign3A_271 : i32
    %sign3A_273 = arith.extui %sign3A_272 : i1 to i32
    %sign3A_274 = arith.subi %sign3A_270, %sign3A_273 : i32
    %sign3A_275 = arith.constant 0 : i32
    %sign3A_276 = arith.cmpi sgt, %jit3A_266, %sign3A_275 : i32
    %sign3A_277 = arith.extui %sign3A_276 : i1 to i32
    %sign3A_278 = arith.constant 0 : i32
    %sign3A_279 = arith.cmpi slt, %jit3A_266, %sign3A_278 : i32
    %sign3A_280 = arith.extui %sign3A_279 : i1 to i32
    %sign3A_281 = arith.subi %sign3A_277, %sign3A_280 : i32
    %ne3A_282 = arith.cmpi ne, %sign3A_274, %sign3A_281 : i32
    %rem3A_283 = arith.remsi %add3A, %jit3A_266 : i32
    %ne3A_284 = arith.constant 0 : i32
    %ne3A_285 = arith.cmpi ne, %rem3A_283, %ne3A_284 : i32
    %and3A_286 = arith.andi %ne3A_282, %ne3A_285 : i1
    %sub3A_287 = arith.constant 1 : i32
    %sub3A_288 = arith.subi %div3A_267, %sub3A_287 : i32
    %select_n3A_289 = arith.select %and3A_286, %sub3A_288, %div3A_267 : i32
    %eq3A_290 = arith.constant 3 : i32
    %eq3A_291 = arith.cmpi eq, %select_n3A_289, %eq3A_290 : i32
    %convert_element_type3A_292 = arith.extui %eq3A_291 : i1 to i32
    %cond3A_293 = arith.constant 0 : i32
    %cond3A_294 = arith.cmpi ne, %convert_element_type3A_292, %cond3A_293 : i32
    scf.if %cond3A_294 {
      %jit3A_441 = arith.constant 2 : i32
      %div3A_442 = arith.divsi %add3A, %jit3A_441 : i32
      %sign3A_443 = arith.constant 0 : i32
      %sign3A_444 = arith.cmpi sgt, %add3A, %sign3A_443 : i32
      %sign3A_445 = arith.extui %sign3A_444 : i1 to i32
      %sign3A_446 = arith.constant 0 : i32
      %sign3A_447 = arith.cmpi slt, %add3A, %sign3A_446 : i32
      %sign3A_448 = arith.extui %sign3A_447 : i1 to i32
      %sign3A_449 = arith.subi %sign3A_445, %sign3A_448 : i32
      %sign3A_450 = arith.constant 0 : i32
      %sign3A_451 = arith.cmpi sgt, %jit3A_441, %sign3A_450 : i32
      %sign3A_452 = arith.extui %sign3A_451 : i1 to i32
      %sign3A_453 = arith.constant 0 : i32
      %sign3A_454 = arith.cmpi slt, %jit3A_441, %sign3A_453 : i32
      %sign3A_455 = arith.extui %sign3A_454 : i1 to i32
      %sign3A_456 = arith.subi %sign3A_452, %sign3A_455 : i32
      %ne3A_457 = arith.cmpi ne, %sign3A_449, %sign3A_456 : i32
      %rem3A_458 = arith.remsi %add3A, %jit3A_441 : i32
      %ne3A_459 = arith.constant 0 : i32
      %ne3A_460 = arith.cmpi ne, %rem3A_458, %ne3A_459 : i32
      %and3A_461 = arith.andi %ne3A_457, %ne3A_460 : i1
      %sub3A_462 = arith.constant 1 : i32
      %sub3A_463 = arith.subi %div3A_442, %sub3A_462 : i32
      %select_n3A_464 = arith.select %and3A_461, %sub3A_463, %div3A_442 : i32
      %jit3A_465 = arith.constant 2 : i32
      %eq3A_466 = arith.constant 0 : i32
      %eq3A_467 = arith.cmpi eq, %jit3A_465, %eq3A_466 : i32
      %jit3A_468 = arith.constant 1 : i32
      %select_n3A_469 = arith.select %eq3A_467, %jit3A_468, %jit3A_465 : i32
      %rem3A_470 = arith.remsi %select_n3A_464, %select_n3A_469 : i32
      %ne3A_471 = arith.constant 0 : i32
      %ne3A_472 = arith.cmpi ne, %rem3A_470, %ne3A_471 : i32
      %lt3A_473 = arith.constant 0 : i32
      %lt3A_474 = arith.cmpi slt, %rem3A_470, %lt3A_473 : i32
      %lt3A_475 = arith.constant 0 : i32
      %lt3A_476 = arith.cmpi slt, %select_n3A_469, %lt3A_475 : i32
      %ne3A_477 = arith.xori %lt3A_474, %lt3A_476 : i1
      %and3A_478 = arith.andi %ne3A_477, %ne3A_472 : i1
      %add3A_479 = arith.addi %rem3A_470, %select_n3A_469 : i32
      %select_n3A_480 = arith.select %and3A_478, %add3A_479, %rem3A_470 : i32
      %jit3A_481 = arith.constant 2 : i32
      %eq3A_482 = arith.constant 0 : i32
      %eq3A_483 = arith.cmpi eq, %jit3A_481, %eq3A_482 : i32
      %jit3A_484 = arith.constant 1 : i32
      %select_n3A_485 = arith.select %eq3A_483, %jit3A_484, %jit3A_481 : i32
      %rem3A_486 = arith.remsi %add3A, %select_n3A_485 : i32
      %ne3A_487 = arith.constant 0 : i32
      %ne3A_488 = arith.cmpi ne, %rem3A_486, %ne3A_487 : i32
      %lt3A_489 = arith.constant 0 : i32
      %lt3A_490 = arith.cmpi slt, %rem3A_486, %lt3A_489 : i32
      %lt3A_491 = arith.constant 0 : i32
      %lt3A_492 = arith.cmpi slt, %select_n3A_485, %lt3A_491 : i32
      %ne3A_493 = arith.xori %lt3A_490, %lt3A_492 : i1
      %and3A_494 = arith.andi %ne3A_493, %ne3A_488 : i1
      %add3A_495 = arith.addi %rem3A_486, %select_n3A_485 : i32
      %select_n3A_496 = arith.select %and3A_494, %add3A_495, %rem3A_486 : i32
      %mul3A_497 = arith.constant 80000 : i32
      %mul3A_498 = arith.muli %select_n3A_496, %mul3A_497 : i32
      "tpu.region"() ({
        %run_scoped3A = tpu.sem_alloc : memref<!tpu.dma_semaphore, #tpu.memory_space<semaphore_mem>>
        %dma_start3A_551 = arith.constant 0 : i32
        %dma_start3A_552 = tpu.memref_slice %arg20[%mul3A_2, %dma_start3A_551] : memref<160000x8xf32, #tpu.memory_space<vmem_shared>> -> memref<10000x8xf32, #tpu.memory_space<vmem_shared>>
        tpu.enqueue_dma source(%arg15 : memref<10000x8xf32, #tpu.memory_space<hbm>>) target(%dma_start3A_552 : memref<10000x8xf32, #tpu.memory_space<vmem_shared>>) target_semaphore(%run_scoped3A : memref<!tpu.dma_semaphore, #tpu.memory_space<semaphore_mem>>)
        %dma_wait3A_553 = arith.constant 0 : i32
        %dma_wait3A_554 = tpu.memref_slice %arg20[%mul3A_2, %dma_wait3A_553] : memref<160000x8xf32, #tpu.memory_space<vmem_shared>> -> memref<10000x8xf32, #tpu.memory_space<vmem_shared>>
        tpu.wait_dma2 semaphore(%run_scoped3A : memref<!tpu.dma_semaphore, #tpu.memory_space<semaphore_mem>>) src(%arg15 : memref<10000x8xf32, #tpu.memory_space<hbm>>) dst(%dma_wait3A_554 : memref<10000x8xf32, #tpu.memory_space<vmem_shared>>)
        tpu.yield
      }) : () -> ()
      %add3A_499 = arith.constant 0 : i32
      %add3A_500 = arith.addi %mul3A_498, %add3A_499 : i32
      %mul3A_501 = arith.constant 8 : i32
      %mul3A_502 = arith.muli %select_n3A_480, %mul3A_501 : i32
      %dma_start3A_503 = tpu.memref_slice %arg14[%add3A_500, %mul3A_502] : memref<160000x16xf32, #tpu.memory_space<hbm>> -> memref<2000x8xf32, #tpu.memory_space<hbm>>
      %dma_start3A_504 = tpu.memref_slice %arg14[%add3A_500, %mul3A_502] : memref<160000x16xf32, #tpu.memory_space<hbm>> -> memref<2000x8xf32, #tpu.memory_space<hbm>>
      tpu.enqueue_dma source(%dma_start3A_504 : memref<2000x8xf32, #tpu.memory_space<hbm>>) target(%arg26 : memref<2000x8xf32, #tpu.memory_space<vmem>>) target_semaphore(%arg29 : memref<!tpu.dma_semaphore, #tpu.memory_space<semaphore_mem>>)
      %scan3A_505 = arith.constant 0 : i32
      %scan3A_506 = arith.constant 0 : i32
      %scan3A_507 = arith.constant 19 : i32
      %scan3A_508 = arith.addi %scan3A_506, %scan3A_507 : i32
      %scan3A_509 = arith.constant 1 : i32
      scf.for %scan3A_551 = %scan3A_506 to %scan3A_508 step %scan3A_509  : i32 {
        %mul3A_552 = arith.constant 2 : i32
        %mul3A_553 = arith.muli %mul3A_552, %scan3A_551 : i32
        %add3A_554 = arith.constant 1 : i32
        %add3A_555 = arith.addi %mul3A_553, %add3A_554 : i32
        %mul3A_556 = arith.constant 2000 : i32
        %mul3A_557 = arith.muli %add3A_555, %mul3A_556 : i32
        %add3A_558 = arith.addi %mul3A_498, %mul3A_557 : i32
        %mul3A_559 = arith.constant 8 : i32
        %mul3A_560 = arith.muli %select_n3A_480, %mul3A_559 : i32
        %dma_start3A_561 = tpu.memref_slice %arg14[%add3A_558, %mul3A_560] : memref<160000x16xf32, #tpu.memory_space<hbm>> -> memref<2000x8xf32, #tpu.memory_space<hbm>>
        %dma_start3A_562 = tpu.memref_slice %arg14[%add3A_558, %mul3A_560] : memref<160000x16xf32, #tpu.memory_space<hbm>> -> memref<2000x8xf32, #tpu.memory_space<hbm>>
        tpu.enqueue_dma source(%dma_start3A_562 : memref<2000x8xf32, #tpu.memory_space<hbm>>) target(%arg27 : memref<2000x8xf32, #tpu.memory_space<vmem>>) target_semaphore(%arg30 : memref<!tpu.dma_semaphore, #tpu.memory_space<semaphore_mem>>)
        %mul3A_563 = arith.constant 2 : i32
        %mul3A_564 = arith.muli %mul3A_563, %scan3A_551 : i32
        %mul3A_565 = arith.constant 2000 : i32
        %mul3A_566 = arith.muli %mul3A_564, %mul3A_565 : i32
        %add3A_567 = arith.addi %mul3A_498, %mul3A_566 : i32
        %dma_start3A_568 = tpu.memref_slice %arg10[%add3A_567] : memref<160000xi32, #tpu.memory_space<hbm>> -> memref<2000xi32, #tpu.memory_space<hbm>>
        %dma_start3A_569 = tpu.memref_slice %arg10[%add3A_567] : memref<160000xi32, #tpu.memory_space<hbm>> -> memref<2000xi32, #tpu.memory_space<hbm>>
        tpu.enqueue_dma source(%dma_start3A_569 : memref<2000xi32, #tpu.memory_space<hbm>>) target(%arg24 : memref<2000xi32, #tpu.memory_space<vmem>>) target_semaphore(%arg31 : memref<!tpu.dma_semaphore, #tpu.memory_space<semaphore_mem>>)
        %add3A_570 = arith.constant 0 : i32
        %add3A_571 = arith.addi %mul3A_498, %add3A_570 : i32
        %dma_wait3A_572 = tpu.memref_slice %arg10[%add3A_571] : memref<160000xi32, #tpu.memory_space<hbm>> -> memref<2000xi32, #tpu.memory_space<hbm>>
        %dma_wait3A_573 = tpu.memref_slice %arg10[%add3A_571] : memref<160000xi32, #tpu.memory_space<hbm>> -> memref<2000xi32, #tpu.memory_space<hbm>>
        tpu.wait_dma2 semaphore(%arg31 : memref<!tpu.dma_semaphore, #tpu.memory_space<semaphore_mem>>) src(%dma_wait3A_573 : memref<2000xi32, #tpu.memory_space<hbm>>) dst(%arg24 : memref<2000xi32, #tpu.memory_space<vmem>>)
        %add3A_574 = arith.constant 0 : i32
        %add3A_575 = arith.addi %mul3A_498, %add3A_574 : i32
        %mul3A_576 = arith.constant 8 : i32
        %mul3A_577 = arith.muli %select_n3A_480, %mul3A_576 : i32
        %dma_wait3A_578 = tpu.memref_slice %arg14[%add3A_575, %mul3A_577] : memref<160000x16xf32, #tpu.memory_space<hbm>> -> memref<2000x8xf32, #tpu.memory_space<hbm>>
        %dma_wait3A_579 = tpu.memref_slice %arg14[%add3A_575, %mul3A_577] : memref<160000x16xf32, #tpu.memory_space<hbm>> -> memref<2000x8xf32, #tpu.memory_space<hbm>>
        tpu.wait_dma2 semaphore(%arg29 : memref<!tpu.dma_semaphore, #tpu.memory_space<semaphore_mem>>) src(%dma_wait3A_579 : memref<2000x8xf32, #tpu.memory_space<hbm>>) dst(%arg26 : memref<2000x8xf32, #tpu.memory_space<vmem>>)
        "tpu.region"() ({
          %run_scoped3A = tpu.sem_alloc : memref<!tpu.dma_semaphore, #tpu.memory_space<semaphore_mem>>
          %dma_start3A_610 = arith.constant 0 : i32
          %dma_start3A_611 = tpu.memref_slice %arg20[%mul3A_2, %dma_start3A_610] : memref<160000x8xf32, #tpu.memory_space<vmem_shared>> -> memref<10000x8xf32, #tpu.memory_space<vmem_shared>>
          %dma_start3A_612 = arith.constant 0 : i32
          %dma_start3A_613 = arith.constant 0 : i32
          %dma_start3A_614 = tpu.memref_slice %dma_start3A_611[%dma_start3A_612, %dma_start3A_613] : memref<10000x8xf32, #tpu.memory_space<vmem_shared>> -> memref<10000x8xf32, #tpu.memory_space<vmem_shared>>
          tpu.enqueue_indirect_dma source(%arg26 : memref<2000x8xf32, #tpu.memory_space<vmem>>) target(%dma_start3A_614 : memref<10000x8xf32, #tpu.memory_space<vmem_shared>>) offsets(%arg24 : memref<2000xi32, #tpu.memory_space<vmem>>) semaphore(%run_scoped3A : memref<!tpu.dma_semaphore, #tpu.memory_space<semaphore_mem>>) {add = true}
          %dma_wait3A_615 = arith.constant 0 : i32
          %dma_wait3A_616 = tpu.memref_slice %arg20[%mul3A_2, %dma_wait3A_615] : memref<160000x8xf32, #tpu.memory_space<vmem_shared>> -> memref<10000x8xf32, #tpu.memory_space<vmem_shared>>
          %dma_wait3A_617 = arith.constant 0 : i32
          %dma_wait3A_618 = arith.constant 0 : i32
          %dma_wait3A_619 = tpu.memref_slice %dma_wait3A_616[%dma_wait3A_617, %dma_wait3A_618] : memref<10000x8xf32, #tpu.memory_space<vmem_shared>> -> memref<10000x8xf32, #tpu.memory_space<vmem_shared>>
          tpu.wait_indirect_dma semaphore(%run_scoped3A : memref<!tpu.dma_semaphore, #tpu.memory_space<semaphore_mem>>) src(%arg26 : memref<2000x8xf32, #tpu.memory_space<vmem>>) dst(%dma_wait3A_619 : memref<10000x8xf32, #tpu.memory_space<vmem_shared>>)
          tpu.yield
        }) : () -> ()
        %mul3A_580 = arith.constant 2 : i32
        %mul3A_581 = arith.muli %mul3A_580, %scan3A_551 : i32
        %add3A_582 = arith.constant 2 : i32
        %add3A_583 = arith.addi %mul3A_581, %add3A_582 : i32
        %mul3A_584 = arith.constant 2000 : i32
        %mul3A_585 = arith.muli %add3A_583, %mul3A_584 : i32
        %add3A_586 = arith.addi %mul3A_498, %mul3A_585 : i32
        %mul3A_587 = arith.constant 8 : i32
        %mul3A_588 = arith.muli %select_n3A_480, %mul3A_587 : i32
        %dma_start3A_589 = tpu.memref_slice %arg14[%add3A_586, %mul3A_588] : memref<160000x16xf32, #tpu.memory_space<hbm>> -> memref<2000x8xf32, #tpu.memory_space<hbm>>
        %dma_start3A_590 = tpu.memref_slice %arg14[%add3A_586, %mul3A_588] : memref<160000x16xf32, #tpu.memory_space<hbm>> -> memref<2000x8xf32, #tpu.memory_space<hbm>>
        tpu.enqueue_dma source(%dma_start3A_590 : memref<2000x8xf32, #tpu.memory_space<hbm>>) target(%arg26 : memref<2000x8xf32, #tpu.memory_space<vmem>>) target_semaphore(%arg29 : memref<!tpu.dma_semaphore, #tpu.memory_space<semaphore_mem>>)
        %mul3A_591 = arith.constant 2 : i32
        %mul3A_592 = arith.muli %mul3A_591, %scan3A_551 : i32
        %add3A_593 = arith.constant 1 : i32
        %add3A_594 = arith.addi %mul3A_592, %add3A_593 : i32
        %mul3A_595 = arith.constant 2000 : i32
        %mul3A_596 = arith.muli %add3A_594, %mul3A_595 : i32
        %add3A_597 = arith.addi %mul3A_498, %mul3A_596 : i32
        %dma_start3A_598 = tpu.memref_slice %arg10[%add3A_597] : memref<160000xi32, #tpu.memory_space<hbm>> -> memref<2000xi32, #tpu.memory_space<hbm>>
        %dma_start3A_599 = tpu.memref_slice %arg10[%add3A_597] : memref<160000xi32, #tpu.memory_space<hbm>> -> memref<2000xi32, #tpu.memory_space<hbm>>
        tpu.enqueue_dma source(%dma_start3A_599 : memref<2000xi32, #tpu.memory_space<hbm>>) target(%arg25 : memref<2000xi32, #tpu.memory_space<vmem>>) target_semaphore(%arg32 : memref<!tpu.dma_semaphore, #tpu.memory_space<semaphore_mem>>)
        %add3A_600 = arith.constant 0 : i32
        %add3A_601 = arith.addi %mul3A_498, %add3A_600 : i32
        %dma_wait3A_602 = tpu.memref_slice %arg10[%add3A_601] : memref<160000xi32, #tpu.memory_space<hbm>> -> memref<2000xi32, #tpu.memory_space<hbm>>
        %dma_wait3A_603 = tpu.memref_slice %arg10[%add3A_601] : memref<160000xi32, #tpu.memory_space<hbm>> -> memref<2000xi32, #tpu.memory_space<hbm>>
        tpu.wait_dma2 semaphore(%arg32 : memref<!tpu.dma_semaphore, #tpu.memory_space<semaphore_mem>>) src(%dma_wait3A_603 : memref<2000xi32, #tpu.memory_space<hbm>>) dst(%arg25 : memref<2000xi32, #tpu.memory_space<vmem>>)
        %add3A_604 = arith.constant 0 : i32
        %add3A_605 = arith.addi %mul3A_498, %add3A_604 : i32
        %mul3A_606 = arith.constant 8 : i32
        %mul3A_607 = arith.muli %select_n3A_480, %mul3A_606 : i32
        %dma_wait3A_608 = tpu.memref_slice %arg14[%add3A_605, %mul3A_607] : memref<160000x16xf32, #tpu.memory_space<hbm>> -> memref<2000x8xf32, #tpu.memory_space<hbm>>
        %dma_wait3A_609 = tpu.memref_slice %arg14[%add3A_605, %mul3A_607] : memref<160000x16xf32, #tpu.memory_space<hbm>> -> memref<2000x8xf32, #tpu.memory_space<hbm>>
        tpu.wait_dma2 semaphore(%arg30 : memref<!tpu.dma_semaphore, #tpu.memory_space<semaphore_mem>>) src(%dma_wait3A_609 : memref<2000x8xf32, #tpu.memory_space<hbm>>) dst(%arg27 : memref<2000x8xf32, #tpu.memory_space<vmem>>)
        "tpu.region"() ({
          %run_scoped3A = tpu.sem_alloc : memref<!tpu.dma_semaphore, #tpu.memory_space<semaphore_mem>>
          %dma_start3A_610 = arith.constant 0 : i32
          %dma_start3A_611 = tpu.memref_slice %arg20[%mul3A_2, %dma_start3A_610] : memref<160000x8xf32, #tpu.memory_space<vmem_shared>> -> memref<10000x8xf32, #tpu.memory_space<vmem_shared>>
          %dma_start3A_612 = arith.constant 0 : i32
          %dma_start3A_613 = arith.constant 0 : i32
          %dma_start3A_614 = tpu.memref_slice %dma_start3A_611[%dma_start3A_612, %dma_start3A_613] : memref<10000x8xf32, #tpu.memory_space<vmem_shared>> -> memref<10000x8xf32, #tpu.memory_space<vmem_shared>>
          tpu.enqueue_indirect_dma source(%arg27 : memref<2000x8xf32, #tpu.memory_space<vmem>>) target(%dma_start3A_614 : memref<10000x8xf32, #tpu.memory_space<vmem_shared>>) offsets(%arg25 : memref<2000xi32, #tpu.memory_space<vmem>>) semaphore(%run_scoped3A : memref<!tpu.dma_semaphore, #tpu.memory_space<semaphore_mem>>) {add = true}
          %dma_wait3A_615 = arith.constant 0 : i32
          %dma_wait3A_616 = tpu.memref_slice %arg20[%mul3A_2, %dma_wait3A_615] : memref<160000x8xf32, #tpu.memory_space<vmem_shared>> -> memref<10000x8xf32, #tpu.memory_space<vmem_shared>>
          %dma_wait3A_617 = arith.constant 0 : i32
          %dma_wait3A_618 = arith.constant 0 : i32
          %dma_wait3A_619 = tpu.memref_slice %dma_wait3A_616[%dma_wait3A_617, %dma_wait3A_618] : memref<10000x8xf32, #tpu.memory_space<vmem_shared>> -> memref<10000x8xf32, #tpu.memory_space<vmem_shared>>
          tpu.wait_indirect_dma semaphore(%run_scoped3A : memref<!tpu.dma_semaphore, #tpu.memory_space<semaphore_mem>>) src(%arg27 : memref<2000x8xf32, #tpu.memory_space<vmem>>) dst(%dma_wait3A_619 : memref<10000x8xf32, #tpu.memory_space<vmem_shared>>)
          tpu.yield
        }) : () -> ()
      }
      %scan3A_510 = arith.constant 19 : i32
      %add3A_511 = arith.constant 78000 : i32
      %add3A_512 = arith.addi %mul3A_498, %add3A_511 : i32
      %mul3A_513 = arith.constant 8 : i32
      %mul3A_514 = arith.muli %select_n3A_480, %mul3A_513 : i32
      %dma_start3A_515 = tpu.memref_slice %arg14[%add3A_512, %mul3A_514] : memref<160000x16xf32, #tpu.memory_space<hbm>> -> memref<2000x8xf32, #tpu.memory_space<hbm>>
      %dma_start3A_516 = tpu.memref_slice %arg14[%add3A_512, %mul3A_514] : memref<160000x16xf32, #tpu.memory_space<hbm>> -> memref<2000x8xf32, #tpu.memory_space<hbm>>
      tpu.enqueue_dma source(%dma_start3A_516 : memref<2000x8xf32, #tpu.memory_space<hbm>>) target(%arg27 : memref<2000x8xf32, #tpu.memory_space<vmem>>) target_semaphore(%arg30 : memref<!tpu.dma_semaphore, #tpu.memory_space<semaphore_mem>>)
      %add3A_517 = arith.constant 76000 : i32
      %add3A_518 = arith.addi %mul3A_498, %add3A_517 : i32
      %dma_start3A_519 = tpu.memref_slice %arg10[%add3A_518] : memref<160000xi32, #tpu.memory_space<hbm>> -> memref<2000xi32, #tpu.memory_space<hbm>>
      %dma_start3A_520 = tpu.memref_slice %arg10[%add3A_518] : memref<160000xi32, #tpu.memory_space<hbm>> -> memref<2000xi32, #tpu.memory_space<hbm>>
      tpu.enqueue_dma source(%dma_start3A_520 : memref<2000xi32, #tpu.memory_space<hbm>>) target(%arg24 : memref<2000xi32, #tpu.memory_space<vmem>>) target_semaphore(%arg31 : memref<!tpu.dma_semaphore, #tpu.memory_space<semaphore_mem>>)
      %add3A_521 = arith.constant 0 : i32
      %add3A_522 = arith.addi %mul3A_498, %add3A_521 : i32
      %dma_wait3A_523 = tpu.memref_slice %arg10[%add3A_522] : memref<160000xi32, #tpu.memory_space<hbm>> -> memref<2000xi32, #tpu.memory_space<hbm>>
      %dma_wait3A_524 = tpu.memref_slice %arg10[%add3A_522] : memref<160000xi32, #tpu.memory_space<hbm>> -> memref<2000xi32, #tpu.memory_space<hbm>>
      tpu.wait_dma2 semaphore(%arg31 : memref<!tpu.dma_semaphore, #tpu.memory_space<semaphore_mem>>) src(%dma_wait3A_524 : memref<2000xi32, #tpu.memory_space<hbm>>) dst(%arg24 : memref<2000xi32, #tpu.memory_space<vmem>>)
      %add3A_525 = arith.constant 0 : i32
      %add3A_526 = arith.addi %mul3A_498, %add3A_525 : i32
      %mul3A_527 = arith.constant 8 : i32
      %mul3A_528 = arith.muli %select_n3A_480, %mul3A_527 : i32
      %dma_wait3A_529 = tpu.memref_slice %arg14[%add3A_526, %mul3A_528] : memref<160000x16xf32, #tpu.memory_space<hbm>> -> memref<2000x8xf32, #tpu.memory_space<hbm>>
      %dma_wait3A_530 = tpu.memref_slice %arg14[%add3A_526, %mul3A_528] : memref<160000x16xf32, #tpu.memory_space<hbm>> -> memref<2000x8xf32, #tpu.memory_space<hbm>>
      tpu.wait_dma2 semaphore(%arg29 : memref<!tpu.dma_semaphore, #tpu.memory_space<semaphore_mem>>) src(%dma_wait3A_530 : memref<2000x8xf32, #tpu.memory_space<hbm>>) dst(%arg26 : memref<2000x8xf32, #tpu.memory_space<vmem>>)
      "tpu.region"() ({
        %run_scoped3A = tpu.sem_alloc : memref<!tpu.dma_semaphore, #tpu.memory_space<semaphore_mem>>
        %dma_start3A_551 = arith.constant 0 : i32
        %dma_start3A_552 = tpu.memref_slice %arg20[%mul3A_2, %dma_start3A_551] : memref<160000x8xf32, #tpu.memory_space<vmem_shared>> -> memref<10000x8xf32, #tpu.memory_space<vmem_shared>>
        %dma_start3A_553 = arith.constant 0 : i32
        %dma_start3A_554 = arith.constant 0 : i32
        %dma_start3A_555 = tpu.memref_slice %dma_start3A_552[%dma_start3A_553, %dma_start3A_554] : memref<10000x8xf32, #tpu.memory_space<vmem_shared>> -> memref<10000x8xf32, #tpu.memory_space<vmem_shared>>
        tpu.enqueue_indirect_dma source(%arg26 : memref<2000x8xf32, #tpu.memory_space<vmem>>) target(%dma_start3A_555 : memref<10000x8xf32, #tpu.memory_space<vmem_shared>>) offsets(%arg24 : memref<2000xi32, #tpu.memory_space<vmem>>) semaphore(%run_scoped3A : memref<!tpu.dma_semaphore, #tpu.memory_space<semaphore_mem>>) {add = true}
        %dma_wait3A_556 = arith.constant 0 : i32
        %dma_wait3A_557 = tpu.memref_slice %arg20[%mul3A_2, %dma_wait3A_556] : memref<160000x8xf32, #tpu.memory_space<vmem_shared>> -> memref<10000x8xf32, #tpu.memory_space<vmem_shared>>
        %dma_wait3A_558 = arith.constant 0 : i32
        %dma_wait3A_559 = arith.constant 0 : i32
        %dma_wait3A_560 = tpu.memref_slice %dma_wait3A_557[%dma_wait3A_558, %dma_wait3A_559] : memref<10000x8xf32, #tpu.memory_space<vmem_shared>> -> memref<10000x8xf32, #tpu.memory_space<vmem_shared>>
        tpu.wait_indirect_dma semaphore(%run_scoped3A : memref<!tpu.dma_semaphore, #tpu.memory_space<semaphore_mem>>) src(%arg26 : memref<2000x8xf32, #tpu.memory_space<vmem>>) dst(%dma_wait3A_560 : memref<10000x8xf32, #tpu.memory_space<vmem_shared>>)
        tpu.yield
      }) : () -> ()
      %add3A_531 = arith.constant 78000 : i32
      %add3A_532 = arith.addi %mul3A_498, %add3A_531 : i32
      %dma_start3A_533 = tpu.memref_slice %arg10[%add3A_532] : memref<160000xi32, #tpu.memory_space<hbm>> -> memref<2000xi32, #tpu.memory_space<hbm>>
      %dma_start3A_534 = tpu.memref_slice %arg10[%add3A_532] : memref<160000xi32, #tpu.memory_space<hbm>> -> memref<2000xi32, #tpu.memory_space<hbm>>
      tpu.enqueue_dma source(%dma_start3A_534 : memref<2000xi32, #tpu.memory_space<hbm>>) target(%arg25 : memref<2000xi32, #tpu.memory_space<vmem>>) target_semaphore(%arg32 : memref<!tpu.dma_semaphore, #tpu.memory_space<semaphore_mem>>)
      %add3A_535 = arith.constant 0 : i32
      %add3A_536 = arith.addi %mul3A_498, %add3A_535 : i32
      %dma_wait3A_537 = tpu.memref_slice %arg10[%add3A_536] : memref<160000xi32, #tpu.memory_space<hbm>> -> memref<2000xi32, #tpu.memory_space<hbm>>
      %dma_wait3A_538 = tpu.memref_slice %arg10[%add3A_536] : memref<160000xi32, #tpu.memory_space<hbm>> -> memref<2000xi32, #tpu.memory_space<hbm>>
      tpu.wait_dma2 semaphore(%arg32 : memref<!tpu.dma_semaphore, #tpu.memory_space<semaphore_mem>>) src(%dma_wait3A_538 : memref<2000xi32, #tpu.memory_space<hbm>>) dst(%arg25 : memref<2000xi32, #tpu.memory_space<vmem>>)
      %add3A_539 = arith.constant 0 : i32
      %add3A_540 = arith.addi %mul3A_498, %add3A_539 : i32
      %mul3A_541 = arith.constant 8 : i32
      %mul3A_542 = arith.muli %select_n3A_480, %mul3A_541 : i32
      %dma_wait3A_543 = tpu.memref_slice %arg14[%add3A_540, %mul3A_542] : memref<160000x16xf32, #tpu.memory_space<hbm>> -> memref<2000x8xf32, #tpu.memory_space<hbm>>
      %dma_wait3A_544 = tpu.memref_slice %arg14[%add3A_540, %mul3A_542] : memref<160000x16xf32, #tpu.memory_space<hbm>> -> memref<2000x8xf32, #tpu.memory_space<hbm>>
      tpu.wait_dma2 semaphore(%arg30 : memref<!tpu.dma_semaphore, #tpu.memory_space<semaphore_mem>>) src(%dma_wait3A_544 : memref<2000x8xf32, #tpu.memory_space<hbm>>) dst(%arg27 : memref<2000x8xf32, #tpu.memory_space<vmem>>)
      "tpu.region"() ({
        %run_scoped3A = tpu.sem_alloc : memref<!tpu.dma_semaphore, #tpu.memory_space<semaphore_mem>>
        %dma_start3A_551 = arith.constant 0 : i32
        %dma_start3A_552 = tpu.memref_slice %arg20[%mul3A_2, %dma_start3A_551] : memref<160000x8xf32, #tpu.memory_space<vmem_shared>> -> memref<10000x8xf32, #tpu.memory_space<vmem_shared>>
        %dma_start3A_553 = arith.constant 0 : i32
        %dma_start3A_554 = arith.constant 0 : i32
        %dma_start3A_555 = tpu.memref_slice %dma_start3A_552[%dma_start3A_553, %dma_start3A_554] : memref<10000x8xf32, #tpu.memory_space<vmem_shared>> -> memref<10000x8xf32, #tpu.memory_space<vmem_shared>>
        tpu.enqueue_indirect_dma source(%arg27 : memref<2000x8xf32, #tpu.memory_space<vmem>>) target(%dma_start3A_555 : memref<10000x8xf32, #tpu.memory_space<vmem_shared>>) offsets(%arg25 : memref<2000xi32, #tpu.memory_space<vmem>>) semaphore(%run_scoped3A : memref<!tpu.dma_semaphore, #tpu.memory_space<semaphore_mem>>) {add = true}
        %dma_wait3A_556 = arith.constant 0 : i32
        %dma_wait3A_557 = tpu.memref_slice %arg20[%mul3A_2, %dma_wait3A_556] : memref<160000x8xf32, #tpu.memory_space<vmem_shared>> -> memref<10000x8xf32, #tpu.memory_space<vmem_shared>>
        %dma_wait3A_558 = arith.constant 0 : i32
        %dma_wait3A_559 = arith.constant 0 : i32
        %dma_wait3A_560 = tpu.memref_slice %dma_wait3A_557[%dma_wait3A_558, %dma_wait3A_559] : memref<10000x8xf32, #tpu.memory_space<vmem_shared>> -> memref<10000x8xf32, #tpu.memory_space<vmem_shared>>
        tpu.wait_indirect_dma semaphore(%run_scoped3A : memref<!tpu.dma_semaphore, #tpu.memory_space<semaphore_mem>>) src(%arg27 : memref<2000x8xf32, #tpu.memory_space<vmem>>) dst(%dma_wait3A_560 : memref<10000x8xf32, #tpu.memory_space<vmem_shared>>)
        tpu.yield
      }) : () -> ()
      %mul3A_545 = arith.constant 40000 : i32
      %mul3A_546 = arith.muli %select_n3A_496, %mul3A_545 : i32
      %add3A_547 = arith.constant 30000 : i32
      %add3A_548 = arith.addi %mul3A_546, %add3A_547 : i32
      %mul3A_549 = arith.constant 8 : i32
      %mul3A_550 = arith.muli %select_n3A_480, %mul3A_549 : i32
      "tpu.region"() ({
        %run_scoped3A = tpu.sem_alloc : memref<!tpu.dma_semaphore, #tpu.memory_space<semaphore_mem>>
        %dma_start3A_551 = tpu.memref_slice %arg18[%add3A_548, %mul3A_550] : memref<80000x16xf32, #tpu.memory_space<hbm>> -> memref<10000x8xf32, #tpu.memory_space<hbm>>
        %dma_start3A_552 = arith.constant 0 : i32
        %dma_start3A_553 = tpu.memref_slice %arg20[%mul3A_2, %dma_start3A_552] : memref<160000x8xf32, #tpu.memory_space<vmem_shared>> -> memref<10000x8xf32, #tpu.memory_space<vmem_shared>>
        tpu.enqueue_dma source(%dma_start3A_553 : memref<10000x8xf32, #tpu.memory_space<vmem_shared>>) target(%dma_start3A_551 : memref<10000x8xf32, #tpu.memory_space<hbm>>) target_semaphore(%run_scoped3A : memref<!tpu.dma_semaphore, #tpu.memory_space<semaphore_mem>>)
        %dma_wait3A_554 = tpu.memref_slice %arg18[%add3A_548, %mul3A_550] : memref<80000x16xf32, #tpu.memory_space<hbm>> -> memref<10000x8xf32, #tpu.memory_space<hbm>>
        %dma_wait3A_555 = arith.constant 0 : i32
        %dma_wait3A_556 = tpu.memref_slice %arg20[%mul3A_2, %dma_wait3A_555] : memref<160000x8xf32, #tpu.memory_space<vmem_shared>> -> memref<10000x8xf32, #tpu.memory_space<vmem_shared>>
        tpu.wait_dma2 semaphore(%run_scoped3A : memref<!tpu.dma_semaphore, #tpu.memory_space<semaphore_mem>>) src(%dma_wait3A_556 : memref<10000x8xf32, #tpu.memory_space<vmem_shared>>) dst(%dma_wait3A_554 : memref<10000x8xf32, #tpu.memory_space<hbm>>)
        tpu.yield
      }) : () -> ()
    } else {
    }
    %ge3A = arith.constant 16 : i32
    %ge3A_295 = arith.cmpi sge, %add3A, %ge3A : i32
    %lt3A = arith.constant 24 : i32
    %lt3A_296 = arith.cmpi slt, %add3A, %lt3A : i32
    %and3A_297 = arith.andi %ge3A_295, %lt3A_296 : i1
    %sub3A_298 = arith.constant 16 : i32
    %sub3A_299 = arith.subi %add3A, %sub3A_298 : i32
    %jit3A_300 = arith.constant 2 : i32
    %div3A_301 = arith.divsi %sub3A_299, %jit3A_300 : i32
    %sign3A_302 = arith.constant 0 : i32
    %sign3A_303 = arith.cmpi sgt, %sub3A_299, %sign3A_302 : i32
    %sign3A_304 = arith.extui %sign3A_303 : i1 to i32
    %sign3A_305 = arith.constant 0 : i32
    %sign3A_306 = arith.cmpi slt, %sub3A_299, %sign3A_305 : i32
    %sign3A_307 = arith.extui %sign3A_306 : i1 to i32
    %sign3A_308 = arith.subi %sign3A_304, %sign3A_307 : i32
    %sign3A_309 = arith.constant 0 : i32
    %sign3A_310 = arith.cmpi sgt, %jit3A_300, %sign3A_309 : i32
    %sign3A_311 = arith.extui %sign3A_310 : i1 to i32
    %sign3A_312 = arith.constant 0 : i32
    %sign3A_313 = arith.cmpi slt, %jit3A_300, %sign3A_312 : i32
    %sign3A_314 = arith.extui %sign3A_313 : i1 to i32
    %sign3A_315 = arith.subi %sign3A_311, %sign3A_314 : i32
    %ne3A_316 = arith.cmpi ne, %sign3A_308, %sign3A_315 : i32
    %rem3A_317 = arith.remsi %sub3A_299, %jit3A_300 : i32
    %ne3A_318 = arith.constant 0 : i32
    %ne3A_319 = arith.cmpi ne, %rem3A_317, %ne3A_318 : i32
    %and3A_320 = arith.andi %ne3A_316, %ne3A_319 : i1
    %sub3A_321 = arith.constant 1 : i32
    %sub3A_322 = arith.subi %div3A_301, %sub3A_321 : i32
    %select_n3A_323 = arith.select %and3A_320, %sub3A_322, %div3A_301 : i32
    %eq3A_324 = arith.constant 0 : i32
    %eq3A_325 = arith.cmpi eq, %select_n3A_323, %eq3A_324 : i32
    %and3A_326 = arith.andi %and3A_297, %eq3A_325 : i1
    %convert_element_type3A_327 = arith.extui %and3A_326 : i1 to i32
    %cond3A_328 = arith.constant 0 : i32
    %cond3A_329 = arith.cmpi ne, %convert_element_type3A_327, %cond3A_328 : i32
    scf.if %cond3A_329 {
      %jit3A_441 = arith.constant 2 : i32
      %eq3A_442 = arith.constant 0 : i32
      %eq3A_443 = arith.cmpi eq, %jit3A_441, %eq3A_442 : i32
      %jit3A_444 = arith.constant 1 : i32
      %select_n3A_445 = arith.select %eq3A_443, %jit3A_444, %jit3A_441 : i32
      %rem3A_446 = arith.remsi %add3A, %select_n3A_445 : i32
      %ne3A_447 = arith.constant 0 : i32
      %ne3A_448 = arith.cmpi ne, %rem3A_446, %ne3A_447 : i32
      %lt3A_449 = arith.constant 0 : i32
      %lt3A_450 = arith.cmpi slt, %rem3A_446, %lt3A_449 : i32
      %lt3A_451 = arith.constant 0 : i32
      %lt3A_452 = arith.cmpi slt, %select_n3A_445, %lt3A_451 : i32
      %ne3A_453 = arith.xori %lt3A_450, %lt3A_452 : i1
      %and3A_454 = arith.andi %ne3A_453, %ne3A_448 : i1
      %add3A_455 = arith.addi %rem3A_446, %select_n3A_445 : i32
      %select_n3A_456 = arith.select %and3A_454, %add3A_455, %rem3A_446 : i32
      %mul3A_457 = arith.constant 80000 : i32
      %mul3A_458 = arith.muli %select_n3A_456, %mul3A_457 : i32
      "tpu.region"() ({
        %run_scoped3A = tpu.sem_alloc : memref<!tpu.dma_semaphore, #tpu.memory_space<semaphore_mem>>
        %dma_start3A_513 = tpu.memref_slice %arg21[%mul3A_5] : memref<40000xf32, #tpu.memory_space<vmem_shared>> -> memref<10000xf32, #tpu.memory_space<vmem_shared>>
        tpu.enqueue_dma source(%arg16 : memref<10000xf32, #tpu.memory_space<hbm>>) target(%dma_start3A_513 : memref<10000xf32, #tpu.memory_space<vmem_shared>>) target_semaphore(%run_scoped3A : memref<!tpu.dma_semaphore, #tpu.memory_space<semaphore_mem>>)
        %dma_wait3A_514 = tpu.memref_slice %arg21[%mul3A_5] : memref<40000xf32, #tpu.memory_space<vmem_shared>> -> memref<10000xf32, #tpu.memory_space<vmem_shared>>
        tpu.wait_dma2 semaphore(%run_scoped3A : memref<!tpu.dma_semaphore, #tpu.memory_space<semaphore_mem>>) src(%arg16 : memref<10000xf32, #tpu.memory_space<hbm>>) dst(%dma_wait3A_514 : memref<10000xf32, #tpu.memory_space<vmem_shared>>)
        tpu.yield
      }) : () -> ()
      %scan3A_459 = arith.constant 0 : i32
      %scan3A_460 = arith.constant 0 : i32
      %scan3A_461 = arith.constant 120 : i32
      %scan3A_462 = arith.addi %scan3A_460, %scan3A_461 : i32
      %scan3A_463 = arith.constant 8 : i32
      scf.for %scan3A_513 = %scan3A_460 to %scan3A_462 step %scan3A_463  : i32 {
        %broadcast_in_dim3A_514 = arith.constant 1.000000e+00 : f32
        %broadcast_in_dim3A_515 = vector.broadcast %broadcast_in_dim3A_514 : f32 to vector<16xf32>
        %mul3A_516 = arith.constant 16 : i32
        %mul3A_517 = arith.muli %scan3A_513, %mul3A_516 : i32
        %swap3A_518 = arith.index_cast %mul3A_517 : i32 to index
        %swap3A_519 = tpu.vector_load %arg28[%swap3A_518] {strides = array<i32>} : memref<2000xf32, #tpu.memory_space<vmem>>, vector<16xf32>,
        tpu.vector_store %arg28[%swap3A_518], %broadcast_in_dim3A_515 {strides = array<i32>} : memref<2000xf32, #tpu.memory_space<vmem>>, vector<16xf32>,
        %scan3A_520 = arith.constant 1 : i32
        %scan3A_521 = arith.addi %scan3A_513, %scan3A_520 : i32
        %broadcast_in_dim3A_522 = arith.constant 1.000000e+00 : f32
        %broadcast_in_dim3A_523 = vector.broadcast %broadcast_in_dim3A_522 : f32 to vector<16xf32>
        %mul3A_524 = arith.constant 16 : i32
        %mul3A_525 = arith.muli %scan3A_521, %mul3A_524 : i32
        %swap3A_526 = arith.index_cast %mul3A_525 : i32 to index
        %swap3A_527 = tpu.vector_load %arg28[%swap3A_526] {strides = array<i32>} : memref<2000xf32, #tpu.memory_space<vmem>>, vector<16xf32>,
        tpu.vector_store %arg28[%swap3A_526], %broadcast_in_dim3A_523 {strides = array<i32>} : memref<2000xf32, #tpu.memory_space<vmem>>, vector<16xf32>,
        %scan3A_528 = arith.constant 2 : i32
        %scan3A_529 = arith.addi %scan3A_513, %scan3A_528 : i32
        %broadcast_in_dim3A_530 = arith.constant 1.000000e+00 : f32
        %broadcast_in_dim3A_531 = vector.broadcast %broadcast_in_dim3A_530 : f32 to vector<16xf32>
        %mul3A_532 = arith.constant 16 : i32
        %mul3A_533 = arith.muli %scan3A_529, %mul3A_532 : i32
        %swap3A_534 = arith.index_cast %mul3A_533 : i32 to index
        %swap3A_535 = tpu.vector_load %arg28[%swap3A_534] {strides = array<i32>} : memref<2000xf32, #tpu.memory_space<vmem>>, vector<16xf32>,
        tpu.vector_store %arg28[%swap3A_534], %broadcast_in_dim3A_531 {strides = array<i32>} : memref<2000xf32, #tpu.memory_space<vmem>>, vector<16xf32>,
        %scan3A_536 = arith.constant 3 : i32
        %scan3A_537 = arith.addi %scan3A_513, %scan3A_536 : i32
        %broadcast_in_dim3A_538 = arith.constant 1.000000e+00 : f32
        %broadcast_in_dim3A_539 = vector.broadcast %broadcast_in_dim3A_538 : f32 to vector<16xf32>
        %mul3A_540 = arith.constant 16 : i32
        %mul3A_541 = arith.muli %scan3A_537, %mul3A_540 : i32
        %swap3A_542 = arith.index_cast %mul3A_541 : i32 to index
        %swap3A_543 = tpu.vector_load %arg28[%swap3A_542] {strides = array<i32>} : memref<2000xf32, #tpu.memory_space<vmem>>, vector<16xf32>,
        tpu.vector_store %arg28[%swap3A_542], %broadcast_in_dim3A_539 {strides = array<i32>} : memref<2000xf32, #tpu.memory_space<vmem>>, vector<16xf32>,
        %scan3A_544 = arith.constant 4 : i32
        %scan3A_545 = arith.addi %scan3A_513, %scan3A_544 : i32
        %broadcast_in_dim3A_546 = arith.constant 1.000000e+00 : f32
        %broadcast_in_dim3A_547 = vector.broadcast %broadcast_in_dim3A_546 : f32 to vector<16xf32>
        %mul3A_548 = arith.constant 16 : i32
        %mul3A_549 = arith.muli %scan3A_545, %mul3A_548 : i32
        %swap3A_550 = arith.index_cast %mul3A_549 : i32 to index
        %swap3A_551 = tpu.vector_load %arg28[%swap3A_550] {strides = array<i32>} : memref<2000xf32, #tpu.memory_space<vmem>>, vector<16xf32>,
        tpu.vector_store %arg28[%swap3A_550], %broadcast_in_dim3A_547 {strides = array<i32>} : memref<2000xf32, #tpu.memory_space<vmem>>, vector<16xf32>,
        %scan3A_552 = arith.constant 5 : i32
        %scan3A_553 = arith.addi %scan3A_513, %scan3A_552 : i32
        %broadcast_in_dim3A_554 = arith.constant 1.000000e+00 : f32
        %broadcast_in_dim3A_555 = vector.broadcast %broadcast_in_dim3A_554 : f32 to vector<16xf32>
        %mul3A_556 = arith.constant 16 : i32
        %mul3A_557 = arith.muli %scan3A_553, %mul3A_556 : i32
        %swap3A_558 = arith.index_cast %mul3A_557 : i32 to index
        %swap3A_559 = tpu.vector_load %arg28[%swap3A_558] {strides = array<i32>} : memref<2000xf32, #tpu.memory_space<vmem>>, vector<16xf32>,
        tpu.vector_store %arg28[%swap3A_558], %broadcast_in_dim3A_555 {strides = array<i32>} : memref<2000xf32, #tpu.memory_space<vmem>>, vector<16xf32>,
        %scan3A_560 = arith.constant 6 : i32
        %scan3A_561 = arith.addi %scan3A_513, %scan3A_560 : i32
        %broadcast_in_dim3A_562 = arith.constant 1.000000e+00 : f32
        %broadcast_in_dim3A_563 = vector.broadcast %broadcast_in_dim3A_562 : f32 to vector<16xf32>
        %mul3A_564 = arith.constant 16 : i32
        %mul3A_565 = arith.muli %scan3A_561, %mul3A_564 : i32
        %swap3A_566 = arith.index_cast %mul3A_565 : i32 to index
        %swap3A_567 = tpu.vector_load %arg28[%swap3A_566] {strides = array<i32>} : memref<2000xf32, #tpu.memory_space<vmem>>, vector<16xf32>,
        tpu.vector_store %arg28[%swap3A_566], %broadcast_in_dim3A_563 {strides = array<i32>} : memref<2000xf32, #tpu.memory_space<vmem>>, vector<16xf32>,
        %scan3A_568 = arith.constant 7 : i32
        %scan3A_569 = arith.addi %scan3A_513, %scan3A_568 : i32
        %broadcast_in_dim3A_570 = arith.constant 1.000000e+00 : f32
        %broadcast_in_dim3A_571 = vector.broadcast %broadcast_in_dim3A_570 : f32 to vector<16xf32>
        %mul3A_572 = arith.constant 16 : i32
        %mul3A_573 = arith.muli %scan3A_569, %mul3A_572 : i32
        %swap3A_574 = arith.index_cast %mul3A_573 : i32 to index
        %swap3A_575 = tpu.vector_load %arg28[%swap3A_574] {strides = array<i32>} : memref<2000xf32, #tpu.memory_space<vmem>>, vector<16xf32>,
        tpu.vector_store %arg28[%swap3A_574], %broadcast_in_dim3A_571 {strides = array<i32>} : memref<2000xf32, #tpu.memory_space<vmem>>, vector<16xf32>,
      }
      %scan3A_464 = arith.constant 120 : i32
      %scan3A_465 = arith.addi %scan3A_460, %scan3A_464 : i32
      %broadcast_in_dim3A = arith.constant 1.000000e+00 : f32
      %broadcast_in_dim3A_466 = vector.broadcast %broadcast_in_dim3A : f32 to vector<16xf32>
      %mul3A_467 = arith.constant 16 : i32
      %mul3A_468 = arith.muli %scan3A_465, %mul3A_467 : i32
      %swap3A = arith.index_cast %mul3A_468 : i32 to index
      %swap3A_469 = tpu.vector_load %arg28[%swap3A] {strides = array<i32>} : memref<2000xf32, #tpu.memory_space<vmem>>, vector<16xf32>,
      tpu.vector_store %arg28[%swap3A], %broadcast_in_dim3A_466 {strides = array<i32>} : memref<2000xf32, #tpu.memory_space<vmem>>, vector<16xf32>,
      %scan3A_470 = arith.constant 121 : i32
      %scan3A_471 = arith.addi %scan3A_460, %scan3A_470 : i32
      %broadcast_in_dim3A_472 = arith.constant 1.000000e+00 : f32
      %broadcast_in_dim3A_473 = vector.broadcast %broadcast_in_dim3A_472 : f32 to vector<16xf32>
      %mul3A_474 = arith.constant 16 : i32
      %mul3A_475 = arith.muli %scan3A_471, %mul3A_474 : i32
      %swap3A_476 = arith.index_cast %mul3A_475 : i32 to index
      %swap3A_477 = tpu.vector_load %arg28[%swap3A_476] {strides = array<i32>} : memref<2000xf32, #tpu.memory_space<vmem>>, vector<16xf32>,
      tpu.vector_store %arg28[%swap3A_476], %broadcast_in_dim3A_473 {strides = array<i32>} : memref<2000xf32, #tpu.memory_space<vmem>>, vector<16xf32>,
      %scan3A_478 = arith.constant 122 : i32
      %scan3A_479 = arith.addi %scan3A_460, %scan3A_478 : i32
      %broadcast_in_dim3A_480 = arith.constant 1.000000e+00 : f32
      %broadcast_in_dim3A_481 = vector.broadcast %broadcast_in_dim3A_480 : f32 to vector<16xf32>
      %mul3A_482 = arith.constant 16 : i32
      %mul3A_483 = arith.muli %scan3A_479, %mul3A_482 : i32
      %swap3A_484 = arith.index_cast %mul3A_483 : i32 to index
      %swap3A_485 = tpu.vector_load %arg28[%swap3A_484] {strides = array<i32>} : memref<2000xf32, #tpu.memory_space<vmem>>, vector<16xf32>,
      tpu.vector_store %arg28[%swap3A_484], %broadcast_in_dim3A_481 {strides = array<i32>} : memref<2000xf32, #tpu.memory_space<vmem>>, vector<16xf32>,
      %scan3A_486 = arith.constant 123 : i32
      %scan3A_487 = arith.addi %scan3A_460, %scan3A_486 : i32
      %broadcast_in_dim3A_488 = arith.constant 1.000000e+00 : f32
      %broadcast_in_dim3A_489 = vector.broadcast %broadcast_in_dim3A_488 : f32 to vector<16xf32>
      %mul3A_490 = arith.constant 16 : i32
      %mul3A_491 = arith.muli %scan3A_487, %mul3A_490 : i32
      %swap3A_492 = arith.index_cast %mul3A_491 : i32 to index
      %swap3A_493 = tpu.vector_load %arg28[%swap3A_492] {strides = array<i32>} : memref<2000xf32, #tpu.memory_space<vmem>>, vector<16xf32>,
      tpu.vector_store %arg28[%swap3A_492], %broadcast_in_dim3A_489 {strides = array<i32>} : memref<2000xf32, #tpu.memory_space<vmem>>, vector<16xf32>,
      %scan3A_494 = arith.constant 124 : i32
      %scan3A_495 = arith.addi %scan3A_460, %scan3A_494 : i32
      %broadcast_in_dim3A_496 = arith.constant 1.000000e+00 : f32
      %broadcast_in_dim3A_497 = vector.broadcast %broadcast_in_dim3A_496 : f32 to vector<16xf32>
      %mul3A_498 = arith.constant 16 : i32
      %mul3A_499 = arith.muli %scan3A_495, %mul3A_498 : i32
      %swap3A_500 = arith.index_cast %mul3A_499 : i32 to index
      %swap3A_501 = tpu.vector_load %arg28[%swap3A_500] {strides = array<i32>} : memref<2000xf32, #tpu.memory_space<vmem>>, vector<16xf32>,
      tpu.vector_store %arg28[%swap3A_500], %broadcast_in_dim3A_497 {strides = array<i32>} : memref<2000xf32, #tpu.memory_space<vmem>>, vector<16xf32>,
      %scan3A_502 = arith.constant 125 : i32
      %scan3A_503 = arith.constant 0 : i32
      %scan3A_504 = arith.constant 0 : i32
      %scan3A_505 = arith.constant 40 : i32
      %scan3A_506 = arith.addi %scan3A_504, %scan3A_505 : i32
      %scan3A_507 = arith.constant 1 : i32
      scf.for %scan3A_513 = %scan3A_504 to %scan3A_506 step %scan3A_507  : i32 {
        %mul3A_514 = arith.constant 2000 : i32
        %mul3A_515 = arith.muli %scan3A_513, %mul3A_514 : i32
        %add3A_516 = arith.addi %mul3A_458, %mul3A_515 : i32
        "tpu.region"() ({
          %run_scoped3A = tpu.sem_alloc : memref<!tpu.dma_semaphore, #tpu.memory_space<semaphore_mem>>
          %dma_start3A_517 = tpu.memref_slice %arg4[%add3A_516] : memref<160000xi32, #tpu.memory_space<hbm>> -> memref<2000xi32, #tpu.memory_space<hbm>>
          %dma_start3A_518 = tpu.memref_slice %arg4[%add3A_516] : memref<160000xi32, #tpu.memory_space<hbm>> -> memref<2000xi32, #tpu.memory_space<hbm>>
          tpu.enqueue_dma source(%dma_start3A_518 : memref<2000xi32, #tpu.memory_space<hbm>>) target(%arg24 : memref<2000xi32, #tpu.memory_space<vmem>>) target_semaphore(%run_scoped3A : memref<!tpu.dma_semaphore, #tpu.memory_space<semaphore_mem>>)
          %dma_wait3A_519 = tpu.memref_slice %arg4[%add3A_516] : memref<160000xi32, #tpu.memory_space<hbm>> -> memref<2000xi32, #tpu.memory_space<hbm>>
          %dma_wait3A_520 = tpu.memref_slice %arg4[%add3A_516] : memref<160000xi32, #tpu.memory_space<hbm>> -> memref<2000xi32, #tpu.memory_space<hbm>>
          tpu.wait_dma2 semaphore(%run_scoped3A : memref<!tpu.dma_semaphore, #tpu.memory_space<semaphore_mem>>) src(%dma_wait3A_520 : memref<2000xi32, #tpu.memory_space<hbm>>) dst(%arg24 : memref<2000xi32, #tpu.memory_space<vmem>>)
          tpu.yield
        }) : () -> ()
        "tpu.region"() ({
          %run_scoped3A = tpu.sem_alloc : memref<!tpu.dma_semaphore, #tpu.memory_space<semaphore_mem>>
          %dma_start3A_517 = tpu.memref_slice %arg21[%mul3A_5] : memref<40000xf32, #tpu.memory_space<vmem_shared>> -> memref<10000xf32, #tpu.memory_space<vmem_shared>>
          %dma_start3A_518 = arith.constant 0 : i32
          %dma_start3A_519 = tpu.memref_slice %dma_start3A_517[%dma_start3A_518] : memref<10000xf32, #tpu.memory_space<vmem_shared>> -> memref<10000xf32, #tpu.memory_space<vmem_shared>>
          tpu.enqueue_indirect_dma source(%arg28 : memref<2000xf32, #tpu.memory_space<vmem>>) target(%dma_start3A_519 : memref<10000xf32, #tpu.memory_space<vmem_shared>>) offsets(%arg24 : memref<2000xi32, #tpu.memory_space<vmem>>) semaphore(%run_scoped3A : memref<!tpu.dma_semaphore, #tpu.memory_space<semaphore_mem>>) {add = true}
          %dma_wait3A_520 = tpu.memref_slice %arg21[%mul3A_5] : memref<40000xf32, #tpu.memory_space<vmem_shared>> -> memref<10000xf32, #tpu.memory_space<vmem_shared>>
          %dma_wait3A_521 = arith.constant 0 : i32
          %dma_wait3A_522 = tpu.memref_slice %dma_wait3A_520[%dma_wait3A_521] : memref<10000xf32, #tpu.memory_space<vmem_shared>> -> memref<10000xf32, #tpu.memory_space<vmem_shared>>
          tpu.wait_indirect_dma semaphore(%run_scoped3A : memref<!tpu.dma_semaphore, #tpu.memory_space<semaphore_mem>>) src(%arg28 : memref<2000xf32, #tpu.memory_space<vmem>>) dst(%dma_wait3A_522 : memref<10000xf32, #tpu.memory_space<vmem_shared>>)
          tpu.yield
        }) : () -> ()
      }
      %scan3A_508 = arith.constant 40 : i32
      %add3A_509 = arith.constant 0 : i32
      %add3A_510 = arith.addi %add3A_509, %select_n3A_456 : i32
      %mul3A_511 = arith.constant 10000 : i32
      %mul3A_512 = arith.muli %add3A_510, %mul3A_511 : i32
      "tpu.region"() ({
        %run_scoped3A = tpu.sem_alloc : memref<!tpu.dma_semaphore, #tpu.memory_space<semaphore_mem>>
        %dma_start3A_513 = tpu.memref_slice %arg19[%mul3A_512] : memref<80000xf32, #tpu.memory_space<hbm>> -> memref<10000xf32, #tpu.memory_space<hbm>>
        %dma_start3A_514 = tpu.memref_slice %arg21[%mul3A_5] : memref<40000xf32, #tpu.memory_space<vmem_shared>> -> memref<10000xf32, #tpu.memory_space<vmem_shared>>
        tpu.enqueue_dma source(%dma_start3A_514 : memref<10000xf32, #tpu.memory_space<vmem_shared>>) target(%dma_start3A_513 : memref<10000xf32, #tpu.memory_space<hbm>>) target_semaphore(%run_scoped3A : memref<!tpu.dma_semaphore, #tpu.memory_space<semaphore_mem>>)
        %dma_wait3A_515 = tpu.memref_slice %arg19[%mul3A_512] : memref<80000xf32, #tpu.memory_space<hbm>> -> memref<10000xf32, #tpu.memory_space<hbm>>
        %dma_wait3A_516 = tpu.memref_slice %arg21[%mul3A_5] : memref<40000xf32, #tpu.memory_space<vmem_shared>> -> memref<10000xf32, #tpu.memory_space<vmem_shared>>
        tpu.wait_dma2 semaphore(%run_scoped3A : memref<!tpu.dma_semaphore, #tpu.memory_space<semaphore_mem>>) src(%dma_wait3A_516 : memref<10000xf32, #tpu.memory_space<vmem_shared>>) dst(%dma_wait3A_515 : memref<10000xf32, #tpu.memory_space<hbm>>)
        tpu.yield
      }) : () -> ()
    } else {
    }
    %ge3A_330 = arith.constant 16 : i32
    %ge3A_331 = arith.cmpi sge, %add3A, %ge3A_330 : i32
    %lt3A_332 = arith.constant 24 : i32
    %lt3A_333 = arith.cmpi slt, %add3A, %lt3A_332 : i32
    %and3A_334 = arith.andi %ge3A_331, %lt3A_333 : i1
    %sub3A_335 = arith.constant 16 : i32
    %sub3A_336 = arith.subi %add3A, %sub3A_335 : i32
    %jit3A_337 = arith.constant 2 : i32
    %div3A_338 = arith.divsi %sub3A_336, %jit3A_337 : i32
    %sign3A_339 = arith.constant 0 : i32
    %sign3A_340 = arith.cmpi sgt, %sub3A_336, %sign3A_339 : i32
    %sign3A_341 = arith.extui %sign3A_340 : i1 to i32
    %sign3A_342 = arith.constant 0 : i32
    %sign3A_343 = arith.cmpi slt, %sub3A_336, %sign3A_342 : i32
    %sign3A_344 = arith.extui %sign3A_343 : i1 to i32
    %sign3A_345 = arith.subi %sign3A_341, %sign3A_344 : i32
    %sign3A_346 = arith.constant 0 : i32
    %sign3A_347 = arith.cmpi sgt, %jit3A_337, %sign3A_346 : i32
    %sign3A_348 = arith.extui %sign3A_347 : i1 to i32
    %sign3A_349 = arith.constant 0 : i32
    %sign3A_350 = arith.cmpi slt, %jit3A_337, %sign3A_349 : i32
    %sign3A_351 = arith.extui %sign3A_350 : i1 to i32
    %sign3A_352 = arith.subi %sign3A_348, %sign3A_351 : i32
    %ne3A_353 = arith.cmpi ne, %sign3A_345, %sign3A_352 : i32
    %rem3A_354 = arith.remsi %sub3A_336, %jit3A_337 : i32
    %ne3A_355 = arith.constant 0 : i32
    %ne3A_356 = arith.cmpi ne, %rem3A_354, %ne3A_355 : i32
    %and3A_357 = arith.andi %ne3A_353, %ne3A_356 : i1
    %sub3A_358 = arith.constant 1 : i32
    %sub3A_359 = arith.subi %div3A_338, %sub3A_358 : i32
    %select_n3A_360 = arith.select %and3A_357, %sub3A_359, %div3A_338 : i32
    %eq3A_361 = arith.constant 1 : i32
    %eq3A_362 = arith.cmpi eq, %select_n3A_360, %eq3A_361 : i32
    %and3A_363 = arith.andi %and3A_334, %eq3A_362 : i1
    %convert_element_type3A_364 = arith.extui %and3A_363 : i1 to i32
    %cond3A_365 = arith.constant 0 : i32
    %cond3A_366 = arith.cmpi ne, %convert_element_type3A_364, %cond3A_365 : i32
    scf.if %cond3A_366 {
      %jit3A_441 = arith.constant 2 : i32
      %eq3A_442 = arith.constant 0 : i32
      %eq3A_443 = arith.cmpi eq, %jit3A_441, %eq3A_442 : i32
      %jit3A_444 = arith.constant 1 : i32
      %select_n3A_445 = arith.select %eq3A_443, %jit3A_444, %jit3A_441 : i32
      %rem3A_446 = arith.remsi %add3A, %select_n3A_445 : i32
      %ne3A_447 = arith.constant 0 : i32
      %ne3A_448 = arith.cmpi ne, %rem3A_446, %ne3A_447 : i32
      %lt3A_449 = arith.constant 0 : i32
      %lt3A_450 = arith.cmpi slt, %rem3A_446, %lt3A_449 : i32
      %lt3A_451 = arith.constant 0 : i32
      %lt3A_452 = arith.cmpi slt, %select_n3A_445, %lt3A_451 : i32
      %ne3A_453 = arith.xori %lt3A_450, %lt3A_452 : i1
      %and3A_454 = arith.andi %ne3A_453, %ne3A_448 : i1
      %add3A_455 = arith.addi %rem3A_446, %select_n3A_445 : i32
      %select_n3A_456 = arith.select %and3A_454, %add3A_455, %rem3A_446 : i32
      %mul3A_457 = arith.constant 80000 : i32
      %mul3A_458 = arith.muli %select_n3A_456, %mul3A_457 : i32
      "tpu.region"() ({
        %run_scoped3A = tpu.sem_alloc : memref<!tpu.dma_semaphore, #tpu.memory_space<semaphore_mem>>
        %dma_start3A_513 = tpu.memref_slice %arg21[%mul3A_5] : memref<40000xf32, #tpu.memory_space<vmem_shared>> -> memref<10000xf32, #tpu.memory_space<vmem_shared>>
        tpu.enqueue_dma source(%arg16 : memref<10000xf32, #tpu.memory_space<hbm>>) target(%dma_start3A_513 : memref<10000xf32, #tpu.memory_space<vmem_shared>>) target_semaphore(%run_scoped3A : memref<!tpu.dma_semaphore, #tpu.memory_space<semaphore_mem>>)
        %dma_wait3A_514 = tpu.memref_slice %arg21[%mul3A_5] : memref<40000xf32, #tpu.memory_space<vmem_shared>> -> memref<10000xf32, #tpu.memory_space<vmem_shared>>
        tpu.wait_dma2 semaphore(%run_scoped3A : memref<!tpu.dma_semaphore, #tpu.memory_space<semaphore_mem>>) src(%arg16 : memref<10000xf32, #tpu.memory_space<hbm>>) dst(%dma_wait3A_514 : memref<10000xf32, #tpu.memory_space<vmem_shared>>)
        tpu.yield
      }) : () -> ()
      %scan3A_459 = arith.constant 0 : i32
      %scan3A_460 = arith.constant 0 : i32
      %scan3A_461 = arith.constant 120 : i32
      %scan3A_462 = arith.addi %scan3A_460, %scan3A_461 : i32
      %scan3A_463 = arith.constant 8 : i32
      scf.for %scan3A_513 = %scan3A_460 to %scan3A_462 step %scan3A_463  : i32 {
        %broadcast_in_dim3A_514 = arith.constant 1.000000e+00 : f32
        %broadcast_in_dim3A_515 = vector.broadcast %broadcast_in_dim3A_514 : f32 to vector<16xf32>
        %mul3A_516 = arith.constant 16 : i32
        %mul3A_517 = arith.muli %scan3A_513, %mul3A_516 : i32
        %swap3A_518 = arith.index_cast %mul3A_517 : i32 to index
        %swap3A_519 = tpu.vector_load %arg28[%swap3A_518] {strides = array<i32>} : memref<2000xf32, #tpu.memory_space<vmem>>, vector<16xf32>,
        tpu.vector_store %arg28[%swap3A_518], %broadcast_in_dim3A_515 {strides = array<i32>} : memref<2000xf32, #tpu.memory_space<vmem>>, vector<16xf32>,
        %scan3A_520 = arith.constant 1 : i32
        %scan3A_521 = arith.addi %scan3A_513, %scan3A_520 : i32
        %broadcast_in_dim3A_522 = arith.constant 1.000000e+00 : f32
        %broadcast_in_dim3A_523 = vector.broadcast %broadcast_in_dim3A_522 : f32 to vector<16xf32>
        %mul3A_524 = arith.constant 16 : i32
        %mul3A_525 = arith.muli %scan3A_521, %mul3A_524 : i32
        %swap3A_526 = arith.index_cast %mul3A_525 : i32 to index
        %swap3A_527 = tpu.vector_load %arg28[%swap3A_526] {strides = array<i32>} : memref<2000xf32, #tpu.memory_space<vmem>>, vector<16xf32>,
        tpu.vector_store %arg28[%swap3A_526], %broadcast_in_dim3A_523 {strides = array<i32>} : memref<2000xf32, #tpu.memory_space<vmem>>, vector<16xf32>,
        %scan3A_528 = arith.constant 2 : i32
        %scan3A_529 = arith.addi %scan3A_513, %scan3A_528 : i32
        %broadcast_in_dim3A_530 = arith.constant 1.000000e+00 : f32
        %broadcast_in_dim3A_531 = vector.broadcast %broadcast_in_dim3A_530 : f32 to vector<16xf32>
        %mul3A_532 = arith.constant 16 : i32
        %mul3A_533 = arith.muli %scan3A_529, %mul3A_532 : i32
        %swap3A_534 = arith.index_cast %mul3A_533 : i32 to index
        %swap3A_535 = tpu.vector_load %arg28[%swap3A_534] {strides = array<i32>} : memref<2000xf32, #tpu.memory_space<vmem>>, vector<16xf32>,
        tpu.vector_store %arg28[%swap3A_534], %broadcast_in_dim3A_531 {strides = array<i32>} : memref<2000xf32, #tpu.memory_space<vmem>>, vector<16xf32>,
        %scan3A_536 = arith.constant 3 : i32
        %scan3A_537 = arith.addi %scan3A_513, %scan3A_536 : i32
        %broadcast_in_dim3A_538 = arith.constant 1.000000e+00 : f32
        %broadcast_in_dim3A_539 = vector.broadcast %broadcast_in_dim3A_538 : f32 to vector<16xf32>
        %mul3A_540 = arith.constant 16 : i32
        %mul3A_541 = arith.muli %scan3A_537, %mul3A_540 : i32
        %swap3A_542 = arith.index_cast %mul3A_541 : i32 to index
        %swap3A_543 = tpu.vector_load %arg28[%swap3A_542] {strides = array<i32>} : memref<2000xf32, #tpu.memory_space<vmem>>, vector<16xf32>,
        tpu.vector_store %arg28[%swap3A_542], %broadcast_in_dim3A_539 {strides = array<i32>} : memref<2000xf32, #tpu.memory_space<vmem>>, vector<16xf32>,
        %scan3A_544 = arith.constant 4 : i32
        %scan3A_545 = arith.addi %scan3A_513, %scan3A_544 : i32
        %broadcast_in_dim3A_546 = arith.constant 1.000000e+00 : f32
        %broadcast_in_dim3A_547 = vector.broadcast %broadcast_in_dim3A_546 : f32 to vector<16xf32>
        %mul3A_548 = arith.constant 16 : i32
        %mul3A_549 = arith.muli %scan3A_545, %mul3A_548 : i32
        %swap3A_550 = arith.index_cast %mul3A_549 : i32 to index
        %swap3A_551 = tpu.vector_load %arg28[%swap3A_550] {strides = array<i32>} : memref<2000xf32, #tpu.memory_space<vmem>>, vector<16xf32>,
        tpu.vector_store %arg28[%swap3A_550], %broadcast_in_dim3A_547 {strides = array<i32>} : memref<2000xf32, #tpu.memory_space<vmem>>, vector<16xf32>,
        %scan3A_552 = arith.constant 5 : i32
        %scan3A_553 = arith.addi %scan3A_513, %scan3A_552 : i32
        %broadcast_in_dim3A_554 = arith.constant 1.000000e+00 : f32
        %broadcast_in_dim3A_555 = vector.broadcast %broadcast_in_dim3A_554 : f32 to vector<16xf32>
        %mul3A_556 = arith.constant 16 : i32
        %mul3A_557 = arith.muli %scan3A_553, %mul3A_556 : i32
        %swap3A_558 = arith.index_cast %mul3A_557 : i32 to index
        %swap3A_559 = tpu.vector_load %arg28[%swap3A_558] {strides = array<i32>} : memref<2000xf32, #tpu.memory_space<vmem>>, vector<16xf32>,
        tpu.vector_store %arg28[%swap3A_558], %broadcast_in_dim3A_555 {strides = array<i32>} : memref<2000xf32, #tpu.memory_space<vmem>>, vector<16xf32>,
        %scan3A_560 = arith.constant 6 : i32
        %scan3A_561 = arith.addi %scan3A_513, %scan3A_560 : i32
        %broadcast_in_dim3A_562 = arith.constant 1.000000e+00 : f32
        %broadcast_in_dim3A_563 = vector.broadcast %broadcast_in_dim3A_562 : f32 to vector<16xf32>
        %mul3A_564 = arith.constant 16 : i32
        %mul3A_565 = arith.muli %scan3A_561, %mul3A_564 : i32
        %swap3A_566 = arith.index_cast %mul3A_565 : i32 to index
        %swap3A_567 = tpu.vector_load %arg28[%swap3A_566] {strides = array<i32>} : memref<2000xf32, #tpu.memory_space<vmem>>, vector<16xf32>,
        tpu.vector_store %arg28[%swap3A_566], %broadcast_in_dim3A_563 {strides = array<i32>} : memref<2000xf32, #tpu.memory_space<vmem>>, vector<16xf32>,
        %scan3A_568 = arith.constant 7 : i32
        %scan3A_569 = arith.addi %scan3A_513, %scan3A_568 : i32
        %broadcast_in_dim3A_570 = arith.constant 1.000000e+00 : f32
        %broadcast_in_dim3A_571 = vector.broadcast %broadcast_in_dim3A_570 : f32 to vector<16xf32>
        %mul3A_572 = arith.constant 16 : i32
        %mul3A_573 = arith.muli %scan3A_569, %mul3A_572 : i32
        %swap3A_574 = arith.index_cast %mul3A_573 : i32 to index
        %swap3A_575 = tpu.vector_load %arg28[%swap3A_574] {strides = array<i32>} : memref<2000xf32, #tpu.memory_space<vmem>>, vector<16xf32>,
        tpu.vector_store %arg28[%swap3A_574], %broadcast_in_dim3A_571 {strides = array<i32>} : memref<2000xf32, #tpu.memory_space<vmem>>, vector<16xf32>,
      }
      %scan3A_464 = arith.constant 120 : i32
      %scan3A_465 = arith.addi %scan3A_460, %scan3A_464 : i32
      %broadcast_in_dim3A = arith.constant 1.000000e+00 : f32
      %broadcast_in_dim3A_466 = vector.broadcast %broadcast_in_dim3A : f32 to vector<16xf32>
      %mul3A_467 = arith.constant 16 : i32
      %mul3A_468 = arith.muli %scan3A_465, %mul3A_467 : i32
      %swap3A = arith.index_cast %mul3A_468 : i32 to index
      %swap3A_469 = tpu.vector_load %arg28[%swap3A] {strides = array<i32>} : memref<2000xf32, #tpu.memory_space<vmem>>, vector<16xf32>,
      tpu.vector_store %arg28[%swap3A], %broadcast_in_dim3A_466 {strides = array<i32>} : memref<2000xf32, #tpu.memory_space<vmem>>, vector<16xf32>,
      %scan3A_470 = arith.constant 121 : i32
      %scan3A_471 = arith.addi %scan3A_460, %scan3A_470 : i32
      %broadcast_in_dim3A_472 = arith.constant 1.000000e+00 : f32
      %broadcast_in_dim3A_473 = vector.broadcast %broadcast_in_dim3A_472 : f32 to vector<16xf32>
      %mul3A_474 = arith.constant 16 : i32
      %mul3A_475 = arith.muli %scan3A_471, %mul3A_474 : i32
      %swap3A_476 = arith.index_cast %mul3A_475 : i32 to index
      %swap3A_477 = tpu.vector_load %arg28[%swap3A_476] {strides = array<i32>} : memref<2000xf32, #tpu.memory_space<vmem>>, vector<16xf32>,
      tpu.vector_store %arg28[%swap3A_476], %broadcast_in_dim3A_473 {strides = array<i32>} : memref<2000xf32, #tpu.memory_space<vmem>>, vector<16xf32>,
      %scan3A_478 = arith.constant 122 : i32
      %scan3A_479 = arith.addi %scan3A_460, %scan3A_478 : i32
      %broadcast_in_dim3A_480 = arith.constant 1.000000e+00 : f32
      %broadcast_in_dim3A_481 = vector.broadcast %broadcast_in_dim3A_480 : f32 to vector<16xf32>
      %mul3A_482 = arith.constant 16 : i32
      %mul3A_483 = arith.muli %scan3A_479, %mul3A_482 : i32
      %swap3A_484 = arith.index_cast %mul3A_483 : i32 to index
      %swap3A_485 = tpu.vector_load %arg28[%swap3A_484] {strides = array<i32>} : memref<2000xf32, #tpu.memory_space<vmem>>, vector<16xf32>,
      tpu.vector_store %arg28[%swap3A_484], %broadcast_in_dim3A_481 {strides = array<i32>} : memref<2000xf32, #tpu.memory_space<vmem>>, vector<16xf32>,
      %scan3A_486 = arith.constant 123 : i32
      %scan3A_487 = arith.addi %scan3A_460, %scan3A_486 : i32
      %broadcast_in_dim3A_488 = arith.constant 1.000000e+00 : f32
      %broadcast_in_dim3A_489 = vector.broadcast %broadcast_in_dim3A_488 : f32 to vector<16xf32>
      %mul3A_490 = arith.constant 16 : i32
      %mul3A_491 = arith.muli %scan3A_487, %mul3A_490 : i32
      %swap3A_492 = arith.index_cast %mul3A_491 : i32 to index
      %swap3A_493 = tpu.vector_load %arg28[%swap3A_492] {strides = array<i32>} : memref<2000xf32, #tpu.memory_space<vmem>>, vector<16xf32>,
      tpu.vector_store %arg28[%swap3A_492], %broadcast_in_dim3A_489 {strides = array<i32>} : memref<2000xf32, #tpu.memory_space<vmem>>, vector<16xf32>,
      %scan3A_494 = arith.constant 124 : i32
      %scan3A_495 = arith.addi %scan3A_460, %scan3A_494 : i32
      %broadcast_in_dim3A_496 = arith.constant 1.000000e+00 : f32
      %broadcast_in_dim3A_497 = vector.broadcast %broadcast_in_dim3A_496 : f32 to vector<16xf32>
      %mul3A_498 = arith.constant 16 : i32
      %mul3A_499 = arith.muli %scan3A_495, %mul3A_498 : i32
      %swap3A_500 = arith.index_cast %mul3A_499 : i32 to index
      %swap3A_501 = tpu.vector_load %arg28[%swap3A_500] {strides = array<i32>} : memref<2000xf32, #tpu.memory_space<vmem>>, vector<16xf32>,
      tpu.vector_store %arg28[%swap3A_500], %broadcast_in_dim3A_497 {strides = array<i32>} : memref<2000xf32, #tpu.memory_space<vmem>>, vector<16xf32>,
      %scan3A_502 = arith.constant 125 : i32
      %scan3A_503 = arith.constant 0 : i32
      %scan3A_504 = arith.constant 0 : i32
      %scan3A_505 = arith.constant 40 : i32
      %scan3A_506 = arith.addi %scan3A_504, %scan3A_505 : i32
      %scan3A_507 = arith.constant 1 : i32
      scf.for %scan3A_513 = %scan3A_504 to %scan3A_506 step %scan3A_507  : i32 {
        %mul3A_514 = arith.constant 2000 : i32
        %mul3A_515 = arith.muli %scan3A_513, %mul3A_514 : i32
        %add3A_516 = arith.addi %mul3A_458, %mul3A_515 : i32
        "tpu.region"() ({
          %run_scoped3A = tpu.sem_alloc : memref<!tpu.dma_semaphore, #tpu.memory_space<semaphore_mem>>
          %dma_start3A_517 = tpu.memref_slice %arg6[%add3A_516] : memref<160000xi32, #tpu.memory_space<hbm>> -> memref<2000xi32, #tpu.memory_space<hbm>>
          %dma_start3A_518 = tpu.memref_slice %arg6[%add3A_516] : memref<160000xi32, #tpu.memory_space<hbm>> -> memref<2000xi32, #tpu.memory_space<hbm>>
          tpu.enqueue_dma source(%dma_start3A_518 : memref<2000xi32, #tpu.memory_space<hbm>>) target(%arg24 : memref<2000xi32, #tpu.memory_space<vmem>>) target_semaphore(%run_scoped3A : memref<!tpu.dma_semaphore, #tpu.memory_space<semaphore_mem>>)
          %dma_wait3A_519 = tpu.memref_slice %arg6[%add3A_516] : memref<160000xi32, #tpu.memory_space<hbm>> -> memref<2000xi32, #tpu.memory_space<hbm>>
          %dma_wait3A_520 = tpu.memref_slice %arg6[%add3A_516] : memref<160000xi32, #tpu.memory_space<hbm>> -> memref<2000xi32, #tpu.memory_space<hbm>>
          tpu.wait_dma2 semaphore(%run_scoped3A : memref<!tpu.dma_semaphore, #tpu.memory_space<semaphore_mem>>) src(%dma_wait3A_520 : memref<2000xi32, #tpu.memory_space<hbm>>) dst(%arg24 : memref<2000xi32, #tpu.memory_space<vmem>>)
          tpu.yield
        }) : () -> ()
        "tpu.region"() ({
          %run_scoped3A = tpu.sem_alloc : memref<!tpu.dma_semaphore, #tpu.memory_space<semaphore_mem>>
          %dma_start3A_517 = tpu.memref_slice %arg21[%mul3A_5] : memref<40000xf32, #tpu.memory_space<vmem_shared>> -> memref<10000xf32, #tpu.memory_space<vmem_shared>>
          %dma_start3A_518 = arith.constant 0 : i32
          %dma_start3A_519 = tpu.memref_slice %dma_start3A_517[%dma_start3A_518] : memref<10000xf32, #tpu.memory_space<vmem_shared>> -> memref<10000xf32, #tpu.memory_space<vmem_shared>>
          tpu.enqueue_indirect_dma source(%arg28 : memref<2000xf32, #tpu.memory_space<vmem>>) target(%dma_start3A_519 : memref<10000xf32, #tpu.memory_space<vmem_shared>>) offsets(%arg24 : memref<2000xi32, #tpu.memory_space<vmem>>) semaphore(%run_scoped3A : memref<!tpu.dma_semaphore, #tpu.memory_space<semaphore_mem>>) {add = true}
          %dma_wait3A_520 = tpu.memref_slice %arg21[%mul3A_5] : memref<40000xf32, #tpu.memory_space<vmem_shared>> -> memref<10000xf32, #tpu.memory_space<vmem_shared>>
          %dma_wait3A_521 = arith.constant 0 : i32
          %dma_wait3A_522 = tpu.memref_slice %dma_wait3A_520[%dma_wait3A_521] : memref<10000xf32, #tpu.memory_space<vmem_shared>> -> memref<10000xf32, #tpu.memory_space<vmem_shared>>
          tpu.wait_indirect_dma semaphore(%run_scoped3A : memref<!tpu.dma_semaphore, #tpu.memory_space<semaphore_mem>>) src(%arg28 : memref<2000xf32, #tpu.memory_space<vmem>>) dst(%dma_wait3A_522 : memref<10000xf32, #tpu.memory_space<vmem_shared>>)
          tpu.yield
        }) : () -> ()
      }
      %scan3A_508 = arith.constant 40 : i32
      %add3A_509 = arith.constant 2 : i32
      %add3A_510 = arith.addi %add3A_509, %select_n3A_456 : i32
      %mul3A_511 = arith.constant 10000 : i32
      %mul3A_512 = arith.muli %add3A_510, %mul3A_511 : i32
      "tpu.region"() ({
        %run_scoped3A = tpu.sem_alloc : memref<!tpu.dma_semaphore, #tpu.memory_space<semaphore_mem>>
        %dma_start3A_513 = tpu.memref_slice %arg19[%mul3A_512] : memref<80000xf32, #tpu.memory_space<hbm>> -> memref<10000xf32, #tpu.memory_space<hbm>>
        %dma_start3A_514 = tpu.memref_slice %arg21[%mul3A_5] : memref<40000xf32, #tpu.memory_space<vmem_shared>> -> memref<10000xf32, #tpu.memory_space<vmem_shared>>
        tpu.enqueue_dma source(%dma_start3A_514 : memref<10000xf32, #tpu.memory_space<vmem_shared>>) target(%dma_start3A_513 : memref<10000xf32, #tpu.memory_space<hbm>>) target_semaphore(%run_scoped3A : memref<!tpu.dma_semaphore, #tpu.memory_space<semaphore_mem>>)
        %dma_wait3A_515 = tpu.memref_slice %arg19[%mul3A_512] : memref<80000xf32, #tpu.memory_space<hbm>> -> memref<10000xf32, #tpu.memory_space<hbm>>
        %dma_wait3A_516 = tpu.memref_slice %arg21[%mul3A_5] : memref<40000xf32, #tpu.memory_space<vmem_shared>> -> memref<10000xf32, #tpu.memory_space<vmem_shared>>
        tpu.wait_dma2 semaphore(%run_scoped3A : memref<!tpu.dma_semaphore, #tpu.memory_space<semaphore_mem>>) src(%dma_wait3A_516 : memref<10000xf32, #tpu.memory_space<vmem_shared>>) dst(%dma_wait3A_515 : memref<10000xf32, #tpu.memory_space<hbm>>)
        tpu.yield
      }) : () -> ()
    } else {
    }
    %ge3A_367 = arith.constant 16 : i32
    %ge3A_368 = arith.cmpi sge, %add3A, %ge3A_367 : i32
    %lt3A_369 = arith.constant 24 : i32
    %lt3A_370 = arith.cmpi slt, %add3A, %lt3A_369 : i32
    %and3A_371 = arith.andi %ge3A_368, %lt3A_370 : i1
    %sub3A_372 = arith.constant 16 : i32
    %sub3A_373 = arith.subi %add3A, %sub3A_372 : i32
    %jit3A_374 = arith.constant 2 : i32
    %div3A_375 = arith.divsi %sub3A_373, %jit3A_374 : i32
    %sign3A_376 = arith.constant 0 : i32
    %sign3A_377 = arith.cmpi sgt, %sub3A_373, %sign3A_376 : i32
    %sign3A_378 = arith.extui %sign3A_377 : i1 to i32
    %sign3A_379 = arith.constant 0 : i32
    %sign3A_380 = arith.cmpi slt, %sub3A_373, %sign3A_379 : i32
    %sign3A_381 = arith.extui %sign3A_380 : i1 to i32
    %sign3A_382 = arith.subi %sign3A_378, %sign3A_381 : i32
    %sign3A_383 = arith.constant 0 : i32
    %sign3A_384 = arith.cmpi sgt, %jit3A_374, %sign3A_383 : i32
    %sign3A_385 = arith.extui %sign3A_384 : i1 to i32
    %sign3A_386 = arith.constant 0 : i32
    %sign3A_387 = arith.cmpi slt, %jit3A_374, %sign3A_386 : i32
    %sign3A_388 = arith.extui %sign3A_387 : i1 to i32
    %sign3A_389 = arith.subi %sign3A_385, %sign3A_388 : i32
    %ne3A_390 = arith.cmpi ne, %sign3A_382, %sign3A_389 : i32
    %rem3A_391 = arith.remsi %sub3A_373, %jit3A_374 : i32
    %ne3A_392 = arith.constant 0 : i32
    %ne3A_393 = arith.cmpi ne, %rem3A_391, %ne3A_392 : i32
    %and3A_394 = arith.andi %ne3A_390, %ne3A_393 : i1
    %sub3A_395 = arith.constant 1 : i32
    %sub3A_396 = arith.subi %div3A_375, %sub3A_395 : i32
    %select_n3A_397 = arith.select %and3A_394, %sub3A_396, %div3A_375 : i32
    %eq3A_398 = arith.constant 2 : i32
    %eq3A_399 = arith.cmpi eq, %select_n3A_397, %eq3A_398 : i32
    %and3A_400 = arith.andi %and3A_371, %eq3A_399 : i1
    %convert_element_type3A_401 = arith.extui %and3A_400 : i1 to i32
    %cond3A_402 = arith.constant 0 : i32
    %cond3A_403 = arith.cmpi ne, %convert_element_type3A_401, %cond3A_402 : i32
    scf.if %cond3A_403 {
      %jit3A_441 = arith.constant 2 : i32
      %eq3A_442 = arith.constant 0 : i32
      %eq3A_443 = arith.cmpi eq, %jit3A_441, %eq3A_442 : i32
      %jit3A_444 = arith.constant 1 : i32
      %select_n3A_445 = arith.select %eq3A_443, %jit3A_444, %jit3A_441 : i32
      %rem3A_446 = arith.remsi %add3A, %select_n3A_445 : i32
      %ne3A_447 = arith.constant 0 : i32
      %ne3A_448 = arith.cmpi ne, %rem3A_446, %ne3A_447 : i32
      %lt3A_449 = arith.constant 0 : i32
      %lt3A_450 = arith.cmpi slt, %rem3A_446, %lt3A_449 : i32
      %lt3A_451 = arith.constant 0 : i32
      %lt3A_452 = arith.cmpi slt, %select_n3A_445, %lt3A_451 : i32
      %ne3A_453 = arith.xori %lt3A_450, %lt3A_452 : i1
      %and3A_454 = arith.andi %ne3A_453, %ne3A_448 : i1
      %add3A_455 = arith.addi %rem3A_446, %select_n3A_445 : i32
      %select_n3A_456 = arith.select %and3A_454, %add3A_455, %rem3A_446 : i32
      %mul3A_457 = arith.constant 80000 : i32
      %mul3A_458 = arith.muli %select_n3A_456, %mul3A_457 : i32
      "tpu.region"() ({
        %run_scoped3A = tpu.sem_alloc : memref<!tpu.dma_semaphore, #tpu.memory_space<semaphore_mem>>
        %dma_start3A_513 = tpu.memref_slice %arg21[%mul3A_5] : memref<40000xf32, #tpu.memory_space<vmem_shared>> -> memref<10000xf32, #tpu.memory_space<vmem_shared>>
        tpu.enqueue_dma source(%arg16 : memref<10000xf32, #tpu.memory_space<hbm>>) target(%dma_start3A_513 : memref<10000xf32, #tpu.memory_space<vmem_shared>>) target_semaphore(%run_scoped3A : memref<!tpu.dma_semaphore, #tpu.memory_space<semaphore_mem>>)
        %dma_wait3A_514 = tpu.memref_slice %arg21[%mul3A_5] : memref<40000xf32, #tpu.memory_space<vmem_shared>> -> memref<10000xf32, #tpu.memory_space<vmem_shared>>
        tpu.wait_dma2 semaphore(%run_scoped3A : memref<!tpu.dma_semaphore, #tpu.memory_space<semaphore_mem>>) src(%arg16 : memref<10000xf32, #tpu.memory_space<hbm>>) dst(%dma_wait3A_514 : memref<10000xf32, #tpu.memory_space<vmem_shared>>)
        tpu.yield
      }) : () -> ()
      %scan3A_459 = arith.constant 0 : i32
      %scan3A_460 = arith.constant 0 : i32
      %scan3A_461 = arith.constant 120 : i32
      %scan3A_462 = arith.addi %scan3A_460, %scan3A_461 : i32
      %scan3A_463 = arith.constant 8 : i32
      scf.for %scan3A_513 = %scan3A_460 to %scan3A_462 step %scan3A_463  : i32 {
        %broadcast_in_dim3A_514 = arith.constant 1.000000e+00 : f32
        %broadcast_in_dim3A_515 = vector.broadcast %broadcast_in_dim3A_514 : f32 to vector<16xf32>
        %mul3A_516 = arith.constant 16 : i32
        %mul3A_517 = arith.muli %scan3A_513, %mul3A_516 : i32
        %swap3A_518 = arith.index_cast %mul3A_517 : i32 to index
        %swap3A_519 = tpu.vector_load %arg28[%swap3A_518] {strides = array<i32>} : memref<2000xf32, #tpu.memory_space<vmem>>, vector<16xf32>,
        tpu.vector_store %arg28[%swap3A_518], %broadcast_in_dim3A_515 {strides = array<i32>} : memref<2000xf32, #tpu.memory_space<vmem>>, vector<16xf32>,
        %scan3A_520 = arith.constant 1 : i32
        %scan3A_521 = arith.addi %scan3A_513, %scan3A_520 : i32
        %broadcast_in_dim3A_522 = arith.constant 1.000000e+00 : f32
        %broadcast_in_dim3A_523 = vector.broadcast %broadcast_in_dim3A_522 : f32 to vector<16xf32>
        %mul3A_524 = arith.constant 16 : i32
        %mul3A_525 = arith.muli %scan3A_521, %mul3A_524 : i32
        %swap3A_526 = arith.index_cast %mul3A_525 : i32 to index
        %swap3A_527 = tpu.vector_load %arg28[%swap3A_526] {strides = array<i32>} : memref<2000xf32, #tpu.memory_space<vmem>>, vector<16xf32>,
        tpu.vector_store %arg28[%swap3A_526], %broadcast_in_dim3A_523 {strides = array<i32>} : memref<2000xf32, #tpu.memory_space<vmem>>, vector<16xf32>,
        %scan3A_528 = arith.constant 2 : i32
        %scan3A_529 = arith.addi %scan3A_513, %scan3A_528 : i32
        %broadcast_in_dim3A_530 = arith.constant 1.000000e+00 : f32
        %broadcast_in_dim3A_531 = vector.broadcast %broadcast_in_dim3A_530 : f32 to vector<16xf32>
        %mul3A_532 = arith.constant 16 : i32
        %mul3A_533 = arith.muli %scan3A_529, %mul3A_532 : i32
        %swap3A_534 = arith.index_cast %mul3A_533 : i32 to index
        %swap3A_535 = tpu.vector_load %arg28[%swap3A_534] {strides = array<i32>} : memref<2000xf32, #tpu.memory_space<vmem>>, vector<16xf32>,
        tpu.vector_store %arg28[%swap3A_534], %broadcast_in_dim3A_531 {strides = array<i32>} : memref<2000xf32, #tpu.memory_space<vmem>>, vector<16xf32>,
        %scan3A_536 = arith.constant 3 : i32
        %scan3A_537 = arith.addi %scan3A_513, %scan3A_536 : i32
        %broadcast_in_dim3A_538 = arith.constant 1.000000e+00 : f32
        %broadcast_in_dim3A_539 = vector.broadcast %broadcast_in_dim3A_538 : f32 to vector<16xf32>
        %mul3A_540 = arith.constant 16 : i32
        %mul3A_541 = arith.muli %scan3A_537, %mul3A_540 : i32
        %swap3A_542 = arith.index_cast %mul3A_541 : i32 to index
        %swap3A_543 = tpu.vector_load %arg28[%swap3A_542] {strides = array<i32>} : memref<2000xf32, #tpu.memory_space<vmem>>, vector<16xf32>,
        tpu.vector_store %arg28[%swap3A_542], %broadcast_in_dim3A_539 {strides = array<i32>} : memref<2000xf32, #tpu.memory_space<vmem>>, vector<16xf32>,
        %scan3A_544 = arith.constant 4 : i32
        %scan3A_545 = arith.addi %scan3A_513, %scan3A_544 : i32
        %broadcast_in_dim3A_546 = arith.constant 1.000000e+00 : f32
        %broadcast_in_dim3A_547 = vector.broadcast %broadcast_in_dim3A_546 : f32 to vector<16xf32>
        %mul3A_548 = arith.constant 16 : i32
        %mul3A_549 = arith.muli %scan3A_545, %mul3A_548 : i32
        %swap3A_550 = arith.index_cast %mul3A_549 : i32 to index
        %swap3A_551 = tpu.vector_load %arg28[%swap3A_550] {strides = array<i32>} : memref<2000xf32, #tpu.memory_space<vmem>>, vector<16xf32>,
        tpu.vector_store %arg28[%swap3A_550], %broadcast_in_dim3A_547 {strides = array<i32>} : memref<2000xf32, #tpu.memory_space<vmem>>, vector<16xf32>,
        %scan3A_552 = arith.constant 5 : i32
        %scan3A_553 = arith.addi %scan3A_513, %scan3A_552 : i32
        %broadcast_in_dim3A_554 = arith.constant 1.000000e+00 : f32
        %broadcast_in_dim3A_555 = vector.broadcast %broadcast_in_dim3A_554 : f32 to vector<16xf32>
        %mul3A_556 = arith.constant 16 : i32
        %mul3A_557 = arith.muli %scan3A_553, %mul3A_556 : i32
        %swap3A_558 = arith.index_cast %mul3A_557 : i32 to index
        %swap3A_559 = tpu.vector_load %arg28[%swap3A_558] {strides = array<i32>} : memref<2000xf32, #tpu.memory_space<vmem>>, vector<16xf32>,
        tpu.vector_store %arg28[%swap3A_558], %broadcast_in_dim3A_555 {strides = array<i32>} : memref<2000xf32, #tpu.memory_space<vmem>>, vector<16xf32>,
        %scan3A_560 = arith.constant 6 : i32
        %scan3A_561 = arith.addi %scan3A_513, %scan3A_560 : i32
        %broadcast_in_dim3A_562 = arith.constant 1.000000e+00 : f32
        %broadcast_in_dim3A_563 = vector.broadcast %broadcast_in_dim3A_562 : f32 to vector<16xf32>
        %mul3A_564 = arith.constant 16 : i32
        %mul3A_565 = arith.muli %scan3A_561, %mul3A_564 : i32
        %swap3A_566 = arith.index_cast %mul3A_565 : i32 to index
        %swap3A_567 = tpu.vector_load %arg28[%swap3A_566] {strides = array<i32>} : memref<2000xf32, #tpu.memory_space<vmem>>, vector<16xf32>,
        tpu.vector_store %arg28[%swap3A_566], %broadcast_in_dim3A_563 {strides = array<i32>} : memref<2000xf32, #tpu.memory_space<vmem>>, vector<16xf32>,
        %scan3A_568 = arith.constant 7 : i32
        %scan3A_569 = arith.addi %scan3A_513, %scan3A_568 : i32
        %broadcast_in_dim3A_570 = arith.constant 1.000000e+00 : f32
        %broadcast_in_dim3A_571 = vector.broadcast %broadcast_in_dim3A_570 : f32 to vector<16xf32>
        %mul3A_572 = arith.constant 16 : i32
        %mul3A_573 = arith.muli %scan3A_569, %mul3A_572 : i32
        %swap3A_574 = arith.index_cast %mul3A_573 : i32 to index
        %swap3A_575 = tpu.vector_load %arg28[%swap3A_574] {strides = array<i32>} : memref<2000xf32, #tpu.memory_space<vmem>>, vector<16xf32>,
        tpu.vector_store %arg28[%swap3A_574], %broadcast_in_dim3A_571 {strides = array<i32>} : memref<2000xf32, #tpu.memory_space<vmem>>, vector<16xf32>,
      }
      %scan3A_464 = arith.constant 120 : i32
      %scan3A_465 = arith.addi %scan3A_460, %scan3A_464 : i32
      %broadcast_in_dim3A = arith.constant 1.000000e+00 : f32
      %broadcast_in_dim3A_466 = vector.broadcast %broadcast_in_dim3A : f32 to vector<16xf32>
      %mul3A_467 = arith.constant 16 : i32
      %mul3A_468 = arith.muli %scan3A_465, %mul3A_467 : i32
      %swap3A = arith.index_cast %mul3A_468 : i32 to index
      %swap3A_469 = tpu.vector_load %arg28[%swap3A] {strides = array<i32>} : memref<2000xf32, #tpu.memory_space<vmem>>, vector<16xf32>,
      tpu.vector_store %arg28[%swap3A], %broadcast_in_dim3A_466 {strides = array<i32>} : memref<2000xf32, #tpu.memory_space<vmem>>, vector<16xf32>,
      %scan3A_470 = arith.constant 121 : i32
      %scan3A_471 = arith.addi %scan3A_460, %scan3A_470 : i32
      %broadcast_in_dim3A_472 = arith.constant 1.000000e+00 : f32
      %broadcast_in_dim3A_473 = vector.broadcast %broadcast_in_dim3A_472 : f32 to vector<16xf32>
      %mul3A_474 = arith.constant 16 : i32
      %mul3A_475 = arith.muli %scan3A_471, %mul3A_474 : i32
      %swap3A_476 = arith.index_cast %mul3A_475 : i32 to index
      %swap3A_477 = tpu.vector_load %arg28[%swap3A_476] {strides = array<i32>} : memref<2000xf32, #tpu.memory_space<vmem>>, vector<16xf32>,
      tpu.vector_store %arg28[%swap3A_476], %broadcast_in_dim3A_473 {strides = array<i32>} : memref<2000xf32, #tpu.memory_space<vmem>>, vector<16xf32>,
      %scan3A_478 = arith.constant 122 : i32
      %scan3A_479 = arith.addi %scan3A_460, %scan3A_478 : i32
      %broadcast_in_dim3A_480 = arith.constant 1.000000e+00 : f32
      %broadcast_in_dim3A_481 = vector.broadcast %broadcast_in_dim3A_480 : f32 to vector<16xf32>
      %mul3A_482 = arith.constant 16 : i32
      %mul3A_483 = arith.muli %scan3A_479, %mul3A_482 : i32
      %swap3A_484 = arith.index_cast %mul3A_483 : i32 to index
      %swap3A_485 = tpu.vector_load %arg28[%swap3A_484] {strides = array<i32>} : memref<2000xf32, #tpu.memory_space<vmem>>, vector<16xf32>,
      tpu.vector_store %arg28[%swap3A_484], %broadcast_in_dim3A_481 {strides = array<i32>} : memref<2000xf32, #tpu.memory_space<vmem>>, vector<16xf32>,
      %scan3A_486 = arith.constant 123 : i32
      %scan3A_487 = arith.addi %scan3A_460, %scan3A_486 : i32
      %broadcast_in_dim3A_488 = arith.constant 1.000000e+00 : f32
      %broadcast_in_dim3A_489 = vector.broadcast %broadcast_in_dim3A_488 : f32 to vector<16xf32>
      %mul3A_490 = arith.constant 16 : i32
      %mul3A_491 = arith.muli %scan3A_487, %mul3A_490 : i32
      %swap3A_492 = arith.index_cast %mul3A_491 : i32 to index
      %swap3A_493 = tpu.vector_load %arg28[%swap3A_492] {strides = array<i32>} : memref<2000xf32, #tpu.memory_space<vmem>>, vector<16xf32>,
      tpu.vector_store %arg28[%swap3A_492], %broadcast_in_dim3A_489 {strides = array<i32>} : memref<2000xf32, #tpu.memory_space<vmem>>, vector<16xf32>,
      %scan3A_494 = arith.constant 124 : i32
      %scan3A_495 = arith.addi %scan3A_460, %scan3A_494 : i32
      %broadcast_in_dim3A_496 = arith.constant 1.000000e+00 : f32
      %broadcast_in_dim3A_497 = vector.broadcast %broadcast_in_dim3A_496 : f32 to vector<16xf32>
      %mul3A_498 = arith.constant 16 : i32
      %mul3A_499 = arith.muli %scan3A_495, %mul3A_498 : i32
      %swap3A_500 = arith.index_cast %mul3A_499 : i32 to index
      %swap3A_501 = tpu.vector_load %arg28[%swap3A_500] {strides = array<i32>} : memref<2000xf32, #tpu.memory_space<vmem>>, vector<16xf32>,
      tpu.vector_store %arg28[%swap3A_500], %broadcast_in_dim3A_497 {strides = array<i32>} : memref<2000xf32, #tpu.memory_space<vmem>>, vector<16xf32>,
      %scan3A_502 = arith.constant 125 : i32
      %scan3A_503 = arith.constant 0 : i32
      %scan3A_504 = arith.constant 0 : i32
      %scan3A_505 = arith.constant 40 : i32
      %scan3A_506 = arith.addi %scan3A_504, %scan3A_505 : i32
      %scan3A_507 = arith.constant 1 : i32
      scf.for %scan3A_513 = %scan3A_504 to %scan3A_506 step %scan3A_507  : i32 {
        %mul3A_514 = arith.constant 2000 : i32
        %mul3A_515 = arith.muli %scan3A_513, %mul3A_514 : i32
        %add3A_516 = arith.addi %mul3A_458, %mul3A_515 : i32
        "tpu.region"() ({
          %run_scoped3A = tpu.sem_alloc : memref<!tpu.dma_semaphore, #tpu.memory_space<semaphore_mem>>
          %dma_start3A_517 = tpu.memref_slice %arg8[%add3A_516] : memref<160000xi32, #tpu.memory_space<hbm>> -> memref<2000xi32, #tpu.memory_space<hbm>>
          %dma_start3A_518 = tpu.memref_slice %arg8[%add3A_516] : memref<160000xi32, #tpu.memory_space<hbm>> -> memref<2000xi32, #tpu.memory_space<hbm>>
          tpu.enqueue_dma source(%dma_start3A_518 : memref<2000xi32, #tpu.memory_space<hbm>>) target(%arg24 : memref<2000xi32, #tpu.memory_space<vmem>>) target_semaphore(%run_scoped3A : memref<!tpu.dma_semaphore, #tpu.memory_space<semaphore_mem>>)
          %dma_wait3A_519 = tpu.memref_slice %arg8[%add3A_516] : memref<160000xi32, #tpu.memory_space<hbm>> -> memref<2000xi32, #tpu.memory_space<hbm>>
          %dma_wait3A_520 = tpu.memref_slice %arg8[%add3A_516] : memref<160000xi32, #tpu.memory_space<hbm>> -> memref<2000xi32, #tpu.memory_space<hbm>>
          tpu.wait_dma2 semaphore(%run_scoped3A : memref<!tpu.dma_semaphore, #tpu.memory_space<semaphore_mem>>) src(%dma_wait3A_520 : memref<2000xi32, #tpu.memory_space<hbm>>) dst(%arg24 : memref<2000xi32, #tpu.memory_space<vmem>>)
          tpu.yield
        }) : () -> ()
        "tpu.region"() ({
          %run_scoped3A = tpu.sem_alloc : memref<!tpu.dma_semaphore, #tpu.memory_space<semaphore_mem>>
          %dma_start3A_517 = tpu.memref_slice %arg21[%mul3A_5] : memref<40000xf32, #tpu.memory_space<vmem_shared>> -> memref<10000xf32, #tpu.memory_space<vmem_shared>>
          %dma_start3A_518 = arith.constant 0 : i32
          %dma_start3A_519 = tpu.memref_slice %dma_start3A_517[%dma_start3A_518] : memref<10000xf32, #tpu.memory_space<vmem_shared>> -> memref<10000xf32, #tpu.memory_space<vmem_shared>>
          tpu.enqueue_indirect_dma source(%arg28 : memref<2000xf32, #tpu.memory_space<vmem>>) target(%dma_start3A_519 : memref<10000xf32, #tpu.memory_space<vmem_shared>>) offsets(%arg24 : memref<2000xi32, #tpu.memory_space<vmem>>) semaphore(%run_scoped3A : memref<!tpu.dma_semaphore, #tpu.memory_space<semaphore_mem>>) {add = true}
          %dma_wait3A_520 = tpu.memref_slice %arg21[%mul3A_5] : memref<40000xf32, #tpu.memory_space<vmem_shared>> -> memref<10000xf32, #tpu.memory_space<vmem_shared>>
          %dma_wait3A_521 = arith.constant 0 : i32
          %dma_wait3A_522 = tpu.memref_slice %dma_wait3A_520[%dma_wait3A_521] : memref<10000xf32, #tpu.memory_space<vmem_shared>> -> memref<10000xf32, #tpu.memory_space<vmem_shared>>
          tpu.wait_indirect_dma semaphore(%run_scoped3A : memref<!tpu.dma_semaphore, #tpu.memory_space<semaphore_mem>>) src(%arg28 : memref<2000xf32, #tpu.memory_space<vmem>>) dst(%dma_wait3A_522 : memref<10000xf32, #tpu.memory_space<vmem_shared>>)
          tpu.yield
        }) : () -> ()
      }
      %scan3A_508 = arith.constant 40 : i32
      %add3A_509 = arith.constant 4 : i32
      %add3A_510 = arith.addi %add3A_509, %select_n3A_456 : i32
      %mul3A_511 = arith.constant 10000 : i32
      %mul3A_512 = arith.muli %add3A_510, %mul3A_511 : i32
      "tpu.region"() ({
        %run_scoped3A = tpu.sem_alloc : memref<!tpu.dma_semaphore, #tpu.memory_space<semaphore_mem>>
        %dma_start3A_513 = tpu.memref_slice %arg19[%mul3A_512] : memref<80000xf32, #tpu.memory_space<hbm>> -> memref<10000xf32, #tpu.memory_space<hbm>>
        %dma_start3A_514 = tpu.memref_slice %arg21[%mul3A_5] : memref<40000xf32, #tpu.memory_space<vmem_shared>> -> memref<10000xf32, #tpu.memory_space<vmem_shared>>
        tpu.enqueue_dma source(%dma_start3A_514 : memref<10000xf32, #tpu.memory_space<vmem_shared>>) target(%dma_start3A_513 : memref<10000xf32, #tpu.memory_space<hbm>>) target_semaphore(%run_scoped3A : memref<!tpu.dma_semaphore, #tpu.memory_space<semaphore_mem>>)
        %dma_wait3A_515 = tpu.memref_slice %arg19[%mul3A_512] : memref<80000xf32, #tpu.memory_space<hbm>> -> memref<10000xf32, #tpu.memory_space<hbm>>
        %dma_wait3A_516 = tpu.memref_slice %arg21[%mul3A_5] : memref<40000xf32, #tpu.memory_space<vmem_shared>> -> memref<10000xf32, #tpu.memory_space<vmem_shared>>
        tpu.wait_dma2 semaphore(%run_scoped3A : memref<!tpu.dma_semaphore, #tpu.memory_space<semaphore_mem>>) src(%dma_wait3A_516 : memref<10000xf32, #tpu.memory_space<vmem_shared>>) dst(%dma_wait3A_515 : memref<10000xf32, #tpu.memory_space<hbm>>)
        tpu.yield
      }) : () -> ()
    } else {
    }
    %ge3A_404 = arith.constant 16 : i32
    %ge3A_405 = arith.cmpi sge, %add3A, %ge3A_404 : i32
    %lt3A_406 = arith.constant 24 : i32
    %lt3A_407 = arith.cmpi slt, %add3A, %lt3A_406 : i32
    %and3A_408 = arith.andi %ge3A_405, %lt3A_407 : i1
    %sub3A_409 = arith.constant 16 : i32
    %sub3A_410 = arith.subi %add3A, %sub3A_409 : i32
    %jit3A_411 = arith.constant 2 : i32
    %div3A_412 = arith.divsi %sub3A_410, %jit3A_411 : i32
    %sign3A_413 = arith.constant 0 : i32
    %sign3A_414 = arith.cmpi sgt, %sub3A_410, %sign3A_413 : i32
    %sign3A_415 = arith.extui %sign3A_414 : i1 to i32
    %sign3A_416 = arith.constant 0 : i32
    %sign3A_417 = arith.cmpi slt, %sub3A_410, %sign3A_416 : i32
    %sign3A_418 = arith.extui %sign3A_417 : i1 to i32
    %sign3A_419 = arith.subi %sign3A_415, %sign3A_418 : i32
    %sign3A_420 = arith.constant 0 : i32
    %sign3A_421 = arith.cmpi sgt, %jit3A_411, %sign3A_420 : i32
    %sign3A_422 = arith.extui %sign3A_421 : i1 to i32
    %sign3A_423 = arith.constant 0 : i32
    %sign3A_424 = arith.cmpi slt, %jit3A_411, %sign3A_423 : i32
    %sign3A_425 = arith.extui %sign3A_424 : i1 to i32
    %sign3A_426 = arith.subi %sign3A_422, %sign3A_425 : i32
    %ne3A_427 = arith.cmpi ne, %sign3A_419, %sign3A_426 : i32
    %rem3A_428 = arith.remsi %sub3A_410, %jit3A_411 : i32
    %ne3A_429 = arith.constant 0 : i32
    %ne3A_430 = arith.cmpi ne, %rem3A_428, %ne3A_429 : i32
    %and3A_431 = arith.andi %ne3A_427, %ne3A_430 : i1
    %sub3A_432 = arith.constant 1 : i32
    %sub3A_433 = arith.subi %div3A_412, %sub3A_432 : i32
    %select_n3A_434 = arith.select %and3A_431, %sub3A_433, %div3A_412 : i32
    %eq3A_435 = arith.constant 3 : i32
    %eq3A_436 = arith.cmpi eq, %select_n3A_434, %eq3A_435 : i32
    %and3A_437 = arith.andi %and3A_408, %eq3A_436 : i1
    %convert_element_type3A_438 = arith.extui %and3A_437 : i1 to i32
    %cond3A_439 = arith.constant 0 : i32
    %cond3A_440 = arith.cmpi ne, %convert_element_type3A_438, %cond3A_439 : i32
    scf.if %cond3A_440 {
      %jit3A_441 = arith.constant 2 : i32
      %eq3A_442 = arith.constant 0 : i32
      %eq3A_443 = arith.cmpi eq, %jit3A_441, %eq3A_442 : i32
      %jit3A_444 = arith.constant 1 : i32
      %select_n3A_445 = arith.select %eq3A_443, %jit3A_444, %jit3A_441 : i32
      %rem3A_446 = arith.remsi %add3A, %select_n3A_445 : i32
      %ne3A_447 = arith.constant 0 : i32
      %ne3A_448 = arith.cmpi ne, %rem3A_446, %ne3A_447 : i32
      %lt3A_449 = arith.constant 0 : i32
      %lt3A_450 = arith.cmpi slt, %rem3A_446, %lt3A_449 : i32
      %lt3A_451 = arith.constant 0 : i32
      %lt3A_452 = arith.cmpi slt, %select_n3A_445, %lt3A_451 : i32
      %ne3A_453 = arith.xori %lt3A_450, %lt3A_452 : i1
      %and3A_454 = arith.andi %ne3A_453, %ne3A_448 : i1
      %add3A_455 = arith.addi %rem3A_446, %select_n3A_445 : i32
      %select_n3A_456 = arith.select %and3A_454, %add3A_455, %rem3A_446 : i32
      %mul3A_457 = arith.constant 80000 : i32
      %mul3A_458 = arith.muli %select_n3A_456, %mul3A_457 : i32
      "tpu.region"() ({
        %run_scoped3A = tpu.sem_alloc : memref<!tpu.dma_semaphore, #tpu.memory_space<semaphore_mem>>
        %dma_start3A_513 = tpu.memref_slice %arg21[%mul3A_5] : memref<40000xf32, #tpu.memory_space<vmem_shared>> -> memref<10000xf32, #tpu.memory_space<vmem_shared>>
        tpu.enqueue_dma source(%arg16 : memref<10000xf32, #tpu.memory_space<hbm>>) target(%dma_start3A_513 : memref<10000xf32, #tpu.memory_space<vmem_shared>>) target_semaphore(%run_scoped3A : memref<!tpu.dma_semaphore, #tpu.memory_space<semaphore_mem>>)
        %dma_wait3A_514 = tpu.memref_slice %arg21[%mul3A_5] : memref<40000xf32, #tpu.memory_space<vmem_shared>> -> memref<10000xf32, #tpu.memory_space<vmem_shared>>
        tpu.wait_dma2 semaphore(%run_scoped3A : memref<!tpu.dma_semaphore, #tpu.memory_space<semaphore_mem>>) src(%arg16 : memref<10000xf32, #tpu.memory_space<hbm>>) dst(%dma_wait3A_514 : memref<10000xf32, #tpu.memory_space<vmem_shared>>)
        tpu.yield
      }) : () -> ()
      %scan3A_459 = arith.constant 0 : i32
      %scan3A_460 = arith.constant 0 : i32
      %scan3A_461 = arith.constant 120 : i32
      %scan3A_462 = arith.addi %scan3A_460, %scan3A_461 : i32
      %scan3A_463 = arith.constant 8 : i32
      scf.for %scan3A_513 = %scan3A_460 to %scan3A_462 step %scan3A_463  : i32 {
        %broadcast_in_dim3A_514 = arith.constant 1.000000e+00 : f32
        %broadcast_in_dim3A_515 = vector.broadcast %broadcast_in_dim3A_514 : f32 to vector<16xf32>
        %mul3A_516 = arith.constant 16 : i32
        %mul3A_517 = arith.muli %scan3A_513, %mul3A_516 : i32
        %swap3A_518 = arith.index_cast %mul3A_517 : i32 to index
        %swap3A_519 = tpu.vector_load %arg28[%swap3A_518] {strides = array<i32>} : memref<2000xf32, #tpu.memory_space<vmem>>, vector<16xf32>,
        tpu.vector_store %arg28[%swap3A_518], %broadcast_in_dim3A_515 {strides = array<i32>} : memref<2000xf32, #tpu.memory_space<vmem>>, vector<16xf32>,
        %scan3A_520 = arith.constant 1 : i32
        %scan3A_521 = arith.addi %scan3A_513, %scan3A_520 : i32
        %broadcast_in_dim3A_522 = arith.constant 1.000000e+00 : f32
        %broadcast_in_dim3A_523 = vector.broadcast %broadcast_in_dim3A_522 : f32 to vector<16xf32>
        %mul3A_524 = arith.constant 16 : i32
        %mul3A_525 = arith.muli %scan3A_521, %mul3A_524 : i32
        %swap3A_526 = arith.index_cast %mul3A_525 : i32 to index
        %swap3A_527 = tpu.vector_load %arg28[%swap3A_526] {strides = array<i32>} : memref<2000xf32, #tpu.memory_space<vmem>>, vector<16xf32>,
        tpu.vector_store %arg28[%swap3A_526], %broadcast_in_dim3A_523 {strides = array<i32>} : memref<2000xf32, #tpu.memory_space<vmem>>, vector<16xf32>,
        %scan3A_528 = arith.constant 2 : i32
        %scan3A_529 = arith.addi %scan3A_513, %scan3A_528 : i32
        %broadcast_in_dim3A_530 = arith.constant 1.000000e+00 : f32
        %broadcast_in_dim3A_531 = vector.broadcast %broadcast_in_dim3A_530 : f32 to vector<16xf32>
        %mul3A_532 = arith.constant 16 : i32
        %mul3A_533 = arith.muli %scan3A_529, %mul3A_532 : i32
        %swap3A_534 = arith.index_cast %mul3A_533 : i32 to index
        %swap3A_535 = tpu.vector_load %arg28[%swap3A_534] {strides = array<i32>} : memref<2000xf32, #tpu.memory_space<vmem>>, vector<16xf32>,
        tpu.vector_store %arg28[%swap3A_534], %broadcast_in_dim3A_531 {strides = array<i32>} : memref<2000xf32, #tpu.memory_space<vmem>>, vector<16xf32>,
        %scan3A_536 = arith.constant 3 : i32
        %scan3A_537 = arith.addi %scan3A_513, %scan3A_536 : i32
        %broadcast_in_dim3A_538 = arith.constant 1.000000e+00 : f32
        %broadcast_in_dim3A_539 = vector.broadcast %broadcast_in_dim3A_538 : f32 to vector<16xf32>
        %mul3A_540 = arith.constant 16 : i32
        %mul3A_541 = arith.muli %scan3A_537, %mul3A_540 : i32
        %swap3A_542 = arith.index_cast %mul3A_541 : i32 to index
        %swap3A_543 = tpu.vector_load %arg28[%swap3A_542] {strides = array<i32>} : memref<2000xf32, #tpu.memory_space<vmem>>, vector<16xf32>,
        tpu.vector_store %arg28[%swap3A_542], %broadcast_in_dim3A_539 {strides = array<i32>} : memref<2000xf32, #tpu.memory_space<vmem>>, vector<16xf32>,
        %scan3A_544 = arith.constant 4 : i32
        %scan3A_545 = arith.addi %scan3A_513, %scan3A_544 : i32
        %broadcast_in_dim3A_546 = arith.constant 1.000000e+00 : f32
        %broadcast_in_dim3A_547 = vector.broadcast %broadcast_in_dim3A_546 : f32 to vector<16xf32>
        %mul3A_548 = arith.constant 16 : i32
        %mul3A_549 = arith.muli %scan3A_545, %mul3A_548 : i32
        %swap3A_550 = arith.index_cast %mul3A_549 : i32 to index
        %swap3A_551 = tpu.vector_load %arg28[%swap3A_550] {strides = array<i32>} : memref<2000xf32, #tpu.memory_space<vmem>>, vector<16xf32>,
        tpu.vector_store %arg28[%swap3A_550], %broadcast_in_dim3A_547 {strides = array<i32>} : memref<2000xf32, #tpu.memory_space<vmem>>, vector<16xf32>,
        %scan3A_552 = arith.constant 5 : i32
        %scan3A_553 = arith.addi %scan3A_513, %scan3A_552 : i32
        %broadcast_in_dim3A_554 = arith.constant 1.000000e+00 : f32
        %broadcast_in_dim3A_555 = vector.broadcast %broadcast_in_dim3A_554 : f32 to vector<16xf32>
        %mul3A_556 = arith.constant 16 : i32
        %mul3A_557 = arith.muli %scan3A_553, %mul3A_556 : i32
        %swap3A_558 = arith.index_cast %mul3A_557 : i32 to index
        %swap3A_559 = tpu.vector_load %arg28[%swap3A_558] {strides = array<i32>} : memref<2000xf32, #tpu.memory_space<vmem>>, vector<16xf32>,
        tpu.vector_store %arg28[%swap3A_558], %broadcast_in_dim3A_555 {strides = array<i32>} : memref<2000xf32, #tpu.memory_space<vmem>>, vector<16xf32>,
        %scan3A_560 = arith.constant 6 : i32
        %scan3A_561 = arith.addi %scan3A_513, %scan3A_560 : i32
        %broadcast_in_dim3A_562 = arith.constant 1.000000e+00 : f32
        %broadcast_in_dim3A_563 = vector.broadcast %broadcast_in_dim3A_562 : f32 to vector<16xf32>
        %mul3A_564 = arith.constant 16 : i32
        %mul3A_565 = arith.muli %scan3A_561, %mul3A_564 : i32
        %swap3A_566 = arith.index_cast %mul3A_565 : i32 to index
        %swap3A_567 = tpu.vector_load %arg28[%swap3A_566] {strides = array<i32>} : memref<2000xf32, #tpu.memory_space<vmem>>, vector<16xf32>,
        tpu.vector_store %arg28[%swap3A_566], %broadcast_in_dim3A_563 {strides = array<i32>} : memref<2000xf32, #tpu.memory_space<vmem>>, vector<16xf32>,
        %scan3A_568 = arith.constant 7 : i32
        %scan3A_569 = arith.addi %scan3A_513, %scan3A_568 : i32
        %broadcast_in_dim3A_570 = arith.constant 1.000000e+00 : f32
        %broadcast_in_dim3A_571 = vector.broadcast %broadcast_in_dim3A_570 : f32 to vector<16xf32>
        %mul3A_572 = arith.constant 16 : i32
        %mul3A_573 = arith.muli %scan3A_569, %mul3A_572 : i32
        %swap3A_574 = arith.index_cast %mul3A_573 : i32 to index
        %swap3A_575 = tpu.vector_load %arg28[%swap3A_574] {strides = array<i32>} : memref<2000xf32, #tpu.memory_space<vmem>>, vector<16xf32>,
        tpu.vector_store %arg28[%swap3A_574], %broadcast_in_dim3A_571 {strides = array<i32>} : memref<2000xf32, #tpu.memory_space<vmem>>, vector<16xf32>,
      }
      %scan3A_464 = arith.constant 120 : i32
      %scan3A_465 = arith.addi %scan3A_460, %scan3A_464 : i32
      %broadcast_in_dim3A = arith.constant 1.000000e+00 : f32
      %broadcast_in_dim3A_466 = vector.broadcast %broadcast_in_dim3A : f32 to vector<16xf32>
      %mul3A_467 = arith.constant 16 : i32
      %mul3A_468 = arith.muli %scan3A_465, %mul3A_467 : i32
      %swap3A = arith.index_cast %mul3A_468 : i32 to index
      %swap3A_469 = tpu.vector_load %arg28[%swap3A] {strides = array<i32>} : memref<2000xf32, #tpu.memory_space<vmem>>, vector<16xf32>,
      tpu.vector_store %arg28[%swap3A], %broadcast_in_dim3A_466 {strides = array<i32>} : memref<2000xf32, #tpu.memory_space<vmem>>, vector<16xf32>,
      %scan3A_470 = arith.constant 121 : i32
      %scan3A_471 = arith.addi %scan3A_460, %scan3A_470 : i32
      %broadcast_in_dim3A_472 = arith.constant 1.000000e+00 : f32
      %broadcast_in_dim3A_473 = vector.broadcast %broadcast_in_dim3A_472 : f32 to vector<16xf32>
      %mul3A_474 = arith.constant 16 : i32
      %mul3A_475 = arith.muli %scan3A_471, %mul3A_474 : i32
      %swap3A_476 = arith.index_cast %mul3A_475 : i32 to index
      %swap3A_477 = tpu.vector_load %arg28[%swap3A_476] {strides = array<i32>} : memref<2000xf32, #tpu.memory_space<vmem>>, vector<16xf32>,
      tpu.vector_store %arg28[%swap3A_476], %broadcast_in_dim3A_473 {strides = array<i32>} : memref<2000xf32, #tpu.memory_space<vmem>>, vector<16xf32>,
      %scan3A_478 = arith.constant 122 : i32
      %scan3A_479 = arith.addi %scan3A_460, %scan3A_478 : i32
      %broadcast_in_dim3A_480 = arith.constant 1.000000e+00 : f32
      %broadcast_in_dim3A_481 = vector.broadcast %broadcast_in_dim3A_480 : f32 to vector<16xf32>
      %mul3A_482 = arith.constant 16 : i32
      %mul3A_483 = arith.muli %scan3A_479, %mul3A_482 : i32
      %swap3A_484 = arith.index_cast %mul3A_483 : i32 to index
      %swap3A_485 = tpu.vector_load %arg28[%swap3A_484] {strides = array<i32>} : memref<2000xf32, #tpu.memory_space<vmem>>, vector<16xf32>,
      tpu.vector_store %arg28[%swap3A_484], %broadcast_in_dim3A_481 {strides = array<i32>} : memref<2000xf32, #tpu.memory_space<vmem>>, vector<16xf32>,
      %scan3A_486 = arith.constant 123 : i32
      %scan3A_487 = arith.addi %scan3A_460, %scan3A_486 : i32
      %broadcast_in_dim3A_488 = arith.constant 1.000000e+00 : f32
      %broadcast_in_dim3A_489 = vector.broadcast %broadcast_in_dim3A_488 : f32 to vector<16xf32>
      %mul3A_490 = arith.constant 16 : i32
      %mul3A_491 = arith.muli %scan3A_487, %mul3A_490 : i32
      %swap3A_492 = arith.index_cast %mul3A_491 : i32 to index
      %swap3A_493 = tpu.vector_load %arg28[%swap3A_492] {strides = array<i32>} : memref<2000xf32, #tpu.memory_space<vmem>>, vector<16xf32>,
      tpu.vector_store %arg28[%swap3A_492], %broadcast_in_dim3A_489 {strides = array<i32>} : memref<2000xf32, #tpu.memory_space<vmem>>, vector<16xf32>,
      %scan3A_494 = arith.constant 124 : i32
      %scan3A_495 = arith.addi %scan3A_460, %scan3A_494 : i32
      %broadcast_in_dim3A_496 = arith.constant 1.000000e+00 : f32
      %broadcast_in_dim3A_497 = vector.broadcast %broadcast_in_dim3A_496 : f32 to vector<16xf32>
      %mul3A_498 = arith.constant 16 : i32
      %mul3A_499 = arith.muli %scan3A_495, %mul3A_498 : i32
      %swap3A_500 = arith.index_cast %mul3A_499 : i32 to index
      %swap3A_501 = tpu.vector_load %arg28[%swap3A_500] {strides = array<i32>} : memref<2000xf32, #tpu.memory_space<vmem>>, vector<16xf32>,
      tpu.vector_store %arg28[%swap3A_500], %broadcast_in_dim3A_497 {strides = array<i32>} : memref<2000xf32, #tpu.memory_space<vmem>>, vector<16xf32>,
      %scan3A_502 = arith.constant 125 : i32
      %scan3A_503 = arith.constant 0 : i32
      %scan3A_504 = arith.constant 0 : i32
      %scan3A_505 = arith.constant 40 : i32
      %scan3A_506 = arith.addi %scan3A_504, %scan3A_505 : i32
      %scan3A_507 = arith.constant 1 : i32
      scf.for %scan3A_513 = %scan3A_504 to %scan3A_506 step %scan3A_507  : i32 {
        %mul3A_514 = arith.constant 2000 : i32
        %mul3A_515 = arith.muli %scan3A_513, %mul3A_514 : i32
        %add3A_516 = arith.addi %mul3A_458, %mul3A_515 : i32
        "tpu.region"() ({
          %run_scoped3A = tpu.sem_alloc : memref<!tpu.dma_semaphore, #tpu.memory_space<semaphore_mem>>
          %dma_start3A_517 = tpu.memref_slice %arg10[%add3A_516] : memref<160000xi32, #tpu.memory_space<hbm>> -> memref<2000xi32, #tpu.memory_space<hbm>>
          %dma_start3A_518 = tpu.memref_slice %arg10[%add3A_516] : memref<160000xi32, #tpu.memory_space<hbm>> -> memref<2000xi32, #tpu.memory_space<hbm>>
          tpu.enqueue_dma source(%dma_start3A_518 : memref<2000xi32, #tpu.memory_space<hbm>>) target(%arg24 : memref<2000xi32, #tpu.memory_space<vmem>>) target_semaphore(%run_scoped3A : memref<!tpu.dma_semaphore, #tpu.memory_space<semaphore_mem>>)
          %dma_wait3A_519 = tpu.memref_slice %arg10[%add3A_516] : memref<160000xi32, #tpu.memory_space<hbm>> -> memref<2000xi32, #tpu.memory_space<hbm>>
          %dma_wait3A_520 = tpu.memref_slice %arg10[%add3A_516] : memref<160000xi32, #tpu.memory_space<hbm>> -> memref<2000xi32, #tpu.memory_space<hbm>>
          tpu.wait_dma2 semaphore(%run_scoped3A : memref<!tpu.dma_semaphore, #tpu.memory_space<semaphore_mem>>) src(%dma_wait3A_520 : memref<2000xi32, #tpu.memory_space<hbm>>) dst(%arg24 : memref<2000xi32, #tpu.memory_space<vmem>>)
          tpu.yield
        }) : () -> ()
        "tpu.region"() ({
          %run_scoped3A = tpu.sem_alloc : memref<!tpu.dma_semaphore, #tpu.memory_space<semaphore_mem>>
          %dma_start3A_517 = tpu.memref_slice %arg21[%mul3A_5] : memref<40000xf32, #tpu.memory_space<vmem_shared>> -> memref<10000xf32, #tpu.memory_space<vmem_shared>>
          %dma_start3A_518 = arith.constant 0 : i32
          %dma_start3A_519 = tpu.memref_slice %dma_start3A_517[%dma_start3A_518] : memref<10000xf32, #tpu.memory_space<vmem_shared>> -> memref<10000xf32, #tpu.memory_space<vmem_shared>>
          tpu.enqueue_indirect_dma source(%arg28 : memref<2000xf32, #tpu.memory_space<vmem>>) target(%dma_start3A_519 : memref<10000xf32, #tpu.memory_space<vmem_shared>>) offsets(%arg24 : memref<2000xi32, #tpu.memory_space<vmem>>) semaphore(%run_scoped3A : memref<!tpu.dma_semaphore, #tpu.memory_space<semaphore_mem>>) {add = true}
          %dma_wait3A_520 = tpu.memref_slice %arg21[%mul3A_5] : memref<40000xf32, #tpu.memory_space<vmem_shared>> -> memref<10000xf32, #tpu.memory_space<vmem_shared>>
          %dma_wait3A_521 = arith.constant 0 : i32
          %dma_wait3A_522 = tpu.memref_slice %dma_wait3A_520[%dma_wait3A_521] : memref<10000xf32, #tpu.memory_space<vmem_shared>> -> memref<10000xf32, #tpu.memory_space<vmem_shared>>
          tpu.wait_indirect_dma semaphore(%run_scoped3A : memref<!tpu.dma_semaphore, #tpu.memory_space<semaphore_mem>>) src(%arg28 : memref<2000xf32, #tpu.memory_space<vmem>>) dst(%dma_wait3A_522 : memref<10000xf32, #tpu.memory_space<vmem_shared>>)
          tpu.yield
        }) : () -> ()
      }
      %scan3A_508 = arith.constant 40 : i32
      %add3A_509 = arith.constant 6 : i32
      %add3A_510 = arith.addi %add3A_509, %select_n3A_456 : i32
      %mul3A_511 = arith.constant 10000 : i32
      %mul3A_512 = arith.muli %add3A_510, %mul3A_511 : i32
      "tpu.region"() ({
        %run_scoped3A = tpu.sem_alloc : memref<!tpu.dma_semaphore, #tpu.memory_space<semaphore_mem>>
        %dma_start3A_513 = tpu.memref_slice %arg19[%mul3A_512] : memref<80000xf32, #tpu.memory_space<hbm>> -> memref<10000xf32, #tpu.memory_space<hbm>>
        %dma_start3A_514 = tpu.memref_slice %arg21[%mul3A_5] : memref<40000xf32, #tpu.memory_space<vmem_shared>> -> memref<10000xf32, #tpu.memory_space<vmem_shared>>
        tpu.enqueue_dma source(%dma_start3A_514 : memref<10000xf32, #tpu.memory_space<vmem_shared>>) target(%dma_start3A_513 : memref<10000xf32, #tpu.memory_space<hbm>>) target_semaphore(%run_scoped3A : memref<!tpu.dma_semaphore, #tpu.memory_space<semaphore_mem>>)
        %dma_wait3A_515 = tpu.memref_slice %arg19[%mul3A_512] : memref<80000xf32, #tpu.memory_space<hbm>> -> memref<10000xf32, #tpu.memory_space<hbm>>
        %dma_wait3A_516 = tpu.memref_slice %arg21[%mul3A_5] : memref<40000xf32, #tpu.memory_space<vmem_shared>> -> memref<10000xf32, #tpu.memory_space<vmem_shared>>
        tpu.wait_dma2 semaphore(%run_scoped3A : memref<!tpu.dma_semaphore, #tpu.memory_space<semaphore_mem>>) src(%dma_wait3A_516 : memref<10000xf32, #tpu.memory_space<vmem_shared>>) dst(%dma_wait3A_515 : memref<10000xf32, #tpu.memory_space<hbm>>)
        tpu.yield
      }) : () -> ()
    } else {
    }
    return
  }
}

module attributes {stable_mosaic.version = 14 : i64} {
  func.func @_p1_body(%arg0: i32, %arg1: memref<1000x256xf32, #tpu.memory_space<vmem>>, %arg2: memref<1000x16xf32, #tpu.memory_space<vmem>>, %arg3: memref<1000x1xf32, #tpu.memory_space<vmem>>, %arg4: memref<1000x256xf32, #tpu.memory_space<vmem>>, %arg5: memref<1000x16xf32, #tpu.memory_space<vmem>>, %arg6: memref<1000x1xf32, #tpu.memory_space<vmem>>, %arg7: memref<256x256xf32, #tpu.memory_space<vmem>>, %arg8: memref<16x256xf32, #tpu.memory_space<vmem>>, %arg9: memref<256x256xf32, #tpu.memory_space<vmem>>, %arg10: memref<16x256xf32, #tpu.memory_space<vmem>>, %arg11: memref<256x128xf32, #tpu.memory_space<vmem>>, %arg12: memref<1x128xf32, #tpu.memory_space<vmem>>, %arg13: memref<1x128xf32, #tpu.memory_space<vmem>>, %arg14: memref<1000x256xf32, #tpu.memory_space<vmem>>, %arg15: memref<1000x256xf32, #tpu.memory_space<vmem>>, %arg16: memref<1x128xf32, #tpu.memory_space<vmem>>, %arg17: memref<1x128xf32, #tpu.memory_space<vmem>>, %arg18: memref<2xf32, #tpu.memory_space<smem>>) attributes {dimension_semantics = [#tpu.dimension_semantics<arbitrary>], iteration_bounds = array<i64: 10>, scalar_prefetch = 0 : i64, scratch_operands = 1 : i64, tpu.core_type = #tpu.core_type<tc>, window_params = [{transform_indices = @transform_0, window_bounds = array<i64: 1000, 256>}, {transform_indices = @transform_1, window_bounds = array<i64: 1000, 16>}, {transform_indices = @transform_2, window_bounds = array<i64: 1000, 1>}, {transform_indices = @transform_3, window_bounds = array<i64: 1000, 256>}, {transform_indices = @transform_4, window_bounds = array<i64: 1000, 16>}, {transform_indices = @transform_5, window_bounds = array<i64: 1000, 1>}, {pipeline_mode = #tpu.pipeline_mode<synchronous>, transform_indices = @transform_6, window_bounds = array<i64: 256, 256>}, {pipeline_mode = #tpu.pipeline_mode<synchronous>, transform_indices = @transform_7, window_bounds = array<i64: 16, 256>}, {pipeline_mode = #tpu.pipeline_mode<synchronous>, transform_indices = @transform_8, window_bounds = array<i64: 256, 256>}, {pipeline_mode = #tpu.pipeline_mode<synchronous>, transform_indices = @transform_9, window_bounds = array<i64: 16, 256>}, {pipeline_mode = #tpu.pipeline_mode<synchronous>, transform_indices = @transform_10, window_bounds = array<i64: 256, 128>}, {pipeline_mode = #tpu.pipeline_mode<synchronous>, transform_indices = @transform_11, window_bounds = array<i64: 1, 128>}, {pipeline_mode = #tpu.pipeline_mode<synchronous>, transform_indices = @transform_12, window_bounds = array<i64: 1, 128>}, {transform_indices = @transform_13, window_bounds = array<i64: 1000, 256>}, {transform_indices = @transform_14, window_bounds = array<i64: 1000, 256>}, {pipeline_mode = #tpu.pipeline_mode<synchronous>, transform_indices = @transform_15, window_bounds = array<i64: 1, 128>}, {pipeline_mode = #tpu.pipeline_mode<synchronous>, transform_indices = @transform_16, window_bounds = array<i64: 1, 128>}]} {
    %eq3A = arith.constant 0 : i32
    %eq3A_0 = arith.cmpi eq, %arg0, %eq3A : i32
    %convert_element_type3A = arith.extui %eq3A_0 : i1 to i32
    %cond3A = arith.constant 0 : i32
    %cond3A_1 = arith.cmpi ne, %convert_element_type3A, %cond3A : i32
    scf.if %cond3A_1 {
      %swap3A_112 = arith.constant 0.000000e+00 : f32
      %swap3A_113 = arith.constant 0 : index
      %swap3A_114 = memref.load %arg18[%swap3A_113] : memref<2xf32, #tpu.memory_space<smem>>
      memref.store %swap3A_112, %arg18[%swap3A_113] : memref<2xf32, #tpu.memory_space<smem>>
      %swap3A_115 = arith.constant 0.000000e+00 : f32
      %swap3A_116 = arith.constant 1 : index
      %swap3A_117 = memref.load %arg18[%swap3A_116] : memref<2xf32, #tpu.memory_space<smem>>
      memref.store %swap3A_115, %arg18[%swap3A_116] : memref<2xf32, #tpu.memory_space<smem>>
    } else {
    }
    %get3A = arith.constant 0 : index
    %get3A_2 = arith.constant 0 : index
    %get3A_3 = vector.load %arg3[%get3A, %get3A_2] : memref<1000x1xf32, #tpu.memory_space<vmem>>, vector<1000x1xf32>
    %max3A = arith.constant 1.000000e+00 : f32
    %max3A_4 = vector.broadcast %max3A : f32 to vector<1000x1xf32>
    %max3A_5 = arith.maximumf %get3A_3, %max3A_4 : vector<1000x1xf32>
    %div3A = arith.constant 1.000000e+00 : f32
    %div3A_6 = vector.broadcast %div3A : f32 to vector<1000x1xf32>
    %div3A_7 = arith.divf %div3A_6, %max3A_5 : vector<1000x1xf32>
    %get3A_8 = arith.constant 0 : index
    %get3A_9 = arith.constant 0 : index
    %get3A_10 = vector.load %arg6[%get3A_8, %get3A_9] : memref<1000x1xf32, #tpu.memory_space<vmem>>, vector<1000x1xf32>
    %max3A_11 = arith.constant 1.000000e+00 : f32
    %max3A_12 = vector.broadcast %max3A_11 : f32 to vector<1000x1xf32>
    %max3A_13 = arith.maximumf %get3A_10, %max3A_12 : vector<1000x1xf32>
    %div3A_14 = arith.constant 1.000000e+00 : f32
    %div3A_15 = vector.broadcast %div3A_14 : f32 to vector<1000x1xf32>
    %div3A_16 = arith.divf %div3A_15, %max3A_13 : vector<1000x1xf32>
    %get3A_17 = arith.constant 0 : index
    %get3A_18 = arith.constant 0 : index
    %get3A_19 = vector.load %arg1[%get3A_17, %get3A_18] : memref<1000x256xf32, #tpu.memory_space<vmem>>, vector<1000x256xf32>
    %get3A_20 = arith.constant 0 : index
    %get3A_21 = arith.constant 0 : index
    %get3A_22 = vector.load %arg7[%get3A_20, %get3A_21] : memref<256x256xf32, #tpu.memory_space<vmem>>, vector<256x256xf32>
    %dot_general3A = arith.constant dense<0.000000e+00> : vector<1000x256xf32>
    %dot_general3A_23 = tpu.matmul %get3A_19, %get3A_22, %dot_general3A {dimension_numbers = #tpu.dot_dimension_numbers<[1], [0], [0], [1], [0, 0, 1, 1], [], []>, transpose_lhs_hint = false} : vector<1000x256xf32>, vector<256x256xf32>, vector<1000x256xf32> -> vector<1000x256xf32>
    %get3A_24 = arith.constant 0 : index
    %get3A_25 = arith.constant 0 : index
    %get3A_26 = vector.load %arg2[%get3A_24, %get3A_25] : memref<1000x16xf32, #tpu.memory_space<vmem>>, vector<1000x16xf32>
    %get3A_27 = arith.constant 0 : index
    %get3A_28 = arith.constant 0 : index
    %get3A_29 = vector.load %arg8[%get3A_27, %get3A_28] : memref<16x256xf32, #tpu.memory_space<vmem>>, vector<16x256xf32>
    %dot_general3A_30 = arith.constant dense<0.000000e+00> : vector<1000x256xf32>
    %dot_general3A_31 = tpu.matmul %get3A_26, %get3A_29, %dot_general3A_30 {dimension_numbers = #tpu.dot_dimension_numbers<[1], [0], [0], [1], [0, 0, 1, 1], [], []>, transpose_lhs_hint = false} : vector<1000x16xf32>, vector<16x256xf32>, vector<1000x256xf32> -> vector<1000x256xf32>
    %add3A = arith.addf %dot_general3A_23, %dot_general3A_31 : vector<1000x256xf32>
    %mul3A = vector.broadcast %div3A_7 : vector<1000x1xf32> to vector<1000x256xf32>
    %mul3A_32 = arith.mulf %add3A, %mul3A : vector<1000x256xf32>
    %get3A_33 = arith.constant 0 : index
    %get3A_34 = arith.constant 0 : index
    %get3A_35 = vector.load %arg4[%get3A_33, %get3A_34] : memref<1000x256xf32, #tpu.memory_space<vmem>>, vector<1000x256xf32>
    %get3A_36 = arith.constant 0 : index
    %get3A_37 = arith.constant 0 : index
    %get3A_38 = vector.load %arg9[%get3A_36, %get3A_37] : memref<256x256xf32, #tpu.memory_space<vmem>>, vector<256x256xf32>
    %dot_general3A_39 = arith.constant dense<0.000000e+00> : vector<1000x256xf32>
    %dot_general3A_40 = tpu.matmul %get3A_35, %get3A_38, %dot_general3A_39 {dimension_numbers = #tpu.dot_dimension_numbers<[1], [0], [0], [1], [0, 0, 1, 1], [], []>, transpose_lhs_hint = false} : vector<1000x256xf32>, vector<256x256xf32>, vector<1000x256xf32> -> vector<1000x256xf32>
    %get3A_41 = arith.constant 0 : index
    %get3A_42 = arith.constant 0 : index
    %get3A_43 = vector.load %arg5[%get3A_41, %get3A_42] : memref<1000x16xf32, #tpu.memory_space<vmem>>, vector<1000x16xf32>
    %get3A_44 = arith.constant 0 : index
    %get3A_45 = arith.constant 0 : index
    %get3A_46 = vector.load %arg10[%get3A_44, %get3A_45] : memref<16x256xf32, #tpu.memory_space<vmem>>, vector<16x256xf32>
    %dot_general3A_47 = arith.constant dense<0.000000e+00> : vector<1000x256xf32>
    %dot_general3A_48 = tpu.matmul %get3A_43, %get3A_46, %dot_general3A_47 {dimension_numbers = #tpu.dot_dimension_numbers<[1], [0], [0], [1], [0, 0, 1, 1], [], []>, transpose_lhs_hint = false} : vector<1000x16xf32>, vector<16x256xf32>, vector<1000x256xf32> -> vector<1000x256xf32>
    %add3A_49 = arith.addf %dot_general3A_40, %dot_general3A_48 : vector<1000x256xf32>
    %mul3A_50 = vector.broadcast %div3A_16 : vector<1000x1xf32> to vector<1000x256xf32>
    %mul3A_51 = arith.mulf %add3A_49, %mul3A_50 : vector<1000x256xf32>
    %get3A_52 = arith.constant 0 : index
    %get3A_53 = arith.constant 0 : index
    %get3A_54 = vector.load %arg11[%get3A_52, %get3A_53] : memref<256x128xf32, #tpu.memory_space<vmem>>, vector<256x128xf32>
    %dot_general3A_55 = arith.constant dense<0.000000e+00> : vector<1000x128xf32>
    %dot_general3A_56 = tpu.matmul %mul3A_32, %get3A_54, %dot_general3A_55 {dimension_numbers = #tpu.dot_dimension_numbers<[1], [0], [0], [1], [0, 0, 1, 1], [], []>, transpose_lhs_hint = false} : vector<1000x256xf32>, vector<256x128xf32>, vector<1000x128xf32> -> vector<1000x128xf32>
    %get3A_57 = arith.constant 0 : index
    %get3A_58 = arith.constant 0 : index
    %get3A_59 = vector.load %arg12[%get3A_57, %get3A_58] : memref<1x128xf32, #tpu.memory_space<vmem>>, vector<1x128xf32>
    %add3A_60 = vector.broadcast %get3A_59 : vector<1x128xf32> to vector<1000x128xf32>
    %add3A_61 = arith.addf %dot_general3A_56, %add3A_60 : vector<1000x128xf32>
    %tanh3A = math.tanh %add3A_61 : vector<1000x128xf32>
    %get3A_62 = arith.constant 0 : index
    %get3A_63 = arith.constant 0 : index
    %get3A_64 = vector.load %arg11[%get3A_62, %get3A_63] : memref<256x128xf32, #tpu.memory_space<vmem>>, vector<256x128xf32>
    %dot_general3A_65 = arith.constant dense<0.000000e+00> : vector<1000x128xf32>
    %dot_general3A_66 = tpu.matmul %mul3A_51, %get3A_64, %dot_general3A_65 {dimension_numbers = #tpu.dot_dimension_numbers<[1], [0], [0], [1], [0, 0, 1, 1], [], []>, transpose_lhs_hint = false} : vector<1000x256xf32>, vector<256x128xf32>, vector<1000x128xf32> -> vector<1000x128xf32>
    %get3A_67 = arith.constant 0 : index
    %get3A_68 = arith.constant 0 : index
    %get3A_69 = vector.load %arg12[%get3A_67, %get3A_68] : memref<1x128xf32, #tpu.memory_space<vmem>>, vector<1x128xf32>
    %add3A_70 = vector.broadcast %get3A_69 : vector<1x128xf32> to vector<1000x128xf32>
    %add3A_71 = arith.addf %dot_general3A_66, %add3A_70 : vector<1000x128xf32>
    %tanh3A_72 = math.tanh %add3A_71 : vector<1000x128xf32>
    %get3A_73 = arith.constant 0 : index
    %get3A_74 = memref.load %arg18[%get3A_73] : memref<2xf32, #tpu.memory_space<smem>>
    %get3A_75 = arith.constant 0 : index
    %get3A_76 = arith.constant 0 : index
    %get3A_77 = vector.load %arg13[%get3A_75, %get3A_76] : memref<1x128xf32, #tpu.memory_space<vmem>>, vector<1x128xf32>
    %mul3A_78 = vector.broadcast %get3A_77 : vector<1x128xf32> to vector<1000x128xf32>
    %mul3A_79 = arith.mulf %tanh3A, %mul3A_78 : vector<1000x128xf32>
    %reduce_sum3A = vector.shape_cast %mul3A_79 : vector<1000x128xf32> to vector<1x1000x128xf32>
    %reduce_sum3A_80 = arith.constant dense<0.000000e+00> : vector<1xf32>
    %reduce_sum3A_81 = vector.multi_reduction <add>, %reduce_sum3A, %reduce_sum3A_80 [1, 2] : vector<1x1000x128xf32> to vector<1xf32>
    %reduce_sum3A_82 = vector.shape_cast %reduce_sum3A_81 : vector<1xf32> to vector<1x1x1xf32>
    %reduce_sum3A_83 = vector.extract %reduce_sum3A_82[0, 0, 0] : f32 from vector<1x1x1xf32>
    %add3A_84 = arith.addf %get3A_74, %reduce_sum3A_83 : f32
    %swap3A = arith.constant 0 : index
    %swap3A_85 = memref.load %arg18[%swap3A] : memref<2xf32, #tpu.memory_space<smem>>
    memref.store %add3A_84, %arg18[%swap3A] : memref<2xf32, #tpu.memory_space<smem>>
    %get3A_86 = arith.constant 1 : index
    %get3A_87 = memref.load %arg18[%get3A_86] : memref<2xf32, #tpu.memory_space<smem>>
    %get3A_88 = arith.constant 0 : index
    %get3A_89 = arith.constant 0 : index
    %get3A_90 = vector.load %arg13[%get3A_88, %get3A_89] : memref<1x128xf32, #tpu.memory_space<vmem>>, vector<1x128xf32>
    %mul3A_91 = vector.broadcast %get3A_90 : vector<1x128xf32> to vector<1000x128xf32>
    %mul3A_92 = arith.mulf %tanh3A_72, %mul3A_91 : vector<1000x128xf32>
    %reduce_sum3A_93 = vector.shape_cast %mul3A_92 : vector<1000x128xf32> to vector<1x1000x128xf32>
    %reduce_sum3A_94 = arith.constant dense<0.000000e+00> : vector<1xf32>
    %reduce_sum3A_95 = vector.multi_reduction <add>, %reduce_sum3A_93, %reduce_sum3A_94 [1, 2] : vector<1x1000x128xf32> to vector<1xf32>
    %reduce_sum3A_96 = vector.shape_cast %reduce_sum3A_95 : vector<1xf32> to vector<1x1x1xf32>
    %reduce_sum3A_97 = vector.extract %reduce_sum3A_96[0, 0, 0] : f32 from vector<1x1x1xf32>
    %add3A_98 = arith.addf %get3A_87, %reduce_sum3A_97 : f32
    %swap3A_99 = arith.constant 1 : index
    %swap3A_100 = memref.load %arg18[%swap3A_99] : memref<2xf32, #tpu.memory_space<smem>>
    memref.store %add3A_98, %arg18[%swap3A_99] : memref<2xf32, #tpu.memory_space<smem>>
    %swap3A_101 = arith.constant 0 : index
    %swap3A_102 = arith.constant 0 : index
    %swap3A_103 = vector.load %arg14[%swap3A_101, %swap3A_102] : memref<1000x256xf32, #tpu.memory_space<vmem>>, vector<1000x256xf32>
    tpu.vector_store %arg14[%swap3A_101, %swap3A_102], %mul3A_32 {strides = array<i32>} : memref<1000x256xf32, #tpu.memory_space<vmem>>, vector<1000x256xf32>,
    %swap3A_104 = arith.constant 0 : index
    %swap3A_105 = arith.constant 0 : index
    %swap3A_106 = vector.load %arg15[%swap3A_104, %swap3A_105] : memref<1000x256xf32, #tpu.memory_space<vmem>>, vector<1000x256xf32>
    tpu.vector_store %arg15[%swap3A_104, %swap3A_105], %mul3A_51 {strides = array<i32>} : memref<1000x256xf32, #tpu.memory_space<vmem>>, vector<1000x256xf32>,
    %eq3A_107 = arith.constant 9 : i32
    %eq3A_108 = arith.cmpi eq, %arg0, %eq3A_107 : i32
    %convert_element_type3A_109 = arith.extui %eq3A_108 : i1 to i32
    %cond3A_110 = arith.constant 0 : i32
    %cond3A_111 = arith.cmpi ne, %convert_element_type3A_109, %cond3A_110 : i32
    scf.if %cond3A_111 {
      %get3A_112 = arith.constant 0 : index
      %get3A_113 = memref.load %arg18[%get3A_112] : memref<2xf32, #tpu.memory_space<smem>>
      %broadcast_in_dim3A = vector.broadcast %get3A_113 : f32 to vector<1x128xf32>
      %swap3A_114 = arith.constant 0 : index
      %swap3A_115 = arith.constant 0 : index
      %swap3A_116 = vector.load %arg16[%swap3A_114, %swap3A_115] : memref<1x128xf32, #tpu.memory_space<vmem>>, vector<1x128xf32>
      tpu.vector_store %arg16[%swap3A_114, %swap3A_115], %broadcast_in_dim3A {strides = array<i32>} : memref<1x128xf32, #tpu.memory_space<vmem>>, vector<1x128xf32>,
      %get3A_117 = arith.constant 1 : index
      %get3A_118 = memref.load %arg18[%get3A_117] : memref<2xf32, #tpu.memory_space<smem>>
      %broadcast_in_dim3A_119 = vector.broadcast %get3A_118 : f32 to vector<1x128xf32>
      %swap3A_120 = arith.constant 0 : index
      %swap3A_121 = arith.constant 0 : index
      %swap3A_122 = vector.load %arg17[%swap3A_120, %swap3A_121] : memref<1x128xf32, #tpu.memory_space<vmem>>, vector<1x128xf32>
      tpu.vector_store %arg17[%swap3A_120, %swap3A_121], %broadcast_in_dim3A_119 {strides = array<i32>} : memref<1x128xf32, #tpu.memory_space<vmem>>, vector<1x128xf32>,
    } else {
    }
    return
  }
  func.func @transform_0(%arg0: i32) -> (i32, i32) {
    %c0_i32 = arith.constant 0 : i32
    %c0_i32_0 = arith.constant 0 : i32
    return %arg0, %c0_i32 : i32, i32
  }
  func.func @transform_1(%arg0: i32) -> (i32, i32) {
    %c0_i32 = arith.constant 0 : i32
    %c0_i32_0 = arith.constant 0 : i32
    return %arg0, %c0_i32 : i32, i32
  }
  func.func @transform_2(%arg0: i32) -> (i32, i32) {
    %c0_i32 = arith.constant 0 : i32
    %c0_i32_0 = arith.constant 0 : i32
    return %arg0, %c0_i32 : i32, i32
  }
  func.func @transform_3(%arg0: i32) -> (i32, i32) {
    %c0_i32 = arith.constant 0 : i32
    %c0_i32_0 = arith.constant 0 : i32
    return %arg0, %c0_i32 : i32, i32
  }
  func.func @transform_4(%arg0: i32) -> (i32, i32) {
    %c0_i32 = arith.constant 0 : i32
    %c0_i32_0 = arith.constant 0 : i32
    return %arg0, %c0_i32 : i32, i32
  }
  func.func @transform_5(%arg0: i32) -> (i32, i32) {
    %c0_i32 = arith.constant 0 : i32
    %c0_i32_0 = arith.constant 0 : i32
    return %arg0, %c0_i32 : i32, i32
  }
  func.func @transform_6(%arg0: i32) -> (i32, i32) {
    %c0_i32 = arith.constant 0 : i32
    %c0_i32_0 = arith.constant 0 : i32
    %c0_i32_1 = arith.constant 0 : i32
    return %c0_i32, %c0_i32_0 : i32, i32
  }
  func.func @transform_7(%arg0: i32) -> (i32, i32) {
    %c0_i32 = arith.constant 0 : i32
    %c0_i32_0 = arith.constant 0 : i32
    %c0_i32_1 = arith.constant 0 : i32
    return %c0_i32, %c0_i32_0 : i32, i32
  }
  func.func @transform_8(%arg0: i32) -> (i32, i32) {
    %c0_i32 = arith.constant 0 : i32
    %c0_i32_0 = arith.constant 0 : i32
    %c0_i32_1 = arith.constant 0 : i32
    return %c0_i32, %c0_i32_0 : i32, i32
  }
  func.func @transform_9(%arg0: i32) -> (i32, i32) {
    %c0_i32 = arith.constant 0 : i32
    %c0_i32_0 = arith.constant 0 : i32
    %c0_i32_1 = arith.constant 0 : i32
    return %c0_i32, %c0_i32_0 : i32, i32
  }
  func.func @transform_10(%arg0: i32) -> (i32, i32) {
    %c0_i32 = arith.constant 0 : i32
    %c0_i32_0 = arith.constant 0 : i32
    %c0_i32_1 = arith.constant 0 : i32
    return %c0_i32, %c0_i32_0 : i32, i32
  }
  func.func @transform_11(%arg0: i32) -> (i32, i32) {
    %c0_i32 = arith.constant 0 : i32
    %c0_i32_0 = arith.constant 0 : i32
    %c0_i32_1 = arith.constant 0 : i32
    return %c0_i32, %c0_i32_0 : i32, i32
  }
  func.func @transform_12(%arg0: i32) -> (i32, i32) {
    %c0_i32 = arith.constant 0 : i32
    %c0_i32_0 = arith.constant 0 : i32
    %c0_i32_1 = arith.constant 0 : i32
    return %c0_i32, %c0_i32_0 : i32, i32
  }
  func.func @transform_13(%arg0: i32) -> (i32, i32) {
    %c0_i32 = arith.constant 0 : i32
    %c0_i32_0 = arith.constant 0 : i32
    return %arg0, %c0_i32 : i32, i32
  }
  func.func @transform_14(%arg0: i32) -> (i32, i32) {
    %c0_i32 = arith.constant 0 : i32
    %c0_i32_0 = arith.constant 0 : i32
    return %arg0, %c0_i32 : i32, i32
  }
  func.func @transform_15(%arg0: i32) -> (i32, i32) {
    %c0_i32 = arith.constant 0 : i32
    %c0_i32_0 = arith.constant 0 : i32
    %c0_i32_1 = arith.constant 0 : i32
    return %c0_i32, %c0_i32_0 : i32, i32
  }
  func.func @transform_16(%arg0: i32) -> (i32, i32) {
    %c0_i32 = arith.constant 0 : i32
    %c0_i32_0 = arith.constant 0 : i32
    %c0_i32_1 = arith.constant 0 : i32
    return %c0_i32, %c0_i32_0 : i32, i32
  }
}

module attributes {stable_mosaic.version = 14 : i64} {
  func.func @_p2_body(%arg0: i32, %arg1: memref<1000x256xf32, #tpu.memory_space<vmem>>, %arg2: memref<1000x256xf32, #tpu.memory_space<vmem>>, %arg3: memref<1x128xf32, #tpu.memory_space<vmem>>, %arg4: memref<1x128xf32, #tpu.memory_space<vmem>>, %arg5: memref<1000x256xf32, #tpu.memory_space<vmem>>) attributes {dimension_semantics = [#tpu.dimension_semantics<arbitrary>], iteration_bounds = array<i64: 10>, scalar_prefetch = 0 : i64, scratch_operands = 0 : i64, tpu.core_type = #tpu.core_type<tc>, window_params = [{transform_indices = @transform_0, window_bounds = array<i64: 1000, 256>}, {transform_indices = @transform_1, window_bounds = array<i64: 1000, 256>}, {pipeline_mode = #tpu.pipeline_mode<synchronous>, transform_indices = @transform_2, window_bounds = array<i64: 1, 128>}, {pipeline_mode = #tpu.pipeline_mode<synchronous>, transform_indices = @transform_3, window_bounds = array<i64: 1, 128>}, {transform_indices = @transform_4, window_bounds = array<i64: 1000, 256>}]} {
    %get3A = arith.constant 0 : index
    %get3A_0 = arith.constant 0 : index
    %get3A_1 = vector.load %arg3[%get3A, %get3A_0] : memref<1x128xf32, #tpu.memory_space<vmem>>, vector<1x1xf32>
    %get3A_2 = vector.extract %get3A_1[0, 0] : f32 from vector<1x1xf32>
    %mul3A = arith.constant 9.99999974E-5 : f32
    %mul3A_3 = arith.mulf %get3A_2, %mul3A : f32
    %get3A_4 = arith.constant 0 : index
    %get3A_5 = arith.constant 0 : index
    %get3A_6 = vector.load %arg4[%get3A_4, %get3A_5] : memref<1x128xf32, #tpu.memory_space<vmem>>, vector<1x1xf32>
    %get3A_7 = vector.extract %get3A_6[0, 0] : f32 from vector<1x1xf32>
    %mul3A_8 = arith.constant 9.99999974E-5 : f32
    %mul3A_9 = arith.mulf %get3A_7, %mul3A_8 : f32
    %max3A = arith.maximumf %mul3A_3, %mul3A_9 : f32
    %sub3A = arith.subf %mul3A_3, %max3A : f32
    %exp3A = math.exp %sub3A : f32
    %sub3A_10 = arith.subf %mul3A_9, %max3A : f32
    %exp3A_11 = math.exp %sub3A_10 : f32
    %add3A = arith.addf %exp3A, %exp3A_11 : f32
    %div3A = arith.divf %exp3A, %add3A : f32
    %add3A_12 = arith.addf %exp3A, %exp3A_11 : f32
    %div3A_13 = arith.divf %exp3A_11, %add3A_12 : f32
    %get3A_14 = arith.constant 0 : index
    %get3A_15 = arith.constant 0 : index
    %get3A_16 = vector.load %arg1[%get3A_14, %get3A_15] : memref<1000x256xf32, #tpu.memory_space<vmem>>, vector<1000x256xf32>
    %mul3A_17 = vector.broadcast %div3A : f32 to vector<1000x256xf32>
    %mul3A_18 = arith.mulf %mul3A_17, %get3A_16 : vector<1000x256xf32>
    %get3A_19 = arith.constant 0 : index
    %get3A_20 = arith.constant 0 : index
    %get3A_21 = vector.load %arg2[%get3A_19, %get3A_20] : memref<1000x256xf32, #tpu.memory_space<vmem>>, vector<1000x256xf32>
    %mul3A_22 = vector.broadcast %div3A_13 : f32 to vector<1000x256xf32>
    %mul3A_23 = arith.mulf %mul3A_22, %get3A_21 : vector<1000x256xf32>
    %add3A_24 = arith.addf %mul3A_18, %mul3A_23 : vector<1000x256xf32>
    %swap3A = arith.constant 0 : index
    %swap3A_25 = arith.constant 0 : index
    %swap3A_26 = vector.load %arg5[%swap3A, %swap3A_25] : memref<1000x256xf32, #tpu.memory_space<vmem>>, vector<1000x256xf32>
    tpu.vector_store %arg5[%swap3A, %swap3A_25], %add3A_24 {strides = array<i32>} : memref<1000x256xf32, #tpu.memory_space<vmem>>, vector<1000x256xf32>,
    return
  }
  func.func @transform_0(%arg0: i32) -> (i32, i32) {
    %c0_i32 = arith.constant 0 : i32
    %c0_i32_0 = arith.constant 0 : i32
    return %arg0, %c0_i32 : i32, i32
  }
  func.func @transform_1(%arg0: i32) -> (i32, i32) {
    %c0_i32 = arith.constant 0 : i32
    %c0_i32_0 = arith.constant 0 : i32
    return %arg0, %c0_i32 : i32, i32
  }
  func.func @transform_2(%arg0: i32) -> (i32, i32) {
    %c0_i32 = arith.constant 0 : i32
    %c0_i32_0 = arith.constant 0 : i32
    %c0_i32_1 = arith.constant 0 : i32
    return %c0_i32, %c0_i32_0 : i32, i32
  }
  func.func @transform_3(%arg0: i32) -> (i32, i32) {
    %c0_i32 = arith.constant 0 : i32
    %c0_i32_0 = arith.constant 0 : i32
    %c0_i32_1 = arith.constant 0 : i32
    return %c0_i32, %c0_i32_0 : i32, i32
  }
  func.func @transform_4(%arg0: i32) -> (i32, i32) {
    %c0_i32 = arith.constant 0 : i32
    %c0_i32_0 = arith.constant 0 : i32
    return %arg0, %c0_i32 : i32, i32
  }
}

</mosaic_0001>

<sc_bundles>
// kernel: kernel.7.cloned.1.call-start
scs
__scs_entry_jumppad:
0x0: {  	(pc) =	sbr.rel $0x88, $3  }
0x1: {  	(tag) =	ssettag $0x0;
	lr =	simm.s32 $0x1  }
0x2: {  	[smem:$0x3F89] =	sst lr;
	_ =	strace $0xD0000000  }
0x3: {  	_ = 	snop  }
0x4: {  	_ = 	snop  }
0x5: {  	_ = 	snop  }
0x6: {  	_ = 	snop  }
0x7: {  	_ = 	snop  }
__scs_overlays_trampoline_lowered:
0x8: {  	[smem:$0x3F98] =	sst s0  }
0x9: {  	[smem:$0x3F99] =	sst s1  }
0xa: {  	[smem:$0x3F9A] =	sst s2  }
0xb: {  	[smem:$0x3F9B] =	sst s3  }
0xc: {  	[smem:$0x3F9C] =	sst s4  }
0xd: {  	[smem:$0x3F9D] =	sst s5  }
0xe: {  	[smem:$0x3F9E] =	sst s6  }
0xf: {  	[smem:$0x3F9F] =	sst s7  }
0x10: {  	[smem:$0x3FA0] =	sst s8  }
0x11: {  	[smem:$0x3FA1] =	sst s9;
	s0 =	simm.s32 @!p0 $0x0  }
0x12: {  	s1 =	sld [smem:$0x3F87];
	s0 =	simm.s32 @p0 $0x1  }
0x13: {  	[smem:$0x3FA2] =	sst s0;
	s0 =	simm.s32 @!p1 $0x0  }
0x14: {  	s2 =	sld [smem:$0x3F86];
	s0 =	simm.s32 @p1 $0x1  }
0x15: {  	[smem:$0x3FA3] =	sst s0;
	s0 =	simm.s32 @!p2 $0x0  }
0x16: {  	s3 =	sld [smem:$0x3FDB];
	s0 =	simm.s32 @p2 $0x1  }
0x17: {  	s4 =	simm.s32 $0x1BF5;
	[smem:$0x3FA5] =	sst s0  }
0x18: {  	s0 =	sld [smem:$0x3F88];
	_ =	swait.ge [sflag:s4], $0x0  }
0x19: {  	s7 =	sld [smem:$0x3F89]  }
0x1a: {  	s8 =	sadd.s32 $0xFFFFE003, lr  }
0x1b: {  	s9 =	sadd.s32 $0xFFFFFEF7, lr;
	s5 =	simm.s32 $0xFFFFFFFF;
	p2 =	slt.u32 s8, $0xFFFFF086  }
0x1c: {  	p1 =	slt.u32 s9, $0xF7A;
	s5 =	simm.s32 @!p2 $0x0  }
0x1d: {  	s5 =	simm.s32 @p1 $0x1;
	p0 =	seq.s32 s7, s2  }
0x1e: {  	s7 =	smul.u32 @!p0 $0xF7A, s2;
	p2 =	seq.s32 @!p0 s5, $0x0  }
0x1f: {  	s9 =	smul.u32 $0xF7A, s1;
	s8 =	simm.s32 @!p0 $0x1BF5;
	p2 =	por !p2, p0  }
0x20: {  	[sflag:s8] =	ssyncset.s32 @!p0 $0xFFFFF086;
	s6 =	sadd.s32 @!p0 s3, s7;
	s7 =	simm.s32 @!p0 $0x108  }
0x21: {  	s3 =	sadd.s32 s3, s9;
	s6 =	sadd.s32 @!p0 $0x88, s6;
	s7 =	simm.s32 @p2 $0x1082  }
0x22: {  	[simem:s7], [sflag:s8] =	dma.local @!p0 [hbm:s6], $0xF7A  }
0x23: {  	s9 =	sor.u32 $0xD0000000, s2;
	s6 =	simm.s32 $0x108;
	_ =	swait.ge @!p0 [sflag:s8], $0x0  }
0x24: {  	s3 =	sadd.s32 $0x88, s3;
	s6 =	simm.s32 @!p1 $0x1082;
	[sflag:s4] =	ssyncset.s32 $0xFFFFF086  }
0x25: {  	[simem:s6], [sflag:s4] =	dma.local [hbm:s3], $0xF7A  }
0x26: {  	[smem:$0x3F89] =	sst s1;
	(tag) =	ssettag s2;
	_ =	strace s9  }
0x27: {  	s1 =	sld [smem:$0x3F99]  }
0x28: {  	s2 =	sld [smem:$0x3F9A]  }
0x29: {  	s4 =	sld [smem:$0x3F9C]  }
0x2a: {  	p0 =	seq.s32 s5, $0x0;
	s5 =	sld [smem:$0x3F9D]  }
0x2b: {  	s6 =	sld [smem:$0x3F9E]  }
0x2c: {  	s7 =	sld [smem:$0x3F9F]  }
0x2d: {  	s3 =	simm.s32 $0x108;
	s8 =	sld [smem:$0x3FA0]  }
0x2e: {  	s3 =	simm.s32 @!p0 $0x1082;
	s9 =	sld [smem:$0x3FA1]  }
0x2f: {  	lr =	sadd.s32 s0, s3;
	s0 =	sld [smem:$0x3F98]  }
0x30: {  	s3 =	sld [smem:$0x3F9B]  }
0x31: {  	[smem:$0x3FA4] =	sst s10  }
0x32: {  	s10 =	sld [smem:$0x3FA2];
	_ =	sdelay $0x3  }
0x33: {  	p0 =	seq.s32 s10, $0x1;
	s10 =	sld [smem:$0x3FA4];
	_ =	sdelay $0x3  }
0x34: {  	[smem:$0x3FA4] =	sst s10  }
0x35: {  	s10 =	sld [smem:$0x3FA3];
	_ =	sdelay $0x3  }
0x36: {  	p1 =	seq.s32 s10, $0x1;
	s10 =	sld [smem:$0x3FA4];
	_ =	sdelay $0x3  }
0x37: {  	[smem:$0x3FA4] =	sst s10  }
0x38: {  	s10 =	sld [smem:$0x3FA5]  }
0x39: {  	_ = 	snop;
	(pc) =	sbr.ind lr, $3  }
0x3a: {  	_ = 	snop  }
0x3b: {  	_ = 	snop  }
0x3c: {  	p2 =	seq.s32 s10, $0x1;
	s10 =	sld [smem:$0x3FA4]  }
0x3d: {  	_ =	shalt  }
0x3e: {  	_ =	shalt  }
0x3f: {  	_ =	shalt  }
0x40: {  	_ =	shalt  }
0x41: {  	_ =	shalt  }
0x42: {  	_ =	shalt  }
0x43: {  	_ =	shalt  }
0x44: {  	_ =	shalt  }
0x45: {  	_ =	shalt  }
0x46: {  	_ =	shalt  }
0x47: {  	_ =	shalt  }
0x48: {  	_ =	shalt  }
0x49: {  	_ =	shalt  }
0x4a: {  	_ =	shalt  }
0x4b: {  	_ =	shalt  }
0x4c: {  	_ =	shalt  }
0x4d: {  	_ =	shalt  }
0x4e: {  	_ =	shalt  }
0x4f: {  	_ =	shalt  }
0x50: {  	_ =	shalt  }
0x51: {  	_ =	shalt  }
0x52: {  	_ =	shalt  }
0x53: {  	_ =	shalt  }
0x54: {  	_ =	shalt  }
0x55: {  	_ =	shalt  }
0x56: {  	_ =	shalt  }
0x57: {  	_ =	shalt  }
0x58: {  	_ =	shalt  }
0x59: {  	_ =	shalt  }
0x5a: {  	_ =	shalt  }
0x5b: {  	_ =	shalt  }
0x5c: {  	_ =	shalt  }
0x5d: {  	_ =	shalt  }
0x5e: {  	_ =	shalt  }
0x5f: {  	_ =	shalt  }
0x60: {  	_ =	shalt  }
0x61: {  	_ =	shalt  }
0x62: {  	_ =	shalt  }
0x63: {  	_ =	shalt  }
0x64: {  	_ =	shalt  }
0x65: {  	_ =	shalt  }
0x66: {  	_ =	shalt  }
0x67: {  	_ =	shalt  }
0x68: {  	_ =	shalt  }
0x69: {  	_ =	shalt  }
0x6a: {  	_ =	shalt  }
0x6b: {  	_ =	shalt  }
0x6c: {  	_ =	shalt  }
0x6d: {  	_ =	shalt  }
0x6e: {  	_ =	shalt  }
0x6f: {  	_ =	shalt  }
0x70: {  	_ =	shalt  }
0x71: {  	_ =	shalt  }
0x72: {  	_ =	shalt  }
0x73: {  	_ =	shalt  }
0x74: {  	_ =	shalt  }
0x75: {  	_ =	shalt  }
0x76: {  	_ =	shalt  }
0x77: {  	_ =	shalt  }
0x78: {  	_ =	shalt  }
0x79: {  	_ =	shalt  }
0x7a: {  	_ =	shalt  }
0x7b: {  	_ =	shalt  }
0x7c: {  	_ =	shalt  }
0x7d: {  	_ =	shalt  }
0x7e: {  	_ =	shalt  }
0x7f: {  	_ =	shalt  }
0x80: {  	_ =	shalt  }
0x81: {  	_ =	shalt  }
0x82: {  	_ =	shalt  }
0x83: {  	_ =	shalt  }
0x84: {  	_ =	shalt  }
0x85: {  	_ =	shalt  }
0x86: {  	_ =	shalt  }
0x87: {  	_ =	shalt  }
.Lfunc_end0:
.L_simem_size_0:
called_computation_lowered:
.L_overlay_start_0:
0x88: {  	s2 =	sld [smem:$0x3FD9]  }
0x89: {  	s3 =	sld [smem:$0x3FFE];
	_ =	sdelay $0x1  }
0x8a: {  	s1 =	srdreg.scid  }
0x8b: {  	s0 =	sand.u32 $0x1, s1  }
0x8c: {  	s14 =	sshll.u32 s0, $0xA;
	s2 =	sadd.s32 s3, s2  }
0x8d: {  	s2 =	sadd.s32 s2, s14  }
0x8e: {  	[smem:$0x3FB0] =	sst s2  }
0x8f: {  	_ = 	snop  }
0x90: {  	s2 =	sld [smem:$0x3FD0];
	_ =	sdelay $0x2  }
0x91: {  	s15 =	simm.s32 $0xA;
	s4 =	simm.s32 $0x10  }
0x92: {  	[smem:s4], [sflag:s15] =	dma.local [hbm:s2], $0x1  }
0x93: {  	_ =	swait.eq [sflag:s15], $0x1  }
0x94: {  	[sflag:s15] =	ssyncset.done $0x0  }
0x95: {  	s16 =	sld [smem:$0x10];
	[sflag:s15] =	ssyncadd.s32 $0xFFFFFFFF  }
0x96: {  	s17 =	sld [smem:$0x11];
	(tm) =	ssettm $0x1  }
0x97: {  	s18 =	sld [smem:$0x3FFB];
	_ =	sdelay $0x3  }
0x98: {  	_ =	strace s18  }
0x99: {  	s4 =	sld [smem:$0x3FFC];
	_ =	sdelay $0x3  }
0x9a: {  	_ =	strace s4  }
0x9b: {  	s4 =	sld [smem:$0x3FFD];
	_ =	sdelay $0x3  }
0x9c: {  	_ =	strace s4  }
0x9d: {  	_ =	strace $0x8FFFFFFF  }
0x9e: {  	s19 =	sld [smem:$0x3FDB];
	_ =	sdelay $0x1  }
0x9f: {  	s5 =	simm.s32 $_scs_section_size  }
0xa0: {  	s6 =	simm.s32 $_size__tile_overlayer_lowered;
	s7 =	simm.s32 $_tile_overlayer_lowered  }
0xa1: {  	s22 =	simm.s32 $0x1BFF;
	s21 =	sshll.u32 s7, $0x1;
	s4 =	sadd.s32 s5, s19  }
0xa2: {  	s8 =	simm.s32 $0x0;
	s20 =	sshll.u32 s6, $0x1;
	s6 =	sadd.s32 s21, s4  }
0xa3: {  	[timem:s8], [sflag:s22] =	dma.local [hbm:s6], s20  }
0xa4: {  	_ =	swait.ge [sflag:s22], s20  }
0xa5: {  	s5 =	ssub.s32 $0x0, s20;
	[sflag:s22] =	ssyncset.done $0x0  }
0xa6: {  	[sflag:s22] =	ssyncadd.s32 s5;
	_ =	sdelay $0x1  }
0xa7: {  	s23 =	simm.s32 $0x1B8B  }
0xa8: {  	_ =	swait.ge [sflag:s23], $0x1  }
0xa9: {  	[sflag:s23] =	ssyncset.done $0x0  }
0xaa: {  	s25 =	simm.s32 $0x1B8E;
	s24 =	sld [smem:$0x3FFE];
	[sflag:s23] =	ssyncadd.s32 $0xFFFFFFFF  }
0xab: {  	s26 =	simm.s32 $execute0_lowered;
	[smem:$0x3FD2] =	sst s25  }
0xac: {  	s6 =	sshll.u32 s26, $0x1;
	_ =	strace $0x80000046;
	[dreg:$0x1] =	wrdreg $0xFFFFFFFF  }
0xad: {  	s28 =	simm.s32 $_size_execute0_lowered;
	s4 =	sadd.s32 s4, s6;
	[dreg:$0x0] =	wrdreg $0x0  }
0xae: {  	s6 =	sshll.u32 s28, $0x1;
	[dreg:$0x2] =	wrdreg s4  }
0xaf: {  	[dreg:$0x3] =	wrdreg s6  }
0xb0: {  	[dreg:$0x4] =	wrdreg $0xC0  }
0xb1: {  	_ =	task [dreg:s8], $0x5FFFF  }
0xb2: {  	[dreg:$0x1] =	wrdreg $0xFFFFFFFF  }
0xb3: {  	[dreg:$0x0] =	wrdreg $0x60  }
0xb4: {  	[dreg:$0x2] =	wrdreg s24  }
0xb5: {  	[dreg:$0x3] =	wrdreg s17  }
0xb6: {  	[dreg:$0x4] =	wrdreg s16  }
0xb7: {  	[dreg:$0x5] =	wrdreg $0x0  }
0xb8: {  	[dreg:$0x6] =	wrdreg $0x138800  }
0xb9: {  	[dreg:$0x7] =	wrdreg $0x9  }
0xba: {  	_ =	task.clear_ibuf [dreg:s8], $0x8FFFF;
	_ =	strace $0x90000046  }
0xbb: {  	s29 =	simm.s32 $0x9;
	_ =	strace $0x80000048  }
0xbc: {  	_ =	swait.ge [sflag:s29], $0x1  }
0xbd: {  	[sflag:s29] =	ssyncadd.s32 $0xFFFFFFFF  }
0xbe: {  	_ =	strace $0x90000048  }
0xbf: {  	_ =	sfence  }
0xc0: {  	s30 =	sld [smem:$0x0];
	_ =	sdelay $0x2  }
0xc1: {  	s31 =	sshll.u32 s1, $0xD;
	s1 =	sshrl.u32 s1, $0x2  }
0xc2: {  	s3 =	sand.u32 $0x4000, s31;
	s1 =	sadd.s32 s1, s30  }
0xc3: {  	s0 =	sor.u32 s3, s0;
	s1 =	sshll.u32 s1, $0x11  }
0xc4: {  	s0 =	sor.u32 s1, s0  }
0xc5: {  	s0 =	sadd.s32 $0x8F2B, s0  }
0xc6: {  	[sflag:s0] =	ssyncadd.remote.s32 $0x1  }
0xc7: {  	_ =	sfence.sel $0xFFFF  }
0xc8: {  	[dreg:$0x0] =	wrdreg $0xFFFFFFFF;
	(pc) =	sbr.abs _section_cstart, $3  }
0xc9: {  	[dreg:$0x1] =	wrdreg $0xFFFFFFFF  }
0xca: {  	_ =	task.clear_ibuf [dreg:s8], $0x2FFFF;
	_ =	strace $0x9FFFFFFF  }
0xcb: {  	(tm) =	ssettm $0x7FFFFFFF  }
tec
execute0_lowered:
.L_overlay_start_1:
0x0: {  	(tag) =	ssettag $0x1  }
0x1: {  	s0 =	rddreg [dreg:$0x0]  }
0x2: {  	s5 =	rddreg [dreg:$0x1]  }
0x3: {  	s23 =	rddreg [dreg:$0x2]  }
0x4: {  	s4 =	rddreg [dreg:$0x3]  }
0x5: {  	s12 =	rddreg [dreg:$0x4];
	s3 =	simm.s32 $0x0;
	s2 =	srdreg.scid  }
0x6: {  	s7 =	stileid.u32;
	[smem:$0x7FF] =	sst s3  }
0x7: {  	s15 =	sadd.s32 $0x9C7200, s0;
	s22 =	sadd.s32 $0x8200, s0;
	s11 =	sadd.s32 $0x3200, s0  }
0x8: {  	s1 =	sadd.s32 $0x12200, s0;
	s10 =	sadd.s32 $0xD200, s0;
	s2 =	sand.u32 $0x1, s2  }
0x9: {  	s6 =	sshll.u32 s7, $0x1;
	s9 =	sadd.s32 $0x1C200, s0;
	s13 =	smul.u32 $0x4E200, s7  }
0xa: {  	s24 =	sadd.s32 $0x29C200, s0;
	s19 =	sand.u32 $0x1, s7;
	s25 =	sand.u32 $0xC, s7  }
0xb: {  	s26 =	sadd.s32 $0x18DA00, s0;
	_ =	strace $0x80000047;
	[dreg:$0x8] =	wrdreg s1  }
0xc: {  	[smem:$0x7DB] =	sst s9;
	s16 =	sor.u32 s2, s6;
	s9 =	sadd.s32 $0x17200, s0  }
0xd: {  	s8 =	ssub.s32 $0x2, s2;
	s6 =	sadd.s32 $0x26200, s0;
	[dreg:$0x9] =	wrdreg s24  }
0xe: {  	p2 =	seq.s32 s19, $0x1;
	s19 =	smul.u32 $0x9C40, s7;
	[smem:$0x7FD] =	sst s10  }
0xf: {  	p3 =	seq.s32 s2, $0x1;
	s14 =	smul.u32 $0x2710, s16;
	[smem:$0x7DC] =	sst s6  }
0x10: {  	s6 =	smov.u32 s11;
	s17 =	sshrl.u32 s8, $0x1;
	s18 =	smul.u32 $0x13880, s16  }
0x11: {  	s13 =	sshrl.u32 s13, $0x2;
	p0 =	seq.s32 s16, $0x0;
	s20 =	sadd.s32 $0xFFFFFFF0, s16  }
0x12: {  	p4 =	slt.u32 s16, $0x11;
	s16 =	sadd.s32 s16, s0;
	[smem:$0x7ED] =	sst s9  }
0x13: {  	s1 =	ssub.s32 s8, s17;
	s13 =	sadd.s32 s13, s4;
	p0 =	por !p0, !p3  }
0x14: {  	s21 =	sand.u32 $0x80, s20;
	p3 =	por !p4, !p3;
	s17 =	simm.s32 $0x1  }
0x15: {  	s19 =	sshrl.u32 s19, $0x2;
	[smem:$0x7FC] =	sst s6;
	s14 =	sadd.s32 s15, s14  }
0x16: {  	s18 =	sshrl.u32 s18, $0x3;
	p1 =	por !p0, !p0;
	p0 =	por !p2, !p2  }
0x17: {  	s4 =	sshrl.u32 s21, $0x7;
	p3 =	por !p3, !p3;
	s21 =	sadd.s32 s19, s12  }
0x18: {  	s19 =	sshll.u32 s7, $0x6;
	s15 =	sadd.s32 s15, s18;
	s4 =	sadd.s32 s4, s20  }
0x19: {  	s17 =	simm.s32 @!p3 $0x0;
	s20 =	smul.u32 $0x4E2, s2;
	p3 =	seq.s32 s25, $0x8  }
0x1a: {  	p0 =	por @!p1 p2, p2;
	s25 =	simm.s32 $0x8;
	s18 =	sshrl.u32 s7, $0x1  }
0x1b: {  	s7 =	smov.u32 s22;
	s22 =	sadd.s32 $0x2EA400, s0;
	s29 =	sadd.s32 $0xFFFEC780, s21  }
0x1c: {  	s4 =	sshra.s32 s4, $0x1;
	s25 =	simm.s32 @!p0 $0x0;
	[dreg:$0xd] =	wrdreg s22  }
0x1d: {  	[dreg:$0x7] =	wrdreg s7;
	s17 =	ssub.s32 s4, s17;
	s4 =	smul.u32 $0x2710, s2  }
0x1e: {  	s28 =	sadd.s32 s26, s20;
	s20 =	sadd.s32 $0x2B200, s0;
	[dreg:$0xb] =	wrdreg s25  }
0x1f: {  	[dreg:$0xa] =	wrdreg s28;
	p5 =	seq.s32 s17, $0x0;
	p2 =	seq.s32 s17, $0x1  }
0x20: {  	p4 =	seq.s32 s17, $0x2;
	[dreg:$0xe] =	wrdreg s20;
	s28 =	sadd.s32 $0x2DA00, s0  }
0x21: {  	p6 =	seq.s32 s17, $0x3;
	s17 =	sadd.s32 $0xCF26, s0;
	[dreg:$0xf] =	wrdreg s28  }
0x22: {  	s20 =	sadd.s32 $0x7E2C, s0;
	s8 =	sshrl.u32 s4, $0x3;
	[dreg:$0x11] =	wrdreg s17  }
0x23: {  	p5 =	por !p3, !p5;
	[dreg:$0x12] =	wrdreg s20;
	s28 =	sadd.s32 $0x7F26, s0  }
0x24: {  	p1 =	por !p3, !p2;
	s17 =	sadd.s32 $0x11E2C, s0;
	[dreg:$0x13] =	wrdreg s28  }
0x25: {  	p2 =	por !p3, !p4;
	s20 =	sadd.s32 $0x11F26, s0;
	[dreg:$0x15] =	wrdreg s17  }
0x26: {  	p4 =	por !p3, !p6;
	[dreg:$0x16] =	wrdreg s20;
	s28 =	sadd.s32 $0x20F26, s0  }
0x27: {  	p3 =	seq.s32 s18, $0x0;
	s17 =	sadd.s32 $0x1BF26, s0;
	[dreg:$0x17] =	wrdreg s28  }
0x28: {  	s12 =	sadd.s32 s26, s8;
	s20 =	sadd.s32 $0x2AF26, s0;
	[dreg:$0x19] =	wrdreg s17  }
0x29: {  	s26 =	sor.u32 $0x1C05, s19;
	s19 =	sadd.s32 $0x21200, s0;
	[dreg:$0x1a] =	wrdreg s20  }
0x2a: {  	p0 =	sgt.s32 s18, $0x1;
	s8 =	simm.s32 @!p3 $0x0;
	[smem:$0x7FA] =	sst s19  }
0x2b: {  	p6 =	seq.s32 s18, $0x3;
	s8 =	simm.s32 @p3 $0x1;
	[dreg:$0xc] =	wrdreg s26  }
0x2c: {  	p3 =	seq.s32 s18, $0x1;
	s28 =	sadd.s32 $0x25E2C, s0;
	[smem:$0x7DD] =	sst s8  }
0x2d: {  	s17 =	sadd.s32 $0x7C200, s16;
	s20 =	sadd.s32 $0xCA400, s16;
	[dreg:$0x1b] =	wrdreg s28  }
0x2e: {  	s21 =	sadd.s32 $0x1388, s12;
	s8 =	simm.s32 @!p3 $0x0;
	[dreg:$0x1e] =	wrdreg s17  }
0x2f: {  	[dreg:$0x1f] =	wrdreg s20;
	s28 =	smul.u32 $0x138800, s2;
	s8 =	simm.s32 @p3 $0x1  }
0x30: {  	p3 =	seq.s32 s18, $0x2;
	s18 =	sadd.s32 $0x4E200, s15;
	s15 =	smul.u32 $0x13880, s2  }
0x31: {  	[smem:$0x7E9] =	sst s21;
	s2 =	smul.u32 $0x9C400, s2  }
0x32: {  	[smem:$0x7DE] =	sst s8;
	s8 =	simm.s32 @!p6 $0x0  }
0x33: {  	s8 =	simm.s32 @p6 $0x1;
	[smem:$0x7F4] =	sst s2  }
0x34: {  	s21 =	sadd.s32 $0x75300, s2;
	[smem:$0x7DF] =	sst s8  }
0x35: {  	s8 =	sadd.s32 $0x166800, s0;
	[smem:$0x7F5] =	sst s21  }
0x36: {  	[dreg:$0x10] =	wrdreg s8;
	s8 =	sadd.s32 $0x16F26, s0  }
0x37: {  	[dreg:$0x14] =	wrdreg s8;
	s8 =	sadd.s32 $0x1BE2C, s0  }
0x38: {  	s17 =	sor.u32 s28, s25;
	s0 =	sadd.s32 $0x25F26, s0;
	[dreg:$0x18] =	wrdreg s8  }
0x39: {  	[dreg:$0x1c] =	wrdreg s0;
	s8 =	sadd.s32 $0x2E000, s16;
	s0 =	sadd.s32 $0x130B0, s15  }
0x3a: {  	s16 =	sadd.s32 $0x118600, s16;
	s15 =	sshrl.u32 s15, $0x3;
	[dreg:$0x1d] =	wrdreg s8  }
0x3b: {  	s8 =	sshll.u32 s0, $0x4;
	[smem:$0x7E0] =	sst s16;
	s15 =	sadd.s32 $0x251C, s15  }
0x3c: {  	s0 =	sshrl.u32 s0, $0x3;
	s20 =	sor.u32 s8, s25;
	[smem:$0x7E2] =	sst s15  }
0x3d: {  	[smem:$0x7E3] =	sst s0;
	s25 =	sshrl.u32 s17, $0x3;
	s16 =	sshrl.u32 s20, $0x3  }
0x3e: {  	s28 =	sadd.s32 s23, s25;
	[smem:$0x7E1] =	sst s16  }
0x3f: {  	s8 =	sadd.s32 s24, s25;
	[smem:$0x7E4] =	sst s28  }
0x40: {  	s0 =	sadd.s32 s5, s25;
	[smem:$0x7E5] =	sst s8  }
0x41: {  	s30 =	simm.s32 $0x1;
	s20 =	sadd.s32 $0x9C4, s12;
	[smem:$0x7E7] =	sst s0  }
0x42: {  	s31 =	simm.s32 $0x5;
	s16 =	sadd.s32 s22, s25;
	[smem:$0x7E8] =	sst s20  }
0x43: {  	s9 =	sadd.s32 s4, s9;
	s25 =	sadd.s32 $0x1D4C, s12;
	[smem:$0x7E6] =	sst s16  }
0x44: {  	p5 =	por !p5, !p5;
	s28 =	smax.u32 s1, $0x1;
	[smem:$0x7EA] =	sst s25  }
0x45: {  	p2 =	por !p2, !p2;
	s1 =	sadd.s32 $0xFA00, s17;
	[smem:$0x7EB] =	sst s28  }
0x46: {  	s8 =	sadd.s32 $0x7D00, s17;
	s17 =	sadd.s32 $0x27100, s2;
	[smem:$0x7EC] =	sst s1  }
0x47: {  	p4 =	por !p4, !p4;
	s20 =	sadd.s32 $0x4E200, s2;
	[smem:$0x7F2] =	sst s17  }
0x48: {  	p6 =	por !p1, !p1;
	s25 =	sadd.s32 s4, s10;
	[smem:$0x7F3] =	sst s20  }
0x49: {  	s0 =	sshrl.u32 s8, $0x3;
	s28 =	sadd.s32 s4, s19;
	[dreg:$0x6] =	wrdreg s25  }
0x4a: {  	s21 =	simm.s32 $0x7D0;
	s12 =	sadd.s32 s0, s22;
	[smem:$0x7FB] =	sst s28  }
0x4b: {  	s2 =	simm.s32 $0x1A008;
	s15 =	sadd.s32 s0, s24;
	[smem:$0x7EE] =	sst s12  }
0x4c: {  	s4 =	sadd.s32 s4, s11;
	s16 =	sadd.s32 s0, s23;
	[smem:$0x7EF] =	sst s15  }
0x4d: {  	s17 =	simm.s32 $0x16188;
	s0 =	sadd.s32 s0, s5;
	[smem:$0x7F0] =	sst s16  }
0x4e: {  	s1 =	simm.s32 $0x14A18;
	s22 =	sadd.s32 $0xFA, s28;
	[smem:$0x7F1] =	sst s0  }
0x4f: {  	s20 =	simm.s32 $0x3;
	s23 =	sadd.s32 $0xFA, s9;
	[smem:$0x7F6] =	sst s22  }
.Ltmp0:
0x50: {  	s24 =	sadd.s32 $0xFA, s25;
	[smem:$0x7F7] =	sst s23;
	(pc) =	sbr.rel .LBB2_1-.Ltmp0, $4  }
0x51: {  	s11 =	simm.s32 $0x0;
	s25 =	sadd.s32 $0xFA, s4;
	[smem:$0x7F8] =	sst s24  }
0x52: {  	s5 =	smov.u32 s9;
	s8 =	smov.u32 s4;
	[smem:$0x7F9] =	sst s25  }
0x53: {  	s22 =	simm.s32 $0x14248;
	s12 =	simm.s32 $0x151E8;
	s16 =	simm.s32 $0x159B8  }
0x54: {  	v0 =	vimm.f32 $1.000000000e+00;
	s24 =	simm.s32 $0x4;
	s25 =	simm.s32 $0x2;
	s0 =	simm.s32 $0x1DE88  }
.LBB2_50:
0x55: {  	s4 =	sadd.s32 s4, s28;
	[sflag:s31] =	ssyncadd.s32 $0xFFFFF830  }
0x56: {  	[tilespmem:s12], [sflag:$0x5] =	stream.linear.gather [hbm4b:s4+s3], $0x7D0, $0x38;
	[tilespmem:$0x1E658] =	vst v63  }
0x57: {  	_ =	swait.ge [sflag:s31], $0x7D0  }
0x58: {  	[sflag:s31] =	ssyncset.done $0x0  }
0x59: {  	[sflag:s31] =	ssyncadd.s32 $0xFFFFF830  }
0x5a: {  	[spmem:s29] =	stream.indirect.scatter.add.f32 [tilespmem:s0], [sflag:$0x5], $0x1, s12, s21, $0xb8;
	[tilespmem:$0x1E658] =	vst v63  }
0x5b: {  	_ =	swait.ge [sflag:s31], $0x7D0  }
0x5c: {  	s28 =	sld [smem:$0x7EA]  }
0x5d: {  	[sflag:s31] =	ssyncset.done $0x0  }
0x5e: {  	[sflag:s31] =	ssyncadd.s32 $0xFFFFF830  }
0x5f: {  	[hbm:s28], [sflag:s26] =	dma.local [spmem:s11], $0x4E2  }
0x60: {  	_ =	swait.ge [sflag:s31], $0x4E2  }
0x61: {  	[sflag:s31] =	ssyncset.done $0x0  }
0x62: {  	s5 =	smov.u32 s9;
	[sflag:s31] =	ssyncadd.s32 $0xFFFFFB1E  }
.LBB2_51:
0x63: {  	s11 =	sld [smem:$0x7D9]  }
0x64: {  	s4 =	sld [smem:$0x7EB];
	_ =	sdelay $0x1  }
0x65: {  	s11 =	sadd.s32 $0x1, s11  }
0x66: {  	p1 =	sne.s32 s11, s4  }
.Ltmp1:
0x67: {  	_ = 	snop;
	(pc) =	sbr.rel @!p1 .LBB2_52-.Ltmp1, $1  }
0x68: {  	_ =	sdelay $0x3  }
.LBB2_1:
0x69: {  	s23 =	sshrl.u32 s13, $0x3;
	s4 =	rddreg [dreg:$0xe]  }
0x6a: {  	[smem:$0x7DA] =	sst s23  }
0x6b: {  	[spmem:s23], [sflag:s26] =	dma.local [hbm:s4], $0x2710  }
0x6c: {  	_ =	swait.ge [sflag:s31], $0x2710  }
0x6d: {  	[sflag:s31] =	ssyncset.done $0x0  }
0x6e: {  	[sflag:s31] =	ssyncadd.s32 $0xFFFFD8F0  }
0x6f: {  	[tilespmem:s22], [sflag:$0x5] =	stream.linear.gather [hbm4b:s7+s3], $0x7D0, $0x38;
	[tilespmem:$0x1E658] =	vst v63  }
0x70: {  	_ =	swait.ge [sflag:s31], $0x7D0  }
0x71: {  	[sflag:s31] =	ssyncset.done $0x0  }
0x72: {  	s10 =	sadd.s32 $0x0, s7;
	[sflag:s31] =	ssyncadd.s32 $0xFFFFF830  }
0x73: {  	[tilespmem:s17], [sflag:$0x1] =	stream.indirect.gather [hbm4b:s14+s21], $0x8, s22, s21, $0xb8;
	[tilespmem:$0x1E658] =	vst v63  }
0x74: {  	s15 =	sadd.s32 $0xFA, s10  }
0x75: {  	[tilespmem:s1], [sflag:$0x5] =	stream.linear.gather [hbm4b:s15+s3], $0x7D0, $0x38;
	[tilespmem:$0x1E658] =	vst v63  }
0x76: {  	_ =	swait.ge [sflag:s31], $0x7D0  }
0x77: {  	[sflag:s31] =	ssyncset.done $0x0  }
0x78: {  	[sflag:s31] =	ssyncadd.s32 $0xFFFFF830  }
0x79: {  	[tilespmem:s2], [sflag:$0x2] =	stream.indirect.gather [hbm4b:s14+s21], $0x8, s1, s21, $0xb8;
	[tilespmem:$0x1E658] =	vst v63  }
0x7a: {  	s23 =	sadd.s32 $0x0, s6  }
0x7b: {  	[tilespmem:s12], [sflag:$0x3] =	stream.linear.gather [hbm4b:s23+s3], $0x7D0, $0x38;
	[tilespmem:$0x1E658] =	vst v63  }
0x7c: {  	_ =	swait.ge [sflag:s20], $0x7D0  }
0x7d: {  	[sflag:s20] =	ssyncset.done $0x0  }
0x7e: {  	[sflag:s20] =	ssyncadd.s32 $0xFFFFF830  }
0x7f: {  	_ =	swait.ge [sflag:s30], $0x3E80  }
0x80: {  	[sflag:s30] =	ssyncset.done $0x0  }
0x81: {  	[sflag:s30] =	ssyncadd.s32 $0xFFFFC180  }
0x82: {  	[spmem:s13] =	stream.indirect.scatter.add.f32 [tilespmem:s17], [sflag:$0x5], $0x8, s12, s21, $0xb8;
	[tilespmem:$0x1E658] =	vst v63  }
0x83: {  	_ =	swait.ge [sflag:s31], $0x3E80  }
0x84: {  	[sflag:s31] =	ssyncset.done $0x0  }
0x85: {  	s4 =	sadd.s32 $0x1F4, s10;
	[sflag:s31] =	ssyncadd.s32 $0xFFFFC180  }
0x86: {  	[tilespmem:s22], [sflag:$0x5] =	stream.linear.gather [hbm4b:s4+s3], $0x7D0, $0x38;
	[tilespmem:$0x1E658] =	vst v63  }
0x87: {  	_ =	swait.ge [sflag:s31], $0x7D0  }
0x88: {  	[sflag:s31] =	ssyncset.done $0x0  }
0x89: {  	[sflag:s31] =	ssyncadd.s32 $0xFFFFF830  }
0x8a: {  	[tilespmem:s17], [sflag:$0x1] =	stream.indirect.gather [hbm4b:s14+s21], $0x8, s22, s21, $0xb8;
	[tilespmem:$0x1E658] =	vst v63  }
0x8b: {  	s26 =	sadd.s32 $0xFA, s23  }
0x8c: {  	[tilespmem:s16], [sflag:$0x4] =	stream.linear.gather [hbm4b:s26+s3], $0x7D0, $0x38;
	[tilespmem:$0x1E658] =	vst v63  }
0x8d: {  	_ =	swait.ge [sflag:s24], $0x7D0  }
0x8e: {  	[sflag:s24] =	ssyncset.done $0x0  }
0x8f: {  	[sflag:s24] =	ssyncadd.s32 $0xFFFFF830  }
0x90: {  	_ =	swait.ge [sflag:s25], $0x3E80  }
0x91: {  	[sflag:s25] =	ssyncset.done $0x0  }
0x92: {  	[sflag:s25] =	ssyncadd.s32 $0xFFFFC180  }
0x93: {  	[spmem:s13] =	stream.indirect.scatter.add.f32 [tilespmem:s2], [sflag:$0x5], $0x8, s16, s21, $0xb8;
	[tilespmem:$0x1E658] =	vst v63  }
0x94: {  	s9 =	smov.u32 s5;
	s28 =	simm.s32 $0x3E8;
	_ =	swait.ge [sflag:s31], $0x3E80  }
0x95: {  	s23 =	sadd.s32 $0x1F4, s7;
	s4 =	simm.s32 $0x1F4;
	[sflag:s31] =	ssyncset.done $0x0  }
.LBB2_2:
0x96: {  	s26 =	sadd.s32 $0xFA, s23  }
0x97: {  	[sflag:s31] =	ssyncadd.s32 $0xFFFFC180;
	s5 =	smov.u32 s28;
	s15 =	sadd.s32 $0x1F4, s28  }
0x98: {  	[tilespmem:s1], [sflag:$0x5] =	stream.linear.gather [hbm4b:s26+s3], $0x7D0, $0x38;
	[tilespmem:$0x1E658] =	vst v63  }
0x99: {  	p1 =	sne.s32 s28, $0x4A38;
	_ =	swait.ge [sflag:s31], $0x7D0  }
0x9a: {  	[sflag:s31] =	ssyncset.done $0x0  }
0x9b: {  	[sflag:s31] =	ssyncadd.s32 $0xFFFFF830  }
0x9c: {  	[tilespmem:s2], [sflag:$0x2] =	stream.indirect.gather [hbm4b:s14+s21], $0x8, s1, s21, $0xb8;
	[tilespmem:$0x1E658] =	vst v63  }
0x9d: {  	s26 =	sadd.s32 s4, s6;
	s4 =	smov.u32 s5  }
0x9e: {  	[tilespmem:s12], [sflag:$0x3] =	stream.linear.gather [hbm4b:s26+s3], $0x7D0, $0x38;
	[tilespmem:$0x1E658] =	vst v63  }
0x9f: {  	_ =	swait.ge [sflag:s20], $0x7D0  }
0xa0: {  	[sflag:s20] =	ssyncset.done $0x0  }
0xa1: {  	[sflag:s20] =	ssyncadd.s32 $0xFFFFF830  }
0xa2: {  	_ =	swait.ge [sflag:s30], $0x3E80  }
0xa3: {  	[sflag:s30] =	ssyncset.done $0x0  }
0xa4: {  	[sflag:s30] =	ssyncadd.s32 $0xFFFFC180  }
0xa5: {  	[spmem:s13] =	stream.indirect.scatter.add.f32 [tilespmem:s17], [sflag:$0x5], $0x8, s12, s21, $0xb8;
	[tilespmem:$0x1E658] =	vst v63  }
0xa6: {  	_ =	swait.ge [sflag:s31], $0x3E80  }
0xa7: {  	[sflag:s31] =	ssyncset.done $0x0  }
0xa8: {  	s5 =	sadd.s32 $0x1F4, s23;
	[sflag:s31] =	ssyncadd.s32 $0xFFFFC180  }
0xa9: {  	[tilespmem:s22], [sflag:$0x5] =	stream.linear.gather [hbm4b:s5+s3], $0x7D0, $0x38;
	[tilespmem:$0x1E658] =	vst v63  }
0xaa: {  	_ =	swait.ge [sflag:s31], $0x7D0  }
0xab: {  	[sflag:s31] =	ssyncset.done $0x0  }
0xac: {  	[sflag:s31] =	ssyncadd.s32 $0xFFFFF830  }
0xad: {  	[tilespmem:s17], [sflag:$0x1] =	stream.indirect.gather [hbm4b:s14+s21], $0x8, s22, s21, $0xb8;
	[tilespmem:$0x1E658] =	vst v63  }
0xae: {  	s5 =	sadd.s32 $0xFA, s26  }
0xaf: {  	[tilespmem:s16], [sflag:$0x4] =	stream.linear.gather [hbm4b:s5+s3], $0x7D0, $0x38;
	[tilespmem:$0x1E658] =	vst v63  }
0xb0: {  	_ =	swait.ge [sflag:s24], $0x7D0  }
0xb1: {  	[sflag:s24] =	ssyncset.done $0x0  }
0xb2: {  	[sflag:s24] =	ssyncadd.s32 $0xFFFFF830  }
0xb3: {  	_ =	swait.ge [sflag:s25], $0x3E80  }
.Ltmp2:
0xb4: {  	[sflag:s25] =	ssyncset.done $0x0;
	(pc) =	sbr.rel @p1 .LBB2_2-.Ltmp2, $4  }
0xb5: {  	[sflag:s25] =	ssyncadd.s32 $0xFFFFC180  }
0xb6: {  	[spmem:s13] =	stream.indirect.scatter.add.f32 [tilespmem:s2], [sflag:$0x5], $0x8, s16, s21, $0xb8;
	[tilespmem:$0x1E658] =	vst v63  }
0xb7: {  	_ =	swait.ge [sflag:s31], $0x3E80  }
0xb8: {  	s28 =	smov.u32 s15;
	s23 =	sadd.s32 s4, s7;
	[sflag:s31] =	ssyncset.done $0x0  }
0xb9: {  	s5 =	sadd.s32 $0xFA, s23;
	[sflag:s31] =	ssyncadd.s32 $0xFFFFC180  }
0xba: {  	[tilespmem:s1], [sflag:$0x5] =	stream.linear.gather [hbm4b:s5+s3], $0x7D0, $0x38;
	[tilespmem:$0x1E658] =	vst v63  }
0xbb: {  	_ =	swait.ge [sflag:s31], $0x7D0  }
0xbc: {  	[sflag:s31] =	ssyncset.done $0x0  }
0xbd: {  	[sflag:s31] =	ssyncadd.s32 $0xFFFFF830  }
0xbe: {  	[tilespmem:s2], [sflag:$0x2] =	stream.indirect.gather [hbm4b:s14+s21], $0x8, s1, s21, $0xb8;
	[tilespmem:$0x1E658] =	vst v63  }
0xbf: {  	s4 =	sadd.s32 s4, s6  }
0xc0: {  	[tilespmem:s12], [sflag:$0x3] =	stream.linear.gather [hbm4b:s4+s3], $0x7D0, $0x38;
	[tilespmem:$0x1E658] =	vst v63  }
0xc1: {  	_ =	swait.ge [sflag:s20], $0x7D0  }
0xc2: {  	[sflag:s20] =	ssyncset.done $0x0  }
0xc3: {  	[sflag:s20] =	ssyncadd.s32 $0xFFFFF830  }
0xc4: {  	_ =	swait.ge [sflag:s30], $0x3E80  }
0xc5: {  	[sflag:s30] =	ssyncset.done $0x0  }
0xc6: {  	[sflag:s30] =	ssyncadd.s32 $0xFFFFC180  }
0xc7: {  	[spmem:s13] =	stream.indirect.scatter.add.f32 [tilespmem:s17], [sflag:$0x5], $0x8, s12, s21, $0xb8;
	[tilespmem:$0x1E658] =	vst v63  }
0xc8: {  	_ =	swait.ge [sflag:s31], $0x3E80  }
0xc9: {  	[sflag:s31] =	ssyncset.done $0x0  }
0xca: {  	s26 =	sadd.s32 $0x1F4, s23;
	[sflag:s31] =	ssyncadd.s32 $0xFFFFC180  }
0xcb: {  	[tilespmem:s22], [sflag:$0x5] =	stream.linear.gather [hbm4b:s26+s3], $0x7D0, $0x38;
	[tilespmem:$0x1E658] =	vst v63  }
0xcc: {  	_ =	swait.ge [sflag:s31], $0x7D0  }
0xcd: {  	[sflag:s31] =	ssyncset.done $0x0  }
0xce: {  	[sflag:s31] =	ssyncadd.s32 $0xFFFFF830  }
0xcf: {  	[tilespmem:s17], [sflag:$0x1] =	stream.indirect.gather [hbm4b:s14+s21], $0x8, s22, s21, $0xb8;
	[tilespmem:$0x1E658] =	vst v63  }
0xd0: {  	s4 =	sadd.s32 $0xFA, s4  }
0xd1: {  	[tilespmem:s16], [sflag:$0x4] =	stream.linear.gather [hbm4b:s4+s3], $0x7D0, $0x38;
	[tilespmem:$0x1E658] =	vst v63  }
0xd2: {  	_ =	swait.ge [sflag:s24], $0x7D0  }
0xd3: {  	[sflag:s24] =	ssyncset.done $0x0  }
0xd4: {  	[sflag:s24] =	ssyncadd.s32 $0xFFFFF830  }
0xd5: {  	_ =	swait.ge [sflag:s25], $0x3E80  }
0xd6: {  	[sflag:s25] =	ssyncset.done $0x0  }
0xd7: {  	[sflag:s25] =	ssyncadd.s32 $0xFFFFC180  }
0xd8: {  	[spmem:s13] =	stream.indirect.scatter.add.f32 [tilespmem:s2], [sflag:$0x5], $0x8, s16, s21, $0xb8;
	[tilespmem:$0x1E658] =	vst v63  }
0xd9: {  	_ =	swait.ge [sflag:s31], $0x3E80  }
0xda: {  	[sflag:s31] =	ssyncset.done $0x0  }
0xdb: {  	s6 =	simm.s32 $0x0;
	s7 =	rddreg [dreg:$0x11];
	[sflag:s31] =	ssyncadd.s32 $0xFFFFC180  }
0xdc: {  	[tilespmem:s1], [sflag:$0x5] =	stream.linear.gather [hbm4b:s7+s6], $0x7D0, $0x38;
	[tilespmem:$0x1E658] =	vst v63  }
0xdd: {  	_ =	swait.ge [sflag:s31], $0x7D0  }
0xde: {  	[sflag:s31] =	ssyncset.done $0x0  }
0xdf: {  	[sflag:s31] =	ssyncadd.s32 $0xFFFFF830  }
0xe0: {  	[tilespmem:s2], [sflag:$0x2] =	stream.indirect.gather [hbm4b:s14+s21], $0x8, s1, s21, $0xb8;
	[tilespmem:$0x1E658] =	vst v63  }
0xe1: {  	s10 =	rddreg [dreg:$0x12]  }
0xe2: {  	[tilespmem:s12], [sflag:$0x3] =	stream.linear.gather [hbm4b:s10+s6], $0x7D0, $0x38;
	[tilespmem:$0x1E658] =	vst v63  }
0xe3: {  	_ =	swait.ge [sflag:s20], $0x7D0  }
0xe4: {  	[sflag:s20] =	ssyncset.done $0x0  }
0xe5: {  	[sflag:s20] =	ssyncadd.s32 $0xFFFFF830  }
0xe6: {  	_ =	swait.ge [sflag:s30], $0x3E80  }
0xe7: {  	[sflag:s30] =	ssyncset.done $0x0  }
0xe8: {  	[sflag:s30] =	ssyncadd.s32 $0xFFFFC180  }
0xe9: {  	[spmem:s13] =	stream.indirect.scatter.add.f32 [tilespmem:s17], [sflag:$0x5], $0x8, s12, s21, $0xb8;
	[tilespmem:$0x1E658] =	vst v63  }
0xea: {  	_ =	swait.ge [sflag:s31], $0x3E80  }
0xeb: {  	[sflag:s31] =	ssyncset.done $0x0  }
0xec: {  	s15 =	rddreg [dreg:$0x13];
	[sflag:s31] =	ssyncadd.s32 $0xFFFFC180  }
0xed: {  	[tilespmem:s16], [sflag:$0x4] =	stream.linear.gather [hbm4b:s15+s6], $0x7D0, $0x38;
	[tilespmem:$0x1E658] =	vst v63  }
0xee: {  	_ =	swait.ge [sflag:s24], $0x7D0  }
0xef: {  	[sflag:s24] =	ssyncset.done $0x0  }
0xf0: {  	[sflag:s24] =	ssyncadd.s32 $0xFFFFF830  }
0xf1: {  	_ =	swait.ge [sflag:s25], $0x3E80  }
0xf2: {  	[sflag:s25] =	ssyncset.done $0x0  }
0xf3: {  	[sflag:s25] =	ssyncadd.s32 $0xFFFFC180  }
0xf4: {  	[spmem:s13] =	stream.indirect.scatter.add.f32 [tilespmem:s2], [sflag:$0x5], $0x8, s16, s21, $0xb8;
	[tilespmem:$0x1E658] =	vst v63  }
0xf5: {  	_ =	swait.ge [sflag:s31], $0x3E80  }
0xf6: {  	s15 =	sld [smem:$0x7DA]  }
0xf7: {  	[sflag:s31] =	ssyncset.done $0x0;
	s23 =	rddreg [dreg:$0xc]  }
0xf8: {  	s10 =	simm.s32 $0x20;
	s7 =	rddreg [dreg:$0x1d];
	[sflag:s31] =	ssyncadd.s32 $0xFFFFC180  }
0xf9: {  	[hbm:s7@s10], [sflag:s23] =	dma.strided [spmem:s15@s30], $0x2710, s30, $0x1   }
0xfa: {  	_ =	swait.ge [sflag:s31], $0x2710  }
0xfb: {  	[sflag:s31] =	ssyncset.done $0x0  }
0xfc: {  	s26 =	rddreg [dreg:$0xe];
	[sflag:s31] =	ssyncadd.s32 $0xFFFFD8F0  }
0xfd: {  	[spmem:s15], [sflag:s23] =	dma.local [hbm:s26], $0x2710  }
0xfe: {  	_ =	swait.ge [sflag:s31], $0x2710  }
0xff: {  	[sflag:s31] =	ssyncset.done $0x0  }
0x100: {  	s7 =	rddreg [dreg:$0x8];
	[sflag:s31] =	ssyncadd.s32 $0xFFFFD8F0  }
0x101: {  	[tilespmem:s22], [sflag:$0x5] =	stream.linear.gather [hbm4b:s7+s6], $0x7D0, $0x38;
	[tilespmem:$0x1E658] =	vst v63  }
0x102: {  	_ =	swait.ge [sflag:s31], $0x7D0  }
0x103: {  	[sflag:s31] =	ssyncset.done $0x0  }
0x104: {  	s6 =	sadd.s32 $0x0, s7;
	[sflag:s31] =	ssyncadd.s32 $0xFFFFF830  }
0x105: {  	[tilespmem:s17], [sflag:$0x1] =	stream.indirect.gather [hbm4b:s18+s21], $0x8, s22, s21, $0xb8;
	[tilespmem:$0x1E658] =	vst v63  }
0x106: {  	s15 =	sadd.s32 $0xFA, s6  }
0x107: {  	[tilespmem:s1], [sflag:$0x5] =	stream.linear.gather [hbm4b:s15+s3], $0x7D0, $0x38;
	[tilespmem:$0x1E658] =	vst v63  }
0x108: {  	_ =	swait.ge [sflag:s31], $0x7D0  }
0x109: {  	[sflag:s31] =	ssyncset.done $0x0;
	s10 =	sld [smem:$0x7FD]  }
0x10a: {  	[sflag:s31] =	ssyncadd.s32 $0xFFFFF830  }
0x10b: {  	[tilespmem:s2], [sflag:$0x2] =	stream.indirect.gather [hbm4b:s18+s21], $0x8, s1, s21, $0xb8;
	[tilespmem:$0x1E658] =	vst v63  }
0x10c: {  	s23 =	sadd.s32 $0x0, s10  }
0x10d: {  	[tilespmem:s12], [sflag:$0x3] =	stream.linear.gather [hbm4b:s23+s3], $0x7D0, $0x38;
	[tilespmem:$0x1E658] =	vst v63  }
0x10e: {  	_ =	swait.ge [sflag:s20], $0x7D0  }
0x10f: {  	[sflag:s20] =	ssyncset.done $0x0  }
0x110: {  	[sflag:s20] =	ssyncadd.s32 $0xFFFFF830  }
0x111: {  	_ =	swait.ge [sflag:s30], $0x3E80  }
0x112: {  	[sflag:s30] =	ssyncset.done $0x0  }
0x113: {  	[sflag:s30] =	ssyncadd.s32 $0xFFFFC180  }
0x114: {  	[spmem:s13] =	stream.indirect.scatter.add.f32 [tilespmem:s17], [sflag:$0x5], $0x8, s12, s21, $0xb8;
	[tilespmem:$0x1E658] =	vst v63  }
0x115: {  	_ =	swait.ge [sflag:s31], $0x3E80  }
0x116: {  	[sflag:s31] =	ssyncset.done $0x0  }
0x117: {  	s4 =	sadd.s32 $0x1F4, s6;
	[sflag:s31] =	ssyncadd.s32 $0xFFFFC180  }
0x118: {  	[tilespmem:s22], [sflag:$0x5] =	stream.linear.gather [hbm4b:s4+s3], $0x7D0, $0x38;
	[tilespmem:$0x1E658] =	vst v63  }
0x119: {  	_ =	swait.ge [sflag:s31], $0x7D0  }
0x11a: {  	[sflag:s31] =	ssyncset.done $0x0  }
0x11b: {  	[sflag:s31] =	ssyncadd.s32 $0xFFFFF830  }
0x11c: {  	[tilespmem:s17], [sflag:$0x1] =	stream.indirect.gather [hbm4b:s18+s21], $0x8, s22, s21, $0xb8;
	[tilespmem:$0x1E658] =	vst v63  }
0x11d: {  	s26 =	sadd.s32 $0xFA, s23  }
0x11e: {  	[tilespmem:s16], [sflag:$0x4] =	stream.linear.gather [hbm4b:s26+s3], $0x7D0, $0x38;
	[tilespmem:$0x1E658] =	vst v63  }
0x11f: {  	_ =	swait.ge [sflag:s24], $0x7D0  }
0x120: {  	[sflag:s24] =	ssyncset.done $0x0  }
0x121: {  	[sflag:s24] =	ssyncadd.s32 $0xFFFFF830  }
0x122: {  	_ =	swait.ge [sflag:s25], $0x3E80  }
0x123: {  	[sflag:s25] =	ssyncset.done $0x0  }
0x124: {  	[sflag:s25] =	ssyncadd.s32 $0xFFFFC180  }
0x125: {  	[spmem:s13] =	stream.indirect.scatter.add.f32 [tilespmem:s2], [sflag:$0x5], $0x8, s16, s21, $0xb8;
	[tilespmem:$0x1E658] =	vst v63  }
0x126: {  	s28 =	simm.s32 $0x3E8;
	_ =	swait.ge [sflag:s31], $0x3E80  }
0x127: {  	s23 =	sadd.s32 $0x1F4, s7;
	s4 =	simm.s32 $0x1F4;
	[sflag:s31] =	ssyncset.done $0x0  }
.LBB2_4:
0x128: {  	s5 =	sadd.s32 $0xFA, s23  }
0x129: {  	[sflag:s31] =	ssyncadd.s32 $0xFFFFC180;
	s26 =	smov.u32 s28;
	s15 =	sadd.s32 $0x1F4, s28  }
0x12a: {  	[tilespmem:s1], [sflag:$0x5] =	stream.linear.gather [hbm4b:s5+s3], $0x7D0, $0x38;
	[tilespmem:$0x1E658] =	vst v63  }
0x12b: {  	p1 =	sne.s32 s28, $0x4A38;
	_ =	swait.ge [sflag:s31], $0x7D0  }
0x12c: {  	[sflag:s31] =	ssyncset.done $0x0  }
0x12d: {  	[sflag:s31] =	ssyncadd.s32 $0xFFFFF830  }
0x12e: {  	[tilespmem:s2], [sflag:$0x2] =	stream.indirect.gather [hbm4b:s18+s21], $0x8, s1, s21, $0xb8;
	[tilespmem:$0x1E658] =	vst v63  }
0x12f: {  	s5 =	sadd.s32 s4, s10;
	s4 =	smov.u32 s26  }
0x130: {  	[tilespmem:s12], [sflag:$0x3] =	stream.linear.gather [hbm4b:s5+s3], $0x7D0, $0x38;
	[tilespmem:$0x1E658] =	vst v63  }
0x131: {  	_ =	swait.ge [sflag:s20], $0x7D0  }
0x132: {  	[sflag:s20] =	ssyncset.done $0x0  }
0x133: {  	[sflag:s20] =	ssyncadd.s32 $0xFFFFF830  }
0x134: {  	_ =	swait.ge [sflag:s30], $0x3E80  }
0x135: {  	[sflag:s30] =	ssyncset.done $0x0  }
0x136: {  	[sflag:s30] =	ssyncadd.s32 $0xFFFFC180  }
0x137: {  	[spmem:s13] =	stream.indirect.scatter.add.f32 [tilespmem:s17], [sflag:$0x5], $0x8, s12, s21, $0xb8;
	[tilespmem:$0x1E658] =	vst v63  }
0x138: {  	_ =	swait.ge [sflag:s31], $0x3E80  }
0x139: {  	[sflag:s31] =	ssyncset.done $0x0  }
0x13a: {  	s23 =	sadd.s32 $0x1F4, s23;
	[sflag:s31] =	ssyncadd.s32 $0xFFFFC180  }
0x13b: {  	[tilespmem:s22], [sflag:$0x5] =	stream.linear.gather [hbm4b:s23+s3], $0x7D0, $0x38;
	[tilespmem:$0x1E658] =	vst v63  }
0x13c: {  	_ =	swait.ge [sflag:s31], $0x7D0  }
0x13d: {  	[sflag:s31] =	ssyncset.done $0x0  }
0x13e: {  	[sflag:s31] =	ssyncadd.s32 $0xFFFFF830  }
0x13f: {  	[tilespmem:s17], [sflag:$0x1] =	stream.indirect.gather [hbm4b:s18+s21], $0x8, s22, s21, $0xb8;
	[tilespmem:$0x1E658] =	vst v63  }
0x140: {  	s5 =	sadd.s32 $0xFA, s5  }
0x141: {  	[tilespmem:s16], [sflag:$0x4] =	stream.linear.gather [hbm4b:s5+s3], $0x7D0, $0x38;
	[tilespmem:$0x1E658] =	vst v63  }
0x142: {  	_ =	swait.ge [sflag:s24], $0x7D0  }
0x143: {  	[sflag:s24] =	ssyncset.done $0x0  }
0x144: {  	[sflag:s24] =	ssyncadd.s32 $0xFFFFF830  }
0x145: {  	_ =	swait.ge [sflag:s25], $0x3E80  }
.Ltmp3:
0x146: {  	[sflag:s25] =	ssyncset.done $0x0;
	(pc) =	sbr.rel @p1 .LBB2_4-.Ltmp3, $4  }
0x147: {  	[sflag:s25] =	ssyncadd.s32 $0xFFFFC180  }
0x148: {  	[spmem:s13] =	stream.indirect.scatter.add.f32 [tilespmem:s2], [sflag:$0x5], $0x8, s16, s21, $0xb8;
	[tilespmem:$0x1E658] =	vst v63  }
0x149: {  	_ =	swait.ge [sflag:s31], $0x3E80  }
0x14a: {  	s28 =	smov.u32 s15;
	s23 =	sadd.s32 s4, s7;
	[sflag:s31] =	ssyncset.done $0x0  }
0x14b: {  	s5 =	sadd.s32 $0xFA, s23;
	[sflag:s31] =	ssyncadd.s32 $0xFFFFC180  }
0x14c: {  	[tilespmem:s1], [sflag:$0x5] =	stream.linear.gather [hbm4b:s5+s3], $0x7D0, $0x38;
	[tilespmem:$0x1E658] =	vst v63  }
0x14d: {  	_ =	swait.ge [sflag:s31], $0x7D0  }
0x14e: {  	[sflag:s31] =	ssyncset.done $0x0  }
0x14f: {  	[sflag:s31] =	ssyncadd.s32 $0xFFFFF830  }
0x150: {  	[tilespmem:s2], [sflag:$0x2] =	stream.indirect.gather [hbm4b:s18+s21], $0x8, s1, s21, $0xb8;
	[tilespmem:$0x1E658] =	vst v63  }
0x151: {  	s4 =	sadd.s32 s4, s10  }
0x152: {  	[tilespmem:s12], [sflag:$0x3] =	stream.linear.gather [hbm4b:s4+s3], $0x7D0, $0x38;
	[tilespmem:$0x1E658] =	vst v63  }
0x153: {  	_ =	swait.ge [sflag:s20], $0x7D0  }
0x154: {  	[sflag:s20] =	ssyncset.done $0x0  }
0x155: {  	[sflag:s20] =	ssyncadd.s32 $0xFFFFF830  }
0x156: {  	_ =	swait.ge [sflag:s30], $0x3E80  }
0x157: {  	[sflag:s30] =	ssyncset.done $0x0  }
0x158: {  	[sflag:s30] =	ssyncadd.s32 $0xFFFFC180  }
0x159: {  	[spmem:s13] =	stream.indirect.scatter.add.f32 [tilespmem:s17], [sflag:$0x5], $0x8, s12, s21, $0xb8;
	[tilespmem:$0x1E658] =	vst v63  }
0x15a: {  	_ =	swait.ge [sflag:s31], $0x3E80  }
0x15b: {  	[sflag:s31] =	ssyncset.done $0x0  }
0x15c: {  	s6 =	sadd.s32 $0x1F4, s23;
	[sflag:s31] =	ssyncadd.s32 $0xFFFFC180  }
0x15d: {  	[tilespmem:s22], [sflag:$0x5] =	stream.linear.gather [hbm4b:s6+s3], $0x7D0, $0x38;
	[tilespmem:$0x1E658] =	vst v63  }
0x15e: {  	_ =	swait.ge [sflag:s31], $0x7D0  }
0x15f: {  	[sflag:s31] =	ssyncset.done $0x0  }
0x160: {  	[sflag:s31] =	ssyncadd.s32 $0xFFFFF830  }
0x161: {  	[tilespmem:s17], [sflag:$0x1] =	stream.indirect.gather [hbm4b:s18+s21], $0x8, s22, s21, $0xb8;
	[tilespmem:$0x1E658] =	vst v63  }
0x162: {  	s4 =	sadd.s32 $0xFA, s4  }
0x163: {  	[tilespmem:s16], [sflag:$0x4] =	stream.linear.gather [hbm4b:s4+s3], $0x7D0, $0x38;
	[tilespmem:$0x1E658] =	vst v63  }
0x164: {  	_ =	swait.ge [sflag:s24], $0x7D0  }
0x165: {  	[sflag:s24] =	ssyncset.done $0x0  }
0x166: {  	[sflag:s24] =	ssyncadd.s32 $0xFFFFF830  }
0x167: {  	_ =	swait.ge [sflag:s25], $0x3E80  }
0x168: {  	[sflag:s25] =	ssyncset.done $0x0  }
0x169: {  	[sflag:s25] =	ssyncadd.s32 $0xFFFFC180  }
0x16a: {  	[spmem:s13] =	stream.indirect.scatter.add.f32 [tilespmem:s2], [sflag:$0x5], $0x8, s16, s21, $0xb8;
	[tilespmem:$0x1E658] =	vst v63  }
0x16b: {  	_ =	swait.ge [sflag:s31], $0x3E80  }
0x16c: {  	[sflag:s31] =	ssyncset.done $0x0  }
0x16d: {  	s4 =	simm.s32 $0x0;
	s7 =	rddreg [dreg:$0x14];
	[sflag:s31] =	ssyncadd.s32 $0xFFFFC180  }
0x16e: {  	[tilespmem:s1], [sflag:$0x5] =	stream.linear.gather [hbm4b:s7+s4], $0x7D0, $0x38;
	[tilespmem:$0x1E658] =	vst v63  }
0x16f: {  	_ =	swait.ge [sflag:s31], $0x7D0  }
0x170: {  	[sflag:s31] =	ssyncset.done $0x0  }
0x171: {  	[sflag:s31] =	ssyncadd.s32 $0xFFFFF830  }
0x172: {  	[tilespmem:s2], [sflag:$0x2] =	stream.indirect.gather [hbm4b:s18+s21], $0x8, s1, s21, $0xb8;
	[tilespmem:$0x1E658] =	vst v63  }
0x173: {  	s10 =	rddreg [dreg:$0x15]  }
0x174: {  	[tilespmem:s12], [sflag:$0x3] =	stream.linear.gather [hbm4b:s10+s4], $0x7D0, $0x38;
	[tilespmem:$0x1E658] =	vst v63  }
0x175: {  	_ =	swait.ge [sflag:s20], $0x7D0  }
0x176: {  	[sflag:s20] =	ssyncset.done $0x0  }
0x177: {  	[sflag:s20] =	ssyncadd.s32 $0xFFFFF830  }
0x178: {  	_ =	swait.ge [sflag:s30], $0x3E80  }
0x179: {  	[sflag:s30] =	ssyncset.done $0x0  }
0x17a: {  	[sflag:s30] =	ssyncadd.s32 $0xFFFFC180  }
0x17b: {  	[spmem:s13] =	stream.indirect.scatter.add.f32 [tilespmem:s17], [sflag:$0x5], $0x8, s12, s21, $0xb8;
	[tilespmem:$0x1E658] =	vst v63  }
0x17c: {  	_ =	swait.ge [sflag:s31], $0x3E80  }
0x17d: {  	[sflag:s31] =	ssyncset.done $0x0  }
0x17e: {  	s15 =	rddreg [dreg:$0x16];
	[sflag:s31] =	ssyncadd.s32 $0xFFFFC180  }
0x17f: {  	[tilespmem:s16], [sflag:$0x4] =	stream.linear.gather [hbm4b:s15+s4], $0x7D0, $0x38;
	[tilespmem:$0x1E658] =	vst v63  }
0x180: {  	_ =	swait.ge [sflag:s24], $0x7D0  }
0x181: {  	[sflag:s24] =	ssyncset.done $0x0  }
0x182: {  	[sflag:s24] =	ssyncadd.s32 $0xFFFFF830  }
0x183: {  	_ =	swait.ge [sflag:s25], $0x3E80  }
0x184: {  	[sflag:s25] =	ssyncset.done $0x0  }
0x185: {  	[sflag:s25] =	ssyncadd.s32 $0xFFFFC180  }
0x186: {  	[spmem:s13] =	stream.indirect.scatter.add.f32 [tilespmem:s2], [sflag:$0x5], $0x8, s16, s21, $0xb8;
	[tilespmem:$0x1E658] =	vst v63  }
0x187: {  	_ =	swait.ge [sflag:s31], $0x3E80  }
0x188: {  	s26 =	sld [smem:$0x7DA]  }
0x189: {  	[sflag:s31] =	ssyncset.done $0x0;
	s23 =	rddreg [dreg:$0xc]  }
0x18a: {  	s6 =	simm.s32 $0x20;
	s7 =	rddreg [dreg:$0x1e];
	[sflag:s31] =	ssyncadd.s32 $0xFFFFC180  }
0x18b: {  	[hbm:s7@s6], [sflag:s23] =	dma.strided [spmem:s26@s30], $0x2710, s30, $0x1   }
0x18c: {  	_ =	swait.ge [sflag:s31], $0x2710  }
0x18d: {  	[sflag:s31] =	ssyncset.done $0x0  }
0x18e: {  	s6 =	rddreg [dreg:$0xe];
	[sflag:s31] =	ssyncadd.s32 $0xFFFFD8F0  }
0x18f: {  	[spmem:s26], [sflag:s23] =	dma.local [hbm:s6], $0x2710  }
0x190: {  	_ =	swait.ge [sflag:s31], $0x2710  }
0x191: {  	s7 =	sld [smem:$0x7DB]  }
0x192: {  	[sflag:s31] =	ssyncset.done $0x0  }
0x193: {  	[sflag:s31] =	ssyncadd.s32 $0xFFFFD8F0  }
0x194: {  	[tilespmem:s22], [sflag:$0x5] =	stream.linear.gather [hbm4b:s7+s4], $0x7D0, $0x38;
	[tilespmem:$0x1E658] =	vst v63  }
0x195: {  	_ =	swait.ge [sflag:s31], $0x7D0  }
0x196: {  	[sflag:s31] =	ssyncset.done $0x0  }
0x197: {  	s10 =	sadd.s32 $0x0, s7;
	[sflag:s31] =	ssyncadd.s32 $0xFFFFF830  }
0x198: {  	[tilespmem:s17], [sflag:$0x1] =	stream.indirect.gather [hbm4b:s14+s21], $0x8, s22, s21, $0xb8;
	[tilespmem:$0x1E658] =	vst v63  }
0x199: {  	s15 =	sadd.s32 $0xFA, s10  }
0x19a: {  	[tilespmem:s1], [sflag:$0x5] =	stream.linear.gather [hbm4b:s15+s3], $0x7D0, $0x38;
	[tilespmem:$0x1E658] =	vst v63  }
0x19b: {  	_ =	swait.ge [sflag:s31], $0x7D0  }
0x19c: {  	[sflag:s31] =	ssyncset.done $0x0;
	s6 =	sld [smem:$0x7ED]  }
0x19d: {  	[sflag:s31] =	ssyncadd.s32 $0xFFFFF830  }
0x19e: {  	[tilespmem:s2], [sflag:$0x2] =	stream.indirect.gather [hbm4b:s14+s21], $0x8, s1, s21, $0xb8;
	[tilespmem:$0x1E658] =	vst v63  }
0x19f: {  	s23 =	sadd.s32 $0x0, s6  }
0x1a0: {  	[tilespmem:s12], [sflag:$0x3] =	stream.linear.gather [hbm4b:s23+s3], $0x7D0, $0x38;
	[tilespmem:$0x1E658] =	vst v63  }
0x1a1: {  	_ =	swait.ge [sflag:s20], $0x7D0  }
0x1a2: {  	[sflag:s20] =	ssyncset.done $0x0  }
0x1a3: {  	[sflag:s20] =	ssyncadd.s32 $0xFFFFF830  }
0x1a4: {  	_ =	swait.ge [sflag:s30], $0x3E80  }
0x1a5: {  	[sflag:s30] =	ssyncset.done $0x0  }
0x1a6: {  	[sflag:s30] =	ssyncadd.s32 $0xFFFFC180  }
0x1a7: {  	[spmem:s13] =	stream.indirect.scatter.add.f32 [tilespmem:s17], [sflag:$0x5], $0x8, s12, s21, $0xb8;
	[tilespmem:$0x1E658] =	vst v63  }
0x1a8: {  	_ =	swait.ge [sflag:s31], $0x3E80  }
0x1a9: {  	[sflag:s31] =	ssyncset.done $0x0  }
0x1aa: {  	s4 =	sadd.s32 $0x1F4, s10;
	[sflag:s31] =	ssyncadd.s32 $0xFFFFC180  }
0x1ab: {  	[tilespmem:s22], [sflag:$0x5] =	stream.linear.gather [hbm4b:s4+s3], $0x7D0, $0x38;
	[tilespmem:$0x1E658] =	vst v63  }
0x1ac: {  	_ =	swait.ge [sflag:s31], $0x7D0  }
0x1ad: {  	[sflag:s31] =	ssyncset.done $0x0  }
0x1ae: {  	[sflag:s31] =	ssyncadd.s32 $0xFFFFF830  }
0x1af: {  	[tilespmem:s17], [sflag:$0x1] =	stream.indirect.gather [hbm4b:s14+s21], $0x8, s22, s21, $0xb8;
	[tilespmem:$0x1E658] =	vst v63  }
0x1b0: {  	s26 =	sadd.s32 $0xFA, s23  }
0x1b1: {  	[tilespmem:s16], [sflag:$0x4] =	stream.linear.gather [hbm4b:s26+s3], $0x7D0, $0x38;
	[tilespmem:$0x1E658] =	vst v63  }
0x1b2: {  	_ =	swait.ge [sflag:s24], $0x7D0  }
0x1b3: {  	[sflag:s24] =	ssyncset.done $0x0  }
0x1b4: {  	[sflag:s24] =	ssyncadd.s32 $0xFFFFF830  }
0x1b5: {  	_ =	swait.ge [sflag:s25], $0x3E80  }
0x1b6: {  	[sflag:s25] =	ssyncset.done $0x0  }
0x1b7: {  	[sflag:s25] =	ssyncadd.s32 $0xFFFFC180  }
0x1b8: {  	[spmem:s13] =	stream.indirect.scatter.add.f32 [tilespmem:s2], [sflag:$0x5], $0x8, s16, s21, $0xb8;
	[tilespmem:$0x1E658] =	vst v63  }
0x1b9: {  	s28 =	simm.s32 $0x3E8;
	_ =	swait.ge [sflag:s31], $0x3E80  }
0x1ba: {  	s23 =	sadd.s32 $0x1F4, s7;
	s4 =	simm.s32 $0x1F4;
	[sflag:s31] =	ssyncset.done $0x0  }
.LBB2_6:
0x1bb: {  	s5 =	sadd.s32 $0xFA, s23  }
0x1bc: {  	[sflag:s31] =	ssyncadd.s32 $0xFFFFC180;
	s26 =	smov.u32 s28;
	s15 =	sadd.s32 $0x1F4, s28  }
0x1bd: {  	[tilespmem:s1], [sflag:$0x5] =	stream.linear.gather [hbm4b:s5+s3], $0x7D0, $0x38;
	[tilespmem:$0x1E658] =	vst v63  }
0x1be: {  	p1 =	sne.s32 s28, $0x4A38;
	_ =	swait.ge [sflag:s31], $0x7D0  }
0x1bf: {  	[sflag:s31] =	ssyncset.done $0x0  }
0x1c0: {  	[sflag:s31] =	ssyncadd.s32 $0xFFFFF830  }
0x1c1: {  	[tilespmem:s2], [sflag:$0x2] =	stream.indirect.gather [hbm4b:s14+s21], $0x8, s1, s21, $0xb8;
	[tilespmem:$0x1E658] =	vst v63  }
0x1c2: {  	s5 =	sadd.s32 s4, s6;
	s4 =	smov.u32 s26  }
0x1c3: {  	[tilespmem:s12], [sflag:$0x3] =	stream.linear.gather [hbm4b:s5+s3], $0x7D0, $0x38;
	[tilespmem:$0x1E658] =	vst v63  }
0x1c4: {  	_ =	swait.ge [sflag:s20], $0x7D0  }
0x1c5: {  	[sflag:s20] =	ssyncset.done $0x0  }
0x1c6: {  	[sflag:s20] =	ssyncadd.s32 $0xFFFFF830  }
0x1c7: {  	_ =	swait.ge [sflag:s30], $0x3E80  }
0x1c8: {  	[sflag:s30] =	ssyncset.done $0x0  }
0x1c9: {  	[sflag:s30] =	ssyncadd.s32 $0xFFFFC180  }
0x1ca: {  	[spmem:s13] =	stream.indirect.scatter.add.f32 [tilespmem:s17], [sflag:$0x5], $0x8, s12, s21, $0xb8;
	[tilespmem:$0x1E658] =	vst v63  }
0x1cb: {  	_ =	swait.ge [sflag:s31], $0x3E80  }
0x1cc: {  	[sflag:s31] =	ssyncset.done $0x0  }
0x1cd: {  	s23 =	sadd.s32 $0x1F4, s23;
	[sflag:s31] =	ssyncadd.s32 $0xFFFFC180  }
0x1ce: {  	[tilespmem:s22], [sflag:$0x5] =	stream.linear.gather [hbm4b:s23+s3], $0x7D0, $0x38;
	[tilespmem:$0x1E658] =	vst v63  }
0x1cf: {  	_ =	swait.ge [sflag:s31], $0x7D0  }
0x1d0: {  	[sflag:s31] =	ssyncset.done $0x0  }
0x1d1: {  	[sflag:s31] =	ssyncadd.s32 $0xFFFFF830  }
0x1d2: {  	[tilespmem:s17], [sflag:$0x1] =	stream.indirect.gather [hbm4b:s14+s21], $0x8, s22, s21, $0xb8;
	[tilespmem:$0x1E658] =	vst v63  }
0x1d3: {  	s5 =	sadd.s32 $0xFA, s5  }
0x1d4: {  	[tilespmem:s16], [sflag:$0x4] =	stream.linear.gather [hbm4b:s5+s3], $0x7D0, $0x38;
	[tilespmem:$0x1E658] =	vst v63  }
0x1d5: {  	_ =	swait.ge [sflag:s24], $0x7D0  }
0x1d6: {  	[sflag:s24] =	ssyncset.done $0x0  }
0x1d7: {  	[sflag:s24] =	ssyncadd.s32 $0xFFFFF830  }
0x1d8: {  	_ =	swait.ge [sflag:s25], $0x3E80  }
.Ltmp4:
0x1d9: {  	[sflag:s25] =	ssyncset.done $0x0;
	(pc) =	sbr.rel @p1 .LBB2_6-.Ltmp4, $4  }
0x1da: {  	[sflag:s25] =	ssyncadd.s32 $0xFFFFC180  }
0x1db: {  	[spmem:s13] =	stream.indirect.scatter.add.f32 [tilespmem:s2], [sflag:$0x5], $0x8, s16, s21, $0xb8;
	[tilespmem:$0x1E658] =	vst v63  }
0x1dc: {  	_ =	swait.ge [sflag:s31], $0x3E80  }
0x1dd: {  	s28 =	smov.u32 s15;
	s23 =	sadd.s32 s4, s7;
	[sflag:s31] =	ssyncset.done $0x0  }
0x1de: {  	s5 =	sadd.s32 $0xFA, s23;
	[sflag:s31] =	ssyncadd.s32 $0xFFFFC180  }
0x1df: {  	[tilespmem:s1], [sflag:$0x5] =	stream.linear.gather [hbm4b:s5+s3], $0x7D0, $0x38;
	[tilespmem:$0x1E658] =	vst v63  }
0x1e0: {  	_ =	swait.ge [sflag:s31], $0x7D0  }
0x1e1: {  	[sflag:s31] =	ssyncset.done $0x0  }
0x1e2: {  	[sflag:s31] =	ssyncadd.s32 $0xFFFFF830  }
0x1e3: {  	[tilespmem:s2], [sflag:$0x2] =	stream.indirect.gather [hbm4b:s14+s21], $0x8, s1, s21, $0xb8;
	[tilespmem:$0x1E658] =	vst v63  }
0x1e4: {  	s4 =	sadd.s32 s4, s6  }
0x1e5: {  	[tilespmem:s12], [sflag:$0x3] =	stream.linear.gather [hbm4b:s4+s3], $0x7D0, $0x38;
	[tilespmem:$0x1E658] =	vst v63  }
0x1e6: {  	_ =	swait.ge [sflag:s20], $0x7D0  }
0x1e7: {  	[sflag:s20] =	ssyncset.done $0x0  }
0x1e8: {  	[sflag:s20] =	ssyncadd.s32 $0xFFFFF830  }
0x1e9: {  	_ =	swait.ge [sflag:s30], $0x3E80  }
0x1ea: {  	[sflag:s30] =	ssyncset.done $0x0  }
0x1eb: {  	[sflag:s30] =	ssyncadd.s32 $0xFFFFC180  }
0x1ec: {  	[spmem:s13] =	stream.indirect.scatter.add.f32 [tilespmem:s17], [sflag:$0x5], $0x8, s12, s21, $0xb8;
	[tilespmem:$0x1E658] =	vst v63  }
0x1ed: {  	_ =	swait.ge [sflag:s31], $0x3E80  }
0x1ee: {  	[sflag:s31] =	ssyncset.done $0x0  }
0x1ef: {  	s6 =	sadd.s32 $0x1F4, s23;
	[sflag:s31] =	ssyncadd.s32 $0xFFFFC180  }
0x1f0: {  	[tilespmem:s22], [sflag:$0x5] =	stream.linear.gather [hbm4b:s6+s3], $0x7D0, $0x38;
	[tilespmem:$0x1E658] =	vst v63  }
0x1f1: {  	_ =	swait.ge [sflag:s31], $0x7D0  }
0x1f2: {  	[sflag:s31] =	ssyncset.done $0x0  }
0x1f3: {  	[sflag:s31] =	ssyncadd.s32 $0xFFFFF830  }
0x1f4: {  	[tilespmem:s17], [sflag:$0x1] =	stream.indirect.gather [hbm4b:s14+s21], $0x8, s22, s21, $0xb8;
	[tilespmem:$0x1E658] =	vst v63  }
0x1f5: {  	s4 =	sadd.s32 $0xFA, s4  }
0x1f6: {  	[tilespmem:s16], [sflag:$0x4] =	stream.linear.gather [hbm4b:s4+s3], $0x7D0, $0x38;
	[tilespmem:$0x1E658] =	vst v63  }
0x1f7: {  	_ =	swait.ge [sflag:s24], $0x7D0  }
0x1f8: {  	[sflag:s24] =	ssyncset.done $0x0  }
0x1f9: {  	[sflag:s24] =	ssyncadd.s32 $0xFFFFF830  }
0x1fa: {  	_ =	swait.ge [sflag:s25], $0x3E80  }
0x1fb: {  	[sflag:s25] =	ssyncset.done $0x0  }
0x1fc: {  	[sflag:s25] =	ssyncadd.s32 $0xFFFFC180  }
0x1fd: {  	[spmem:s13] =	stream.indirect.scatter.add.f32 [tilespmem:s2], [sflag:$0x5], $0x8, s16, s21, $0xb8;
	[tilespmem:$0x1E658] =	vst v63  }
0x1fe: {  	_ =	swait.ge [sflag:s31], $0x3E80  }
0x1ff: {  	[sflag:s31] =	ssyncset.done $0x0  }
0x200: {  	s4 =	simm.s32 $0x0;
	s7 =	rddreg [dreg:$0x17];
	[sflag:s31] =	ssyncadd.s32 $0xFFFFC180  }
0x201: {  	[tilespmem:s1], [sflag:$0x5] =	stream.linear.gather [hbm4b:s7+s4], $0x7D0, $0x38;
	[tilespmem:$0x1E658] =	vst v63  }
0x202: {  	_ =	swait.ge [sflag:s31], $0x7D0  }
0x203: {  	[sflag:s31] =	ssyncset.done $0x0  }
0x204: {  	[sflag:s31] =	ssyncadd.s32 $0xFFFFF830  }
0x205: {  	[tilespmem:s2], [sflag:$0x2] =	stream.indirect.gather [hbm4b:s14+s21], $0x8, s1, s21, $0xb8;
	[tilespmem:$0x1E658] =	vst v63  }
0x206: {  	s10 =	rddreg [dreg:$0x18]  }
0x207: {  	[tilespmem:s12], [sflag:$0x3] =	stream.linear.gather [hbm4b:s10+s4], $0x7D0, $0x38;
	[tilespmem:$0x1E658] =	vst v63  }
0x208: {  	_ =	swait.ge [sflag:s20], $0x7D0  }
0x209: {  	[sflag:s20] =	ssyncset.done $0x0  }
0x20a: {  	[sflag:s20] =	ssyncadd.s32 $0xFFFFF830  }
0x20b: {  	_ =	swait.ge [sflag:s30], $0x3E80  }
0x20c: {  	[sflag:s30] =	ssyncset.done $0x0  }
0x20d: {  	[sflag:s30] =	ssyncadd.s32 $0xFFFFC180  }
0x20e: {  	[spmem:s13] =	stream.indirect.scatter.add.f32 [tilespmem:s17], [sflag:$0x5], $0x8, s12, s21, $0xb8;
	[tilespmem:$0x1E658] =	vst v63  }
0x20f: {  	_ =	swait.ge [sflag:s31], $0x3E80  }
0x210: {  	[sflag:s31] =	ssyncset.done $0x0  }
0x211: {  	s15 =	rddreg [dreg:$0x19];
	[sflag:s31] =	ssyncadd.s32 $0xFFFFC180  }
0x212: {  	[tilespmem:s16], [sflag:$0x4] =	stream.linear.gather [hbm4b:s15+s4], $0x7D0, $0x38;
	[tilespmem:$0x1E658] =	vst v63  }
0x213: {  	_ =	swait.ge [sflag:s24], $0x7D0  }
0x214: {  	[sflag:s24] =	ssyncset.done $0x0  }
0x215: {  	[sflag:s24] =	ssyncadd.s32 $0xFFFFF830  }
0x216: {  	_ =	swait.ge [sflag:s25], $0x3E80  }
0x217: {  	[sflag:s25] =	ssyncset.done $0x0  }
0x218: {  	[sflag:s25] =	ssyncadd.s32 $0xFFFFC180  }
0x219: {  	[spmem:s13] =	stream.indirect.scatter.add.f32 [tilespmem:s2], [sflag:$0x5], $0x8, s16, s21, $0xb8;
	[tilespmem:$0x1E658] =	vst v63  }
0x21a: {  	_ =	swait.ge [sflag:s31], $0x3E80  }
0x21b: {  	s10 =	sld [smem:$0x7DA]  }
0x21c: {  	[sflag:s31] =	ssyncset.done $0x0;
	s23 =	rddreg [dreg:$0xc]  }
0x21d: {  	s26 =	simm.s32 $0x20;
	s7 =	rddreg [dreg:$0x1f];
	[sflag:s31] =	ssyncadd.s32 $0xFFFFC180  }
0x21e: {  	[hbm:s7@s26], [sflag:s23] =	dma.strided [spmem:s10@s30], $0x2710, s30, $0x1   }
0x21f: {  	_ =	swait.ge [sflag:s31], $0x2710  }
0x220: {  	[sflag:s31] =	ssyncset.done $0x0  }
0x221: {  	s6 =	rddreg [dreg:$0xe];
	[sflag:s31] =	ssyncadd.s32 $0xFFFFD8F0  }
0x222: {  	[spmem:s10], [sflag:s23] =	dma.local [hbm:s6], $0x2710  }
0x223: {  	_ =	swait.ge [sflag:s31], $0x2710  }
0x224: {  	s6 =	sld [smem:$0x7DC]  }
0x225: {  	[sflag:s31] =	ssyncset.done $0x0  }
0x226: {  	[sflag:s31] =	ssyncadd.s32 $0xFFFFD8F0  }
0x227: {  	[tilespmem:s22], [sflag:$0x5] =	stream.linear.gather [hbm4b:s6+s4], $0x7D0, $0x38;
	[tilespmem:$0x1E658] =	vst v63  }
0x228: {  	_ =	swait.ge [sflag:s31], $0x7D0  }
0x229: {  	[sflag:s31] =	ssyncset.done $0x0  }
0x22a: {  	s10 =	sadd.s32 $0x0, s6;
	[sflag:s31] =	ssyncadd.s32 $0xFFFFF830  }
0x22b: {  	[tilespmem:s17], [sflag:$0x1] =	stream.indirect.gather [hbm4b:s18+s21], $0x8, s22, s21, $0xb8;
	[tilespmem:$0x1E658] =	vst v63  }
0x22c: {  	s15 =	sadd.s32 $0xFA, s10  }
0x22d: {  	[tilespmem:s1], [sflag:$0x5] =	stream.linear.gather [hbm4b:s15+s3], $0x7D0, $0x38;
	[tilespmem:$0x1E658] =	vst v63  }
0x22e: {  	_ =	swait.ge [sflag:s31], $0x7D0  }
0x22f: {  	[sflag:s31] =	ssyncset.done $0x0  }
0x230: {  	[sflag:s31] =	ssyncadd.s32 $0xFFFFF830  }
0x231: {  	[tilespmem:s2], [sflag:$0x2] =	stream.indirect.gather [hbm4b:s18+s21], $0x8, s1, s21, $0xb8;
	[tilespmem:$0x1E658] =	vst v63  }
0x232: {  	s23 =	sadd.s32 $0x0, s19  }
0x233: {  	[tilespmem:s12], [sflag:$0x3] =	stream.linear.gather [hbm4b:s23+s3], $0x7D0, $0x38;
	[tilespmem:$0x1E658] =	vst v63  }
0x234: {  	_ =	swait.ge [sflag:s20], $0x7D0  }
0x235: {  	[sflag:s20] =	ssyncset.done $0x0  }
0x236: {  	[sflag:s20] =	ssyncadd.s32 $0xFFFFF830  }
0x237: {  	_ =	swait.ge [sflag:s30], $0x3E80  }
0x238: {  	[sflag:s30] =	ssyncset.done $0x0  }
0x239: {  	[sflag:s30] =	ssyncadd.s32 $0xFFFFC180  }
0x23a: {  	[spmem:s13] =	stream.indirect.scatter.add.f32 [tilespmem:s17], [sflag:$0x5], $0x8, s12, s21, $0xb8;
	[tilespmem:$0x1E658] =	vst v63  }
0x23b: {  	_ =	swait.ge [sflag:s31], $0x3E80  }
0x23c: {  	[sflag:s31] =	ssyncset.done $0x0  }
0x23d: {  	s4 =	sadd.s32 $0x1F4, s10;
	[sflag:s31] =	ssyncadd.s32 $0xFFFFC180  }
0x23e: {  	[tilespmem:s22], [sflag:$0x5] =	stream.linear.gather [hbm4b:s4+s3], $0x7D0, $0x38;
	[tilespmem:$0x1E658] =	vst v63  }
0x23f: {  	_ =	swait.ge [sflag:s31], $0x7D0  }
0x240: {  	[sflag:s31] =	ssyncset.done $0x0  }
0x241: {  	[sflag:s31] =	ssyncadd.s32 $0xFFFFF830  }
0x242: {  	[tilespmem:s17], [sflag:$0x1] =	stream.indirect.gather [hbm4b:s18+s21], $0x8, s22, s21, $0xb8;
	[tilespmem:$0x1E658] =	vst v63  }
0x243: {  	s26 =	sadd.s32 $0xFA, s23  }
0x244: {  	[tilespmem:s16], [sflag:$0x4] =	stream.linear.gather [hbm4b:s26+s3], $0x7D0, $0x38;
	[tilespmem:$0x1E658] =	vst v63  }
0x245: {  	_ =	swait.ge [sflag:s24], $0x7D0  }
0x246: {  	[sflag:s24] =	ssyncset.done $0x0  }
0x247: {  	[sflag:s24] =	ssyncadd.s32 $0xFFFFF830  }
0x248: {  	_ =	swait.ge [sflag:s25], $0x3E80  }
0x249: {  	[sflag:s25] =	ssyncset.done $0x0  }
0x24a: {  	[sflag:s25] =	ssyncadd.s32 $0xFFFFC180  }
0x24b: {  	[spmem:s13] =	stream.indirect.scatter.add.f32 [tilespmem:s2], [sflag:$0x5], $0x8, s16, s21, $0xb8;
	[tilespmem:$0x1E658] =	vst v63  }
0x24c: {  	s28 =	simm.s32 $0x3E8;
	s23 =	sadd.s32 $0x1F4, s6;
	_ =	swait.ge [sflag:s31], $0x3E80  }
0x24d: {  	s4 =	simm.s32 $0x1F4;
	[sflag:s31] =	ssyncset.done $0x0;
	s7 =	rddreg [dreg:$0x9]  }
.LBB2_8:
0x24e: {  	s5 =	sadd.s32 $0xFA, s23  }
0x24f: {  	[sflag:s31] =	ssyncadd.s32 $0xFFFFC180;
	s26 =	smov.u32 s28;
	s15 =	sadd.s32 $0x1F4, s28  }
0x250: {  	[tilespmem:s1], [sflag:$0x5] =	stream.linear.gather [hbm4b:s5+s3], $0x7D0, $0x38;
	[tilespmem:$0x1E658] =	vst v63  }
0x251: {  	p1 =	sne.s32 s28, $0x4A38;
	_ =	swait.ge [sflag:s31], $0x7D0  }
0x252: {  	[sflag:s31] =	ssyncset.done $0x0  }
0x253: {  	[sflag:s31] =	ssyncadd.s32 $0xFFFFF830  }
0x254: {  	[tilespmem:s2], [sflag:$0x2] =	stream.indirect.gather [hbm4b:s18+s21], $0x8, s1, s21, $0xb8;
	[tilespmem:$0x1E658] =	vst v63  }
0x255: {  	s5 =	sadd.s32 s4, s19;
	s4 =	smov.u32 s26  }
0x256: {  	[tilespmem:s12], [sflag:$0x3] =	stream.linear.gather [hbm4b:s5+s3], $0x7D0, $0x38;
	[tilespmem:$0x1E658] =	vst v63  }
0x257: {  	_ =	swait.ge [sflag:s20], $0x7D0  }
0x258: {  	[sflag:s20] =	ssyncset.done $0x0  }
0x259: {  	[sflag:s20] =	ssyncadd.s32 $0xFFFFF830  }
0x25a: {  	_ =	swait.ge [sflag:s30], $0x3E80  }
0x25b: {  	[sflag:s30] =	ssyncset.done $0x0  }
0x25c: {  	[sflag:s30] =	ssyncadd.s32 $0xFFFFC180  }
0x25d: {  	[spmem:s13] =	stream.indirect.scatter.add.f32 [tilespmem:s17], [sflag:$0x5], $0x8, s12, s21, $0xb8;
	[tilespmem:$0x1E658] =	vst v63  }
0x25e: {  	_ =	swait.ge [sflag:s31], $0x3E80  }
0x25f: {  	[sflag:s31] =	ssyncset.done $0x0  }
0x260: {  	s23 =	sadd.s32 $0x1F4, s23;
	[sflag:s31] =	ssyncadd.s32 $0xFFFFC180  }
0x261: {  	[tilespmem:s22], [sflag:$0x5] =	stream.linear.gather [hbm4b:s23+s3], $0x7D0, $0x38;
	[tilespmem:$0x1E658] =	vst v63  }
0x262: {  	_ =	swait.ge [sflag:s31], $0x7D0  }
0x263: {  	[sflag:s31] =	ssyncset.done $0x0  }
0x264: {  	[sflag:s31] =	ssyncadd.s32 $0xFFFFF830  }
0x265: {  	[tilespmem:s17], [sflag:$0x1] =	stream.indirect.gather [hbm4b:s18+s21], $0x8, s22, s21, $0xb8;
	[tilespmem:$0x1E658] =	vst v63  }
0x266: {  	s5 =	sadd.s32 $0xFA, s5  }
0x267: {  	[tilespmem:s16], [sflag:$0x4] =	stream.linear.gather [hbm4b:s5+s3], $0x7D0, $0x38;
	[tilespmem:$0x1E658] =	vst v63  }
0x268: {  	_ =	swait.ge [sflag:s24], $0x7D0  }
0x269: {  	[sflag:s24] =	ssyncset.done $0x0  }
0x26a: {  	[sflag:s24] =	ssyncadd.s32 $0xFFFFF830  }
0x26b: {  	_ =	swait.ge [sflag:s25], $0x3E80  }
.Ltmp5:
0x26c: {  	[sflag:s25] =	ssyncset.done $0x0;
	(pc) =	sbr.rel @p1 .LBB2_8-.Ltmp5, $4  }
0x26d: {  	[sflag:s25] =	ssyncadd.s32 $0xFFFFC180  }
0x26e: {  	[spmem:s13] =	stream.indirect.scatter.add.f32 [tilespmem:s2], [sflag:$0x5], $0x8, s16, s21, $0xb8;
	[tilespmem:$0x1E658] =	vst v63  }
0x26f: {  	_ =	swait.ge [sflag:s31], $0x3E80  }
0x270: {  	s28 =	smov.u32 s15;
	s23 =	sadd.s32 s4, s6;
	[sflag:s31] =	ssyncset.done $0x0  }
0x271: {  	s5 =	sadd.s32 $0xFA, s23;
	[sflag:s31] =	ssyncadd.s32 $0xFFFFC180  }
0x272: {  	[tilespmem:s1], [sflag:$0x5] =	stream.linear.gather [hbm4b:s5+s3], $0x7D0, $0x38;
	[tilespmem:$0x1E658] =	vst v63  }
0x273: {  	_ =	swait.ge [sflag:s31], $0x7D0  }
0x274: {  	[sflag:s31] =	ssyncset.done $0x0  }
0x275: {  	[sflag:s31] =	ssyncadd.s32 $0xFFFFF830  }
0x276: {  	[tilespmem:s2], [sflag:$0x2] =	stream.indirect.gather [hbm4b:s18+s21], $0x8, s1, s21, $0xb8;
	[tilespmem:$0x1E658] =	vst v63  }
0x277: {  	s4 =	sadd.s32 s4, s19  }
0x278: {  	[tilespmem:s12], [sflag:$0x3] =	stream.linear.gather [hbm4b:s4+s3], $0x7D0, $0x38;
	[tilespmem:$0x1E658] =	vst v63  }
0x279: {  	_ =	swait.ge [sflag:s20], $0x7D0  }
0x27a: {  	[sflag:s20] =	ssyncset.done $0x0  }
0x27b: {  	[sflag:s20] =	ssyncadd.s32 $0xFFFFF830  }
0x27c: {  	_ =	swait.ge [sflag:s30], $0x3E80  }
0x27d: {  	[sflag:s30] =	ssyncset.done $0x0  }
0x27e: {  	[sflag:s30] =	ssyncadd.s32 $0xFFFFC180  }
0x27f: {  	[spmem:s13] =	stream.indirect.scatter.add.f32 [tilespmem:s17], [sflag:$0x5], $0x8, s12, s21, $0xb8;
	[tilespmem:$0x1E658] =	vst v63  }
0x280: {  	_ =	swait.ge [sflag:s31], $0x3E80  }
0x281: {  	[sflag:s31] =	ssyncset.done $0x0  }
0x282: {  	s28 =	sadd.s32 $0x1F4, s23;
	[sflag:s31] =	ssyncadd.s32 $0xFFFFC180  }
0x283: {  	[tilespmem:s22], [sflag:$0x5] =	stream.linear.gather [hbm4b:s28+s3], $0x7D0, $0x38;
	[tilespmem:$0x1E658] =	vst v63  }
0x284: {  	_ =	swait.ge [sflag:s31], $0x7D0  }
0x285: {  	[sflag:s31] =	ssyncset.done $0x0  }
0x286: {  	[sflag:s31] =	ssyncadd.s32 $0xFFFFF830  }
0x287: {  	[tilespmem:s17], [sflag:$0x1] =	stream.indirect.gather [hbm4b:s18+s21], $0x8, s22, s21, $0xb8;
	[tilespmem:$0x1E658] =	vst v63  }
0x288: {  	s4 =	sadd.s32 $0xFA, s4  }
0x289: {  	[tilespmem:s16], [sflag:$0x4] =	stream.linear.gather [hbm4b:s4+s3], $0x7D0, $0x38;
	[tilespmem:$0x1E658] =	vst v63  }
0x28a: {  	_ =	swait.ge [sflag:s24], $0x7D0  }
0x28b: {  	[sflag:s24] =	ssyncset.done $0x0  }
0x28c: {  	[sflag:s24] =	ssyncadd.s32 $0xFFFFF830  }
0x28d: {  	_ =	swait.ge [sflag:s25], $0x3E80  }
0x28e: {  	[sflag:s25] =	ssyncset.done $0x0  }
0x28f: {  	[sflag:s25] =	ssyncadd.s32 $0xFFFFC180  }
0x290: {  	[spmem:s13] =	stream.indirect.scatter.add.f32 [tilespmem:s2], [sflag:$0x5], $0x8, s16, s21, $0xb8;
	[tilespmem:$0x1E658] =	vst v63  }
0x291: {  	_ =	swait.ge [sflag:s31], $0x3E80  }
0x292: {  	[sflag:s31] =	ssyncset.done $0x0  }
0x293: {  	s6 =	rddreg [dreg:$0x1a];
	[sflag:s31] =	ssyncadd.s32 $0xFFFFC180  }
0x294: {  	[tilespmem:s1], [sflag:$0x5] =	stream.linear.gather [hbm4b:s6+s3], $0x7D0, $0x38;
	[tilespmem:$0x1E658] =	vst v63  }
0x295: {  	_ =	swait.ge [sflag:s31], $0x7D0  }
0x296: {  	[sflag:s31] =	ssyncset.done $0x0  }
0x297: {  	[sflag:s31] =	ssyncadd.s32 $0xFFFFF830  }
0x298: {  	[tilespmem:s2], [sflag:$0x2] =	stream.indirect.gather [hbm4b:s18+s21], $0x8, s1, s21, $0xb8;
	[tilespmem:$0x1E658] =	vst v63  }
0x299: {  	s10 =	rddreg [dreg:$0x1b]  }
0x29a: {  	[tilespmem:s12], [sflag:$0x3] =	stream.linear.gather [hbm4b:s10+s3], $0x7D0, $0x38;
	[tilespmem:$0x1E658] =	vst v63  }
0x29b: {  	_ =	swait.ge [sflag:s20], $0x7D0  }
0x29c: {  	[sflag:s20] =	ssyncset.done $0x0  }
0x29d: {  	[sflag:s20] =	ssyncadd.s32 $0xFFFFF830  }
0x29e: {  	_ =	swait.ge [sflag:s30], $0x3E80  }
0x29f: {  	[sflag:s30] =	ssyncset.done $0x0  }
0x2a0: {  	[sflag:s30] =	ssyncadd.s32 $0xFFFFC180  }
0x2a1: {  	[spmem:s13] =	stream.indirect.scatter.add.f32 [tilespmem:s17], [sflag:$0x5], $0x8, s12, s21, $0xb8;
	[tilespmem:$0x1E658] =	vst v63  }
0x2a2: {  	_ =	swait.ge [sflag:s31], $0x3E80  }
0x2a3: {  	[sflag:s31] =	ssyncset.done $0x0  }
0x2a4: {  	s15 =	rddreg [dreg:$0x1c];
	[sflag:s31] =	ssyncadd.s32 $0xFFFFC180  }
0x2a5: {  	[tilespmem:s16], [sflag:$0x4] =	stream.linear.gather [hbm4b:s15+s3], $0x7D0, $0x38;
	[tilespmem:$0x1E658] =	vst v63  }
0x2a6: {  	_ =	swait.ge [sflag:s24], $0x7D0  }
0x2a7: {  	[sflag:s24] =	ssyncset.done $0x0  }
0x2a8: {  	[sflag:s24] =	ssyncadd.s32 $0xFFFFF830  }
0x2a9: {  	_ =	swait.ge [sflag:s25], $0x3E80  }
0x2aa: {  	[sflag:s25] =	ssyncset.done $0x0  }
0x2ab: {  	[sflag:s25] =	ssyncadd.s32 $0xFFFFC180  }
0x2ac: {  	[spmem:s13] =	stream.indirect.scatter.add.f32 [tilespmem:s2], [sflag:$0x5], $0x8, s16, s21, $0xb8;
	[tilespmem:$0x1E658] =	vst v63  }
0x2ad: {  	_ =	swait.ge [sflag:s31], $0x3E80  }
0x2ae: {  	s23 =	sld [smem:$0x7E0]  }
0x2af: {  	s6 =	sld [smem:$0x7DA]  }
0x2b0: {  	s28 =	simm.s32 $0x20;
	[sflag:s31] =	ssyncset.done $0x0  }
.Ltmp6:
0x2b1: {  	s26 =	rddreg [dreg:$0xc];
	[sflag:s31] =	ssyncadd.s32 $0xFFFFC180;
	(pc) =	sbr.rel @p0 .LBB2_15-.Ltmp6, $4  }
0x2b2: {  	[hbm:s23@s28], [sflag:s26] =	dma.strided [spmem:s6@s30], $0x2710, s30, $0x1   }
0x2b3: {  	_ =	swait.ge [sflag:s31], $0x2710  }
0x2b4: {  	[sflag:s31] =	ssyncset.done $0x0  }
0x2b5: {  	[smem:$0x7D9] =	sst s11;
	[sflag:s31] =	ssyncadd.s32 $0xFFFFD8F0  }
0x2b6: {  	s4 =	sld [smem:$0x7DD];
	_ =	sdelay $0x2  }
0x2b7: {  	p1 =	seq.s32 s4, $0x1  }
.Ltmp7:
0x2b8: {  	_ = 	snop;
	(pc) =	sbr.rel @p1 .LBB2_20-.Ltmp7, $4  }
0x2b9: {  	_ = 	snop  }
0x2ba: {  	s28 =	sld [smem:$0x7FB]  }
0x2bb: {  	s7 =	rddreg [dreg:$0x1]  }
0x2bc: {  	s6 =	sld [smem:$0x7FC]  }
0x2bd: {  	s4 =	sld [smem:$0x7DE];
	_ =	sdelay $0x2  }
0x2be: {  	p1 =	seq.s32 s4, $0x1  }
.Ltmp8:
0x2bf: {  	_ = 	snop;
	(pc) =	sbr.rel @!p1 .LBB2_27-.Ltmp8, $2  }
0x2c0: {  	_ =	sdelay $0x2  }
0x2c1: {  	s5 =	smov.u32 s9;
	s7 =	rddreg [dreg:$0x2]  }
0x2c2: {  	s5 =	sld [smem:$0x7DA];
	_ =	sdelay $0x1  }
0x2c3: {  	s4 =	rddreg [dreg:$0xe]  }
0x2c4: {  	[spmem:s5], [sflag:s26] =	dma.local [hbm:s4], $0x2710  }
0x2c5: {  	_ =	swait.ge [sflag:s31], $0x2710  }
0x2c6: {  	s23 =	sld [smem:$0x7E4]  }
0x2c7: {  	[sflag:s31] =	ssyncset.done $0x0;
	s10 =	sld [smem:$0x7F0]  }
0x2c8: {  	s19 =	simm.s32 $0x8;
	s11 =	simm.s32 $0x10;
	[sflag:s31] =	ssyncadd.s32 $0xFFFFD8F0  }
0x2c9: {  	[tilespmem:s17], [sflag:$0x1] =	stream.strided.gather [hbm4b:s23+s19], $0x3E80, s11, s19, $0x38;
	[tilespmem:$0x1E658] =	vst v63  }
0x2ca: {  	s26 =	sadd.s32 $0x0, s10  }
0x2cb: {  	[tilespmem:s2], [sflag:$0x2] =	stream.strided.gather [hbm4b:s26+s19], $0x3E80, s11, s19, $0x38;
	[tilespmem:$0x1E658] =	vst v63  }
0x2cc: {  	s26 =	sld [smem:$0x7F8];
	_ =	sdelay $0x2  }
0x2cd: {  	s5 =	sadd.s32 $0xFFFFFF06, s26  }
0x2ce: {  	[tilespmem:s12], [sflag:$0x3] =	stream.linear.gather [hbm4b:s5+s3], $0x7D0, $0x38;
	[tilespmem:$0x1E658] =	vst v63  }
0x2cf: {  	_ =	swait.ge [sflag:s20], $0x7D0  }
0x2d0: {  	[sflag:s20] =	ssyncset.done $0x0  }
0x2d1: {  	[sflag:s20] =	ssyncadd.s32 $0xFFFFF830  }
0x2d2: {  	_ =	swait.ge [sflag:s30], $0x3E80  }
0x2d3: {  	[sflag:s30] =	ssyncset.done $0x0  }
0x2d4: {  	[sflag:s30] =	ssyncadd.s32 $0xFFFFC180  }
0x2d5: {  	[spmem:s13] =	stream.indirect.scatter.add.f32 [tilespmem:s17], [sflag:$0x5], $0x8, s12, s21, $0xb8;
	[tilespmem:$0x1E658] =	vst v63  }
0x2d6: {  	_ =	swait.ge [sflag:s31], $0x3E80  }
0x2d7: {  	s15 =	sld [smem:$0x7EC];
	_ =	sdelay $0x2  }
0x2d8: {  	[sflag:s31] =	ssyncset.done $0x0;
	s23 =	sshrl.u32 s15, $0x3  }
0x2d9: {  	[sflag:s31] =	ssyncadd.s32 $0xFFFFC180;
	s4 =	sadd.s32 s7, s23  }
0x2da: {  	[tilespmem:s17], [sflag:$0x1] =	stream.strided.gather [hbm4b:s4+s19], $0x3E80, s11, s19, $0x38;
	[tilespmem:$0x1E658] =	vst v63  }
0x2db: {  	_ = 	snop  }
0x2dc: {  	[tilespmem:s16], [sflag:$0x4] =	stream.linear.gather [hbm4b:s26+s3], $0x7D0, $0x38;
	[tilespmem:$0x1E658] =	vst v63  }
0x2dd: {  	_ =	swait.ge [sflag:s24], $0x7D0  }
0x2de: {  	[sflag:s24] =	ssyncset.done $0x0  }
0x2df: {  	[sflag:s24] =	ssyncadd.s32 $0xFFFFF830  }
0x2e0: {  	_ =	swait.ge [sflag:s25], $0x3E80  }
0x2e1: {  	[sflag:s25] =	ssyncset.done $0x0  }
0x2e2: {  	[sflag:s25] =	ssyncadd.s32 $0xFFFFC180  }
0x2e3: {  	[spmem:s13] =	stream.indirect.scatter.add.f32 [tilespmem:s2], [sflag:$0x5], $0x8, s16, s21, $0xb8;
	[tilespmem:$0x1E658] =	vst v63  }
0x2e4: {  	s28 =	simm.s32 $0x3E80;
	s15 =	sadd.s32 $0xFA00, s15;
	_ =	swait.ge [sflag:s31], $0x3E80  }
0x2e5: {  	s23 =	simm.s32 $0x1F40;
	s4 =	sadd.s32 $0x1F4, s26;
	[sflag:s31] =	ssyncset.done $0x0  }
.LBB2_13:
0x2e6: {  	s5 =	sadd.s32 s23, s10  }
0x2e7: {  	[sflag:s31] =	ssyncadd.s32 $0xFFFFC180;
	s23 =	smov.u32 s28;
	s26 =	sadd.s32 $0x1F40, s28  }
0x2e8: {  	[tilespmem:s2], [sflag:$0x2] =	stream.strided.gather [hbm4b:s5+s19], $0x3E80, s11, s19, $0x38;
	[tilespmem:$0x1E658] =	vst v63  }
0x2e9: {  	p1 =	seq.s32 s28, $0x23280;
	s5 =	sadd.s32 $0xFFFFFF06, s4  }
0x2ea: {  	[tilespmem:s12], [sflag:$0x3] =	stream.linear.gather [hbm4b:s5+s3], $0x7D0, $0x38;
	[tilespmem:$0x1E658] =	vst v63  }
0x2eb: {  	_ =	swait.ge [sflag:s20], $0x7D0  }
0x2ec: {  	[sflag:s20] =	ssyncset.done $0x0  }
0x2ed: {  	[sflag:s20] =	ssyncadd.s32 $0xFFFFF830  }
0x2ee: {  	_ =	swait.ge [sflag:s30], $0x3E80  }
0x2ef: {  	[sflag:s30] =	ssyncset.done $0x0  }
0x2f0: {  	[sflag:s30] =	ssyncadd.s32 $0xFFFFC180  }
0x2f1: {  	[spmem:s13] =	stream.indirect.scatter.add.f32 [tilespmem:s17], [sflag:$0x5], $0x8, s12, s21, $0xb8;
	[tilespmem:$0x1E658] =	vst v63  }
0x2f2: {  	_ =	swait.ge [sflag:s31], $0x3E80  }
0x2f3: {  	s5 =	sshrl.u32 s15, $0x3;
	[sflag:s31] =	ssyncset.done $0x0  }
0x2f4: {  	s5 =	sadd.s32 s7, s5;
	[sflag:s31] =	ssyncadd.s32 $0xFFFFC180  }
0x2f5: {  	[tilespmem:s17], [sflag:$0x1] =	stream.strided.gather [hbm4b:s5+s19], $0x3E80, s11, s19, $0x38;
	[tilespmem:$0x1E658] =	vst v63  }
0x2f6: {  	_ = 	snop  }
0x2f7: {  	[tilespmem:s16], [sflag:$0x4] =	stream.linear.gather [hbm4b:s4+s3], $0x7D0, $0x38;
	[tilespmem:$0x1E658] =	vst v63  }
0x2f8: {  	_ =	swait.ge [sflag:s24], $0x7D0  }
0x2f9: {  	[sflag:s24] =	ssyncset.done $0x0  }
0x2fa: {  	[sflag:s24] =	ssyncadd.s32 $0xFFFFF830  }
0x2fb: {  	_ =	swait.ge [sflag:s25], $0x3E80  }
.Ltmp9:
0x2fc: {  	[sflag:s25] =	ssyncset.done $0x0;
	(pc) =	sbr.rel @!p1 .LBB2_13-.Ltmp9, $4  }
0x2fd: {  	[sflag:s25] =	ssyncadd.s32 $0xFFFFC180  }
0x2fe: {  	[spmem:s13] =	stream.indirect.scatter.add.f32 [tilespmem:s2], [sflag:$0x5], $0x8, s16, s21, $0xb8;
	[tilespmem:$0x1E658] =	vst v63  }
0x2ff: {  	s28 =	smov.u32 s26;
	_ =	swait.ge [sflag:s31], $0x3E80  }
0x300: {  	s15 =	sadd.s32 $0xFA00, s15;
	s4 =	sadd.s32 $0x1F4, s4;
	[sflag:s31] =	ssyncset.done $0x0  }
0x301: {  	s5 =	sadd.s32 s23, s10;
	[sflag:s31] =	ssyncadd.s32 $0xFFFFC180  }
0x302: {  	[tilespmem:s2], [sflag:$0x2] =	stream.strided.gather [hbm4b:s5+s19], $0x3E80, s11, s19, $0x38;
	[tilespmem:$0x1E658] =	vst v63  }
0x303: {  	s23 =	sadd.s32 $0xFFFFFF06, s4  }
0x304: {  	[tilespmem:s12], [sflag:$0x3] =	stream.linear.gather [hbm4b:s23+s3], $0x7D0, $0x38;
	[tilespmem:$0x1E658] =	vst v63  }
0x305: {  	_ =	swait.ge [sflag:s20], $0x7D0  }
0x306: {  	[sflag:s20] =	ssyncset.done $0x0  }
0x307: {  	[sflag:s20] =	ssyncadd.s32 $0xFFFFF830  }
0x308: {  	_ =	swait.ge [sflag:s30], $0x3E80  }
0x309: {  	[sflag:s30] =	ssyncset.done $0x0  }
0x30a: {  	[sflag:s30] =	ssyncadd.s32 $0xFFFFC180  }
0x30b: {  	[spmem:s13] =	stream.indirect.scatter.add.f32 [tilespmem:s17], [sflag:$0x5], $0x8, s12, s21, $0xb8;
	[tilespmem:$0x1E658] =	vst v63  }
0x30c: {  	_ =	swait.ge [sflag:s31], $0x3E80  }
0x30d: {  	s26 =	sshrl.u32 s15, $0x3;
	[sflag:s31] =	ssyncset.done $0x0  }
0x30e: {  	s5 =	sadd.s32 s7, s26;
	[sflag:s31] =	ssyncadd.s32 $0xFFFFC180  }
0x30f: {  	[tilespmem:s17], [sflag:$0x1] =	stream.strided.gather [hbm4b:s5+s19], $0x3E80, s11, s19, $0x38;
	[tilespmem:$0x1E658] =	vst v63  }
0x310: {  	_ = 	snop  }
0x311: {  	[tilespmem:s16], [sflag:$0x4] =	stream.linear.gather [hbm4b:s4+s3], $0x7D0, $0x38;
	[tilespmem:$0x1E658] =	vst v63  }
0x312: {  	_ =	swait.ge [sflag:s24], $0x7D0  }
0x313: {  	[sflag:s24] =	ssyncset.done $0x0  }
0x314: {  	[sflag:s24] =	ssyncadd.s32 $0xFFFFF830  }
0x315: {  	_ =	swait.ge [sflag:s25], $0x3E80  }
0x316: {  	[sflag:s25] =	ssyncset.done $0x0  }
0x317: {  	[sflag:s25] =	ssyncadd.s32 $0xFFFFC180  }
0x318: {  	[spmem:s13] =	stream.indirect.scatter.add.f32 [tilespmem:s2], [sflag:$0x5], $0x8, s16, s21, $0xb8;
	[tilespmem:$0x1E658] =	vst v63  }
.Ltmp10:
0x319: {  	_ =	swait.ge [sflag:s31], $0x3E80;
	(pc) =	sbr.rel .LBB2_26-.Ltmp10, $4  }
0x31a: {  	s15 =	sld [smem:$0x7FD]  }
0x31b: {  	s10 =	simm.s32 $0x10;
	s28 =	sld [smem:$0x7FB]  }
0x31c: {  	s23 =	smov.u32 s7;
	[sflag:s31] =	ssyncset.done $0x0;
	s4 =	sld [smem:$0x7F2]  }
0x31d: {  	s7 =	simm.s32 $0x8;
	s19 =	sld [smem:$0x7FA];
	[sflag:s31] =	ssyncadd.s32 $0xFFFFC180  }
.LBB2_15:
.Ltmp11:
0x31e: {  	(pc) =	sbr.rel @p3 .LBB2_23-.Ltmp11, $3  }
0x31f: {  	_ = 	snop  }
0x320: {  	s28 =	sld [smem:$0x7FB];
	_ =	sdelay $0x1  }
0x321: {  	s6 =	sld [smem:$0x7FC]  }
0x322: {  	s4 =	sld [smem:$0x7DF];
	_ =	sdelay $0x2  }
0x323: {  	p1 =	seq.s32 s4, $0x1  }
.Ltmp12:
0x324: {  	_ = 	snop;
	(pc) =	sbr.rel @!p1 .LBB2_27-.Ltmp12, $2  }
0x325: {  	_ =	sdelay $0x2  }
0x326: {  	s5 =	smov.u32 s9  }
0x327: {  	s5 =	sld [smem:$0x7DA];
	_ =	sdelay $0x1  }
0x328: {  	s4 =	rddreg [dreg:$0xe]  }
0x329: {  	[spmem:s5], [sflag:s26] =	dma.local [hbm:s4], $0x2710  }
0x32a: {  	_ =	swait.ge [sflag:s31], $0x2710  }
0x32b: {  	s26 =	sld [smem:$0x7E6]  }
0x32c: {  	s19 =	simm.s32 $0x8;
	[sflag:s31] =	ssyncset.done $0x0  }
0x32d: {  	s11 =	simm.s32 $0x10;
	s10 =	sld [smem:$0x7EE];
	[sflag:s31] =	ssyncadd.s32 $0xFFFFD8F0  }
0x32e: {  	[tilespmem:s17], [sflag:$0x1] =	stream.strided.gather [hbm4b:s26+s19], $0x3E80, s11, s19, $0x38;
	[tilespmem:$0x1E658] =	vst v63  }
0x32f: {  	s26 =	sld [smem:$0x7F6]  }
0x330: {  	s5 =	sadd.s32 $0x0, s10  }
0x331: {  	[tilespmem:s2], [sflag:$0x2] =	stream.strided.gather [hbm4b:s5+s19], $0x3E80, s11, s19, $0x38;
	[tilespmem:$0x1E658] =	vst v63  }
0x332: {  	s7 =	sadd.s32 $0xFFFFFF06, s26  }
0x333: {  	[tilespmem:s12], [sflag:$0x3] =	stream.linear.gather [hbm4b:s7+s3], $0x7D0, $0x38;
	[tilespmem:$0x1E658] =	vst v63  }
0x334: {  	_ =	swait.ge [sflag:s20], $0x7D0  }
0x335: {  	[sflag:s20] =	ssyncset.done $0x0  }
0x336: {  	[sflag:s20] =	ssyncadd.s32 $0xFFFFF830  }
0x337: {  	_ =	swait.ge [sflag:s30], $0x3E80  }
0x338: {  	[sflag:s30] =	ssyncset.done $0x0  }
0x339: {  	[sflag:s30] =	ssyncadd.s32 $0xFFFFC180  }
0x33a: {  	[spmem:s13] =	stream.indirect.scatter.add.f32 [tilespmem:s17], [sflag:$0x5], $0x8, s12, s21, $0xb8;
	[tilespmem:$0x1E658] =	vst v63  }
0x33b: {  	_ =	swait.ge [sflag:s31], $0x3E80  }
0x33c: {  	s15 =	sld [smem:$0x7EC];
	_ =	sdelay $0x2  }
0x33d: {  	[sflag:s31] =	ssyncset.done $0x0;
	s7 =	rddreg [dreg:$0xd];
	s23 =	sshrl.u32 s15, $0x3  }
0x33e: {  	[sflag:s31] =	ssyncadd.s32 $0xFFFFC180;
	s4 =	sadd.s32 s7, s23  }
0x33f: {  	[tilespmem:s17], [sflag:$0x1] =	stream.strided.gather [hbm4b:s4+s19], $0x3E80, s11, s19, $0x38;
	[tilespmem:$0x1E658] =	vst v63  }
0x340: {  	_ = 	snop  }
0x341: {  	[tilespmem:s16], [sflag:$0x4] =	stream.linear.gather [hbm4b:s26+s3], $0x7D0, $0x38;
	[tilespmem:$0x1E658] =	vst v63  }
0x342: {  	_ =	swait.ge [sflag:s24], $0x7D0  }
0x343: {  	[sflag:s24] =	ssyncset.done $0x0  }
0x344: {  	[sflag:s24] =	ssyncadd.s32 $0xFFFFF830  }
0x345: {  	_ =	swait.ge [sflag:s25], $0x3E80  }
0x346: {  	[sflag:s25] =	ssyncset.done $0x0  }
0x347: {  	[sflag:s25] =	ssyncadd.s32 $0xFFFFC180  }
0x348: {  	[spmem:s13] =	stream.indirect.scatter.add.f32 [tilespmem:s2], [sflag:$0x5], $0x8, s16, s21, $0xb8;
	[tilespmem:$0x1E658] =	vst v63  }
0x349: {  	s28 =	simm.s32 $0x3E80;
	s15 =	sadd.s32 $0xFA00, s15;
	_ =	swait.ge [sflag:s31], $0x3E80  }
0x34a: {  	s23 =	simm.s32 $0x1F40;
	s4 =	sadd.s32 $0x1F4, s26;
	[sflag:s31] =	ssyncset.done $0x0  }
.LBB2_18:
0x34b: {  	s5 =	sadd.s32 s23, s10  }
0x34c: {  	[sflag:s31] =	ssyncadd.s32 $0xFFFFC180;
	s23 =	smov.u32 s28;
	s26 =	sadd.s32 $0x1F40, s28  }
0x34d: {  	[tilespmem:s2], [sflag:$0x2] =	stream.strided.gather [hbm4b:s5+s19], $0x3E80, s11, s19, $0x38;
	[tilespmem:$0x1E658] =	vst v63  }
0x34e: {  	p1 =	sne.s32 s28, $0x23280;
	s5 =	sadd.s32 $0xFFFFFF06, s4  }
0x34f: {  	[tilespmem:s12], [sflag:$0x3] =	stream.linear.gather [hbm4b:s5+s3], $0x7D0, $0x38;
	[tilespmem:$0x1E658] =	vst v63  }
0x350: {  	_ =	swait.ge [sflag:s20], $0x7D0  }
0x351: {  	[sflag:s20] =	ssyncset.done $0x0  }
0x352: {  	[sflag:s20] =	ssyncadd.s32 $0xFFFFF830  }
0x353: {  	_ =	swait.ge [sflag:s30], $0x3E80  }
0x354: {  	[sflag:s30] =	ssyncset.done $0x0  }
0x355: {  	[sflag:s30] =	ssyncadd.s32 $0xFFFFC180  }
0x356: {  	[spmem:s13] =	stream.indirect.scatter.add.f32 [tilespmem:s17], [sflag:$0x5], $0x8, s12, s21, $0xb8;
	[tilespmem:$0x1E658] =	vst v63  }
0x357: {  	_ =	swait.ge [sflag:s31], $0x3E80  }
0x358: {  	s5 =	sshrl.u32 s15, $0x3;
	[sflag:s31] =	ssyncset.done $0x0  }
0x359: {  	s5 =	sadd.s32 s7, s5;
	[sflag:s31] =	ssyncadd.s32 $0xFFFFC180  }
0x35a: {  	[tilespmem:s17], [sflag:$0x1] =	stream.strided.gather [hbm4b:s5+s19], $0x3E80, s11, s19, $0x38;
	[tilespmem:$0x1E658] =	vst v63  }
0x35b: {  	_ = 	snop  }
0x35c: {  	[tilespmem:s16], [sflag:$0x4] =	stream.linear.gather [hbm4b:s4+s3], $0x7D0, $0x38;
	[tilespmem:$0x1E658] =	vst v63  }
0x35d: {  	_ =	swait.ge [sflag:s24], $0x7D0  }
0x35e: {  	[sflag:s24] =	ssyncset.done $0x0  }
0x35f: {  	[sflag:s24] =	ssyncadd.s32 $0xFFFFF830  }
0x360: {  	_ =	swait.ge [sflag:s25], $0x3E80  }
.Ltmp13:
0x361: {  	[sflag:s25] =	ssyncset.done $0x0;
	(pc) =	sbr.rel @p1 .LBB2_18-.Ltmp13, $4  }
0x362: {  	[sflag:s25] =	ssyncadd.s32 $0xFFFFC180  }
0x363: {  	[spmem:s13] =	stream.indirect.scatter.add.f32 [tilespmem:s2], [sflag:$0x5], $0x8, s16, s21, $0xb8;
	[tilespmem:$0x1E658] =	vst v63  }
0x364: {  	s28 =	smov.u32 s26;
	_ =	swait.ge [sflag:s31], $0x3E80  }
0x365: {  	s15 =	sadd.s32 $0xFA00, s15;
	s4 =	sadd.s32 $0x1F4, s4;
	[sflag:s31] =	ssyncset.done $0x0  }
0x366: {  	s5 =	sadd.s32 s23, s10;
	[sflag:s31] =	ssyncadd.s32 $0xFFFFC180  }
0x367: {  	[tilespmem:s2], [sflag:$0x2] =	stream.strided.gather [hbm4b:s5+s19], $0x3E80, s11, s19, $0x38;
	[tilespmem:$0x1E658] =	vst v63  }
0x368: {  	s23 =	sadd.s32 $0xFFFFFF06, s4  }
0x369: {  	[tilespmem:s12], [sflag:$0x3] =	stream.linear.gather [hbm4b:s23+s3], $0x7D0, $0x38;
	[tilespmem:$0x1E658] =	vst v63  }
0x36a: {  	_ =	swait.ge [sflag:s20], $0x7D0  }
0x36b: {  	[sflag:s20] =	ssyncset.done $0x0  }
0x36c: {  	[sflag:s20] =	ssyncadd.s32 $0xFFFFF830  }
0x36d: {  	_ =	swait.ge [sflag:s30], $0x3E80  }
0x36e: {  	[sflag:s30] =	ssyncset.done $0x0  }
0x36f: {  	[sflag:s30] =	ssyncadd.s32 $0xFFFFC180  }
0x370: {  	[spmem:s13] =	stream.indirect.scatter.add.f32 [tilespmem:s17], [sflag:$0x5], $0x8, s12, s21, $0xb8;
	[tilespmem:$0x1E658] =	vst v63  }
0x371: {  	_ =	swait.ge [sflag:s31], $0x3E80  }
0x372: {  	s26 =	sshrl.u32 s15, $0x3;
	[sflag:s31] =	ssyncset.done $0x0  }
0x373: {  	s5 =	sadd.s32 s7, s26;
	[sflag:s31] =	ssyncadd.s32 $0xFFFFC180  }
0x374: {  	[tilespmem:s17], [sflag:$0x1] =	stream.strided.gather [hbm4b:s5+s19], $0x3E80, s11, s19, $0x38;
	[tilespmem:$0x1E658] =	vst v63  }
0x375: {  	_ = 	snop  }
0x376: {  	[tilespmem:s16], [sflag:$0x4] =	stream.linear.gather [hbm4b:s4+s3], $0x7D0, $0x38;
	[tilespmem:$0x1E658] =	vst v63  }
0x377: {  	_ =	swait.ge [sflag:s24], $0x7D0  }
0x378: {  	[sflag:s24] =	ssyncset.done $0x0  }
0x379: {  	[sflag:s24] =	ssyncadd.s32 $0xFFFFF830  }
0x37a: {  	_ =	swait.ge [sflag:s25], $0x3E80  }
0x37b: {  	[sflag:s25] =	ssyncset.done $0x0  }
0x37c: {  	[sflag:s25] =	ssyncadd.s32 $0xFFFFC180  }
0x37d: {  	[spmem:s13] =	stream.indirect.scatter.add.f32 [tilespmem:s2], [sflag:$0x5], $0x8, s16, s21, $0xb8;
	[tilespmem:$0x1E658] =	vst v63  }
.Ltmp14:
0x37e: {  	_ =	swait.ge [sflag:s31], $0x3E80;
	(pc) =	sbr.rel .LBB2_26-.Ltmp14, $4  }
0x37f: {  	s19 =	sld [smem:$0x7FA]  }
0x380: {  	s10 =	simm.s32 $0x10;
	s28 =	sld [smem:$0x7FB]  }
0x381: {  	s23 =	smov.u32 s7;
	s7 =	simm.s32 $0x8;
	[sflag:s31] =	ssyncset.done $0x0  }
0x382: {  	s4 =	sld [smem:$0x7F5];
	[sflag:s31] =	ssyncadd.s32 $0xFFFFC180;
	s15 =	smov.u32 s19  }
.LBB2_20:
0x383: {  	s5 =	sld [smem:$0x7DA];
	_ =	sdelay $0x1  }
0x384: {  	s4 =	rddreg [dreg:$0xe]  }
0x385: {  	[spmem:s5], [sflag:s26] =	dma.local [hbm:s4], $0x2710  }
0x386: {  	_ =	swait.ge [sflag:s31], $0x2710  }
0x387: {  	s23 =	sld [smem:$0x7E7]  }
0x388: {  	[sflag:s31] =	ssyncset.done $0x0;
	s10 =	sld [smem:$0x7F1]  }
0x389: {  	s19 =	simm.s32 $0x8;
	s11 =	simm.s32 $0x10;
	[sflag:s31] =	ssyncadd.s32 $0xFFFFD8F0  }
0x38a: {  	[tilespmem:s17], [sflag:$0x1] =	stream.strided.gather [hbm4b:s23+s19], $0x3E80, s11, s19, $0x38;
	[tilespmem:$0x1E658] =	vst v63  }
0x38b: {  	s26 =	sadd.s32 $0x0, s10  }
0x38c: {  	[tilespmem:s2], [sflag:$0x2] =	stream.strided.gather [hbm4b:s26+s19], $0x3E80, s11, s19, $0x38;
	[tilespmem:$0x1E658] =	vst v63  }
0x38d: {  	s26 =	sld [smem:$0x7F9];
	_ =	sdelay $0x2  }
0x38e: {  	s5 =	sadd.s32 $0xFFFFFF06, s26  }
0x38f: {  	[tilespmem:s12], [sflag:$0x3] =	stream.linear.gather [hbm4b:s5+s3], $0x7D0, $0x38;
	[tilespmem:$0x1E658] =	vst v63  }
0x390: {  	_ =	swait.ge [sflag:s20], $0x7D0  }
0x391: {  	[sflag:s20] =	ssyncset.done $0x0  }
0x392: {  	[sflag:s20] =	ssyncadd.s32 $0xFFFFF830  }
0x393: {  	_ =	swait.ge [sflag:s30], $0x3E80  }
0x394: {  	[sflag:s30] =	ssyncset.done $0x0  }
0x395: {  	[sflag:s30] =	ssyncadd.s32 $0xFFFFC180  }
0x396: {  	[spmem:s13] =	stream.indirect.scatter.add.f32 [tilespmem:s17], [sflag:$0x5], $0x8, s12, s21, $0xb8;
	[tilespmem:$0x1E658] =	vst v63  }
0x397: {  	_ =	swait.ge [sflag:s31], $0x3E80  }
0x398: {  	s15 =	sld [smem:$0x7EC];
	_ =	sdelay $0x2  }
0x399: {  	[sflag:s31] =	ssyncset.done $0x0;
	s23 =	sshrl.u32 s15, $0x3  }
0x39a: {  	[sflag:s31] =	ssyncadd.s32 $0xFFFFC180;
	s4 =	sadd.s32 s7, s23  }
0x39b: {  	[tilespmem:s17], [sflag:$0x1] =	stream.strided.gather [hbm4b:s4+s19], $0x3E80, s11, s19, $0x38;
	[tilespmem:$0x1E658] =	vst v63  }
0x39c: {  	_ = 	snop  }
0x39d: {  	[tilespmem:s16], [sflag:$0x4] =	stream.linear.gather [hbm4b:s26+s3], $0x7D0, $0x38;
	[tilespmem:$0x1E658] =	vst v63  }
0x39e: {  	_ =	swait.ge [sflag:s24], $0x7D0  }
0x39f: {  	[sflag:s24] =	ssyncset.done $0x0  }
0x3a0: {  	[sflag:s24] =	ssyncadd.s32 $0xFFFFF830  }
0x3a1: {  	_ =	swait.ge [sflag:s25], $0x3E80  }
0x3a2: {  	[sflag:s25] =	ssyncset.done $0x0  }
0x3a3: {  	[sflag:s25] =	ssyncadd.s32 $0xFFFFC180  }
0x3a4: {  	[spmem:s13] =	stream.indirect.scatter.add.f32 [tilespmem:s2], [sflag:$0x5], $0x8, s16, s21, $0xb8;
	[tilespmem:$0x1E658] =	vst v63  }
0x3a5: {  	s28 =	simm.s32 $0x3E80;
	s15 =	sadd.s32 $0xFA00, s15;
	_ =	swait.ge [sflag:s31], $0x3E80  }
0x3a6: {  	s23 =	simm.s32 $0x1F40;
	s4 =	sadd.s32 $0x1F4, s26;
	[sflag:s31] =	ssyncset.done $0x0  }
.LBB2_21:
0x3a7: {  	s5 =	sadd.s32 s23, s10  }
0x3a8: {  	[sflag:s31] =	ssyncadd.s32 $0xFFFFC180;
	s23 =	smov.u32 s28;
	s26 =	sadd.s32 $0x1F40, s28  }
0x3a9: {  	[tilespmem:s2], [sflag:$0x2] =	stream.strided.gather [hbm4b:s5+s19], $0x3E80, s11, s19, $0x38;
	[tilespmem:$0x1E658] =	vst v63  }
0x3aa: {  	p1 =	seq.s32 s28, $0x23280;
	s5 =	sadd.s32 $0xFFFFFF06, s4  }
0x3ab: {  	[tilespmem:s12], [sflag:$0x3] =	stream.linear.gather [hbm4b:s5+s3], $0x7D0, $0x38;
	[tilespmem:$0x1E658] =	vst v63  }
0x3ac: {  	_ =	swait.ge [sflag:s20], $0x7D0  }
0x3ad: {  	[sflag:s20] =	ssyncset.done $0x0  }
0x3ae: {  	[sflag:s20] =	ssyncadd.s32 $0xFFFFF830  }
0x3af: {  	_ =	swait.ge [sflag:s30], $0x3E80  }
0x3b0: {  	[sflag:s30] =	ssyncset.done $0x0  }
0x3b1: {  	[sflag:s30] =	ssyncadd.s32 $0xFFFFC180  }
0x3b2: {  	[spmem:s13] =	stream.indirect.scatter.add.f32 [tilespmem:s17], [sflag:$0x5], $0x8, s12, s21, $0xb8;
	[tilespmem:$0x1E658] =	vst v63  }
0x3b3: {  	_ =	swait.ge [sflag:s31], $0x3E80  }
0x3b4: {  	s5 =	sshrl.u32 s15, $0x3;
	[sflag:s31] =	ssyncset.done $0x0  }
0x3b5: {  	s5 =	sadd.s32 s7, s5;
	[sflag:s31] =	ssyncadd.s32 $0xFFFFC180  }
0x3b6: {  	[tilespmem:s17], [sflag:$0x1] =	stream.strided.gather [hbm4b:s5+s19], $0x3E80, s11, s19, $0x38;
	[tilespmem:$0x1E658] =	vst v63  }
0x3b7: {  	_ = 	snop  }
0x3b8: {  	[tilespmem:s16], [sflag:$0x4] =	stream.linear.gather [hbm4b:s4+s3], $0x7D0, $0x38;
	[tilespmem:$0x1E658] =	vst v63  }
0x3b9: {  	_ =	swait.ge [sflag:s24], $0x7D0  }
0x3ba: {  	[sflag:s24] =	ssyncset.done $0x0  }
0x3bb: {  	[sflag:s24] =	ssyncadd.s32 $0xFFFFF830  }
0x3bc: {  	_ =	swait.ge [sflag:s25], $0x3E80  }
.Ltmp15:
0x3bd: {  	[sflag:s25] =	ssyncset.done $0x0;
	(pc) =	sbr.rel @!p1 .LBB2_21-.Ltmp15, $4  }
0x3be: {  	[sflag:s25] =	ssyncadd.s32 $0xFFFFC180  }
0x3bf: {  	[spmem:s13] =	stream.indirect.scatter.add.f32 [tilespmem:s2], [sflag:$0x5], $0x8, s16, s21, $0xb8;
	[tilespmem:$0x1E658] =	vst v63  }
0x3c0: {  	s28 =	smov.u32 s26;
	_ =	swait.ge [sflag:s31], $0x3E80  }
0x3c1: {  	s15 =	sadd.s32 $0xFA00, s15;
	s4 =	sadd.s32 $0x1F4, s4;
	[sflag:s31] =	ssyncset.done $0x0  }
0x3c2: {  	s5 =	sadd.s32 s23, s10;
	[sflag:s31] =	ssyncadd.s32 $0xFFFFC180  }
0x3c3: {  	[tilespmem:s2], [sflag:$0x2] =	stream.strided.gather [hbm4b:s5+s19], $0x3E80, s11, s19, $0x38;
	[tilespmem:$0x1E658] =	vst v63  }
0x3c4: {  	s23 =	sadd.s32 $0xFFFFFF06, s4  }
0x3c5: {  	[tilespmem:s12], [sflag:$0x3] =	stream.linear.gather [hbm4b:s23+s3], $0x7D0, $0x38;
	[tilespmem:$0x1E658] =	vst v63  }
0x3c6: {  	_ =	swait.ge [sflag:s20], $0x7D0  }
0x3c7: {  	[sflag:s20] =	ssyncset.done $0x0  }
0x3c8: {  	[sflag:s20] =	ssyncadd.s32 $0xFFFFF830  }
0x3c9: {  	_ =	swait.ge [sflag:s30], $0x3E80  }
0x3ca: {  	[sflag:s30] =	ssyncset.done $0x0  }
0x3cb: {  	[sflag:s30] =	ssyncadd.s32 $0xFFFFC180  }
0x3cc: {  	[spmem:s13] =	stream.indirect.scatter.add.f32 [tilespmem:s17], [sflag:$0x5], $0x8, s12, s21, $0xb8;
	[tilespmem:$0x1E658] =	vst v63  }
0x3cd: {  	_ =	swait.ge [sflag:s31], $0x3E80  }
0x3ce: {  	s26 =	sshrl.u32 s15, $0x3;
	[sflag:s31] =	ssyncset.done $0x0  }
0x3cf: {  	s5 =	sadd.s32 s7, s26;
	[sflag:s31] =	ssyncadd.s32 $0xFFFFC180  }
0x3d0: {  	[tilespmem:s17], [sflag:$0x1] =	stream.strided.gather [hbm4b:s5+s19], $0x3E80, s11, s19, $0x38;
	[tilespmem:$0x1E658] =	vst v63  }
0x3d1: {  	_ = 	snop  }
0x3d2: {  	[tilespmem:s16], [sflag:$0x4] =	stream.linear.gather [hbm4b:s4+s3], $0x7D0, $0x38;
	[tilespmem:$0x1E658] =	vst v63  }
0x3d3: {  	_ =	swait.ge [sflag:s24], $0x7D0  }
0x3d4: {  	[sflag:s24] =	ssyncset.done $0x0  }
0x3d5: {  	[sflag:s24] =	ssyncadd.s32 $0xFFFFF830  }
0x3d6: {  	_ =	swait.ge [sflag:s25], $0x3E80  }
0x3d7: {  	[sflag:s25] =	ssyncset.done $0x0  }
0x3d8: {  	[sflag:s25] =	ssyncadd.s32 $0xFFFFC180  }
0x3d9: {  	[spmem:s13] =	stream.indirect.scatter.add.f32 [tilespmem:s2], [sflag:$0x5], $0x8, s16, s21, $0xb8;
	[tilespmem:$0x1E658] =	vst v63  }
.Ltmp16:
0x3da: {  	_ = 	snop;
	(pc) =	sbr.rel .LBB2_26-.Ltmp16, $4  }
0x3db: {  	_ =	swait.ge [sflag:s31], $0x3E80  }
0x3dc: {  	s15 =	smov.u32 s6;
	s10 =	simm.s32 $0x10;
	s28 =	sld [smem:$0x7FB]  }
0x3dd: {  	s23 =	smov.u32 s7;
	[sflag:s31] =	ssyncset.done $0x0;
	s4 =	sld [smem:$0x7F4]  }
0x3de: {  	s7 =	simm.s32 $0x8;
	s19 =	sld [smem:$0x7FA];
	[sflag:s31] =	ssyncadd.s32 $0xFFFFC180  }
.LBB2_23:
0x3df: {  	s5 =	sld [smem:$0x7DA];
	_ =	sdelay $0x1  }
0x3e0: {  	s4 =	rddreg [dreg:$0xe]  }
0x3e1: {  	[spmem:s5], [sflag:s26] =	dma.local [hbm:s4], $0x2710  }
0x3e2: {  	_ =	swait.ge [sflag:s31], $0x2710  }
0x3e3: {  	s23 =	sld [smem:$0x7E5]  }
0x3e4: {  	[sflag:s31] =	ssyncset.done $0x0;
	s10 =	sld [smem:$0x7EF]  }
0x3e5: {  	s19 =	simm.s32 $0x8;
	s11 =	simm.s32 $0x10;
	[sflag:s31] =	ssyncadd.s32 $0xFFFFD8F0  }
0x3e6: {  	[tilespmem:s17], [sflag:$0x1] =	stream.strided.gather [hbm4b:s23+s19], $0x3E80, s11, s19, $0x38;
	[tilespmem:$0x1E658] =	vst v63  }
0x3e7: {  	s26 =	sadd.s32 $0x0, s10  }
0x3e8: {  	[tilespmem:s2], [sflag:$0x2] =	stream.strided.gather [hbm4b:s26+s19], $0x3E80, s11, s19, $0x38;
	[tilespmem:$0x1E658] =	vst v63  }
0x3e9: {  	s26 =	sld [smem:$0x7F7];
	_ =	sdelay $0x2  }
0x3ea: {  	s5 =	sadd.s32 $0xFFFFFF06, s26  }
0x3eb: {  	[tilespmem:s12], [sflag:$0x3] =	stream.linear.gather [hbm4b:s5+s3], $0x7D0, $0x38;
	[tilespmem:$0x1E658] =	vst v63  }
0x3ec: {  	_ =	swait.ge [sflag:s20], $0x7D0  }
0x3ed: {  	[sflag:s20] =	ssyncset.done $0x0  }
0x3ee: {  	[sflag:s20] =	ssyncadd.s32 $0xFFFFF830  }
0x3ef: {  	_ =	swait.ge [sflag:s30], $0x3E80  }
0x3f0: {  	[sflag:s30] =	ssyncset.done $0x0  }
0x3f1: {  	[sflag:s30] =	ssyncadd.s32 $0xFFFFC180  }
0x3f2: {  	[spmem:s13] =	stream.indirect.scatter.add.f32 [tilespmem:s17], [sflag:$0x5], $0x8, s12, s21, $0xb8;
	[tilespmem:$0x1E658] =	vst v63  }
0x3f3: {  	_ =	swait.ge [sflag:s31], $0x3E80  }
0x3f4: {  	s15 =	sld [smem:$0x7EC];
	_ =	sdelay $0x2  }
0x3f5: {  	[sflag:s31] =	ssyncset.done $0x0;
	s23 =	sshrl.u32 s15, $0x3  }
0x3f6: {  	[sflag:s31] =	ssyncadd.s32 $0xFFFFC180;
	s4 =	sadd.s32 s7, s23  }
0x3f7: {  	[tilespmem:s17], [sflag:$0x1] =	stream.strided.gather [hbm4b:s4+s19], $0x3E80, s11, s19, $0x38;
	[tilespmem:$0x1E658] =	vst v63  }
0x3f8: {  	_ = 	snop  }
0x3f9: {  	[tilespmem:s16], [sflag:$0x4] =	stream.linear.gather [hbm4b:s26+s3], $0x7D0, $0x38;
	[tilespmem:$0x1E658] =	vst v63  }
0x3fa: {  	_ =	swait.ge [sflag:s24], $0x7D0  }
0x3fb: {  	[sflag:s24] =	ssyncset.done $0x0  }
0x3fc: {  	[sflag:s24] =	ssyncadd.s32 $0xFFFFF830  }
0x3fd: {  	_ =	swait.ge [sflag:s25], $0x3E80  }
0x3fe: {  	[sflag:s25] =	ssyncset.done $0x0  }
0x3ff: {  	[sflag:s25] =	ssyncadd.s32 $0xFFFFC180  }
0x400: {  	[spmem:s13] =	stream.indirect.scatter.add.f32 [tilespmem:s2], [sflag:$0x5], $0x8, s16, s21, $0xb8;
	[tilespmem:$0x1E658] =	vst v63  }
0x401: {  	s28 =	simm.s32 $0x3E80;
	s15 =	sadd.s32 $0xFA00, s15;
	_ =	swait.ge [sflag:s31], $0x3E80  }
0x402: {  	s23 =	simm.s32 $0x1F40;
	s4 =	sadd.s32 $0x1F4, s26;
	[sflag:s31] =	ssyncset.done $0x0  }
.LBB2_24:
0x403: {  	s5 =	sadd.s32 s23, s10  }
0x404: {  	[sflag:s31] =	ssyncadd.s32 $0xFFFFC180;
	s23 =	smov.u32 s28;
	s26 =	sadd.s32 $0x1F40, s28  }
0x405: {  	[tilespmem:s2], [sflag:$0x2] =	stream.strided.gather [hbm4b:s5+s19], $0x3E80, s11, s19, $0x38;
	[tilespmem:$0x1E658] =	vst v63  }
0x406: {  	p1 =	seq.s32 s28, $0x23280;
	s5 =	sadd.s32 $0xFFFFFF06, s4  }
0x407: {  	[tilespmem:s12], [sflag:$0x3] =	stream.linear.gather [hbm4b:s5+s3], $0x7D0, $0x38;
	[tilespmem:$0x1E658] =	vst v63  }
0x408: {  	_ =	swait.ge [sflag:s20], $0x7D0  }
0x409: {  	[sflag:s20] =	ssyncset.done $0x0  }
0x40a: {  	[sflag:s20] =	ssyncadd.s32 $0xFFFFF830  }
0x40b: {  	_ =	swait.ge [sflag:s30], $0x3E80  }
0x40c: {  	[sflag:s30] =	ssyncset.done $0x0  }
0x40d: {  	[sflag:s30] =	ssyncadd.s32 $0xFFFFC180  }
0x40e: {  	[spmem:s13] =	stream.indirect.scatter.add.f32 [tilespmem:s17], [sflag:$0x5], $0x8, s12, s21, $0xb8;
	[tilespmem:$0x1E658] =	vst v63  }
0x40f: {  	_ =	swait.ge [sflag:s31], $0x3E80  }
0x410: {  	s5 =	sshrl.u32 s15, $0x3;
	[sflag:s31] =	ssyncset.done $0x0  }
0x411: {  	s5 =	sadd.s32 s7, s5;
	[sflag:s31] =	ssyncadd.s32 $0xFFFFC180  }
0x412: {  	[tilespmem:s17], [sflag:$0x1] =	stream.strided.gather [hbm4b:s5+s19], $0x3E80, s11, s19, $0x38;
	[tilespmem:$0x1E658] =	vst v63  }
0x413: {  	_ = 	snop  }
0x414: {  	[tilespmem:s16], [sflag:$0x4] =	stream.linear.gather [hbm4b:s4+s3], $0x7D0, $0x38;
	[tilespmem:$0x1E658] =	vst v63  }
0x415: {  	_ =	swait.ge [sflag:s24], $0x7D0  }
0x416: {  	[sflag:s24] =	ssyncset.done $0x0  }
0x417: {  	[sflag:s24] =	ssyncadd.s32 $0xFFFFF830  }
0x418: {  	_ =	swait.ge [sflag:s25], $0x3E80  }
.Ltmp17:
0x419: {  	[sflag:s25] =	ssyncset.done $0x0;
	(pc) =	sbr.rel @!p1 .LBB2_24-.Ltmp17, $4  }
0x41a: {  	[sflag:s25] =	ssyncadd.s32 $0xFFFFC180  }
0x41b: {  	[spmem:s13] =	stream.indirect.scatter.add.f32 [tilespmem:s2], [sflag:$0x5], $0x8, s16, s21, $0xb8;
	[tilespmem:$0x1E658] =	vst v63  }
0x41c: {  	s28 =	smov.u32 s26;
	_ =	swait.ge [sflag:s31], $0x3E80  }
0x41d: {  	s15 =	sadd.s32 $0xFA00, s15;
	s4 =	sadd.s32 $0x1F4, s4;
	[sflag:s31] =	ssyncset.done $0x0  }
0x41e: {  	s5 =	sadd.s32 s23, s10;
	[sflag:s31] =	ssyncadd.s32 $0xFFFFC180  }
0x41f: {  	[tilespmem:s2], [sflag:$0x2] =	stream.strided.gather [hbm4b:s5+s19], $0x3E80, s11, s19, $0x38;
	[tilespmem:$0x1E658] =	vst v63  }
0x420: {  	s23 =	sadd.s32 $0xFFFFFF06, s4  }
0x421: {  	[tilespmem:s12], [sflag:$0x3] =	stream.linear.gather [hbm4b:s23+s3], $0x7D0, $0x38;
	[tilespmem:$0x1E658] =	vst v63  }
0x422: {  	_ =	swait.ge [sflag:s20], $0x7D0  }
0x423: {  	[sflag:s20] =	ssyncset.done $0x0  }
0x424: {  	[sflag:s20] =	ssyncadd.s32 $0xFFFFF830  }
0x425: {  	_ =	swait.ge [sflag:s30], $0x3E80  }
0x426: {  	[sflag:s30] =	ssyncset.done $0x0  }
0x427: {  	[sflag:s30] =	ssyncadd.s32 $0xFFFFC180  }
0x428: {  	[spmem:s13] =	stream.indirect.scatter.add.f32 [tilespmem:s17], [sflag:$0x5], $0x8, s12, s21, $0xb8;
	[tilespmem:$0x1E658] =	vst v63  }
0x429: {  	_ =	swait.ge [sflag:s31], $0x3E80  }
0x42a: {  	s26 =	sshrl.u32 s15, $0x3;
	[sflag:s31] =	ssyncset.done $0x0  }
0x42b: {  	s5 =	sadd.s32 s7, s26;
	[sflag:s31] =	ssyncadd.s32 $0xFFFFC180  }
0x42c: {  	[tilespmem:s17], [sflag:$0x1] =	stream.strided.gather [hbm4b:s5+s19], $0x3E80, s11, s19, $0x38;
	[tilespmem:$0x1E658] =	vst v63  }
0x42d: {  	_ = 	snop  }
0x42e: {  	[tilespmem:s16], [sflag:$0x4] =	stream.linear.gather [hbm4b:s4+s3], $0x7D0, $0x38;
	[tilespmem:$0x1E658] =	vst v63  }
0x42f: {  	_ =	swait.ge [sflag:s24], $0x7D0  }
0x430: {  	[sflag:s24] =	ssyncset.done $0x0  }
0x431: {  	[sflag:s24] =	ssyncadd.s32 $0xFFFFF830  }
0x432: {  	_ =	swait.ge [sflag:s25], $0x3E80  }
0x433: {  	[sflag:s25] =	ssyncset.done $0x0  }
0x434: {  	[sflag:s25] =	ssyncadd.s32 $0xFFFFC180  }
0x435: {  	[spmem:s13] =	stream.indirect.scatter.add.f32 [tilespmem:s2], [sflag:$0x5], $0x8, s16, s21, $0xb8;
	[tilespmem:$0x1E658] =	vst v63  }
0x436: {  	_ =	swait.ge [sflag:s31], $0x3E80  }
0x437: {  	s15 =	sld [smem:$0x7ED]  }
0x438: {  	s10 =	simm.s32 $0x10;
	s28 =	sld [smem:$0x7FB]  }
0x439: {  	s23 =	smov.u32 s7;
	[sflag:s31] =	ssyncset.done $0x0;
	s4 =	sld [smem:$0x7F3]  }
0x43a: {  	s7 =	simm.s32 $0x8;
	s19 =	sld [smem:$0x7FA];
	[sflag:s31] =	ssyncadd.s32 $0xFFFFC180  }
.LBB2_26:
0x43b: {  	s5 =	sld [smem:$0x7E1];
	_ =	sdelay $0x2  }
0x43c: {  	s5 =	sadd.s32 s23, s5  }
0x43d: {  	[tilespmem:s2], [sflag:$0x2] =	stream.strided.gather [hbm4b:s5+s7], $0x3E80, s10, s7, $0x38;
	[tilespmem:$0x1E658] =	vst v63  }
0x43e: {  	s7 =	sld [smem:$0x7E2];
	_ =	sdelay $0x2  }
0x43f: {  	s5 =	sadd.s32 s15, s7  }
0x440: {  	[tilespmem:s12], [sflag:$0x3] =	stream.linear.gather [hbm4b:s5+s3], $0x7D0, $0x38;
	[tilespmem:$0x1E658] =	vst v63  }
0x441: {  	_ =	swait.ge [sflag:s20], $0x7D0  }
0x442: {  	[sflag:s20] =	ssyncset.done $0x0  }
0x443: {  	[sflag:s20] =	ssyncadd.s32 $0xFFFFF830  }
0x444: {  	_ =	swait.ge [sflag:s30], $0x3E80  }
0x445: {  	[sflag:s30] =	ssyncset.done $0x0  }
0x446: {  	[sflag:s30] =	ssyncadd.s32 $0xFFFFC180  }
0x447: {  	[spmem:s13] =	stream.indirect.scatter.add.f32 [tilespmem:s17], [sflag:$0x5], $0x8, s12, s21, $0xb8;
	[tilespmem:$0x1E658] =	vst v63  }
0x448: {  	_ =	swait.ge [sflag:s31], $0x3E80  }
0x449: {  	s10 =	sld [smem:$0x7E3];
	_ =	sdelay $0x1  }
0x44a: {  	[sflag:s31] =	ssyncset.done $0x0  }
0x44b: {  	[sflag:s31] =	ssyncadd.s32 $0xFFFFC180;
	s5 =	sadd.s32 s15, s10  }
0x44c: {  	[tilespmem:s16], [sflag:$0x4] =	stream.linear.gather [hbm4b:s5+s3], $0x7D0, $0x38;
	[tilespmem:$0x1E658] =	vst v63  }
0x44d: {  	_ =	swait.ge [sflag:s24], $0x7D0  }
0x44e: {  	[sflag:s24] =	ssyncset.done $0x0  }
0x44f: {  	[sflag:s24] =	ssyncadd.s32 $0xFFFFF830  }
0x450: {  	_ =	swait.ge [sflag:s25], $0x3E80  }
0x451: {  	[sflag:s25] =	ssyncset.done $0x0  }
0x452: {  	[sflag:s25] =	ssyncadd.s32 $0xFFFFC180  }
0x453: {  	[spmem:s13] =	stream.indirect.scatter.add.f32 [tilespmem:s2], [sflag:$0x5], $0x8, s16, s21, $0xb8;
	[tilespmem:$0x1E658] =	vst v63  }
0x454: {  	s11 =	rddreg [dreg:$0xb];
	_ =	swait.ge [sflag:s31], $0x3E80  }
0x455: {  	s4 =	sor.u32 s4, s11;
	s23 =	sld [smem:$0x7DA]  }
0x456: {  	s4 =	sshrl.u32 s4, $0x3;
	[sflag:s31] =	ssyncset.done $0x0;
	s15 =	rddreg [dreg:$0x10]  }
0x457: {  	s26 =	rddreg [dreg:$0xc];
	s4 =	sadd.s32 s15, s4;
	[sflag:s31] =	ssyncadd.s32 $0xFFFFC180  }
0x458: {  	[hbm:s4@s25], [sflag:s26] =	dma.strided [spmem:s23@s30], $0x2710, s30, $0x1   }
0x459: {  	_ =	swait.ge [sflag:s31], $0x2710  }
0x45a: {  	[sflag:s31] =	ssyncset.done $0x0  }
0x45b: {  	s5 =	smov.u32 s9;
	[sflag:s31] =	ssyncadd.s32 $0xFFFFD8F0  }
.LBB2_27:
.Ltmp18:
0x45c: {  	(pc) =	sbr.rel @!p5 .LBB2_33-.Ltmp18, $3  }
0x45d: {  	_ =	sdelay $0x1  }
0x45e: {  	s15 =	sshrl.u32 s29, $0x3  }
0x45f: {  	s7 =	rddreg [dreg:$0x7];
	s11 =	smov.u32 s15  }
0x460: {  	s4 =	rddreg [dreg:$0xf]  }
0x461: {  	[spmem:s15], [sflag:s26] =	dma.local [hbm:s4], $0x4E2  }
0x462: {  	_ =	swait.ge [sflag:s31], $0x4E2  }
0x463: {  	[sflag:s31] =	ssyncset.done $0x0  }
0x464: {  	s4 =	simm.s32 $0x1DEC8;
	[sflag:s31] =	ssyncadd.s32 $0xFFFFFB1E  }
0x465: {  	[tilespmem:s4+$0xFFFFFFC0] =	vst v0  }
0x466: {  	[tilespmem:s4+$0x30] =	vst v0  }
0x467: {  	[tilespmem:s4+$0x20] =	vst v0  }
0x468: {  	[tilespmem:s4+$0x10] =	vst v0  }
0x469: {  	[tilespmem:s4+$0x0] =	vst v0  }
0x46a: {  	[tilespmem:s4+$0xFFFFFFF0] =	vst v0  }
0x46b: {  	s15 =	simm.s32 $0x0;
	[tilespmem:s4+$0xFFFFFFE0] =	vst v0  }
.LBB2_29:
0x46c: {  	s15 =	sadd.s32 $0x8, s15;
	[tilespmem:s4+$0xFFFFFFD0] =	vst v0;
	s4 =	sadd.s32 $0x80, s4  }
0x46d: {  	[tilespmem:s4+$0xFFFFFFC0] =	vst v0;
	p1 =	slt.u32 s15, $0x70  }
0x46e: {  	[tilespmem:s4+$0x30] =	vst v0  }
.Ltmp19:
0x46f: {  	[tilespmem:s4+$0x20] =	vst v0;
	(pc) =	sbr.rel @p1 .LBB2_29-.Ltmp19, $4  }
0x470: {  	[tilespmem:s4+$0x10] =	vst v0  }
0x471: {  	[tilespmem:s4+$0x0] =	vst v0  }
0x472: {  	[tilespmem:s4+$0xFFFFFFF0] =	vst v0  }
0x473: {  	[tilespmem:s4+$0xFFFFFFE0] =	vst v0  }
0x474: {  	[tilespmem:s4+$0xFFFFFFD0] =	vst v0  }
0x475: {  	[tilespmem:$0x1E608] =	vst v0  }
0x476: {  	[tilespmem:$0x1E618] =	vst v0  }
0x477: {  	[tilespmem:$0x1E628] =	vst v0  }
0x478: {  	[tilespmem:$0x1E638] =	vst v0  }
0x479: {  	s23 =	sadd.s32 $0x0, s8;
	[tilespmem:$0x1E648] =	vst v0  }
0x47a: {  	[tilespmem:s12], [sflag:$0x5] =	stream.linear.gather [hbm4b:s23+s3], $0x7D0, $0x38;
	[tilespmem:$0x1E658] =	vst v63  }
0x47b: {  	_ =	swait.ge [sflag:s31], $0x7D0  }
0x47c: {  	[sflag:s31] =	ssyncset.done $0x0  }
0x47d: {  	[sflag:s31] =	ssyncadd.s32 $0xFFFFF830  }
0x47e: {  	[spmem:s29] =	stream.indirect.scatter.add.f32 [tilespmem:s0], [sflag:$0x5], $0x1, s12, s21, $0xb8;
	[tilespmem:$0x1E658] =	vst v63  }
0x47f: {  	_ =	swait.ge [sflag:s31], $0x7D0  }
0x480: {  	s4 =	simm.s32 $0xFA;
	s15 =	simm.s32 $0x1F4;
	[sflag:s31] =	ssyncset.done $0x0  }
.LBB2_31:
0x481: {  	s5 =	sadd.s32 s4, s8  }
0x482: {  	[sflag:s31] =	ssyncadd.s32 $0xFFFFF830;
	s4 =	smov.u32 s15;
	s23 =	sadd.s32 $0xFA, s15  }
0x483: {  	[tilespmem:s12], [sflag:$0x5] =	stream.linear.gather [hbm4b:s5+s3], $0x7D0, $0x38;
	[tilespmem:$0x1E658] =	vst v63  }
0x484: {  	p1 =	sne.s32 s15, $0x2616;
	_ =	swait.ge [sflag:s31], $0x7D0  }
.Ltmp20:
0x485: {  	[sflag:s31] =	ssyncset.done $0x0;
	(pc) =	sbr.rel @p1 .LBB2_31-.Ltmp20, $4  }
0x486: {  	[sflag:s31] =	ssyncadd.s32 $0xFFFFF830  }
0x487: {  	[spmem:s29] =	stream.indirect.scatter.add.f32 [tilespmem:s0], [sflag:$0x5], $0x1, s12, s21, $0xb8;
	[tilespmem:$0x1E658] =	vst v63  }
0x488: {  	_ =	swait.ge [sflag:s31], $0x7D0  }
0x489: {  	s15 =	smov.u32 s23;
	[sflag:s31] =	ssyncset.done $0x0  }
0x48a: {  	s4 =	sadd.s32 s4, s8;
	[sflag:s31] =	ssyncadd.s32 $0xFFFFF830  }
0x48b: {  	[tilespmem:s12], [sflag:$0x5] =	stream.linear.gather [hbm4b:s4+s3], $0x7D0, $0x38;
	[tilespmem:$0x1E658] =	vst v63  }
0x48c: {  	_ =	swait.ge [sflag:s31], $0x7D0  }
0x48d: {  	[sflag:s31] =	ssyncset.done $0x0  }
0x48e: {  	[sflag:s31] =	ssyncadd.s32 $0xFFFFF830  }
0x48f: {  	[spmem:s29] =	stream.indirect.scatter.add.f32 [tilespmem:s0], [sflag:$0x5], $0x1, s12, s21, $0xb8;
	[tilespmem:$0x1E658] =	vst v63  }
0x490: {  	_ =	swait.ge [sflag:s31], $0x7D0  }
0x491: {  	[sflag:s31] =	ssyncset.done $0x0  }
0x492: {  	s23 =	rddreg [dreg:$0xa];
	[sflag:s31] =	ssyncadd.s32 $0xFFFFF830  }
0x493: {  	[hbm:s23], [sflag:s26] =	dma.local [spmem:s11], $0x4E2  }
0x494: {  	_ =	swait.ge [sflag:s31], $0x4E2  }
0x495: {  	[sflag:s31] =	ssyncset.done $0x0  }
0x496: {  	s15 =	smov.u32 s11;
	s5 =	smov.u32 s9;
	[sflag:s31] =	ssyncadd.s32 $0xFFFFFB1E  }
.LBB2_33:
.Ltmp21:
0x497: {  	(pc) =	sbr.rel @!p6 .LBB2_39-.Ltmp21, $1  }
0x498: {  	_ =	sdelay $0x3  }
0x499: {  	s4 =	rddreg [dreg:$0xf]  }
0x49a: {  	[spmem:s15], [sflag:s26] =	dma.local [hbm:s4], $0x4E2  }
0x49b: {  	_ =	swait.ge [sflag:s31], $0x4E2  }
0x49c: {  	[sflag:s31] =	ssyncset.done $0x0  }
0x49d: {  	s4 =	simm.s32 $0x1DEC8;
	[sflag:s31] =	ssyncadd.s32 $0xFFFFFB1E  }
0x49e: {  	[tilespmem:s4+$0xFFFFFFC0] =	vst v0  }
0x49f: {  	[tilespmem:s4+$0x30] =	vst v0  }
0x4a0: {  	[tilespmem:s4+$0x20] =	vst v0  }
0x4a1: {  	[tilespmem:s4+$0x10] =	vst v0  }
0x4a2: {  	[tilespmem:s4+$0x0] =	vst v0  }
0x4a3: {  	[tilespmem:s4+$0xFFFFFFF0] =	vst v0  }
0x4a4: {  	s15 =	simm.s32 $0x0;
	[tilespmem:s4+$0xFFFFFFE0] =	vst v0  }
.LBB2_35:
0x4a5: {  	s15 =	sadd.s32 $0x8, s15;
	[tilespmem:s4+$0xFFFFFFD0] =	vst v0;
	s4 =	sadd.s32 $0x80, s4  }
0x4a6: {  	[tilespmem:s4+$0xFFFFFFC0] =	vst v0;
	p1 =	slt.u32 s15, $0x70  }
0x4a7: {  	[tilespmem:s4+$0x30] =	vst v0  }
.Ltmp22:
0x4a8: {  	[tilespmem:s4+$0x20] =	vst v0;
	(pc) =	sbr.rel @p1 .LBB2_35-.Ltmp22, $4  }
0x4a9: {  	[tilespmem:s4+$0x10] =	vst v0  }
0x4aa: {  	[tilespmem:s4+$0x0] =	vst v0  }
0x4ab: {  	[tilespmem:s4+$0xFFFFFFF0] =	vst v0  }
0x4ac: {  	[tilespmem:s4+$0xFFFFFFE0] =	vst v0  }
0x4ad: {  	[tilespmem:s4+$0xFFFFFFD0] =	vst v0  }
0x4ae: {  	[tilespmem:$0x1E608] =	vst v0  }
0x4af: {  	[tilespmem:$0x1E618] =	vst v0  }
0x4b0: {  	[tilespmem:$0x1E628] =	vst v0  }
0x4b1: {  	s23 =	rddreg [dreg:$0x6];
	[tilespmem:$0x1E638] =	vst v0  }
0x4b2: {  	[tilespmem:$0x1E648] =	vst v0;
	s4 =	sadd.s32 $0x0, s23  }
0x4b3: {  	[tilespmem:s12], [sflag:$0x5] =	stream.linear.gather [hbm4b:s4+s3], $0x7D0, $0x38;
	[tilespmem:$0x1E658] =	vst v63  }
0x4b4: {  	_ =	swait.ge [sflag:s31], $0x7D0  }
0x4b5: {  	[sflag:s31] =	ssyncset.done $0x0  }
0x4b6: {  	[sflag:s31] =	ssyncadd.s32 $0xFFFFF830  }
0x4b7: {  	[spmem:s29] =	stream.indirect.scatter.add.f32 [tilespmem:s0], [sflag:$0x5], $0x1, s12, s21, $0xb8;
	[tilespmem:$0x1E658] =	vst v63  }
0x4b8: {  	_ =	swait.ge [sflag:s31], $0x7D0  }
0x4b9: {  	s15 =	simm.s32 $0x1F4;
	s4 =	simm.s32 $0xFA;
	[sflag:s31] =	ssyncset.done $0x0  }
.LBB2_37:
0x4ba: {  	s5 =	rddreg [dreg:$0x6]  }
0x4bb: {  	[sflag:s31] =	ssyncadd.s32 $0xFFFFF830;
	s5 =	sadd.s32 s4, s5  }
0x4bc: {  	[tilespmem:s12], [sflag:$0x5] =	stream.linear.gather [hbm4b:s5+s3], $0x7D0, $0x38;
	[tilespmem:$0x1E658] =	vst v63  }
0x4bd: {  	p1 =	sne.s32 s15, $0x2616;
	s5 =	rddreg [dreg:$0x6];
	_ =	swait.ge [sflag:s31], $0x7D0  }
.Ltmp23:
0x4be: {  	[sflag:s31] =	ssyncset.done $0x0;
	(pc) =	sbr.rel @p1 .LBB2_37-.Ltmp23, $4  }
0x4bf: {  	[sflag:s31] =	ssyncadd.s32 $0xFFFFF830  }
0x4c0: {  	[spmem:s29] =	stream.indirect.scatter.add.f32 [tilespmem:s0], [sflag:$0x5], $0x1, s12, s21, $0xb8;
	[tilespmem:$0x1E658] =	vst v63  }
0x4c1: {  	s23 =	sadd.s32 $0xFA, s15;
	_ =	swait.ge [sflag:s31], $0x7D0  }
0x4c2: {  	s4 =	smov.u32 s15;
	s15 =	smov.u32 s23;
	[sflag:s31] =	ssyncset.done $0x0  }
0x4c3: {  	s4 =	sadd.s32 s4, s5;
	[sflag:s31] =	ssyncadd.s32 $0xFFFFF830  }
0x4c4: {  	[tilespmem:s12], [sflag:$0x5] =	stream.linear.gather [hbm4b:s4+s3], $0x7D0, $0x38;
	[tilespmem:$0x1E658] =	vst v63  }
0x4c5: {  	_ =	swait.ge [sflag:s31], $0x7D0  }
0x4c6: {  	[sflag:s31] =	ssyncset.done $0x0  }
0x4c7: {  	[sflag:s31] =	ssyncadd.s32 $0xFFFFF830  }
0x4c8: {  	[spmem:s29] =	stream.indirect.scatter.add.f32 [tilespmem:s0], [sflag:$0x5], $0x1, s12, s21, $0xb8;
	[tilespmem:$0x1E658] =	vst v63  }
0x4c9: {  	_ =	swait.ge [sflag:s31], $0x7D0  }
0x4ca: {  	s23 =	sld [smem:$0x7E8]  }
0x4cb: {  	[sflag:s31] =	ssyncset.done $0x0  }
0x4cc: {  	[sflag:s31] =	ssyncadd.s32 $0xFFFFF830  }
0x4cd: {  	[hbm:s23], [sflag:s26] =	dma.local [spmem:s11], $0x4E2  }
0x4ce: {  	_ =	swait.ge [sflag:s31], $0x4E2  }
0x4cf: {  	[sflag:s31] =	ssyncset.done $0x0  }
0x4d0: {  	s15 =	smov.u32 s11;
	s5 =	smov.u32 s9;
	[sflag:s31] =	ssyncadd.s32 $0xFFFFFB1E  }
.LBB2_39:
.Ltmp24:
0x4d1: {  	(pc) =	sbr.rel @!p2 .LBB2_45-.Ltmp24, $1  }
0x4d2: {  	_ =	sdelay $0x3  }
0x4d3: {  	s4 =	rddreg [dreg:$0xf]  }
0x4d4: {  	[spmem:s15], [sflag:s26] =	dma.local [hbm:s4], $0x4E2  }
0x4d5: {  	_ =	swait.ge [sflag:s31], $0x4E2  }
0x4d6: {  	[sflag:s31] =	ssyncset.done $0x0  }
0x4d7: {  	s4 =	simm.s32 $0x1DEC8;
	[sflag:s31] =	ssyncadd.s32 $0xFFFFFB1E  }
0x4d8: {  	[tilespmem:s4+$0xFFFFFFC0] =	vst v0  }
0x4d9: {  	[tilespmem:s4+$0x30] =	vst v0  }
0x4da: {  	[tilespmem:s4+$0x20] =	vst v0  }
0x4db: {  	[tilespmem:s4+$0x10] =	vst v0  }
0x4dc: {  	[tilespmem:s4+$0x0] =	vst v0  }
0x4dd: {  	[tilespmem:s4+$0xFFFFFFF0] =	vst v0  }
0x4de: {  	s15 =	simm.s32 $0x0;
	[tilespmem:s4+$0xFFFFFFE0] =	vst v0  }
.LBB2_41:
0x4df: {  	s15 =	sadd.s32 $0x8, s15;
	[tilespmem:s4+$0xFFFFFFD0] =	vst v0;
	s4 =	sadd.s32 $0x80, s4  }
0x4e0: {  	[tilespmem:s4+$0xFFFFFFC0] =	vst v0;
	p1 =	slt.u32 s15, $0x70  }
0x4e1: {  	[tilespmem:s4+$0x30] =	vst v0  }
.Ltmp25:
0x4e2: {  	[tilespmem:s4+$0x20] =	vst v0;
	(pc) =	sbr.rel @p1 .LBB2_41-.Ltmp25, $4  }
0x4e3: {  	[tilespmem:s4+$0x10] =	vst v0  }
0x4e4: {  	[tilespmem:s4+$0x0] =	vst v0  }
0x4e5: {  	[tilespmem:s4+$0xFFFFFFF0] =	vst v0  }
0x4e6: {  	[tilespmem:s4+$0xFFFFFFE0] =	vst v0  }
0x4e7: {  	[tilespmem:s4+$0xFFFFFFD0] =	vst v0  }
0x4e8: {  	[tilespmem:$0x1E608] =	vst v0  }
0x4e9: {  	[tilespmem:$0x1E618] =	vst v0  }
0x4ea: {  	[tilespmem:$0x1E628] =	vst v0  }
0x4eb: {  	[tilespmem:$0x1E638] =	vst v0  }
0x4ec: {  	s23 =	sadd.s32 $0x0, s5;
	[tilespmem:$0x1E648] =	vst v0  }
0x4ed: {  	[tilespmem:s12], [sflag:$0x5] =	stream.linear.gather [hbm4b:s23+s3], $0x7D0, $0x38;
	[tilespmem:$0x1E658] =	vst v63  }
0x4ee: {  	_ =	swait.ge [sflag:s31], $0x7D0  }
0x4ef: {  	[sflag:s31] =	ssyncset.done $0x0  }
0x4f0: {  	[sflag:s31] =	ssyncadd.s32 $0xFFFFF830  }
0x4f1: {  	[spmem:s29] =	stream.indirect.scatter.add.f32 [tilespmem:s0], [sflag:$0x5], $0x1, s12, s21, $0xb8;
	[tilespmem:$0x1E658] =	vst v63  }
0x4f2: {  	_ =	swait.ge [sflag:s31], $0x7D0  }
0x4f3: {  	s4 =	simm.s32 $0xFA;
	s15 =	simm.s32 $0x1F4;
	[sflag:s31] =	ssyncset.done $0x0  }
.LBB2_43:
0x4f4: {  	s5 =	sadd.s32 s4, s9  }
0x4f5: {  	[sflag:s31] =	ssyncadd.s32 $0xFFFFF830;
	s4 =	smov.u32 s15;
	s23 =	sadd.s32 $0xFA, s15  }
0x4f6: {  	[tilespmem:s12], [sflag:$0x5] =	stream.linear.gather [hbm4b:s5+s3], $0x7D0, $0x38;
	[tilespmem:$0x1E658] =	vst v63  }
0x4f7: {  	p1 =	sne.s32 s15, $0x2616;
	_ =	swait.ge [sflag:s31], $0x7D0  }
.Ltmp26:
0x4f8: {  	[sflag:s31] =	ssyncset.done $0x0;
	(pc) =	sbr.rel @p1 .LBB2_43-.Ltmp26, $4  }
0x4f9: {  	[sflag:s31] =	ssyncadd.s32 $0xFFFFF830  }
0x4fa: {  	[spmem:s29] =	stream.indirect.scatter.add.f32 [tilespmem:s0], [sflag:$0x5], $0x1, s12, s21, $0xb8;
	[tilespmem:$0x1E658] =	vst v63  }
0x4fb: {  	_ =	swait.ge [sflag:s31], $0x7D0  }
0x4fc: {  	s15 =	smov.u32 s23;
	[sflag:s31] =	ssyncset.done $0x0  }
0x4fd: {  	s4 =	sadd.s32 s4, s9;
	[sflag:s31] =	ssyncadd.s32 $0xFFFFF830  }
0x4fe: {  	[tilespmem:s12], [sflag:$0x5] =	stream.linear.gather [hbm4b:s4+s3], $0x7D0, $0x38;
	[tilespmem:$0x1E658] =	vst v63  }
0x4ff: {  	_ =	swait.ge [sflag:s31], $0x7D0  }
0x500: {  	[sflag:s31] =	ssyncset.done $0x0  }
0x501: {  	[sflag:s31] =	ssyncadd.s32 $0xFFFFF830  }
0x502: {  	[spmem:s29] =	stream.indirect.scatter.add.f32 [tilespmem:s0], [sflag:$0x5], $0x1, s12, s21, $0xb8;
	[tilespmem:$0x1E658] =	vst v63  }
0x503: {  	_ =	swait.ge [sflag:s31], $0x7D0  }
0x504: {  	s23 =	sld [smem:$0x7E9]  }
0x505: {  	[sflag:s31] =	ssyncset.done $0x0  }
0x506: {  	[sflag:s31] =	ssyncadd.s32 $0xFFFFF830  }
0x507: {  	[hbm:s23], [sflag:s26] =	dma.local [spmem:s11], $0x4E2  }
0x508: {  	_ =	swait.ge [sflag:s31], $0x4E2  }
0x509: {  	[sflag:s31] =	ssyncset.done $0x0  }
0x50a: {  	s5 =	smov.u32 s9;
	s15 =	smov.u32 s11;
	[sflag:s31] =	ssyncadd.s32 $0xFFFFFB1E  }
.LBB2_45:
.Ltmp27:
0x50b: {  	(pc) =	sbr.rel @!p4 .LBB2_51-.Ltmp27, $1  }
0x50c: {  	_ =	sdelay $0x3  }
0x50d: {  	s4 =	rddreg [dreg:$0xf]  }
0x50e: {  	[spmem:s15], [sflag:s26] =	dma.local [hbm:s4], $0x4E2  }
0x50f: {  	_ =	swait.ge [sflag:s31], $0x4E2  }
0x510: {  	[sflag:s31] =	ssyncset.done $0x0  }
0x511: {  	s4 =	simm.s32 $0x1DEC8;
	[sflag:s31] =	ssyncadd.s32 $0xFFFFFB1E  }
0x512: {  	[tilespmem:s4+$0xFFFFFFC0] =	vst v0  }
0x513: {  	[tilespmem:s4+$0x30] =	vst v0  }
0x514: {  	[tilespmem:s4+$0x20] =	vst v0  }
0x515: {  	[tilespmem:s4+$0x10] =	vst v0  }
0x516: {  	[tilespmem:s4+$0x0] =	vst v0  }
0x517: {  	[tilespmem:s4+$0xFFFFFFF0] =	vst v0  }
0x518: {  	s15 =	simm.s32 $0x0;
	[tilespmem:s4+$0xFFFFFFE0] =	vst v0  }
.LBB2_47:
0x519: {  	s15 =	sadd.s32 $0x8, s15;
	[tilespmem:s4+$0xFFFFFFD0] =	vst v0;
	s4 =	sadd.s32 $0x80, s4  }
0x51a: {  	[tilespmem:s4+$0xFFFFFFC0] =	vst v0;
	p1 =	slt.u32 s15, $0x70  }
0x51b: {  	[tilespmem:s4+$0x30] =	vst v0  }
.Ltmp28:
0x51c: {  	[tilespmem:s4+$0x20] =	vst v0;
	(pc) =	sbr.rel @p1 .LBB2_47-.Ltmp28, $4  }
0x51d: {  	[tilespmem:s4+$0x10] =	vst v0  }
0x51e: {  	[tilespmem:s4+$0x0] =	vst v0  }
0x51f: {  	[tilespmem:s4+$0xFFFFFFF0] =	vst v0  }
0x520: {  	[tilespmem:s4+$0xFFFFFFE0] =	vst v0  }
0x521: {  	[tilespmem:s4+$0xFFFFFFD0] =	vst v0  }
0x522: {  	[tilespmem:$0x1E608] =	vst v0  }
0x523: {  	[tilespmem:$0x1E618] =	vst v0  }
0x524: {  	[tilespmem:$0x1E628] =	vst v0  }
0x525: {  	[tilespmem:$0x1E638] =	vst v0  }
0x526: {  	s23 =	sadd.s32 $0x0, s28;
	[tilespmem:$0x1E648] =	vst v0  }
0x527: {  	[tilespmem:s12], [sflag:$0x5] =	stream.linear.gather [hbm4b:s23+s3], $0x7D0, $0x38;
	[tilespmem:$0x1E658] =	vst v63  }
0x528: {  	_ =	swait.ge [sflag:s31], $0x7D0  }
0x529: {  	[sflag:s31] =	ssyncset.done $0x0  }
0x52a: {  	[sflag:s31] =	ssyncadd.s32 $0xFFFFF830  }
0x52b: {  	[spmem:s29] =	stream.indirect.scatter.add.f32 [tilespmem:s0], [sflag:$0x5], $0x1, s12, s21, $0xb8;
	[tilespmem:$0x1E658] =	vst v63  }
0x52c: {  	_ =	swait.ge [sflag:s31], $0x7D0  }
0x52d: {  	s4 =	simm.s32 $0xFA;
	s15 =	simm.s32 $0x1F4;
	[sflag:s31] =	ssyncset.done $0x0  }
.LBB2_49:
0x52e: {  	s5 =	sadd.s32 s4, s28  }
0x52f: {  	[sflag:s31] =	ssyncadd.s32 $0xFFFFF830;
	s4 =	smov.u32 s15;
	s23 =	sadd.s32 $0xFA, s15  }
0x530: {  	[tilespmem:s12], [sflag:$0x5] =	stream.linear.gather [hbm4b:s5+s3], $0x7D0, $0x38;
	[tilespmem:$0x1E658] =	vst v63  }
0x531: {  	p1 =	sne.s32 s15, $0x2616;
	_ =	swait.ge [sflag:s31], $0x7D0  }
.Ltmp29:
0x532: {  	[sflag:s31] =	ssyncset.done $0x0;
	(pc) =	sbr.rel @p1 .LBB2_49-.Ltmp29, $4  }
0x533: {  	[sflag:s31] =	ssyncadd.s32 $0xFFFFF830  }
0x534: {  	[spmem:s29] =	stream.indirect.scatter.add.f32 [tilespmem:s0], [sflag:$0x5], $0x1, s12, s21, $0xb8;
	[tilespmem:$0x1E658] =	vst v63  }
0x535: {  	_ =	swait.ge [sflag:s31], $0x7D0  }
0x536: {  	s15 =	smov.u32 s23;
	[sflag:s31] =	ssyncset.done $0x0  }
.Ltmp30:
0x537: {  	_ = 	snop;
	(pc) =	sbr.rel .LBB2_50-.Ltmp30, $1  }
0x538: {  	_ =	sdelay $0x3  }
.LBB2_52:
0x539: {  	_ =	sfence.sel $0x180000  }
0x53a: {  	[bflag:$0x0] =	sbarrier.arrive $0xFFFF  }
0x53b: {  	_ =	strace $0x90000047  }
0x53c: {  	s0 =	stileid.u32;
	[bflag:$0x2] =	sbarrier.arrive $0xFFFF  }
0x53d: {  	p0 =	sne.s32 s0, $0x0;
	s0 =	rddreg [dreg:$0x5]  }
0x53e: {  	s0 =	sadd.s32 @!p0 $0x100000, s0  }
0x53f: {  	[sflag:s0] =	ssyncadd.tile.s32 @!p0 $0x1;
	_ =	shalt  }
.Lfunc_end2:
_tile_overlayer_lowered:
.L_overlay_start_2:
0x540: {  	(tag) =	ssettag $0x2  }
0x541: {  	s0 =	rddreg [dreg:$0x0];
	s2 =	stileid.u32  }
0x542: {  	s1 =	rddreg [dreg:$0x1];
	p0 =	sne.s32 s2, $0x0  }
0x543: {  	s3 =	rddreg [dreg:$0x2];
	[bflag:$0x3] =	sbarrier.arrive $0xFFFF;
	s2 =	simm.s32 @!p0 $0x1C05  }
0x544: {  	[timem:s3], [sflag:s2] =	dma.local @!p0 [hbm:s0], s1  }
0x545: {  	s0 =	simm.s32 @!p0 $0x5  }
0x546: {  	_ =	swait.ge @!p0 [sflag:s0], s1  }
0x547: {  	s1 =	ssub.s32 @!p0 $0x0, s1;
	[sflag:s0] =	ssyncset.done @!p0 $0x0  }
0x548: {  	[sflag:s0] =	ssyncadd.s32 @!p0 s1  }
0x549: {  	[bflag:$0x3] =	sbarrier.arrive $0xFFFF  }
0x54a: {  	_ =	shalt  }

</sc_bundles>
